<compile_context>
chip_gen: v7x
topology: tpu7x:2x2x1
jax: 0.10.2.dev20260603
libtpu: 0.0.44.dev20260713+nightly
codegen_flags: <defaults>
</compile_context>

<pallas_src>
import functools

import jax
import jax.numpy as jnp
from jax import lax
from jax.experimental import pallas as pl
from jax.experimental.pallas import tpu as pltpu
from jax.experimental.pallas import tpu_sc as plsc

N_NODES = 10000
PC = 1048576
TB = 512
EB = 1024
FW = 256
E_PAD = 163840

NW = 32
GC = 128


def _softplus(x):
    return jnp.maximum(x, 0.0) + jnp.log1p(jnp.exp(-jnp.abs(x)))



def _ab_kernel(x_ref, r_ref, w1_ref, b1_ref, a_ref, b_ref):
    x = x_ref[...]
    rr = r_ref[...]
    pad = jnp.zeros((x.shape[0], FW - 130), jnp.float32)
    a = jnp.dot(x, w1_ref[:128, :], preferred_element_type=jnp.float32)
    b = jnp.dot(x, w1_ref[128:, :], preferred_element_type=jnp.float32) \
        + b1_ref[...]
    a_ref[...] = jnp.concatenate([a, rr, pad], axis=1)
    b_ref[...] = jnp.concatenate([b, rr, pad], axis=1)


def _compute_ab(messages, r, W1, b1):
    return pl.pallas_call(
        _ab_kernel,
        grid=(E_PAD // EB,),
        in_specs=[
            pl.BlockSpec((EB, 128), lambda i: (i, 0)),
            pl.BlockSpec((EB, 2), lambda i: (i, 0)),
            pl.BlockSpec((256, 128), lambda i: (0, 0)),
            pl.BlockSpec((1, 128), lambda i: (0, 0)),
        ],
        out_specs=[
            pl.BlockSpec((EB, FW), lambda i: (i, 0)),
            pl.BlockSpec((EB, FW), lambda i: (i, 0)),
        ],
        out_shape=[
            jax.ShapeDtypeStruct((E_PAD, FW), jnp.float32),
            jax.ShapeDtypeStruct((E_PAD, FW), jnp.float32),
        ],
    )(messages, r, W1, b1.reshape(1, 128))



def _make_sortgather():
    mesh = plsc.VectorSubcoreMesh(core_axis_name="c", subcore_axis_name="s",
                                  num_cores=2)
    bpw = E_PAD // NW
    nchunks = bpw // GC

    @functools.partial(
        pl.kernel, mesh=mesh,
        out_type=[
            jax.ShapeDtypeStruct((E_PAD, FW), jnp.float32),
            jax.ShapeDtypeStruct((E_PAD, FW), jnp.float32),
        ],
        scratch_types=[
            pltpu.VMEM((GC,), jnp.int32),
            pltpu.VMEM((GC,), jnp.int32),
            pltpu.VMEM((GC, FW), jnp.float32),
            pltpu.VMEM((GC, FW), jnp.float32),
            pltpu.SemaphoreType.DMA,
            pltpu.SemaphoreType.DMA,
        ],
        compiler_params=pltpu.CompilerParams(needs_layout_passes=False),
    )
    def k(a_hbm, b_hbm, permc_hbm, permr_hbm, as_hbm, bs_hbm,
          idxa_v, idxb_v, bufa_v, bufb_v, sema, semb):
        wid = lax.axis_index("s") * 2 + lax.axis_index("c")
        base = wid * bpw

        def body(i, _):
            off = base + i * GC
            pltpu.sync_copy(permc_hbm.at[pl.ds(off, GC)], idxa_v)
            pltpu.sync_copy(permr_hbm.at[pl.ds(off, GC)], idxb_v)
            cpa = pltpu.async_copy(a_hbm.at[idxa_v], bufa_v, sema)
            cpb = pltpu.async_copy(b_hbm.at[idxb_v], bufb_v, semb)
            cpa.wait()
            cpb.wait()
            pltpu.sync_copy(bufa_v, as_hbm.at[pl.ds(off, GC)])
            pltpu.sync_copy(bufb_v, bs_hbm.at[pl.ds(off, GC)])
            return 0

        lax.fori_loop(0, nchunks, body, 0)

    return k


_sortgather = _make_sortgather()



def _make_expand():
    mesh = plsc.VectorSubcoreMesh(core_axis_name="c", subcore_axis_name="s",
                                  num_cores=2)
    bpw = PC // NW
    GCE = 64
    nchunks = bpw // GCE

    @functools.partial(
        pl.kernel, mesh=mesh,
        out_type=[
            jax.ShapeDtypeStruct((PC, FW), jnp.float32),
            jax.ShapeDtypeStruct((PC, FW), jnp.float32),
            jax.ShapeDtypeStruct((PC,), jnp.int32),
        ],
        scratch_types=[
            pltpu.VMEM((N_NODES + 16,), jnp.int32),
            pltpu.VMEM((N_NODES,), jnp.int32),
            pltpu.VMEM((N_NODES,), jnp.int32),
            pltpu.VMEM((N_NODES,), jnp.int32),
            pltpu.VMEM((16,), jnp.int32),
            pltpu.VMEM((16,), jnp.int32),
            [pltpu.VMEM((GCE,), jnp.int32) for _ in range(2)],
            [pltpu.VMEM((GCE,), jnp.int32) for _ in range(2)],
            [pltpu.VMEM((GCE,), jnp.int32) for _ in range(2)],
            [pltpu.VMEM((GCE, FW), jnp.float32) for _ in range(2)],
            [pltpu.VMEM((GCE, FW), jnp.float32) for _ in range(2)],
            [pltpu.SemaphoreType.DMA for _ in range(2)],
            [pltpu.SemaphoreType.DMA for _ in range(2)],
            [pltpu.SemaphoreType.DMA for _ in range(2)],
            [pltpu.SemaphoreType.DMA for _ in range(2)],
        ],
        compiler_params=pltpu.CompilerParams(needs_layout_passes=False),
    )
    def k(pairptr_hbm, indeg_hbm, cstart_hbm, rstart_hbm, basev_hbm, tv_hbm,
          as_hbm, bs_hbm, ag_hbm, bg_hbm, node_hbm,
          pp_v, ind_v, cs_v, rs_v, base_v, t_v, idxa, idxb, nodec,
          bufa, bufb, ga, gb, wa, wb):
        wid = lax.axis_index("s") * 2 + lax.axis_index("c")
        base = wid * bpw

        pltpu.sync_copy(pairptr_hbm, pp_v)
        pltpu.sync_copy(indeg_hbm, ind_v)
        pltpu.sync_copy(cstart_hbm, cs_v)
        pltpu.sync_copy(rstart_hbm, rs_v)
        pltpu.sync_copy(basev_hbm, base_v)
        pltpu.sync_copy(tv_hbm, t_v)

        lanes = lax.iota(jnp.int32, 16)

        def compute_idx(ci, p):
            def group_body(g, _):
                t_global = base_v[...] + (base + ci * GCE + g * 16) + lanes
                t = jnp.minimum(t_global, t_v[...] - 1)
                lo = jnp.zeros((16,), jnp.int32)
                hi = jnp.full((16,), N_NODES + 1, jnp.int32)
                for _ in range(14):
                    mid = lax.shift_right_logical(lo + hi, 1)
                    v = plsc.load_gather(pp_v, [mid])
                    pred = v <= t
                    lo = jnp.where(pred, mid, lo)
                    hi = jnp.where(pred, hi, mid)
                node = jnp.minimum(lo, jnp.full((16,), N_NODES - 1, jnp.int32))
                local = t - plsc.load_gather(pp_v, [node])
                ind = jnp.maximum(plsc.load_gather(ind_v, [node]), 1)
                s_loc = lax.div(local, ind)
                p_loc = local - s_loc * ind
                idxa[p][pl.ds(g * 16, 16)] = plsc.load_gather(cs_v, [node]) + p_loc
                idxb[p][pl.ds(g * 16, 16)] = plsc.load_gather(rs_v, [node]) + s_loc
                nodec[p][pl.ds(g * 16, 16)] = node
                return 0

            lax.fori_loop(0, GCE // 16, group_body, 0)

        def fire_gather(p):
            pltpu.async_copy(as_hbm.at[idxa[p]], bufa[p], ga[p])
            pltpu.async_copy(bs_hbm.at[idxb[p]], bufb[p], gb[p])

        def wait_gather(p):
            pltpu.make_async_copy(as_hbm.at[idxa[p]], bufa[p], ga[p]).wait()
            pltpu.make_async_copy(bs_hbm.at[idxb[p]], bufb[p], gb[p]).wait()

        def fire_write(ci, p):
            off = base + ci * GCE
            pltpu.async_copy(bufa[p], ag_hbm.at[pl.ds(off, GCE)], wa[p])
            pltpu.async_copy(bufb[p], bg_hbm.at[pl.ds(off, GCE)], wb[p])
            pltpu.sync_copy(nodec[p], node_hbm.at[pl.ds(off, GCE)])

        def wait_write(ci, p):
            off = base + ci * GCE
            pltpu.make_async_copy(bufa[p], ag_hbm.at[pl.ds(off, GCE)],
                                  wa[p]).wait()
            pltpu.make_async_copy(bufb[p], bg_hbm.at[pl.ds(off, GCE)],
                                  wb[p]).wait()

        compute_idx(0, 0)
        fire_gather(0)

        def pipe_body(ci2, _):
            ci = 2 * ci2

            @pl.when(ci2 > 0)
            def _():
                wait_write(ci - 1, 1)

            compute_idx(ci + 1, 1)
            fire_gather(1)
            wait_gather(0)
            fire_write(ci, 0)

            @pl.when(ci2 < nchunks // 2 - 1)
            def _():
                wait_write(ci, 0)
                compute_idx(ci + 2, 0)
                fire_gather(0)

            wait_gather(1)
            fire_write(ci + 1, 1)
            return 0

        lax.fori_loop(0, nchunks // 2, pipe_body, 0)
        wait_write(nchunks - 2, 0)
        wait_write(nchunks - 1, 1)

    return k


_expand = _make_expand()



def _mlp_kernel(base_ref, t_ref, ag_ref, bg_ref, w2_ref, b2_ref, w3_ref,
                b3_ref, m4_ref):
    pid = pl.program_id(0)
    ag = ag_ref[...]
    bg = bg_ref[...]
    h1 = _softplus(ag[:, :128] + bg[:, :128])
    h2 = _softplus(jnp.dot(h1, w2_ref[...], preferred_element_type=jnp.float32)
                   + b2_ref[...])
    m = jnp.sum(h2 * w3_ref[...], axis=1, keepdims=True) + b3_ref[...]
    rows = base_ref[0, 0] + pid * TB + lax.broadcasted_iota(jnp.int32, (TB, 1), 0)
    m = jnp.where(rows < t_ref[0, 0], m, 0.0)
    rsx, rsy = bg[:, 128:129], bg[:, 129:130]
    rpx, rpy = ag[:, 128:129], ag[:, 129:130]
    m4_ref[...] = m * jnp.concatenate(
        [rsx * rpx, rsx * rpy, rsy * rpx, rsy * rpy], axis=1)


def _chunk_mlp(basev, Tv, Ag, Bg, W2, b2, W3, b3):
    return pl.pallas_call(
        _mlp_kernel,
        grid=(PC // TB,),
        in_specs=[
            pl.BlockSpec(memory_space=pltpu.SMEM),
            pl.BlockSpec(memory_space=pltpu.SMEM),
            pl.BlockSpec((TB, FW), lambda i: (i, 0)),
            pl.BlockSpec((TB, FW), lambda i: (i, 0)),
            pl.BlockSpec((128, 128), lambda i: (0, 0)),
            pl.BlockSpec((1, 128), lambda i: (0, 0)),
            pl.BlockSpec((1, 128), lambda i: (0, 0)),
            pl.BlockSpec((1, 1), lambda i: (0, 0)),
        ],
        out_specs=pl.BlockSpec((TB, 4), lambda i: (i, 0)),
        out_shape=jax.ShapeDtypeStruct((PC, 4), jnp.float32),
    )(basev, Tv, Ag, Bg, W2, b2.reshape(1, 128), W3.reshape(1, 128),
      b3.reshape(1, 1))



def _make_scatter():
    mesh = plsc.VectorSubcoreMesh(core_axis_name="c", subcore_axis_name="s",
                                  num_cores=2)
    bpw = PC // NW
    mc = 1024
    nchunks = bpw // mc

    @functools.partial(
        pl.kernel, mesh=mesh,
        out_type=jax.ShapeDtypeStruct((NW, 4 * N_NODES), jnp.float32),
        scratch_types=[
            pltpu.VMEM((4 * N_NODES,), jnp.float32),
            pltpu.VMEM((bpw,), jnp.int32),
            pltpu.VMEM((4 * mc,), jnp.float32),
        ],
        compiler_params=pltpu.CompilerParams(needs_layout_passes=False),
    )
    def k(m4_hbm, node_hbm, zeros_hbm, out_hbm, acc_v, node_v, m4_v):
        wid = lax.axis_index("s") * 2 + lax.axis_index("c")
        base = wid * bpw
        pltpu.sync_copy(zeros_hbm, acc_v)
        pltpu.sync_copy(node_hbm.at[pl.ds(base, bpw)], node_v)
        lanes = lax.iota(jnp.int32, 16)

        def chunk_body(ci, _):
            pltpu.sync_copy(m4_hbm.at[pl.ds((base + ci * mc) * 4, 4 * mc)],
                            m4_v)

            def group_body(g, _):
                node = node_v[pl.ds(ci * mc + g * 16, 16)]
                p_l = g * 16 + lanes
                for c in range(4):
                    val = plsc.load_gather(m4_v, [p_l * 4 + c])
                    plsc.addupdate_scatter(acc_v, [node * 4 + c], val)
                return 0

            lax.fori_loop(0, mc // 16, group_body, 0)
            return 0

        lax.fori_loop(0, nchunks, chunk_body, 0)
        pltpu.sync_copy(acc_v, out_hbm.at[wid])

    return k


_scatter = _make_scatter()



def kernel(edge_index, messages, num_nodes, r, W1, b1, W2, b2, W3, b3):
    n_e = edge_index.shape[1]
    n_nodes = num_nodes if isinstance(num_nodes, int) else N_NODES
    row = jnp.clip(edge_index[0].astype(jnp.int32), 0, num_nodes - 1)
    col = jnp.clip(edge_index[1].astype(jnp.int32), 0, num_nodes - 1)
    eid = jnp.arange(n_e, dtype=jnp.uint32)
    key_c = (col.astype(jnp.uint32) << 18) | eid
    key_r = (row.astype(jnp.uint32) << 18) | eid
    perm_c = (jnp.sort(key_c) & jnp.uint32(0x3FFFF)).astype(jnp.int32)
    perm_r = (jnp.sort(key_r) & jnp.uint32(0x3FFFF)).astype(jnp.int32)
    ones = jnp.ones((n_e,), dtype=jnp.int32)
    indeg = jax.ops.segment_sum(ones, col, num_segments=n_nodes)
    outdeg = jax.ops.segment_sum(ones, row, num_segments=n_nodes)
    cstart = jnp.cumsum(indeg) - indeg
    rstart = jnp.cumsum(outdeg) - outdeg
    npairs = outdeg * indeg
    pairptr = jnp.concatenate([jnp.zeros((1,), jnp.int32), jnp.cumsum(npairs)])
    T = pairptr[n_nodes]
    pairptr_p = jnp.concatenate(
        [pairptr, jnp.full((15,), jnp.iinfo(jnp.int32).max, jnp.int32)])

    pad = jnp.zeros((E_PAD - n_e,), jnp.int32)
    perm_c_p = jnp.concatenate([perm_c, pad])
    perm_r_p = jnp.concatenate([perm_r, pad])

    msg_p = jnp.pad(messages, ((0, E_PAD - n_e), (0, 0)))
    r_p = jnp.pad(r, ((0, E_PAD - n_e), (0, 0)))
    A_aug, B_aug = _compute_ab(msg_p, r_p, W1, b1)
    As, Bs = _sortgather(A_aug, B_aug, perm_c_p, perm_r_p)

    zeros = jnp.zeros((4 * N_NODES,), jnp.float32)
    acc0 = jnp.zeros((4 * N_NODES,), jnp.float32)

    def cond(carry):
        c, _ = carry
        return c * PC < T

    def body(carry):
        c, acc = carry
        basev = jnp.full((16,), c * PC, jnp.int32)
        Tv = jnp.full((16,), T, jnp.int32)
        Ag, Bg, node = _expand(pairptr_p, indeg, cstart, rstart, basev, Tv,
                               As, Bs)
        base_s = (c * PC).reshape(1, 1)
        T_s = T.reshape(1, 1)
        m4 = _chunk_mlp(base_s, T_s, Ag, Bg, W2, b2, W3, b3)
        part = _scatter(m4.reshape(-1), node, zeros)
        return c + 1, acc + jnp.sum(part, axis=0)

    _, acc = lax.while_loop(cond, body, (jnp.int32(0), acc0))
    cnt = npairs.astype(jnp.float32)
    mean = acc.reshape(N_NODES, 4) / jnp.clip(cnt, 1.0)[:, None]
    return mean.reshape(-1, 2, 2)

# --- scband reference (transcript-rebuilt; emitter-appended) ---
"""Pipeline reference for scband-predict2nd-order-tensor-47390669144217 (READ-ONLY COPY).

The authoritative reference and input builder live on the scoring server;
editing this copy changes nothing except your own understanding.
"""

import jax, jax.numpy as jnp
import numpy as np

N = 10000
E = 160000
M = 128

def _triplets(edge_index_np, num_nodes):
    # Faithful reproduction of torch_sparse-based triplets():
    # for each edge e=(row[e] -> col[e]), enumerate all edges e' with col[e'] == row[e].
    row, col = edge_index_np[0].astype(np.int64), edge_index_np[1].astype(np.int64)
    n_e = row.shape[0]
    order = np.argsort(col, kind='stable')          # edges grouped by their col (CSR over col)
    counts = np.bincount(col, minlength=num_nodes)
    ptr = np.concatenate([np.zeros(1, dtype=np.int64), np.cumsum(counts)])
    num_triplets = counts[row]                      # adj_t_row.sum(dim=1)
    total = int(num_triplets.sum())
    idx_ji = np.repeat(np.arange(n_e, dtype=np.int64), num_triplets)   # storage.row()
    grp_start = np.repeat(ptr[row], num_triplets)
    cum = np.concatenate([np.zeros(1, dtype=np.int64), np.cumsum(num_triplets)])
    pos = np.arange(total, dtype=np.int64) - np.repeat(cum[:-1], num_triplets)
    idx_kj = order[grp_start + pos]                 # storage.value() = original edge ids
    idx_k = row[idx_kj]                             # storage.col()
    idx_j = row[idx_ji]
    idx_i = col[idx_ji]
    return col, row, idx_i, idx_j, idx_k, idx_kj, idx_ji

def setup_inputs(seed: int = 0):
    key = jax.random.key(seed)
    ks = jax.random.split(key, 9)
    edge_index = jax.random.randint(ks[0], (2, E), 0, N, dtype=jnp.int32)
    messages = jax.random.normal(ks[1], (E, M), dtype=jnp.float32)
    r = jax.random.normal(ks[2], (E, 2), dtype=jnp.float32)
    s1 = 1.0 / np.sqrt(2 * M)
    s2 = 1.0 / np.sqrt(M)
    W1 = jax.random.uniform(ks[3], (2 * M, M), jnp.float32, -s1, s1)
    b1 = jax.random.uniform(ks[4], (M,), jnp.float32, -s1, s1)
    W2 = jax.random.uniform(ks[5], (M, M), jnp.float32, -s2, s2)
    b2 = jax.random.uniform(ks[6], (M,), jnp.float32, -s2, s2)
    W3 = jax.random.uniform(ks[7], (M, 1), jnp.float32, -s2, s2)
    b3 = jax.random.uniform(ks[8], (1,), jnp.float32, -s2, s2)
    return {'edge_index': edge_index, 'messages': messages, 'num_nodes': N, 'r': r,
            'W1': W1, 'b1': b1, 'W2': W2, 'b2': b2, 'W3': W3, 'b3': b3}

def reference(edge_index, messages, num_nodes, r, W1, b1, W2, b2, W3, b3):
    n_e = edge_index.shape[1]                      # static E
    n_nodes = N                                    # static value always passed as num_nodes
    row = jnp.clip(edge_index[0].astype(jnp.int32), 0, num_nodes - 1)
    col = jnp.clip(edge_index[1].astype(jnp.int32), 0, num_nodes - 1)
    order = jnp.argsort(col, stable=True)          # edges grouped by their col (CSR over col)
    counts = jax.ops.segment_sum(jnp.ones((n_e,), dtype=jnp.int32), col,
                                 num_segments=n_nodes)
    starts = jnp.cumsum(counts) - counts           # CSR group start offsets
    num_triplets = counts[row]                     # adj_t_row.sum(dim=1), per edge ji
    grp_start = starts[row]
    max_slots = jnp.max(num_triplets)

    def cond_fun(carry):
        s, _ = carry
        return s < max_slots

    def body_fun(carry):
        s, acc = carry
        valid = s < num_triplets                   # this edge has an s-th partner kj
        pos = jnp.where(valid, grp_start + s, 0)
        idx_kj = order[pos]                        # original edge id of partner edge
        temp = jnp.concatenate([messages[idx_kj], messages], axis=1)
        h = jax.nn.softplus(temp @ W1 + b1)
        h = jax.nn.softplus(h @ W2 + b2)
        m_ijk = h @ W3 + b3                        # [E, 1]
        dyad = jnp.einsum('ij,ik->ikj', r[idx_kj], r)  # [E, 2, 2]
        t = m_ijk * dyad.reshape(-1, 4)
        acc = acc + jnp.where(valid[:, None], t, jnp.zeros_like(t))
        return s + 1, acc

    init = (jnp.int32(0), jnp.zeros((n_e, 4), dtype=messages.dtype))
    _, acc = jax.lax.while_loop(cond_fun, body_fun, init)

    idx_j = row                                    # idx_j = row[idx_ji], ji enumerated per edge
    sums = jax.ops.segment_sum(acc, idx_j, num_segments=n_nodes)
    cnt = jax.ops.segment_sum(num_triplets.astype(acc.dtype), idx_j, num_segments=n_nodes)
    mean = sums / jnp.clip(cnt, 1.0)[:, None]
    return mean.reshape(-1, 2, 2)

if __name__ == "__main__":
    import jax
    _d = setup_inputs()
    print(jax.jit(kernel)(*tuple(_d.values())))

</pallas_src>

<mosaic_0001>
#map = affine_map<(d0, d1) -> (0, 0)>
#map1 = affine_map<(d0, d1) -> (0)>
module attributes {stable_mosaic.version = 14 : i64} {
  func.func @k(%arg0: i32, %arg1: i32, %arg2: memref<163840x256xf32, #tpu.memory_space<hbm>>, %arg3: memref<163840x256xf32, #tpu.memory_space<hbm>>, %arg4: memref<163840xi32, #tpu.memory_space<hbm>>, %arg5: memref<163840xi32, #tpu.memory_space<hbm>>, %arg6: memref<163840x256xf32, #tpu.memory_space<hbm>>, %arg7: memref<163840x256xf32, #tpu.memory_space<hbm>>, %arg8: memref<128xi32, #tpu.memory_space<vmem>>, %arg9: memref<128xi32, #tpu.memory_space<vmem>>, %arg10: memref<128x256xf32, #tpu.memory_space<vmem>>, %arg11: memref<128x256xf32, #tpu.memory_space<vmem>>, %arg12: memref<!tpu.dma_semaphore, #tpu.memory_space<semaphore_mem>>, %arg13: memref<!tpu.dma_semaphore, #tpu.memory_space<semaphore_mem>>) attributes {dimension_semantics = [#tpu.dimension_semantics<core_parallel>, #tpu.dimension_semantics<subcore_parallel>], iteration_bounds = array<i64: 2, 16>, scalar_prefetch = 0 : i64, scratch_operands = 6 : i64, tpu.core_type = #tpu.core_type<sc_vector_subcore>, window_params = [{transform_indices = #map}, {transform_indices = #map}, {transform_indices = #map1}, {transform_indices = #map1}, {transform_indices = #map}, {transform_indices = #map}]} {
    %mul3A = arith.constant 2 : i32
    %mul3A_0 = arith.muli %arg1, %mul3A : i32
    %add3A = arith.addi %mul3A_0, %arg0 : i32
    %mul3A_1 = arith.constant 5120 : i32
    %mul3A_2 = arith.muli %add3A, %mul3A_1 : i32
    %scan3A = arith.constant 0 : i32
    %scan3A_3 = arith.constant 0 : i32
    %scan3A_4 = arith.constant 40 : i32
    %scan3A_5 = arith.addi %scan3A_3, %scan3A_4 : i32
    %scan3A_6 = arith.constant 1 : i32
    %scan3A_7 = scf.for %scan3A_9 = %scan3A_3 to %scan3A_5 step %scan3A_6 iter_args(%scan3A_10 = %scan3A) -> (i32)  : i32 {
      %mul3A_11 = arith.constant 128 : i32
      %mul3A_12 = arith.muli %scan3A_9, %mul3A_11 : i32
      %add3A_13 = arith.addi %mul3A_2, %mul3A_12 : i32
      "tpu.region"() ({
        %run_scoped3A = tpu.sem_alloc : memref<!tpu.dma_semaphore, #tpu.memory_space<semaphore_mem>>
        %dma_start3A_25 = tpu.memref_slice %arg4[%add3A_13] : memref<163840xi32, #tpu.memory_space<hbm>> -> memref<128xi32, #tpu.memory_space<hbm>>
        %dma_start3A_26 = tpu.memref_slice %arg4[%add3A_13] : memref<163840xi32, #tpu.memory_space<hbm>> -> memref<128xi32, #tpu.memory_space<hbm>>
        tpu.enqueue_dma source(%dma_start3A_26 : memref<128xi32, #tpu.memory_space<hbm>>) target(%arg8 : memref<128xi32, #tpu.memory_space<vmem>>) target_semaphore(%run_scoped3A : memref<!tpu.dma_semaphore, #tpu.memory_space<semaphore_mem>>)
        %dma_wait3A_27 = tpu.memref_slice %arg4[%add3A_13] : memref<163840xi32, #tpu.memory_space<hbm>> -> memref<128xi32, #tpu.memory_space<hbm>>
        %dma_wait3A_28 = tpu.memref_slice %arg4[%add3A_13] : memref<163840xi32, #tpu.memory_space<hbm>> -> memref<128xi32, #tpu.memory_space<hbm>>
        tpu.wait_dma2 semaphore(%run_scoped3A : memref<!tpu.dma_semaphore, #tpu.memory_space<semaphore_mem>>) src(%dma_wait3A_28 : memref<128xi32, #tpu.memory_space<hbm>>) dst(%arg8 : memref<128xi32, #tpu.memory_space<vmem>>)
        tpu.yield
      }) : () -> ()
      "tpu.region"() ({
        %run_scoped3A = tpu.sem_alloc : memref<!tpu.dma_semaphore, #tpu.memory_space<semaphore_mem>>
        %dma_start3A_25 = tpu.memref_slice %arg5[%add3A_13] : memref<163840xi32, #tpu.memory_space<hbm>> -> memref<128xi32, #tpu.memory_space<hbm>>
        %dma_start3A_26 = tpu.memref_slice %arg5[%add3A_13] : memref<163840xi32, #tpu.memory_space<hbm>> -> memref<128xi32, #tpu.memory_space<hbm>>
        tpu.enqueue_dma source(%dma_start3A_26 : memref<128xi32, #tpu.memory_space<hbm>>) target(%arg9 : memref<128xi32, #tpu.memory_space<vmem>>) target_semaphore(%run_scoped3A : memref<!tpu.dma_semaphore, #tpu.memory_space<semaphore_mem>>)
        %dma_wait3A_27 = tpu.memref_slice %arg5[%add3A_13] : memref<163840xi32, #tpu.memory_space<hbm>> -> memref<128xi32, #tpu.memory_space<hbm>>
        %dma_wait3A_28 = tpu.memref_slice %arg5[%add3A_13] : memref<163840xi32, #tpu.memory_space<hbm>> -> memref<128xi32, #tpu.memory_space<hbm>>
        tpu.wait_dma2 semaphore(%run_scoped3A : memref<!tpu.dma_semaphore, #tpu.memory_space<semaphore_mem>>) src(%dma_wait3A_28 : memref<128xi32, #tpu.memory_space<hbm>>) dst(%arg9 : memref<128xi32, #tpu.memory_space<vmem>>)
        tpu.yield
      }) : () -> ()
      %dma_start3A = arith.constant 0 : i32
      %dma_start3A_14 = arith.constant 0 : i32
      %dma_start3A_15 = tpu.memref_slice %arg2[%dma_start3A, %dma_start3A_14] : memref<163840x256xf32, #tpu.memory_space<hbm>> -> memref<163840x256xf32, #tpu.memory_space<hbm>>
      tpu.enqueue_indirect_dma source(%dma_start3A_15 : memref<163840x256xf32, #tpu.memory_space<hbm>>) target(%arg10 : memref<128x256xf32, #tpu.memory_space<vmem>>) offsets(%arg8 : memref<128xi32, #tpu.memory_space<vmem>>) semaphore(%arg12 : memref<!tpu.dma_semaphore, #tpu.memory_space<semaphore_mem>>)
      %dma_start3A_16 = arith.constant 0 : i32
      %dma_start3A_17 = arith.constant 0 : i32
      %dma_start3A_18 = tpu.memref_slice %arg3[%dma_start3A_16, %dma_start3A_17] : memref<163840x256xf32, #tpu.memory_space<hbm>> -> memref<163840x256xf32, #tpu.memory_space<hbm>>
      tpu.enqueue_indirect_dma source(%dma_start3A_18 : memref<163840x256xf32, #tpu.memory_space<hbm>>) target(%arg11 : memref<128x256xf32, #tpu.memory_space<vmem>>) offsets(%arg9 : memref<128xi32, #tpu.memory_space<vmem>>) semaphore(%arg13 : memref<!tpu.dma_semaphore, #tpu.memory_space<semaphore_mem>>)
      %dma_wait3A = arith.constant 0 : i32
      %dma_wait3A_19 = arith.constant 0 : i32
      %dma_wait3A_20 = tpu.memref_slice %arg2[%dma_wait3A, %dma_wait3A_19] : memref<163840x256xf32, #tpu.memory_space<hbm>> -> memref<163840x256xf32, #tpu.memory_space<hbm>>
      tpu.wait_indirect_dma semaphore(%arg12 : memref<!tpu.dma_semaphore, #tpu.memory_space<semaphore_mem>>) src(%dma_wait3A_20 : memref<163840x256xf32, #tpu.memory_space<hbm>>) dst(%arg10 : memref<128x256xf32, #tpu.memory_space<vmem>>)
      %dma_wait3A_21 = arith.constant 0 : i32
      %dma_wait3A_22 = arith.constant 0 : i32
      %dma_wait3A_23 = tpu.memref_slice %arg3[%dma_wait3A_21, %dma_wait3A_22] : memref<163840x256xf32, #tpu.memory_space<hbm>> -> memref<163840x256xf32, #tpu.memory_space<hbm>>
      tpu.wait_indirect_dma semaphore(%arg13 : memref<!tpu.dma_semaphore, #tpu.memory_space<semaphore_mem>>) src(%dma_wait3A_23 : memref<163840x256xf32, #tpu.memory_space<hbm>>) dst(%arg11 : memref<128x256xf32, #tpu.memory_space<vmem>>)
      "tpu.region"() ({
        %run_scoped3A = tpu.sem_alloc : memref<!tpu.dma_semaphore, #tpu.memory_space<semaphore_mem>>
        %dma_start3A_25 = arith.constant 0 : i32
        %dma_start3A_26 = tpu.memref_slice %arg6[%add3A_13, %dma_start3A_25] : memref<163840x256xf32, #tpu.memory_space<hbm>> -> memref<128x256xf32, #tpu.memory_space<hbm>>
        %dma_start3A_27 = arith.constant 0 : i32
        %dma_start3A_28 = tpu.memref_slice %arg6[%add3A_13, %dma_start3A_27] : memref<163840x256xf32, #tpu.memory_space<hbm>> -> memref<128x256xf32, #tpu.memory_space<hbm>>
        tpu.enqueue_dma source(%arg10 : memref<128x256xf32, #tpu.memory_space<vmem>>) target(%dma_start3A_28 : memref<128x256xf32, #tpu.memory_space<hbm>>) target_semaphore(%run_scoped3A : memref<!tpu.dma_semaphore, #tpu.memory_space<semaphore_mem>>)
        %dma_wait3A_29 = arith.constant 0 : i32
        %dma_wait3A_30 = tpu.memref_slice %arg6[%add3A_13, %dma_wait3A_29] : memref<163840x256xf32, #tpu.memory_space<hbm>> -> memref<128x256xf32, #tpu.memory_space<hbm>>
        %dma_wait3A_31 = arith.constant 0 : i32
        %dma_wait3A_32 = tpu.memref_slice %arg6[%add3A_13, %dma_wait3A_31] : memref<163840x256xf32, #tpu.memory_space<hbm>> -> memref<128x256xf32, #tpu.memory_space<hbm>>
        tpu.wait_dma2 semaphore(%run_scoped3A : memref<!tpu.dma_semaphore, #tpu.memory_space<semaphore_mem>>) src(%arg10 : memref<128x256xf32, #tpu.memory_space<vmem>>) dst(%dma_wait3A_32 : memref<128x256xf32, #tpu.memory_space<hbm>>)
        tpu.yield
      }) : () -> ()
      "tpu.region"() ({
        %run_scoped3A = tpu.sem_alloc : memref<!tpu.dma_semaphore, #tpu.memory_space<semaphore_mem>>
        %dma_start3A_25 = arith.constant 0 : i32
        %dma_start3A_26 = tpu.memref_slice %arg7[%add3A_13, %dma_start3A_25] : memref<163840x256xf32, #tpu.memory_space<hbm>> -> memref<128x256xf32, #tpu.memory_space<hbm>>
        %dma_start3A_27 = arith.constant 0 : i32
        %dma_start3A_28 = tpu.memref_slice %arg7[%add3A_13, %dma_start3A_27] : memref<163840x256xf32, #tpu.memory_space<hbm>> -> memref<128x256xf32, #tpu.memory_space<hbm>>
        tpu.enqueue_dma source(%arg11 : memref<128x256xf32, #tpu.memory_space<vmem>>) target(%dma_start3A_28 : memref<128x256xf32, #tpu.memory_space<hbm>>) target_semaphore(%run_scoped3A : memref<!tpu.dma_semaphore, #tpu.memory_space<semaphore_mem>>)
        %dma_wait3A_29 = arith.constant 0 : i32
        %dma_wait3A_30 = tpu.memref_slice %arg7[%add3A_13, %dma_wait3A_29] : memref<163840x256xf32, #tpu.memory_space<hbm>> -> memref<128x256xf32, #tpu.memory_space<hbm>>
        %dma_wait3A_31 = arith.constant 0 : i32
        %dma_wait3A_32 = tpu.memref_slice %arg7[%add3A_13, %dma_wait3A_31] : memref<163840x256xf32, #tpu.memory_space<hbm>> -> memref<128x256xf32, #tpu.memory_space<hbm>>
        tpu.wait_dma2 semaphore(%run_scoped3A : memref<!tpu.dma_semaphore, #tpu.memory_space<semaphore_mem>>) src(%arg11 : memref<128x256xf32, #tpu.memory_space<vmem>>) dst(%dma_wait3A_32 : memref<128x256xf32, #tpu.memory_space<hbm>>)
        tpu.yield
      }) : () -> ()
      %scan3A_24 = arith.constant 0 : i32
      scf.yield %scan3A_24 : i32
    }
    %scan3A_8 = arith.constant 40 : i32
    return
  }
}

#map = affine_map<(d0, d1) -> (0)>
#map1 = affine_map<(d0, d1) -> (0, 0)>
module attributes {stable_mosaic.version = 14 : i64} {
  func.func @k(%arg0: i32, %arg1: i32, %arg2: memref<10016xi32, #tpu.memory_space<hbm>>, %arg3: memref<10000xi32, #tpu.memory_space<hbm>>, %arg4: memref<10000xi32, #tpu.memory_space<hbm>>, %arg5: memref<10000xi32, #tpu.memory_space<hbm>>, %arg6: memref<16xi32, #tpu.memory_space<hbm>>, %arg7: memref<16xi32, #tpu.memory_space<hbm>>, %arg8: memref<163840x256xf32, #tpu.memory_space<hbm>>, %arg9: memref<163840x256xf32, #tpu.memory_space<hbm>>, %arg10: memref<1048576x256xf32, #tpu.memory_space<hbm>>, %arg11: memref<1048576x256xf32, #tpu.memory_space<hbm>>, %arg12: memref<1048576xi32, #tpu.memory_space<hbm>>, %arg13: memref<10016xi32, #tpu.memory_space<vmem>>, %arg14: memref<10000xi32, #tpu.memory_space<vmem>>, %arg15: memref<10000xi32, #tpu.memory_space<vmem>>, %arg16: memref<10000xi32, #tpu.memory_space<vmem>>, %arg17: memref<16xi32, #tpu.memory_space<vmem>>, %arg18: memref<16xi32, #tpu.memory_space<vmem>>, %arg19: memref<64xi32, #tpu.memory_space<vmem>>, %arg20: memref<64xi32, #tpu.memory_space<vmem>>, %arg21: memref<64xi32, #tpu.memory_space<vmem>>, %arg22: memref<64xi32, #tpu.memory_space<vmem>>, %arg23: memref<64xi32, #tpu.memory_space<vmem>>, %arg24: memref<64xi32, #tpu.memory_space<vmem>>, %arg25: memref<64x256xf32, #tpu.memory_space<vmem>>, %arg26: memref<64x256xf32, #tpu.memory_space<vmem>>, %arg27: memref<64x256xf32, #tpu.memory_space<vmem>>, %arg28: memref<64x256xf32, #tpu.memory_space<vmem>>, %arg29: memref<!tpu.dma_semaphore, #tpu.memory_space<semaphore_mem>>, %arg30: memref<!tpu.dma_semaphore, #tpu.memory_space<semaphore_mem>>, %arg31: memref<!tpu.dma_semaphore, #tpu.memory_space<semaphore_mem>>, %arg32: memref<!tpu.dma_semaphore, #tpu.memory_space<semaphore_mem>>, %arg33: memref<!tpu.dma_semaphore, #tpu.memory_space<semaphore_mem>>, %arg34: memref<!tpu.dma_semaphore, #tpu.memory_space<semaphore_mem>>, %arg35: memref<!tpu.dma_semaphore, #tpu.memory_space<semaphore_mem>>, %arg36: memref<!tpu.dma_semaphore, #tpu.memory_space<semaphore_mem>>) attributes {dimension_semantics = [#tpu.dimension_semantics<core_parallel>, #tpu.dimension_semantics<subcore_parallel>], iteration_bounds = array<i64: 2, 16>, scalar_prefetch = 0 : i64, scratch_operands = 24 : i64, tpu.core_type = #tpu.core_type<sc_vector_subcore>, window_params = [{transform_indices = #map}, {transform_indices = #map}, {transform_indices = #map}, {transform_indices = #map}, {transform_indices = #map}, {transform_indices = #map}, {transform_indices = #map1}, {transform_indices = #map1}, {transform_indices = #map1}, {transform_indices = #map1}, {transform_indices = #map}]} {
    %mul3A = arith.constant 2 : i32
    %mul3A_0 = arith.muli %arg1, %mul3A : i32
    %add3A = arith.addi %mul3A_0, %arg0 : i32
    %mul3A_1 = arith.constant 32768 : i32
    %mul3A_2 = arith.muli %add3A, %mul3A_1 : i32
    "tpu.region"() ({
      %run_scoped3A = tpu.sem_alloc : memref<!tpu.dma_semaphore, #tpu.memory_space<semaphore_mem>>
      tpu.enqueue_dma source(%arg2 : memref<10016xi32, #tpu.memory_space<hbm>>) target(%arg13 : memref<10016xi32, #tpu.memory_space<vmem>>) target_semaphore(%run_scoped3A : memref<!tpu.dma_semaphore, #tpu.memory_space<semaphore_mem>>)
      tpu.wait_dma2 semaphore(%run_scoped3A : memref<!tpu.dma_semaphore, #tpu.memory_space<semaphore_mem>>) src(%arg2 : memref<10016xi32, #tpu.memory_space<hbm>>) dst(%arg13 : memref<10016xi32, #tpu.memory_space<vmem>>)
      tpu.yield
    }) : () -> ()
    "tpu.region"() ({
      %run_scoped3A = tpu.sem_alloc : memref<!tpu.dma_semaphore, #tpu.memory_space<semaphore_mem>>
      tpu.enqueue_dma source(%arg3 : memref<10000xi32, #tpu.memory_space<hbm>>) target(%arg14 : memref<10000xi32, #tpu.memory_space<vmem>>) target_semaphore(%run_scoped3A : memref<!tpu.dma_semaphore, #tpu.memory_space<semaphore_mem>>)
      tpu.wait_dma2 semaphore(%run_scoped3A : memref<!tpu.dma_semaphore, #tpu.memory_space<semaphore_mem>>) src(%arg3 : memref<10000xi32, #tpu.memory_space<hbm>>) dst(%arg14 : memref<10000xi32, #tpu.memory_space<vmem>>)
      tpu.yield
    }) : () -> ()
    "tpu.region"() ({
      %run_scoped3A = tpu.sem_alloc : memref<!tpu.dma_semaphore, #tpu.memory_space<semaphore_mem>>
      tpu.enqueue_dma source(%arg4 : memref<10000xi32, #tpu.memory_space<hbm>>) target(%arg15 : memref<10000xi32, #tpu.memory_space<vmem>>) target_semaphore(%run_scoped3A : memref<!tpu.dma_semaphore, #tpu.memory_space<semaphore_mem>>)
      tpu.wait_dma2 semaphore(%run_scoped3A : memref<!tpu.dma_semaphore, #tpu.memory_space<semaphore_mem>>) src(%arg4 : memref<10000xi32, #tpu.memory_space<hbm>>) dst(%arg15 : memref<10000xi32, #tpu.memory_space<vmem>>)
      tpu.yield
    }) : () -> ()
    "tpu.region"() ({
      %run_scoped3A = tpu.sem_alloc : memref<!tpu.dma_semaphore, #tpu.memory_space<semaphore_mem>>
      tpu.enqueue_dma source(%arg5 : memref<10000xi32, #tpu.memory_space<hbm>>) target(%arg16 : memref<10000xi32, #tpu.memory_space<vmem>>) target_semaphore(%run_scoped3A : memref<!tpu.dma_semaphore, #tpu.memory_space<semaphore_mem>>)
      tpu.wait_dma2 semaphore(%run_scoped3A : memref<!tpu.dma_semaphore, #tpu.memory_space<semaphore_mem>>) src(%arg5 : memref<10000xi32, #tpu.memory_space<hbm>>) dst(%arg16 : memref<10000xi32, #tpu.memory_space<vmem>>)
      tpu.yield
    }) : () -> ()
    "tpu.region"() ({
      %run_scoped3A = tpu.sem_alloc : memref<!tpu.dma_semaphore, #tpu.memory_space<semaphore_mem>>
      tpu.enqueue_dma source(%arg6 : memref<16xi32, #tpu.memory_space<hbm>>) target(%arg17 : memref<16xi32, #tpu.memory_space<vmem>>) target_semaphore(%run_scoped3A : memref<!tpu.dma_semaphore, #tpu.memory_space<semaphore_mem>>)
      tpu.wait_dma2 semaphore(%run_scoped3A : memref<!tpu.dma_semaphore, #tpu.memory_space<semaphore_mem>>) src(%arg6 : memref<16xi32, #tpu.memory_space<hbm>>) dst(%arg17 : memref<16xi32, #tpu.memory_space<vmem>>)
      tpu.yield
    }) : () -> ()
    "tpu.region"() ({
      %run_scoped3A = tpu.sem_alloc : memref<!tpu.dma_semaphore, #tpu.memory_space<semaphore_mem>>
      tpu.enqueue_dma source(%arg7 : memref<16xi32, #tpu.memory_space<hbm>>) target(%arg18 : memref<16xi32, #tpu.memory_space<vmem>>) target_semaphore(%run_scoped3A : memref<!tpu.dma_semaphore, #tpu.memory_space<semaphore_mem>>)
      tpu.wait_dma2 semaphore(%run_scoped3A : memref<!tpu.dma_semaphore, #tpu.memory_space<semaphore_mem>>) src(%arg7 : memref<16xi32, #tpu.memory_space<hbm>>) dst(%arg18 : memref<16xi32, #tpu.memory_space<vmem>>)
      tpu.yield
    }) : () -> ()
    %iota3A = tpu.iota {dimensions = array<i32: 0>} : vector<16xi32>
    %scan3A = arith.constant 0 : i32
    %scan3A_3 = arith.constant 0 : i32
    %scan3A_4 = arith.constant 4 : i32
    %scan3A_5 = arith.addi %scan3A_3, %scan3A_4 : i32
    %scan3A_6 = arith.constant 1 : i32
    %scan3A_7 = scf.for %scan3A_40 = %scan3A_3 to %scan3A_5 step %scan3A_6 iter_args(%scan3A_41 = %scan3A) -> (i32)  : i32 {
      %get3A = arith.constant 0 : index
      %get3A_42 = tpu.vector_load %arg17[%get3A] {strides = array<i32>} : memref<16xi32, #tpu.memory_space<vmem>>, vector<16xi32>,
      %add3A_43 = arith.constant 0 : i32
      %add3A_44 = arith.addi %mul3A_2, %add3A_43 : i32
      %mul3A_45 = arith.constant 16 : i32
      %mul3A_46 = arith.muli %scan3A_40, %mul3A_45 : i32
      %add3A_47 = arith.addi %add3A_44, %mul3A_46 : i32
      %add3A_48 = vector.broadcast %add3A_47 : i32 to vector<16xi32>
      %add3A_49 = arith.addi %get3A_42, %add3A_48 : vector<16xi32>
      %add3A_50 = arith.addi %add3A_49, %iota3A : vector<16xi32>
      %get3A_51 = arith.constant 0 : index
      %get3A_52 = tpu.vector_load %arg18[%get3A_51] {strides = array<i32>} : memref<16xi32, #tpu.memory_space<vmem>>, vector<16xi32>,
      %sub3A = arith.constant 1 : i32
      %sub3A_53 = vector.broadcast %sub3A : i32 to vector<16xi32>
      %sub3A_54 = arith.subi %get3A_52, %sub3A_53 : vector<16xi32>
      %min3A = arith.minsi %add3A_50, %sub3A_54 : vector<16xi32>
      %broadcast_in_dim3A = arith.constant 0 : i32
      %broadcast_in_dim3A_55 = vector.broadcast %broadcast_in_dim3A : i32 to vector<16xi32>
      %broadcast_in_dim3A_56 = arith.constant 10001 : i32
      %broadcast_in_dim3A_57 = vector.broadcast %broadcast_in_dim3A_56 : i32 to vector<16xi32>
      %add3A_58 = arith.addi %broadcast_in_dim3A_55, %broadcast_in_dim3A_57 : vector<16xi32>
      %shift_right_logical3A = arith.constant 1 : i32
      %shift_right_logical3A_59 = vector.broadcast %shift_right_logical3A : i32 to vector<16xi32>
      %shift_right_logical3A_60 = arith.shrui %add3A_58, %shift_right_logical3A_59 : vector<16xi32>
      %gather3A = tpu.vector_load_idx %arg13[%shift_right_logical3A_60] : memref<10016xi32, #tpu.memory_space<vmem>>[vector<16xi32>], vector<16xi32>,
      %le3A = arith.cmpi sle, %gather3A, %min3A : vector<16xi32>
      %select_n3A = arith.select %le3A, %shift_right_logical3A_60, %broadcast_in_dim3A_55 : vector<16xi1>, vector<16xi32>
      %select_n3A_61 = arith.select %le3A, %broadcast_in_dim3A_57, %shift_right_logical3A_60 : vector<16xi1>, vector<16xi32>
      %add3A_62 = arith.addi %select_n3A, %select_n3A_61 : vector<16xi32>
      %shift_right_logical3A_63 = arith.constant 1 : i32
      %shift_right_logical3A_64 = vector.broadcast %shift_right_logical3A_63 : i32 to vector<16xi32>
      %shift_right_logical3A_65 = arith.shrui %add3A_62, %shift_right_logical3A_64 : vector<16xi32>
      %gather3A_66 = tpu.vector_load_idx %arg13[%shift_right_logical3A_65] : memref<10016xi32, #tpu.memory_space<vmem>>[vector<16xi32>], vector<16xi32>,
      %le3A_67 = arith.cmpi sle, %gather3A_66, %min3A : vector<16xi32>
      %select_n3A_68 = arith.select %le3A_67, %shift_right_logical3A_65, %select_n3A : vector<16xi1>, vector<16xi32>
      %select_n3A_69 = arith.select %le3A_67, %select_n3A_61, %shift_right_logical3A_65 : vector<16xi1>, vector<16xi32>
      %add3A_70 = arith.addi %select_n3A_68, %select_n3A_69 : vector<16xi32>
      %shift_right_logical3A_71 = arith.constant 1 : i32
      %shift_right_logical3A_72 = vector.broadcast %shift_right_logical3A_71 : i32 to vector<16xi32>
      %shift_right_logical3A_73 = arith.shrui %add3A_70, %shift_right_logical3A_72 : vector<16xi32>
      %gather3A_74 = tpu.vector_load_idx %arg13[%shift_right_logical3A_73] : memref<10016xi32, #tpu.memory_space<vmem>>[vector<16xi32>], vector<16xi32>,
      %le3A_75 = arith.cmpi sle, %gather3A_74, %min3A : vector<16xi32>
      %select_n3A_76 = arith.select %le3A_75, %shift_right_logical3A_73, %select_n3A_68 : vector<16xi1>, vector<16xi32>
      %select_n3A_77 = arith.select %le3A_75, %select_n3A_69, %shift_right_logical3A_73 : vector<16xi1>, vector<16xi32>
      %add3A_78 = arith.addi %select_n3A_76, %select_n3A_77 : vector<16xi32>
      %shift_right_logical3A_79 = arith.constant 1 : i32
      %shift_right_logical3A_80 = vector.broadcast %shift_right_logical3A_79 : i32 to vector<16xi32>
      %shift_right_logical3A_81 = arith.shrui %add3A_78, %shift_right_logical3A_80 : vector<16xi32>
      %gather3A_82 = tpu.vector_load_idx %arg13[%shift_right_logical3A_81] : memref<10016xi32, #tpu.memory_space<vmem>>[vector<16xi32>], vector<16xi32>,
      %le3A_83 = arith.cmpi sle, %gather3A_82, %min3A : vector<16xi32>
      %select_n3A_84 = arith.select %le3A_83, %shift_right_logical3A_81, %select_n3A_76 : vector<16xi1>, vector<16xi32>
      %select_n3A_85 = arith.select %le3A_83, %select_n3A_77, %shift_right_logical3A_81 : vector<16xi1>, vector<16xi32>
      %add3A_86 = arith.addi %select_n3A_84, %select_n3A_85 : vector<16xi32>
      %shift_right_logical3A_87 = arith.constant 1 : i32
      %shift_right_logical3A_88 = vector.broadcast %shift_right_logical3A_87 : i32 to vector<16xi32>
      %shift_right_logical3A_89 = arith.shrui %add3A_86, %shift_right_logical3A_88 : vector<16xi32>
      %gather3A_90 = tpu.vector_load_idx %arg13[%shift_right_logical3A_89] : memref<10016xi32, #tpu.memory_space<vmem>>[vector<16xi32>], vector<16xi32>,
      %le3A_91 = arith.cmpi sle, %gather3A_90, %min3A : vector<16xi32>
      %select_n3A_92 = arith.select %le3A_91, %shift_right_logical3A_89, %select_n3A_84 : vector<16xi1>, vector<16xi32>
      %select_n3A_93 = arith.select %le3A_91, %select_n3A_85, %shift_right_logical3A_89 : vector<16xi1>, vector<16xi32>
      %add3A_94 = arith.addi %select_n3A_92, %select_n3A_93 : vector<16xi32>
      %shift_right_logical3A_95 = arith.constant 1 : i32
      %shift_right_logical3A_96 = vector.broadcast %shift_right_logical3A_95 : i32 to vector<16xi32>
      %shift_right_logical3A_97 = arith.shrui %add3A_94, %shift_right_logical3A_96 : vector<16xi32>
      %gather3A_98 = tpu.vector_load_idx %arg13[%shift_right_logical3A_97] : memref<10016xi32, #tpu.memory_space<vmem>>[vector<16xi32>], vector<16xi32>,
      %le3A_99 = arith.cmpi sle, %gather3A_98, %min3A : vector<16xi32>
      %select_n3A_100 = arith.select %le3A_99, %shift_right_logical3A_97, %select_n3A_92 : vector<16xi1>, vector<16xi32>
      %select_n3A_101 = arith.select %le3A_99, %select_n3A_93, %shift_right_logical3A_97 : vector<16xi1>, vector<16xi32>
      %add3A_102 = arith.addi %select_n3A_100, %select_n3A_101 : vector<16xi32>
      %shift_right_logical3A_103 = arith.constant 1 : i32
      %shift_right_logical3A_104 = vector.broadcast %shift_right_logical3A_103 : i32 to vector<16xi32>
      %shift_right_logical3A_105 = arith.shrui %add3A_102, %shift_right_logical3A_104 : vector<16xi32>
      %gather3A_106 = tpu.vector_load_idx %arg13[%shift_right_logical3A_105] : memref<10016xi32, #tpu.memory_space<vmem>>[vector<16xi32>], vector<16xi32>,
      %le3A_107 = arith.cmpi sle, %gather3A_106, %min3A : vector<16xi32>
      %select_n3A_108 = arith.select %le3A_107, %shift_right_logical3A_105, %select_n3A_100 : vector<16xi1>, vector<16xi32>
      %select_n3A_109 = arith.select %le3A_107, %select_n3A_101, %shift_right_logical3A_105 : vector<16xi1>, vector<16xi32>
      %add3A_110 = arith.addi %select_n3A_108, %select_n3A_109 : vector<16xi32>
      %shift_right_logical3A_111 = arith.constant 1 : i32
      %shift_right_logical3A_112 = vector.broadcast %shift_right_logical3A_111 : i32 to vector<16xi32>
      %shift_right_logical3A_113 = arith.shrui %add3A_110, %shift_right_logical3A_112 : vector<16xi32>
      %gather3A_114 = tpu.vector_load_idx %arg13[%shift_right_logical3A_113] : memref<10016xi32, #tpu.memory_space<vmem>>[vector<16xi32>], vector<16xi32>,
      %le3A_115 = arith.cmpi sle, %gather3A_114, %min3A : vector<16xi32>
      %select_n3A_116 = arith.select %le3A_115, %shift_right_logical3A_113, %select_n3A_108 : vector<16xi1>, vector<16xi32>
      %select_n3A_117 = arith.select %le3A_115, %select_n3A_109, %shift_right_logical3A_113 : vector<16xi1>, vector<16xi32>
      %add3A_118 = arith.addi %select_n3A_116, %select_n3A_117 : vector<16xi32>
      %shift_right_logical3A_119 = arith.constant 1 : i32
      %shift_right_logical3A_120 = vector.broadcast %shift_right_logical3A_119 : i32 to vector<16xi32>
      %shift_right_logical3A_121 = arith.shrui %add3A_118, %shift_right_logical3A_120 : vector<16xi32>
      %gather3A_122 = tpu.vector_load_idx %arg13[%shift_right_logical3A_121] : memref<10016xi32, #tpu.memory_space<vmem>>[vector<16xi32>], vector<16xi32>,
      %le3A_123 = arith.cmpi sle, %gather3A_122, %min3A : vector<16xi32>
      %select_n3A_124 = arith.select %le3A_123, %shift_right_logical3A_121, %select_n3A_116 : vector<16xi1>, vector<16xi32>
      %select_n3A_125 = arith.select %le3A_123, %select_n3A_117, %shift_right_logical3A_121 : vector<16xi1>, vector<16xi32>
      %add3A_126 = arith.addi %select_n3A_124, %select_n3A_125 : vector<16xi32>
      %shift_right_logical3A_127 = arith.constant 1 : i32
      %shift_right_logical3A_128 = vector.broadcast %shift_right_logical3A_127 : i32 to vector<16xi32>
      %shift_right_logical3A_129 = arith.shrui %add3A_126, %shift_right_logical3A_128 : vector<16xi32>
      %gather3A_130 = tpu.vector_load_idx %arg13[%shift_right_logical3A_129] : memref<10016xi32, #tpu.memory_space<vmem>>[vector<16xi32>], vector<16xi32>,
      %le3A_131 = arith.cmpi sle, %gather3A_130, %min3A : vector<16xi32>
      %select_n3A_132 = arith.select %le3A_131, %shift_right_logical3A_129, %select_n3A_124 : vector<16xi1>, vector<16xi32>
      %select_n3A_133 = arith.select %le3A_131, %select_n3A_125, %shift_right_logical3A_129 : vector<16xi1>, vector<16xi32>
      %add3A_134 = arith.addi %select_n3A_132, %select_n3A_133 : vector<16xi32>
      %shift_right_logical3A_135 = arith.constant 1 : i32
      %shift_right_logical3A_136 = vector.broadcast %shift_right_logical3A_135 : i32 to vector<16xi32>
      %shift_right_logical3A_137 = arith.shrui %add3A_134, %shift_right_logical3A_136 : vector<16xi32>
      %gather3A_138 = tpu.vector_load_idx %arg13[%shift_right_logical3A_137] : memref<10016xi32, #tpu.memory_space<vmem>>[vector<16xi32>], vector<16xi32>,
      %le3A_139 = arith.cmpi sle, %gather3A_138, %min3A : vector<16xi32>
      %select_n3A_140 = arith.select %le3A_139, %shift_right_logical3A_137, %select_n3A_132 : vector<16xi1>, vector<16xi32>
      %select_n3A_141 = arith.select %le3A_139, %select_n3A_133, %shift_right_logical3A_137 : vector<16xi1>, vector<16xi32>
      %add3A_142 = arith.addi %select_n3A_140, %select_n3A_141 : vector<16xi32>
      %shift_right_logical3A_143 = arith.constant 1 : i32
      %shift_right_logical3A_144 = vector.broadcast %shift_right_logical3A_143 : i32 to vector<16xi32>
      %shift_right_logical3A_145 = arith.shrui %add3A_142, %shift_right_logical3A_144 : vector<16xi32>
      %gather3A_146 = tpu.vector_load_idx %arg13[%shift_right_logical3A_145] : memref<10016xi32, #tpu.memory_space<vmem>>[vector<16xi32>], vector<16xi32>,
      %le3A_147 = arith.cmpi sle, %gather3A_146, %min3A : vector<16xi32>
      %select_n3A_148 = arith.select %le3A_147, %shift_right_logical3A_145, %select_n3A_140 : vector<16xi1>, vector<16xi32>
      %select_n3A_149 = arith.select %le3A_147, %select_n3A_141, %shift_right_logical3A_145 : vector<16xi1>, vector<16xi32>
      %add3A_150 = arith.addi %select_n3A_148, %select_n3A_149 : vector<16xi32>
      %shift_right_logical3A_151 = arith.constant 1 : i32
      %shift_right_logical3A_152 = vector.broadcast %shift_right_logical3A_151 : i32 to vector<16xi32>
      %shift_right_logical3A_153 = arith.shrui %add3A_150, %shift_right_logical3A_152 : vector<16xi32>
      %gather3A_154 = tpu.vector_load_idx %arg13[%shift_right_logical3A_153] : memref<10016xi32, #tpu.memory_space<vmem>>[vector<16xi32>], vector<16xi32>,
      %le3A_155 = arith.cmpi sle, %gather3A_154, %min3A : vector<16xi32>
      %select_n3A_156 = arith.select %le3A_155, %shift_right_logical3A_153, %select_n3A_148 : vector<16xi1>, vector<16xi32>
      %select_n3A_157 = arith.select %le3A_155, %select_n3A_149, %shift_right_logical3A_153 : vector<16xi1>, vector<16xi32>
      %add3A_158 = arith.addi %select_n3A_156, %select_n3A_157 : vector<16xi32>
      %shift_right_logical3A_159 = arith.constant 1 : i32
      %shift_right_logical3A_160 = vector.broadcast %shift_right_logical3A_159 : i32 to vector<16xi32>
      %shift_right_logical3A_161 = arith.shrui %add3A_158, %shift_right_logical3A_160 : vector<16xi32>
      %gather3A_162 = tpu.vector_load_idx %arg13[%shift_right_logical3A_161] : memref<10016xi32, #tpu.memory_space<vmem>>[vector<16xi32>], vector<16xi32>,
      %le3A_163 = arith.cmpi sle, %gather3A_162, %min3A : vector<16xi32>
      %select_n3A_164 = arith.select %le3A_163, %shift_right_logical3A_161, %select_n3A_156 : vector<16xi1>, vector<16xi32>
      %select_n3A_165 = arith.select %le3A_163, %select_n3A_157, %shift_right_logical3A_161 : vector<16xi1>, vector<16xi32>
      %broadcast_in_dim3A_166 = arith.constant 9999 : i32
      %broadcast_in_dim3A_167 = vector.broadcast %broadcast_in_dim3A_166 : i32 to vector<16xi32>
      %min3A_168 = arith.minsi %select_n3A_164, %broadcast_in_dim3A_167 : vector<16xi32>
      %gather3A_169 = tpu.vector_load_idx %arg13[%min3A_168] : memref<10016xi32, #tpu.memory_space<vmem>>[vector<16xi32>], vector<16xi32>,
      %sub3A_170 = arith.subi %min3A, %gather3A_169 : vector<16xi32>
      %gather3A_171 = tpu.vector_load_idx %arg14[%min3A_168] : memref<10000xi32, #tpu.memory_space<vmem>>[vector<16xi32>], vector<16xi32>,
      %max3A = arith.constant 1 : i32
      %max3A_172 = vector.broadcast %max3A : i32 to vector<16xi32>
      %max3A_173 = arith.maxsi %gather3A_171, %max3A_172 : vector<16xi32>
      %div3A = arith.divsi %sub3A_170, %max3A_173 : vector<16xi32>
      %mul3A_174 = arith.muli %div3A, %max3A_173 : vector<16xi32>
      %sub3A_175 = arith.subi %sub3A_170, %mul3A_174 : vector<16xi32>
      %gather3A_176 = tpu.vector_load_idx %arg15[%min3A_168] : memref<10000xi32, #tpu.memory_space<vmem>>[vector<16xi32>], vector<16xi32>,
      %add3A_177 = arith.addi %gather3A_176, %sub3A_175 : vector<16xi32>
      %mul3A_178 = arith.constant 16 : i32
      %mul3A_179 = arith.muli %scan3A_40, %mul3A_178 : i32
      %swap3A = arith.index_cast %mul3A_179 : i32 to index
      %swap3A_180 = tpu.vector_load %arg19[%swap3A] {strides = array<i32>} : memref<64xi32, #tpu.memory_space<vmem>>, vector<16xi32>,
      tpu.vector_store %arg19[%swap3A], %add3A_177 {strides = array<i32>} : memref<64xi32, #tpu.memory_space<vmem>>, vector<16xi32>,
      %gather3A_181 = tpu.vector_load_idx %arg16[%min3A_168] : memref<10000xi32, #tpu.memory_space<vmem>>[vector<16xi32>], vector<16xi32>,
      %add3A_182 = arith.addi %gather3A_181, %div3A : vector<16xi32>
      %mul3A_183 = arith.constant 16 : i32
      %mul3A_184 = arith.muli %scan3A_40, %mul3A_183 : i32
      %swap3A_185 = arith.index_cast %mul3A_184 : i32 to index
      %swap3A_186 = tpu.vector_load %arg21[%swap3A_185] {strides = array<i32>} : memref<64xi32, #tpu.memory_space<vmem>>, vector<16xi32>,
      tpu.vector_store %arg21[%swap3A_185], %add3A_182 {strides = array<i32>} : memref<64xi32, #tpu.memory_space<vmem>>, vector<16xi32>,
      %mul3A_187 = arith.constant 16 : i32
      %mul3A_188 = arith.muli %scan3A_40, %mul3A_187 : i32
      %swap3A_189 = arith.index_cast %mul3A_188 : i32 to index
      %swap3A_190 = tpu.vector_load %arg23[%swap3A_189] {strides = array<i32>} : memref<64xi32, #tpu.memory_space<vmem>>, vector<16xi32>,
      tpu.vector_store %arg23[%swap3A_189], %min3A_168 {strides = array<i32>} : memref<64xi32, #tpu.memory_space<vmem>>, vector<16xi32>,
      %scan3A_191 = arith.constant 0 : i32
      scf.yield %scan3A_191 : i32
    }
    %scan3A_8 = arith.constant 4 : i32
    %dma_start3A = arith.constant 0 : i32
    %dma_start3A_9 = arith.constant 0 : i32
    %dma_start3A_10 = tpu.memref_slice %arg8[%dma_start3A, %dma_start3A_9] : memref<163840x256xf32, #tpu.memory_space<hbm>> -> memref<163840x256xf32, #tpu.memory_space<hbm>>
    tpu.enqueue_indirect_dma source(%dma_start3A_10 : memref<163840x256xf32, #tpu.memory_space<hbm>>) target(%arg25 : memref<64x256xf32, #tpu.memory_space<vmem>>) offsets(%arg19 : memref<64xi32, #tpu.memory_space<vmem>>) semaphore(%arg29 : memref<!tpu.dma_semaphore, #tpu.memory_space<semaphore_mem>>)
    %dma_start3A_11 = arith.constant 0 : i32
    %dma_start3A_12 = arith.constant 0 : i32
    %dma_start3A_13 = tpu.memref_slice %arg9[%dma_start3A_11, %dma_start3A_12] : memref<163840x256xf32, #tpu.memory_space<hbm>> -> memref<163840x256xf32, #tpu.memory_space<hbm>>
    tpu.enqueue_indirect_dma source(%dma_start3A_13 : memref<163840x256xf32, #tpu.memory_space<hbm>>) target(%arg27 : memref<64x256xf32, #tpu.memory_space<vmem>>) offsets(%arg21 : memref<64xi32, #tpu.memory_space<vmem>>) semaphore(%arg31 : memref<!tpu.dma_semaphore, #tpu.memory_space<semaphore_mem>>)
    %scan3A_14 = arith.constant 0 : i32
    %scan3A_15 = arith.constant 0 : i32
    %scan3A_16 = arith.constant 256 : i32
    %scan3A_17 = arith.addi %scan3A_15, %scan3A_16 : i32
    %scan3A_18 = arith.constant 1 : i32
    %scan3A_19 = scf.for %scan3A_40 = %scan3A_15 to %scan3A_17 step %scan3A_18 iter_args(%scan3A_41 = %scan3A_14) -> (i32)  : i32 {
      %mul3A_42 = arith.constant 2 : i32
      %mul3A_43 = arith.muli %mul3A_42, %scan3A_40 : i32
      %gt3A = arith.constant 0 : i32
      %gt3A_44 = arith.cmpi sgt, %scan3A_40, %gt3A : i32
      %convert_element_type3A = arith.extui %gt3A_44 : i1 to i32
      %cond3A = arith.constant 0 : i32
      %cond3A_45 = arith.cmpi ne, %convert_element_type3A, %cond3A : i32
      scf.if %cond3A_45 {
        %sub3A = arith.constant 1 : i32
        %sub3A_102 = arith.subi %mul3A_43, %sub3A : i32
        %mul3A_103 = arith.constant 64 : i32
        %mul3A_104 = arith.muli %sub3A_102, %mul3A_103 : i32
        %add3A_105 = arith.addi %mul3A_2, %mul3A_104 : i32
        %dma_wait3A_106 = arith.constant 0 : i32
        %dma_wait3A_107 = tpu.memref_slice %arg10[%add3A_105, %dma_wait3A_106] : memref<1048576x256xf32, #tpu.memory_space<hbm>> -> memref<64x256xf32, #tpu.memory_space<hbm>>
        %dma_wait3A_108 = arith.constant 0 : i32
        %dma_wait3A_109 = tpu.memref_slice %arg10[%add3A_105, %dma_wait3A_108] : memref<1048576x256xf32, #tpu.memory_space<hbm>> -> memref<64x256xf32, #tpu.memory_space<hbm>>
        tpu.wait_dma2 semaphore(%arg34 : memref<!tpu.dma_semaphore, #tpu.memory_space<semaphore_mem>>) src(%arg26 : memref<64x256xf32, #tpu.memory_space<vmem>>) dst(%dma_wait3A_109 : memref<64x256xf32, #tpu.memory_space<hbm>>)
        %dma_wait3A_110 = arith.constant 0 : i32
        %dma_wait3A_111 = tpu.memref_slice %arg11[%add3A_105, %dma_wait3A_110] : memref<1048576x256xf32, #tpu.memory_space<hbm>> -> memref<64x256xf32, #tpu.memory_space<hbm>>
        %dma_wait3A_112 = arith.constant 0 : i32
        %dma_wait3A_113 = tpu.memref_slice %arg11[%add3A_105, %dma_wait3A_112] : memref<1048576x256xf32, #tpu.memory_space<hbm>> -> memref<64x256xf32, #tpu.memory_space<hbm>>
        tpu.wait_dma2 semaphore(%arg36 : memref<!tpu.dma_semaphore, #tpu.memory_space<semaphore_mem>>) src(%arg28 : memref<64x256xf32, #tpu.memory_space<vmem>>) dst(%dma_wait3A_113 : memref<64x256xf32, #tpu.memory_space<hbm>>)
      } else {
      }
      %add3A_46 = arith.constant 1 : i32
      %add3A_47 = arith.addi %mul3A_43, %add3A_46 : i32
      %scan3A_48 = arith.constant 0 : i32
      %scan3A_49 = arith.constant 0 : i32
      %scan3A_50 = arith.constant 4 : i32
      %scan3A_51 = arith.addi %scan3A_49, %scan3A_50 : i32
      %scan3A_52 = arith.constant 1 : i32
      %scan3A_53 = scf.for %scan3A_102 = %scan3A_49 to %scan3A_51 step %scan3A_52 iter_args(%scan3A_103 = %scan3A_48) -> (i32)  : i32 {
        %get3A = arith.constant 0 : index
        %get3A_104 = tpu.vector_load %arg17[%get3A] {strides = array<i32>} : memref<16xi32, #tpu.memory_space<vmem>>, vector<16xi32>,
        %mul3A_105 = arith.constant 64 : i32
        %mul3A_106 = arith.muli %add3A_47, %mul3A_105 : i32
        %add3A_107 = arith.addi %mul3A_2, %mul3A_106 : i32
        %mul3A_108 = arith.constant 16 : i32
        %mul3A_109 = arith.muli %scan3A_102, %mul3A_108 : i32
        %add3A_110 = arith.addi %add3A_107, %mul3A_109 : i32
        %add3A_111 = vector.broadcast %add3A_110 : i32 to vector<16xi32>
        %add3A_112 = arith.addi %get3A_104, %add3A_111 : vector<16xi32>
        %add3A_113 = arith.addi %add3A_112, %iota3A : vector<16xi32>
        %get3A_114 = arith.constant 0 : index
        %get3A_115 = tpu.vector_load %arg18[%get3A_114] {strides = array<i32>} : memref<16xi32, #tpu.memory_space<vmem>>, vector<16xi32>,
        %sub3A = arith.constant 1 : i32
        %sub3A_116 = vector.broadcast %sub3A : i32 to vector<16xi32>
        %sub3A_117 = arith.subi %get3A_115, %sub3A_116 : vector<16xi32>
        %min3A = arith.minsi %add3A_113, %sub3A_117 : vector<16xi32>
        %broadcast_in_dim3A = arith.constant 0 : i32
        %broadcast_in_dim3A_118 = vector.broadcast %broadcast_in_dim3A : i32 to vector<16xi32>
        %broadcast_in_dim3A_119 = arith.constant 10001 : i32
        %broadcast_in_dim3A_120 = vector.broadcast %broadcast_in_dim3A_119 : i32 to vector<16xi32>
        %add3A_121 = arith.addi %broadcast_in_dim3A_118, %broadcast_in_dim3A_120 : vector<16xi32>
        %shift_right_logical3A = arith.constant 1 : i32
        %shift_right_logical3A_122 = vector.broadcast %shift_right_logical3A : i32 to vector<16xi32>
        %shift_right_logical3A_123 = arith.shrui %add3A_121, %shift_right_logical3A_122 : vector<16xi32>
        %gather3A = tpu.vector_load_idx %arg13[%shift_right_logical3A_123] : memref<10016xi32, #tpu.memory_space<vmem>>[vector<16xi32>], vector<16xi32>,
        %le3A = arith.cmpi sle, %gather3A, %min3A : vector<16xi32>
        %select_n3A = arith.select %le3A, %shift_right_logical3A_123, %broadcast_in_dim3A_118 : vector<16xi1>, vector<16xi32>
        %select_n3A_124 = arith.select %le3A, %broadcast_in_dim3A_120, %shift_right_logical3A_123 : vector<16xi1>, vector<16xi32>
        %add3A_125 = arith.addi %select_n3A, %select_n3A_124 : vector<16xi32>
        %shift_right_logical3A_126 = arith.constant 1 : i32
        %shift_right_logical3A_127 = vector.broadcast %shift_right_logical3A_126 : i32 to vector<16xi32>
        %shift_right_logical3A_128 = arith.shrui %add3A_125, %shift_right_logical3A_127 : vector<16xi32>
        %gather3A_129 = tpu.vector_load_idx %arg13[%shift_right_logical3A_128] : memref<10016xi32, #tpu.memory_space<vmem>>[vector<16xi32>], vector<16xi32>,
        %le3A_130 = arith.cmpi sle, %gather3A_129, %min3A : vector<16xi32>
        %select_n3A_131 = arith.select %le3A_130, %shift_right_logical3A_128, %select_n3A : vector<16xi1>, vector<16xi32>
        %select_n3A_132 = arith.select %le3A_130, %select_n3A_124, %shift_right_logical3A_128 : vector<16xi1>, vector<16xi32>
        %add3A_133 = arith.addi %select_n3A_131, %select_n3A_132 : vector<16xi32>
        %shift_right_logical3A_134 = arith.constant 1 : i32
        %shift_right_logical3A_135 = vector.broadcast %shift_right_logical3A_134 : i32 to vector<16xi32>
        %shift_right_logical3A_136 = arith.shrui %add3A_133, %shift_right_logical3A_135 : vector<16xi32>
        %gather3A_137 = tpu.vector_load_idx %arg13[%shift_right_logical3A_136] : memref<10016xi32, #tpu.memory_space<vmem>>[vector<16xi32>], vector<16xi32>,
        %le3A_138 = arith.cmpi sle, %gather3A_137, %min3A : vector<16xi32>
        %select_n3A_139 = arith.select %le3A_138, %shift_right_logical3A_136, %select_n3A_131 : vector<16xi1>, vector<16xi32>
        %select_n3A_140 = arith.select %le3A_138, %select_n3A_132, %shift_right_logical3A_136 : vector<16xi1>, vector<16xi32>
        %add3A_141 = arith.addi %select_n3A_139, %select_n3A_140 : vector<16xi32>
        %shift_right_logical3A_142 = arith.constant 1 : i32
        %shift_right_logical3A_143 = vector.broadcast %shift_right_logical3A_142 : i32 to vector<16xi32>
        %shift_right_logical3A_144 = arith.shrui %add3A_141, %shift_right_logical3A_143 : vector<16xi32>
        %gather3A_145 = tpu.vector_load_idx %arg13[%shift_right_logical3A_144] : memref<10016xi32, #tpu.memory_space<vmem>>[vector<16xi32>], vector<16xi32>,
        %le3A_146 = arith.cmpi sle, %gather3A_145, %min3A : vector<16xi32>
        %select_n3A_147 = arith.select %le3A_146, %shift_right_logical3A_144, %select_n3A_139 : vector<16xi1>, vector<16xi32>
        %select_n3A_148 = arith.select %le3A_146, %select_n3A_140, %shift_right_logical3A_144 : vector<16xi1>, vector<16xi32>
        %add3A_149 = arith.addi %select_n3A_147, %select_n3A_148 : vector<16xi32>
        %shift_right_logical3A_150 = arith.constant 1 : i32
        %shift_right_logical3A_151 = vector.broadcast %shift_right_logical3A_150 : i32 to vector<16xi32>
        %shift_right_logical3A_152 = arith.shrui %add3A_149, %shift_right_logical3A_151 : vector<16xi32>
        %gather3A_153 = tpu.vector_load_idx %arg13[%shift_right_logical3A_152] : memref<10016xi32, #tpu.memory_space<vmem>>[vector<16xi32>], vector<16xi32>,
        %le3A_154 = arith.cmpi sle, %gather3A_153, %min3A : vector<16xi32>
        %select_n3A_155 = arith.select %le3A_154, %shift_right_logical3A_152, %select_n3A_147 : vector<16xi1>, vector<16xi32>
        %select_n3A_156 = arith.select %le3A_154, %select_n3A_148, %shift_right_logical3A_152 : vector<16xi1>, vector<16xi32>
        %add3A_157 = arith.addi %select_n3A_155, %select_n3A_156 : vector<16xi32>
        %shift_right_logical3A_158 = arith.constant 1 : i32
        %shift_right_logical3A_159 = vector.broadcast %shift_right_logical3A_158 : i32 to vector<16xi32>
        %shift_right_logical3A_160 = arith.shrui %add3A_157, %shift_right_logical3A_159 : vector<16xi32>
        %gather3A_161 = tpu.vector_load_idx %arg13[%shift_right_logical3A_160] : memref<10016xi32, #tpu.memory_space<vmem>>[vector<16xi32>], vector<16xi32>,
        %le3A_162 = arith.cmpi sle, %gather3A_161, %min3A : vector<16xi32>
        %select_n3A_163 = arith.select %le3A_162, %shift_right_logical3A_160, %select_n3A_155 : vector<16xi1>, vector<16xi32>
        %select_n3A_164 = arith.select %le3A_162, %select_n3A_156, %shift_right_logical3A_160 : vector<16xi1>, vector<16xi32>
        %add3A_165 = arith.addi %select_n3A_163, %select_n3A_164 : vector<16xi32>
        %shift_right_logical3A_166 = arith.constant 1 : i32
        %shift_right_logical3A_167 = vector.broadcast %shift_right_logical3A_166 : i32 to vector<16xi32>
        %shift_right_logical3A_168 = arith.shrui %add3A_165, %shift_right_logical3A_167 : vector<16xi32>
        %gather3A_169 = tpu.vector_load_idx %arg13[%shift_right_logical3A_168] : memref<10016xi32, #tpu.memory_space<vmem>>[vector<16xi32>], vector<16xi32>,
        %le3A_170 = arith.cmpi sle, %gather3A_169, %min3A : vector<16xi32>
        %select_n3A_171 = arith.select %le3A_170, %shift_right_logical3A_168, %select_n3A_163 : vector<16xi1>, vector<16xi32>
        %select_n3A_172 = arith.select %le3A_170, %select_n3A_164, %shift_right_logical3A_168 : vector<16xi1>, vector<16xi32>
        %add3A_173 = arith.addi %select_n3A_171, %select_n3A_172 : vector<16xi32>
        %shift_right_logical3A_174 = arith.constant 1 : i32
        %shift_right_logical3A_175 = vector.broadcast %shift_right_logical3A_174 : i32 to vector<16xi32>
        %shift_right_logical3A_176 = arith.shrui %add3A_173, %shift_right_logical3A_175 : vector<16xi32>
        %gather3A_177 = tpu.vector_load_idx %arg13[%shift_right_logical3A_176] : memref<10016xi32, #tpu.memory_space<vmem>>[vector<16xi32>], vector<16xi32>,
        %le3A_178 = arith.cmpi sle, %gather3A_177, %min3A : vector<16xi32>
        %select_n3A_179 = arith.select %le3A_178, %shift_right_logical3A_176, %select_n3A_171 : vector<16xi1>, vector<16xi32>
        %select_n3A_180 = arith.select %le3A_178, %select_n3A_172, %shift_right_logical3A_176 : vector<16xi1>, vector<16xi32>
        %add3A_181 = arith.addi %select_n3A_179, %select_n3A_180 : vector<16xi32>
        %shift_right_logical3A_182 = arith.constant 1 : i32
        %shift_right_logical3A_183 = vector.broadcast %shift_right_logical3A_182 : i32 to vector<16xi32>
        %shift_right_logical3A_184 = arith.shrui %add3A_181, %shift_right_logical3A_183 : vector<16xi32>
        %gather3A_185 = tpu.vector_load_idx %arg13[%shift_right_logical3A_184] : memref<10016xi32, #tpu.memory_space<vmem>>[vector<16xi32>], vector<16xi32>,
        %le3A_186 = arith.cmpi sle, %gather3A_185, %min3A : vector<16xi32>
        %select_n3A_187 = arith.select %le3A_186, %shift_right_logical3A_184, %select_n3A_179 : vector<16xi1>, vector<16xi32>
        %select_n3A_188 = arith.select %le3A_186, %select_n3A_180, %shift_right_logical3A_184 : vector<16xi1>, vector<16xi32>
        %add3A_189 = arith.addi %select_n3A_187, %select_n3A_188 : vector<16xi32>
        %shift_right_logical3A_190 = arith.constant 1 : i32
        %shift_right_logical3A_191 = vector.broadcast %shift_right_logical3A_190 : i32 to vector<16xi32>
        %shift_right_logical3A_192 = arith.shrui %add3A_189, %shift_right_logical3A_191 : vector<16xi32>
        %gather3A_193 = tpu.vector_load_idx %arg13[%shift_right_logical3A_192] : memref<10016xi32, #tpu.memory_space<vmem>>[vector<16xi32>], vector<16xi32>,
        %le3A_194 = arith.cmpi sle, %gather3A_193, %min3A : vector<16xi32>
        %select_n3A_195 = arith.select %le3A_194, %shift_right_logical3A_192, %select_n3A_187 : vector<16xi1>, vector<16xi32>
        %select_n3A_196 = arith.select %le3A_194, %select_n3A_188, %shift_right_logical3A_192 : vector<16xi1>, vector<16xi32>
        %add3A_197 = arith.addi %select_n3A_195, %select_n3A_196 : vector<16xi32>
        %shift_right_logical3A_198 = arith.constant 1 : i32
        %shift_right_logical3A_199 = vector.broadcast %shift_right_logical3A_198 : i32 to vector<16xi32>
        %shift_right_logical3A_200 = arith.shrui %add3A_197, %shift_right_logical3A_199 : vector<16xi32>
        %gather3A_201 = tpu.vector_load_idx %arg13[%shift_right_logical3A_200] : memref<10016xi32, #tpu.memory_space<vmem>>[vector<16xi32>], vector<16xi32>,
        %le3A_202 = arith.cmpi sle, %gather3A_201, %min3A : vector<16xi32>
        %select_n3A_203 = arith.select %le3A_202, %shift_right_logical3A_200, %select_n3A_195 : vector<16xi1>, vector<16xi32>
        %select_n3A_204 = arith.select %le3A_202, %select_n3A_196, %shift_right_logical3A_200 : vector<16xi1>, vector<16xi32>
        %add3A_205 = arith.addi %select_n3A_203, %select_n3A_204 : vector<16xi32>
        %shift_right_logical3A_206 = arith.constant 1 : i32
        %shift_right_logical3A_207 = vector.broadcast %shift_right_logical3A_206 : i32 to vector<16xi32>
        %shift_right_logical3A_208 = arith.shrui %add3A_205, %shift_right_logical3A_207 : vector<16xi32>
        %gather3A_209 = tpu.vector_load_idx %arg13[%shift_right_logical3A_208] : memref<10016xi32, #tpu.memory_space<vmem>>[vector<16xi32>], vector<16xi32>,
        %le3A_210 = arith.cmpi sle, %gather3A_209, %min3A : vector<16xi32>
        %select_n3A_211 = arith.select %le3A_210, %shift_right_logical3A_208, %select_n3A_203 : vector<16xi1>, vector<16xi32>
        %select_n3A_212 = arith.select %le3A_210, %select_n3A_204, %shift_right_logical3A_208 : vector<16xi1>, vector<16xi32>
        %add3A_213 = arith.addi %select_n3A_211, %select_n3A_212 : vector<16xi32>
        %shift_right_logical3A_214 = arith.constant 1 : i32
        %shift_right_logical3A_215 = vector.broadcast %shift_right_logical3A_214 : i32 to vector<16xi32>
        %shift_right_logical3A_216 = arith.shrui %add3A_213, %shift_right_logical3A_215 : vector<16xi32>
        %gather3A_217 = tpu.vector_load_idx %arg13[%shift_right_logical3A_216] : memref<10016xi32, #tpu.memory_space<vmem>>[vector<16xi32>], vector<16xi32>,
        %le3A_218 = arith.cmpi sle, %gather3A_217, %min3A : vector<16xi32>
        %select_n3A_219 = arith.select %le3A_218, %shift_right_logical3A_216, %select_n3A_211 : vector<16xi1>, vector<16xi32>
        %select_n3A_220 = arith.select %le3A_218, %select_n3A_212, %shift_right_logical3A_216 : vector<16xi1>, vector<16xi32>
        %add3A_221 = arith.addi %select_n3A_219, %select_n3A_220 : vector<16xi32>
        %shift_right_logical3A_222 = arith.constant 1 : i32
        %shift_right_logical3A_223 = vector.broadcast %shift_right_logical3A_222 : i32 to vector<16xi32>
        %shift_right_logical3A_224 = arith.shrui %add3A_221, %shift_right_logical3A_223 : vector<16xi32>
        %gather3A_225 = tpu.vector_load_idx %arg13[%shift_right_logical3A_224] : memref<10016xi32, #tpu.memory_space<vmem>>[vector<16xi32>], vector<16xi32>,
        %le3A_226 = arith.cmpi sle, %gather3A_225, %min3A : vector<16xi32>
        %select_n3A_227 = arith.select %le3A_226, %shift_right_logical3A_224, %select_n3A_219 : vector<16xi1>, vector<16xi32>
        %select_n3A_228 = arith.select %le3A_226, %select_n3A_220, %shift_right_logical3A_224 : vector<16xi1>, vector<16xi32>
        %broadcast_in_dim3A_229 = arith.constant 9999 : i32
        %broadcast_in_dim3A_230 = vector.broadcast %broadcast_in_dim3A_229 : i32 to vector<16xi32>
        %min3A_231 = arith.minsi %select_n3A_227, %broadcast_in_dim3A_230 : vector<16xi32>
        %gather3A_232 = tpu.vector_load_idx %arg13[%min3A_231] : memref<10016xi32, #tpu.memory_space<vmem>>[vector<16xi32>], vector<16xi32>,
        %sub3A_233 = arith.subi %min3A, %gather3A_232 : vector<16xi32>
        %gather3A_234 = tpu.vector_load_idx %arg14[%min3A_231] : memref<10000xi32, #tpu.memory_space<vmem>>[vector<16xi32>], vector<16xi32>,
        %max3A = arith.constant 1 : i32
        %max3A_235 = vector.broadcast %max3A : i32 to vector<16xi32>
        %max3A_236 = arith.maxsi %gather3A_234, %max3A_235 : vector<16xi32>
        %div3A = arith.divsi %sub3A_233, %max3A_236 : vector<16xi32>
        %mul3A_237 = arith.muli %div3A, %max3A_236 : vector<16xi32>
        %sub3A_238 = arith.subi %sub3A_233, %mul3A_237 : vector<16xi32>
        %gather3A_239 = tpu.vector_load_idx %arg15[%min3A_231] : memref<10000xi32, #tpu.memory_space<vmem>>[vector<16xi32>], vector<16xi32>,
        %add3A_240 = arith.addi %gather3A_239, %sub3A_238 : vector<16xi32>
        %mul3A_241 = arith.constant 16 : i32
        %mul3A_242 = arith.muli %scan3A_102, %mul3A_241 : i32
        %swap3A = arith.index_cast %mul3A_242 : i32 to index
        %swap3A_243 = tpu.vector_load %arg20[%swap3A] {strides = array<i32>} : memref<64xi32, #tpu.memory_space<vmem>>, vector<16xi32>,
        tpu.vector_store %arg20[%swap3A], %add3A_240 {strides = array<i32>} : memref<64xi32, #tpu.memory_space<vmem>>, vector<16xi32>,
        %gather3A_244 = tpu.vector_load_idx %arg16[%min3A_231] : memref<10000xi32, #tpu.memory_space<vmem>>[vector<16xi32>], vector<16xi32>,
        %add3A_245 = arith.addi %gather3A_244, %div3A : vector<16xi32>
        %mul3A_246 = arith.constant 16 : i32
        %mul3A_247 = arith.muli %scan3A_102, %mul3A_246 : i32
        %swap3A_248 = arith.index_cast %mul3A_247 : i32 to index
        %swap3A_249 = tpu.vector_load %arg22[%swap3A_248] {strides = array<i32>} : memref<64xi32, #tpu.memory_space<vmem>>, vector<16xi32>,
        tpu.vector_store %arg22[%swap3A_248], %add3A_245 {strides = array<i32>} : memref<64xi32, #tpu.memory_space<vmem>>, vector<16xi32>,
        %mul3A_250 = arith.constant 16 : i32
        %mul3A_251 = arith.muli %scan3A_102, %mul3A_250 : i32
        %swap3A_252 = arith.index_cast %mul3A_251 : i32 to index
        %swap3A_253 = tpu.vector_load %arg24[%swap3A_252] {strides = array<i32>} : memref<64xi32, #tpu.memory_space<vmem>>, vector<16xi32>,
        tpu.vector_store %arg24[%swap3A_252], %min3A_231 {strides = array<i32>} : memref<64xi32, #tpu.memory_space<vmem>>, vector<16xi32>,
        %scan3A_254 = arith.constant 0 : i32
        scf.yield %scan3A_254 : i32
      }
      %scan3A_54 = arith.constant 4 : i32
      %dma_start3A_55 = arith.constant 0 : i32
      %dma_start3A_56 = arith.constant 0 : i32
      %dma_start3A_57 = tpu.memref_slice %arg8[%dma_start3A_55, %dma_start3A_56] : memref<163840x256xf32, #tpu.memory_space<hbm>> -> memref<163840x256xf32, #tpu.memory_space<hbm>>
      tpu.enqueue_indirect_dma source(%dma_start3A_57 : memref<163840x256xf32, #tpu.memory_space<hbm>>) target(%arg26 : memref<64x256xf32, #tpu.memory_space<vmem>>) offsets(%arg20 : memref<64xi32, #tpu.memory_space<vmem>>) semaphore(%arg30 : memref<!tpu.dma_semaphore, #tpu.memory_space<semaphore_mem>>)
      %dma_start3A_58 = arith.constant 0 : i32
      %dma_start3A_59 = arith.constant 0 : i32
      %dma_start3A_60 = tpu.memref_slice %arg9[%dma_start3A_58, %dma_start3A_59] : memref<163840x256xf32, #tpu.memory_space<hbm>> -> memref<163840x256xf32, #tpu.memory_space<hbm>>
      tpu.enqueue_indirect_dma source(%dma_start3A_60 : memref<163840x256xf32, #tpu.memory_space<hbm>>) target(%arg28 : memref<64x256xf32, #tpu.memory_space<vmem>>) offsets(%arg22 : memref<64xi32, #tpu.memory_space<vmem>>) semaphore(%arg32 : memref<!tpu.dma_semaphore, #tpu.memory_space<semaphore_mem>>)
      %dma_wait3A_61 = arith.constant 0 : i32
      %dma_wait3A_62 = arith.constant 0 : i32
      %dma_wait3A_63 = tpu.memref_slice %arg8[%dma_wait3A_61, %dma_wait3A_62] : memref<163840x256xf32, #tpu.memory_space<hbm>> -> memref<163840x256xf32, #tpu.memory_space<hbm>>
      tpu.wait_indirect_dma semaphore(%arg29 : memref<!tpu.dma_semaphore, #tpu.memory_space<semaphore_mem>>) src(%dma_wait3A_63 : memref<163840x256xf32, #tpu.memory_space<hbm>>) dst(%arg25 : memref<64x256xf32, #tpu.memory_space<vmem>>)
      %dma_wait3A_64 = arith.constant 0 : i32
      %dma_wait3A_65 = arith.constant 0 : i32
      %dma_wait3A_66 = tpu.memref_slice %arg9[%dma_wait3A_64, %dma_wait3A_65] : memref<163840x256xf32, #tpu.memory_space<hbm>> -> memref<163840x256xf32, #tpu.memory_space<hbm>>
      tpu.wait_indirect_dma semaphore(%arg31 : memref<!tpu.dma_semaphore, #tpu.memory_space<semaphore_mem>>) src(%dma_wait3A_66 : memref<163840x256xf32, #tpu.memory_space<hbm>>) dst(%arg27 : memref<64x256xf32, #tpu.memory_space<vmem>>)
      %mul3A_67 = arith.constant 64 : i32
      %mul3A_68 = arith.muli %mul3A_43, %mul3A_67 : i32
      %add3A_69 = arith.addi %mul3A_2, %mul3A_68 : i32
      %dma_start3A_70 = arith.constant 0 : i32
      %dma_start3A_71 = tpu.memref_slice %arg10[%add3A_69, %dma_start3A_70] : memref<1048576x256xf32, #tpu.memory_space<hbm>> -> memref<64x256xf32, #tpu.memory_space<hbm>>
      %dma_start3A_72 = arith.constant 0 : i32
      %dma_start3A_73 = tpu.memref_slice %arg10[%add3A_69, %dma_start3A_72] : memref<1048576x256xf32, #tpu.memory_space<hbm>> -> memref<64x256xf32, #tpu.memory_space<hbm>>
      tpu.enqueue_dma source(%arg25 : memref<64x256xf32, #tpu.memory_space<vmem>>) target(%dma_start3A_73 : memref<64x256xf32, #tpu.memory_space<hbm>>) target_semaphore(%arg33 : memref<!tpu.dma_semaphore, #tpu.memory_space<semaphore_mem>>)
      %dma_start3A_74 = arith.constant 0 : i32
      %dma_start3A_75 = tpu.memref_slice %arg11[%add3A_69, %dma_start3A_74] : memref<1048576x256xf32, #tpu.memory_space<hbm>> -> memref<64x256xf32, #tpu.memory_space<hbm>>
      %dma_start3A_76 = arith.constant 0 : i32
      %dma_start3A_77 = tpu.memref_slice %arg11[%add3A_69, %dma_start3A_76] : memref<1048576x256xf32, #tpu.memory_space<hbm>> -> memref<64x256xf32, #tpu.memory_space<hbm>>
      tpu.enqueue_dma source(%arg27 : memref<64x256xf32, #tpu.memory_space<vmem>>) target(%dma_start3A_77 : memref<64x256xf32, #tpu.memory_space<hbm>>) target_semaphore(%arg35 : memref<!tpu.dma_semaphore, #tpu.memory_space<semaphore_mem>>)
      "tpu.region"() ({
        %run_scoped3A = tpu.sem_alloc : memref<!tpu.dma_semaphore, #tpu.memory_space<semaphore_mem>>
        %dma_start3A_102 = tpu.memref_slice %arg12[%add3A_69] : memref<1048576xi32, #tpu.memory_space<hbm>> -> memref<64xi32, #tpu.memory_space<hbm>>
        %dma_start3A_103 = tpu.memref_slice %arg12[%add3A_69] : memref<1048576xi32, #tpu.memory_space<hbm>> -> memref<64xi32, #tpu.memory_space<hbm>>
        tpu.enqueue_dma source(%arg23 : memref<64xi32, #tpu.memory_space<vmem>>) target(%dma_start3A_103 : memref<64xi32, #tpu.memory_space<hbm>>) target_semaphore(%run_scoped3A : memref<!tpu.dma_semaphore, #tpu.memory_space<semaphore_mem>>)
        %dma_wait3A_104 = tpu.memref_slice %arg12[%add3A_69] : memref<1048576xi32, #tpu.memory_space<hbm>> -> memref<64xi32, #tpu.memory_space<hbm>>
        %dma_wait3A_105 = tpu.memref_slice %arg12[%add3A_69] : memref<1048576xi32, #tpu.memory_space<hbm>> -> memref<64xi32, #tpu.memory_space<hbm>>
        tpu.wait_dma2 semaphore(%run_scoped3A : memref<!tpu.dma_semaphore, #tpu.memory_space<semaphore_mem>>) src(%arg23 : memref<64xi32, #tpu.memory_space<vmem>>) dst(%dma_wait3A_105 : memref<64xi32, #tpu.memory_space<hbm>>)
        tpu.yield
      }) : () -> ()
      %lt3A = arith.constant 255 : i32
      %lt3A_78 = arith.cmpi slt, %scan3A_40, %lt3A : i32
      %convert_element_type3A_79 = arith.extui %lt3A_78 : i1 to i32
      %cond3A_80 = arith.constant 0 : i32
      %cond3A_81 = arith.cmpi ne, %convert_element_type3A_79, %cond3A_80 : i32
      scf.if %cond3A_81 {
        %mul3A_102 = arith.constant 64 : i32
        %mul3A_103 = arith.muli %mul3A_43, %mul3A_102 : i32
        %add3A_104 = arith.addi %mul3A_2, %mul3A_103 : i32
        %dma_wait3A_105 = arith.constant 0 : i32
        %dma_wait3A_106 = tpu.memref_slice %arg10[%add3A_104, %dma_wait3A_105] : memref<1048576x256xf32, #tpu.memory_space<hbm>> -> memref<64x256xf32, #tpu.memory_space<hbm>>
        %dma_wait3A_107 = arith.constant 0 : i32
        %dma_wait3A_108 = tpu.memref_slice %arg10[%add3A_104, %dma_wait3A_107] : memref<1048576x256xf32, #tpu.memory_space<hbm>> -> memref<64x256xf32, #tpu.memory_space<hbm>>
        tpu.wait_dma2 semaphore(%arg33 : memref<!tpu.dma_semaphore, #tpu.memory_space<semaphore_mem>>) src(%arg25 : memref<64x256xf32, #tpu.memory_space<vmem>>) dst(%dma_wait3A_108 : memref<64x256xf32, #tpu.memory_space<hbm>>)
        %dma_wait3A_109 = arith.constant 0 : i32
        %dma_wait3A_110 = tpu.memref_slice %arg11[%add3A_104, %dma_wait3A_109] : memref<1048576x256xf32, #tpu.memory_space<hbm>> -> memref<64x256xf32, #tpu.memory_space<hbm>>
        %dma_wait3A_111 = arith.constant 0 : i32
        %dma_wait3A_112 = tpu.memref_slice %arg11[%add3A_104, %dma_wait3A_111] : memref<1048576x256xf32, #tpu.memory_space<hbm>> -> memref<64x256xf32, #tpu.memory_space<hbm>>
        tpu.wait_dma2 semaphore(%arg35 : memref<!tpu.dma_semaphore, #tpu.memory_space<semaphore_mem>>) src(%arg27 : memref<64x256xf32, #tpu.memory_space<vmem>>) dst(%dma_wait3A_112 : memref<64x256xf32, #tpu.memory_space<hbm>>)
        %add3A_113 = arith.constant 2 : i32
        %add3A_114 = arith.addi %mul3A_43, %add3A_113 : i32
        %scan3A_115 = arith.constant 0 : i32
        %scan3A_116 = arith.constant 0 : i32
        %scan3A_117 = arith.constant 4 : i32
        %scan3A_118 = arith.addi %scan3A_116, %scan3A_117 : i32
        %scan3A_119 = arith.constant 1 : i32
        %scan3A_120 = scf.for %scan3A_128 = %scan3A_116 to %scan3A_118 step %scan3A_119 iter_args(%scan3A_129 = %scan3A_115) -> (i32)  : i32 {
          %get3A = arith.constant 0 : index
          %get3A_130 = tpu.vector_load %arg17[%get3A] {strides = array<i32>} : memref<16xi32, #tpu.memory_space<vmem>>, vector<16xi32>,
          %mul3A_131 = arith.constant 64 : i32
          %mul3A_132 = arith.muli %add3A_114, %mul3A_131 : i32
          %add3A_133 = arith.addi %mul3A_2, %mul3A_132 : i32
          %mul3A_134 = arith.constant 16 : i32
          %mul3A_135 = arith.muli %scan3A_128, %mul3A_134 : i32
          %add3A_136 = arith.addi %add3A_133, %mul3A_135 : i32
          %add3A_137 = vector.broadcast %add3A_136 : i32 to vector<16xi32>
          %add3A_138 = arith.addi %get3A_130, %add3A_137 : vector<16xi32>
          %add3A_139 = arith.addi %add3A_138, %iota3A : vector<16xi32>
          %get3A_140 = arith.constant 0 : index
          %get3A_141 = tpu.vector_load %arg18[%get3A_140] {strides = array<i32>} : memref<16xi32, #tpu.memory_space<vmem>>, vector<16xi32>,
          %sub3A = arith.constant 1 : i32
          %sub3A_142 = vector.broadcast %sub3A : i32 to vector<16xi32>
          %sub3A_143 = arith.subi %get3A_141, %sub3A_142 : vector<16xi32>
          %min3A = arith.minsi %add3A_139, %sub3A_143 : vector<16xi32>
          %broadcast_in_dim3A = arith.constant 0 : i32
          %broadcast_in_dim3A_144 = vector.broadcast %broadcast_in_dim3A : i32 to vector<16xi32>
          %broadcast_in_dim3A_145 = arith.constant 10001 : i32
          %broadcast_in_dim3A_146 = vector.broadcast %broadcast_in_dim3A_145 : i32 to vector<16xi32>
          %add3A_147 = arith.addi %broadcast_in_dim3A_144, %broadcast_in_dim3A_146 : vector<16xi32>
          %shift_right_logical3A = arith.constant 1 : i32
          %shift_right_logical3A_148 = vector.broadcast %shift_right_logical3A : i32 to vector<16xi32>
          %shift_right_logical3A_149 = arith.shrui %add3A_147, %shift_right_logical3A_148 : vector<16xi32>
          %gather3A = tpu.vector_load_idx %arg13[%shift_right_logical3A_149] : memref<10016xi32, #tpu.memory_space<vmem>>[vector<16xi32>], vector<16xi32>,
          %le3A = arith.cmpi sle, %gather3A, %min3A : vector<16xi32>
          %select_n3A = arith.select %le3A, %shift_right_logical3A_149, %broadcast_in_dim3A_144 : vector<16xi1>, vector<16xi32>
          %select_n3A_150 = arith.select %le3A, %broadcast_in_dim3A_146, %shift_right_logical3A_149 : vector<16xi1>, vector<16xi32>
          %add3A_151 = arith.addi %select_n3A, %select_n3A_150 : vector<16xi32>
          %shift_right_logical3A_152 = arith.constant 1 : i32
          %shift_right_logical3A_153 = vector.broadcast %shift_right_logical3A_152 : i32 to vector<16xi32>
          %shift_right_logical3A_154 = arith.shrui %add3A_151, %shift_right_logical3A_153 : vector<16xi32>
          %gather3A_155 = tpu.vector_load_idx %arg13[%shift_right_logical3A_154] : memref<10016xi32, #tpu.memory_space<vmem>>[vector<16xi32>], vector<16xi32>,
          %le3A_156 = arith.cmpi sle, %gather3A_155, %min3A : vector<16xi32>
          %select_n3A_157 = arith.select %le3A_156, %shift_right_logical3A_154, %select_n3A : vector<16xi1>, vector<16xi32>
          %select_n3A_158 = arith.select %le3A_156, %select_n3A_150, %shift_right_logical3A_154 : vector<16xi1>, vector<16xi32>
          %add3A_159 = arith.addi %select_n3A_157, %select_n3A_158 : vector<16xi32>
          %shift_right_logical3A_160 = arith.constant 1 : i32
          %shift_right_logical3A_161 = vector.broadcast %shift_right_logical3A_160 : i32 to vector<16xi32>
          %shift_right_logical3A_162 = arith.shrui %add3A_159, %shift_right_logical3A_161 : vector<16xi32>
          %gather3A_163 = tpu.vector_load_idx %arg13[%shift_right_logical3A_162] : memref<10016xi32, #tpu.memory_space<vmem>>[vector<16xi32>], vector<16xi32>,
          %le3A_164 = arith.cmpi sle, %gather3A_163, %min3A : vector<16xi32>
          %select_n3A_165 = arith.select %le3A_164, %shift_right_logical3A_162, %select_n3A_157 : vector<16xi1>, vector<16xi32>
          %select_n3A_166 = arith.select %le3A_164, %select_n3A_158, %shift_right_logical3A_162 : vector<16xi1>, vector<16xi32>
          %add3A_167 = arith.addi %select_n3A_165, %select_n3A_166 : vector<16xi32>
          %shift_right_logical3A_168 = arith.constant 1 : i32
          %shift_right_logical3A_169 = vector.broadcast %shift_right_logical3A_168 : i32 to vector<16xi32>
          %shift_right_logical3A_170 = arith.shrui %add3A_167, %shift_right_logical3A_169 : vector<16xi32>
          %gather3A_171 = tpu.vector_load_idx %arg13[%shift_right_logical3A_170] : memref<10016xi32, #tpu.memory_space<vmem>>[vector<16xi32>], vector<16xi32>,
          %le3A_172 = arith.cmpi sle, %gather3A_171, %min3A : vector<16xi32>
          %select_n3A_173 = arith.select %le3A_172, %shift_right_logical3A_170, %select_n3A_165 : vector<16xi1>, vector<16xi32>
          %select_n3A_174 = arith.select %le3A_172, %select_n3A_166, %shift_right_logical3A_170 : vector<16xi1>, vector<16xi32>
          %add3A_175 = arith.addi %select_n3A_173, %select_n3A_174 : vector<16xi32>
          %shift_right_logical3A_176 = arith.constant 1 : i32
          %shift_right_logical3A_177 = vector.broadcast %shift_right_logical3A_176 : i32 to vector<16xi32>
          %shift_right_logical3A_178 = arith.shrui %add3A_175, %shift_right_logical3A_177 : vector<16xi32>
          %gather3A_179 = tpu.vector_load_idx %arg13[%shift_right_logical3A_178] : memref<10016xi32, #tpu.memory_space<vmem>>[vector<16xi32>], vector<16xi32>,
          %le3A_180 = arith.cmpi sle, %gather3A_179, %min3A : vector<16xi32>
          %select_n3A_181 = arith.select %le3A_180, %shift_right_logical3A_178, %select_n3A_173 : vector<16xi1>, vector<16xi32>
          %select_n3A_182 = arith.select %le3A_180, %select_n3A_174, %shift_right_logical3A_178 : vector<16xi1>, vector<16xi32>
          %add3A_183 = arith.addi %select_n3A_181, %select_n3A_182 : vector<16xi32>
          %shift_right_logical3A_184 = arith.constant 1 : i32
          %shift_right_logical3A_185 = vector.broadcast %shift_right_logical3A_184 : i32 to vector<16xi32>
          %shift_right_logical3A_186 = arith.shrui %add3A_183, %shift_right_logical3A_185 : vector<16xi32>
          %gather3A_187 = tpu.vector_load_idx %arg13[%shift_right_logical3A_186] : memref<10016xi32, #tpu.memory_space<vmem>>[vector<16xi32>], vector<16xi32>,
          %le3A_188 = arith.cmpi sle, %gather3A_187, %min3A : vector<16xi32>
          %select_n3A_189 = arith.select %le3A_188, %shift_right_logical3A_186, %select_n3A_181 : vector<16xi1>, vector<16xi32>
          %select_n3A_190 = arith.select %le3A_188, %select_n3A_182, %shift_right_logical3A_186 : vector<16xi1>, vector<16xi32>
          %add3A_191 = arith.addi %select_n3A_189, %select_n3A_190 : vector<16xi32>
          %shift_right_logical3A_192 = arith.constant 1 : i32
          %shift_right_logical3A_193 = vector.broadcast %shift_right_logical3A_192 : i32 to vector<16xi32>
          %shift_right_logical3A_194 = arith.shrui %add3A_191, %shift_right_logical3A_193 : vector<16xi32>
          %gather3A_195 = tpu.vector_load_idx %arg13[%shift_right_logical3A_194] : memref<10016xi32, #tpu.memory_space<vmem>>[vector<16xi32>], vector<16xi32>,
          %le3A_196 = arith.cmpi sle, %gather3A_195, %min3A : vector<16xi32>
          %select_n3A_197 = arith.select %le3A_196, %shift_right_logical3A_194, %select_n3A_189 : vector<16xi1>, vector<16xi32>
          %select_n3A_198 = arith.select %le3A_196, %select_n3A_190, %shift_right_logical3A_194 : vector<16xi1>, vector<16xi32>
          %add3A_199 = arith.addi %select_n3A_197, %select_n3A_198 : vector<16xi32>
          %shift_right_logical3A_200 = arith.constant 1 : i32
          %shift_right_logical3A_201 = vector.broadcast %shift_right_logical3A_200 : i32 to vector<16xi32>
          %shift_right_logical3A_202 = arith.shrui %add3A_199, %shift_right_logical3A_201 : vector<16xi32>
          %gather3A_203 = tpu.vector_load_idx %arg13[%shift_right_logical3A_202] : memref<10016xi32, #tpu.memory_space<vmem>>[vector<16xi32>], vector<16xi32>,
          %le3A_204 = arith.cmpi sle, %gather3A_203, %min3A : vector<16xi32>
          %select_n3A_205 = arith.select %le3A_204, %shift_right_logical3A_202, %select_n3A_197 : vector<16xi1>, vector<16xi32>
          %select_n3A_206 = arith.select %le3A_204, %select_n3A_198, %shift_right_logical3A_202 : vector<16xi1>, vector<16xi32>
          %add3A_207 = arith.addi %select_n3A_205, %select_n3A_206 : vector<16xi32>
          %shift_right_logical3A_208 = arith.constant 1 : i32
          %shift_right_logical3A_209 = vector.broadcast %shift_right_logical3A_208 : i32 to vector<16xi32>
          %shift_right_logical3A_210 = arith.shrui %add3A_207, %shift_right_logical3A_209 : vector<16xi32>
          %gather3A_211 = tpu.vector_load_idx %arg13[%shift_right_logical3A_210] : memref<10016xi32, #tpu.memory_space<vmem>>[vector<16xi32>], vector<16xi32>,
          %le3A_212 = arith.cmpi sle, %gather3A_211, %min3A : vector<16xi32>
          %select_n3A_213 = arith.select %le3A_212, %shift_right_logical3A_210, %select_n3A_205 : vector<16xi1>, vector<16xi32>
          %select_n3A_214 = arith.select %le3A_212, %select_n3A_206, %shift_right_logical3A_210 : vector<16xi1>, vector<16xi32>
          %add3A_215 = arith.addi %select_n3A_213, %select_n3A_214 : vector<16xi32>
          %shift_right_logical3A_216 = arith.constant 1 : i32
          %shift_right_logical3A_217 = vector.broadcast %shift_right_logical3A_216 : i32 to vector<16xi32>
          %shift_right_logical3A_218 = arith.shrui %add3A_215, %shift_right_logical3A_217 : vector<16xi32>
          %gather3A_219 = tpu.vector_load_idx %arg13[%shift_right_logical3A_218] : memref<10016xi32, #tpu.memory_space<vmem>>[vector<16xi32>], vector<16xi32>,
          %le3A_220 = arith.cmpi sle, %gather3A_219, %min3A : vector<16xi32>
          %select_n3A_221 = arith.select %le3A_220, %shift_right_logical3A_218, %select_n3A_213 : vector<16xi1>, vector<16xi32>
          %select_n3A_222 = arith.select %le3A_220, %select_n3A_214, %shift_right_logical3A_218 : vector<16xi1>, vector<16xi32>
          %add3A_223 = arith.addi %select_n3A_221, %select_n3A_222 : vector<16xi32>
          %shift_right_logical3A_224 = arith.constant 1 : i32
          %shift_right_logical3A_225 = vector.broadcast %shift_right_logical3A_224 : i32 to vector<16xi32>
          %shift_right_logical3A_226 = arith.shrui %add3A_223, %shift_right_logical3A_225 : vector<16xi32>
          %gather3A_227 = tpu.vector_load_idx %arg13[%shift_right_logical3A_226] : memref<10016xi32, #tpu.memory_space<vmem>>[vector<16xi32>], vector<16xi32>,
          %le3A_228 = arith.cmpi sle, %gather3A_227, %min3A : vector<16xi32>
          %select_n3A_229 = arith.select %le3A_228, %shift_right_logical3A_226, %select_n3A_221 : vector<16xi1>, vector<16xi32>
          %select_n3A_230 = arith.select %le3A_228, %select_n3A_222, %shift_right_logical3A_226 : vector<16xi1>, vector<16xi32>
          %add3A_231 = arith.addi %select_n3A_229, %select_n3A_230 : vector<16xi32>
          %shift_right_logical3A_232 = arith.constant 1 : i32
          %shift_right_logical3A_233 = vector.broadcast %shift_right_logical3A_232 : i32 to vector<16xi32>
          %shift_right_logical3A_234 = arith.shrui %add3A_231, %shift_right_logical3A_233 : vector<16xi32>
          %gather3A_235 = tpu.vector_load_idx %arg13[%shift_right_logical3A_234] : memref<10016xi32, #tpu.memory_space<vmem>>[vector<16xi32>], vector<16xi32>,
          %le3A_236 = arith.cmpi sle, %gather3A_235, %min3A : vector<16xi32>
          %select_n3A_237 = arith.select %le3A_236, %shift_right_logical3A_234, %select_n3A_229 : vector<16xi1>, vector<16xi32>
          %select_n3A_238 = arith.select %le3A_236, %select_n3A_230, %shift_right_logical3A_234 : vector<16xi1>, vector<16xi32>
          %add3A_239 = arith.addi %select_n3A_237, %select_n3A_238 : vector<16xi32>
          %shift_right_logical3A_240 = arith.constant 1 : i32
          %shift_right_logical3A_241 = vector.broadcast %shift_right_logical3A_240 : i32 to vector<16xi32>
          %shift_right_logical3A_242 = arith.shrui %add3A_239, %shift_right_logical3A_241 : vector<16xi32>
          %gather3A_243 = tpu.vector_load_idx %arg13[%shift_right_logical3A_242] : memref<10016xi32, #tpu.memory_space<vmem>>[vector<16xi32>], vector<16xi32>,
          %le3A_244 = arith.cmpi sle, %gather3A_243, %min3A : vector<16xi32>
          %select_n3A_245 = arith.select %le3A_244, %shift_right_logical3A_242, %select_n3A_237 : vector<16xi1>, vector<16xi32>
          %select_n3A_246 = arith.select %le3A_244, %select_n3A_238, %shift_right_logical3A_242 : vector<16xi1>, vector<16xi32>
          %add3A_247 = arith.addi %select_n3A_245, %select_n3A_246 : vector<16xi32>
          %shift_right_logical3A_248 = arith.constant 1 : i32
          %shift_right_logical3A_249 = vector.broadcast %shift_right_logical3A_248 : i32 to vector<16xi32>
          %shift_right_logical3A_250 = arith.shrui %add3A_247, %shift_right_logical3A_249 : vector<16xi32>
          %gather3A_251 = tpu.vector_load_idx %arg13[%shift_right_logical3A_250] : memref<10016xi32, #tpu.memory_space<vmem>>[vector<16xi32>], vector<16xi32>,
          %le3A_252 = arith.cmpi sle, %gather3A_251, %min3A : vector<16xi32>
          %select_n3A_253 = arith.select %le3A_252, %shift_right_logical3A_250, %select_n3A_245 : vector<16xi1>, vector<16xi32>
          %select_n3A_254 = arith.select %le3A_252, %select_n3A_246, %shift_right_logical3A_250 : vector<16xi1>, vector<16xi32>
          %broadcast_in_dim3A_255 = arith.constant 9999 : i32
          %broadcast_in_dim3A_256 = vector.broadcast %broadcast_in_dim3A_255 : i32 to vector<16xi32>
          %min3A_257 = arith.minsi %select_n3A_253, %broadcast_in_dim3A_256 : vector<16xi32>
          %gather3A_258 = tpu.vector_load_idx %arg13[%min3A_257] : memref<10016xi32, #tpu.memory_space<vmem>>[vector<16xi32>], vector<16xi32>,
          %sub3A_259 = arith.subi %min3A, %gather3A_258 : vector<16xi32>
          %gather3A_260 = tpu.vector_load_idx %arg14[%min3A_257] : memref<10000xi32, #tpu.memory_space<vmem>>[vector<16xi32>], vector<16xi32>,
          %max3A = arith.constant 1 : i32
          %max3A_261 = vector.broadcast %max3A : i32 to vector<16xi32>
          %max3A_262 = arith.maxsi %gather3A_260, %max3A_261 : vector<16xi32>
          %div3A = arith.divsi %sub3A_259, %max3A_262 : vector<16xi32>
          %mul3A_263 = arith.muli %div3A, %max3A_262 : vector<16xi32>
          %sub3A_264 = arith.subi %sub3A_259, %mul3A_263 : vector<16xi32>
          %gather3A_265 = tpu.vector_load_idx %arg15[%min3A_257] : memref<10000xi32, #tpu.memory_space<vmem>>[vector<16xi32>], vector<16xi32>,
          %add3A_266 = arith.addi %gather3A_265, %sub3A_264 : vector<16xi32>
          %mul3A_267 = arith.constant 16 : i32
          %mul3A_268 = arith.muli %scan3A_128, %mul3A_267 : i32
          %swap3A = arith.index_cast %mul3A_268 : i32 to index
          %swap3A_269 = tpu.vector_load %arg19[%swap3A] {strides = array<i32>} : memref<64xi32, #tpu.memory_space<vmem>>, vector<16xi32>,
          tpu.vector_store %arg19[%swap3A], %add3A_266 {strides = array<i32>} : memref<64xi32, #tpu.memory_space<vmem>>, vector<16xi32>,
          %gather3A_270 = tpu.vector_load_idx %arg16[%min3A_257] : memref<10000xi32, #tpu.memory_space<vmem>>[vector<16xi32>], vector<16xi32>,
          %add3A_271 = arith.addi %gather3A_270, %div3A : vector<16xi32>
          %mul3A_272 = arith.constant 16 : i32
          %mul3A_273 = arith.muli %scan3A_128, %mul3A_272 : i32
          %swap3A_274 = arith.index_cast %mul3A_273 : i32 to index
          %swap3A_275 = tpu.vector_load %arg21[%swap3A_274] {strides = array<i32>} : memref<64xi32, #tpu.memory_space<vmem>>, vector<16xi32>,
          tpu.vector_store %arg21[%swap3A_274], %add3A_271 {strides = array<i32>} : memref<64xi32, #tpu.memory_space<vmem>>, vector<16xi32>,
          %mul3A_276 = arith.constant 16 : i32
          %mul3A_277 = arith.muli %scan3A_128, %mul3A_276 : i32
          %swap3A_278 = arith.index_cast %mul3A_277 : i32 to index
          %swap3A_279 = tpu.vector_load %arg23[%swap3A_278] {strides = array<i32>} : memref<64xi32, #tpu.memory_space<vmem>>, vector<16xi32>,
          tpu.vector_store %arg23[%swap3A_278], %min3A_257 {strides = array<i32>} : memref<64xi32, #tpu.memory_space<vmem>>, vector<16xi32>,
          %scan3A_280 = arith.constant 0 : i32
          scf.yield %scan3A_280 : i32
        }
        %scan3A_121 = arith.constant 4 : i32
        %dma_start3A_122 = arith.constant 0 : i32
        %dma_start3A_123 = arith.constant 0 : i32
        %dma_start3A_124 = tpu.memref_slice %arg8[%dma_start3A_122, %dma_start3A_123] : memref<163840x256xf32, #tpu.memory_space<hbm>> -> memref<163840x256xf32, #tpu.memory_space<hbm>>
        tpu.enqueue_indirect_dma source(%dma_start3A_124 : memref<163840x256xf32, #tpu.memory_space<hbm>>) target(%arg25 : memref<64x256xf32, #tpu.memory_space<vmem>>) offsets(%arg19 : memref<64xi32, #tpu.memory_space<vmem>>) semaphore(%arg29 : memref<!tpu.dma_semaphore, #tpu.memory_space<semaphore_mem>>)
        %dma_start3A_125 = arith.constant 0 : i32
        %dma_start3A_126 = arith.constant 0 : i32
        %dma_start3A_127 = tpu.memref_slice %arg9[%dma_start3A_125, %dma_start3A_126] : memref<163840x256xf32, #tpu.memory_space<hbm>> -> memref<163840x256xf32, #tpu.memory_space<hbm>>
        tpu.enqueue_indirect_dma source(%dma_start3A_127 : memref<163840x256xf32, #tpu.memory_space<hbm>>) target(%arg27 : memref<64x256xf32, #tpu.memory_space<vmem>>) offsets(%arg21 : memref<64xi32, #tpu.memory_space<vmem>>) semaphore(%arg31 : memref<!tpu.dma_semaphore, #tpu.memory_space<semaphore_mem>>)
      } else {
      }
      %dma_wait3A_82 = arith.constant 0 : i32
      %dma_wait3A_83 = arith.constant 0 : i32
      %dma_wait3A_84 = tpu.memref_slice %arg8[%dma_wait3A_82, %dma_wait3A_83] : memref<163840x256xf32, #tpu.memory_space<hbm>> -> memref<163840x256xf32, #tpu.memory_space<hbm>>
      tpu.wait_indirect_dma semaphore(%arg30 : memref<!tpu.dma_semaphore, #tpu.memory_space<semaphore_mem>>) src(%dma_wait3A_84 : memref<163840x256xf32, #tpu.memory_space<hbm>>) dst(%arg26 : memref<64x256xf32, #tpu.memory_space<vmem>>)
      %dma_wait3A_85 = arith.constant 0 : i32
      %dma_wait3A_86 = arith.constant 0 : i32
      %dma_wait3A_87 = tpu.memref_slice %arg9[%dma_wait3A_85, %dma_wait3A_86] : memref<163840x256xf32, #tpu.memory_space<hbm>> -> memref<163840x256xf32, #tpu.memory_space<hbm>>
      tpu.wait_indirect_dma semaphore(%arg32 : memref<!tpu.dma_semaphore, #tpu.memory_space<semaphore_mem>>) src(%dma_wait3A_87 : memref<163840x256xf32, #tpu.memory_space<hbm>>) dst(%arg28 : memref<64x256xf32, #tpu.memory_space<vmem>>)
      %add3A_88 = arith.constant 1 : i32
      %add3A_89 = arith.addi %mul3A_43, %add3A_88 : i32
      %mul3A_90 = arith.constant 64 : i32
      %mul3A_91 = arith.muli %add3A_89, %mul3A_90 : i32
      %add3A_92 = arith.addi %mul3A_2, %mul3A_91 : i32
      %dma_start3A_93 = arith.constant 0 : i32
      %dma_start3A_94 = tpu.memref_slice %arg10[%add3A_92, %dma_start3A_93] : memref<1048576x256xf32, #tpu.memory_space<hbm>> -> memref<64x256xf32, #tpu.memory_space<hbm>>
      %dma_start3A_95 = arith.constant 0 : i32
      %dma_start3A_96 = tpu.memref_slice %arg10[%add3A_92, %dma_start3A_95] : memref<1048576x256xf32, #tpu.memory_space<hbm>> -> memref<64x256xf32, #tpu.memory_space<hbm>>
      tpu.enqueue_dma source(%arg26 : memref<64x256xf32, #tpu.memory_space<vmem>>) target(%dma_start3A_96 : memref<64x256xf32, #tpu.memory_space<hbm>>) target_semaphore(%arg34 : memref<!tpu.dma_semaphore, #tpu.memory_space<semaphore_mem>>)
      %dma_start3A_97 = arith.constant 0 : i32
      %dma_start3A_98 = tpu.memref_slice %arg11[%add3A_92, %dma_start3A_97] : memref<1048576x256xf32, #tpu.memory_space<hbm>> -> memref<64x256xf32, #tpu.memory_space<hbm>>
      %dma_start3A_99 = arith.constant 0 : i32
      %dma_start3A_100 = tpu.memref_slice %arg11[%add3A_92, %dma_start3A_99] : memref<1048576x256xf32, #tpu.memory_space<hbm>> -> memref<64x256xf32, #tpu.memory_space<hbm>>
      tpu.enqueue_dma source(%arg28 : memref<64x256xf32, #tpu.memory_space<vmem>>) target(%dma_start3A_100 : memref<64x256xf32, #tpu.memory_space<hbm>>) target_semaphore(%arg36 : memref<!tpu.dma_semaphore, #tpu.memory_space<semaphore_mem>>)
      "tpu.region"() ({
        %run_scoped3A = tpu.sem_alloc : memref<!tpu.dma_semaphore, #tpu.memory_space<semaphore_mem>>
        %dma_start3A_102 = tpu.memref_slice %arg12[%add3A_92] : memref<1048576xi32, #tpu.memory_space<hbm>> -> memref<64xi32, #tpu.memory_space<hbm>>
        %dma_start3A_103 = tpu.memref_slice %arg12[%add3A_92] : memref<1048576xi32, #tpu.memory_space<hbm>> -> memref<64xi32, #tpu.memory_space<hbm>>
        tpu.enqueue_dma source(%arg24 : memref<64xi32, #tpu.memory_space<vmem>>) target(%dma_start3A_103 : memref<64xi32, #tpu.memory_space<hbm>>) target_semaphore(%run_scoped3A : memref<!tpu.dma_semaphore, #tpu.memory_space<semaphore_mem>>)
        %dma_wait3A_104 = tpu.memref_slice %arg12[%add3A_92] : memref<1048576xi32, #tpu.memory_space<hbm>> -> memref<64xi32, #tpu.memory_space<hbm>>
        %dma_wait3A_105 = tpu.memref_slice %arg12[%add3A_92] : memref<1048576xi32, #tpu.memory_space<hbm>> -> memref<64xi32, #tpu.memory_space<hbm>>
        tpu.wait_dma2 semaphore(%run_scoped3A : memref<!tpu.dma_semaphore, #tpu.memory_space<semaphore_mem>>) src(%arg24 : memref<64xi32, #tpu.memory_space<vmem>>) dst(%dma_wait3A_105 : memref<64xi32, #tpu.memory_space<hbm>>)
        tpu.yield
      }) : () -> ()
      %scan3A_101 = arith.constant 0 : i32
      scf.yield %scan3A_101 : i32
    }
    %scan3A_20 = arith.constant 256 : i32
    %add3A_21 = arith.constant 32640 : i32
    %add3A_22 = arith.addi %mul3A_2, %add3A_21 : i32
    %dma_wait3A = arith.constant 0 : i32
    %dma_wait3A_23 = tpu.memref_slice %arg10[%add3A_22, %dma_wait3A] : memref<1048576x256xf32, #tpu.memory_space<hbm>> -> memref<64x256xf32, #tpu.memory_space<hbm>>
    %dma_wait3A_24 = arith.constant 0 : i32
    %dma_wait3A_25 = tpu.memref_slice %arg10[%add3A_22, %dma_wait3A_24] : memref<1048576x256xf32, #tpu.memory_space<hbm>> -> memref<64x256xf32, #tpu.memory_space<hbm>>
    tpu.wait_dma2 semaphore(%arg33 : memref<!tpu.dma_semaphore, #tpu.memory_space<semaphore_mem>>) src(%arg25 : memref<64x256xf32, #tpu.memory_space<vmem>>) dst(%dma_wait3A_25 : memref<64x256xf32, #tpu.memory_space<hbm>>)
    %dma_wait3A_26 = arith.constant 0 : i32
    %dma_wait3A_27 = tpu.memref_slice %arg11[%add3A_22, %dma_wait3A_26] : memref<1048576x256xf32, #tpu.memory_space<hbm>> -> memref<64x256xf32, #tpu.memory_space<hbm>>
    %dma_wait3A_28 = arith.constant 0 : i32
    %dma_wait3A_29 = tpu.memref_slice %arg11[%add3A_22, %dma_wait3A_28] : memref<1048576x256xf32, #tpu.memory_space<hbm>> -> memref<64x256xf32, #tpu.memory_space<hbm>>
    tpu.wait_dma2 semaphore(%arg35 : memref<!tpu.dma_semaphore, #tpu.memory_space<semaphore_mem>>) src(%arg27 : memref<64x256xf32, #tpu.memory_space<vmem>>) dst(%dma_wait3A_29 : memref<64x256xf32, #tpu.memory_space<hbm>>)
    %add3A_30 = arith.constant 32704 : i32
    %add3A_31 = arith.addi %mul3A_2, %add3A_30 : i32
    %dma_wait3A_32 = arith.constant 0 : i32
    %dma_wait3A_33 = tpu.memref_slice %arg10[%add3A_31, %dma_wait3A_32] : memref<1048576x256xf32, #tpu.memory_space<hbm>> -> memref<64x256xf32, #tpu.memory_space<hbm>>
    %dma_wait3A_34 = arith.constant 0 : i32
    %dma_wait3A_35 = tpu.memref_slice %arg10[%add3A_31, %dma_wait3A_34] : memref<1048576x256xf32, #tpu.memory_space<hbm>> -> memref<64x256xf32, #tpu.memory_space<hbm>>
    tpu.wait_dma2 semaphore(%arg34 : memref<!tpu.dma_semaphore, #tpu.memory_space<semaphore_mem>>) src(%arg26 : memref<64x256xf32, #tpu.memory_space<vmem>>) dst(%dma_wait3A_35 : memref<64x256xf32, #tpu.memory_space<hbm>>)
    %dma_wait3A_36 = arith.constant 0 : i32
    %dma_wait3A_37 = tpu.memref_slice %arg11[%add3A_31, %dma_wait3A_36] : memref<1048576x256xf32, #tpu.memory_space<hbm>> -> memref<64x256xf32, #tpu.memory_space<hbm>>
    %dma_wait3A_38 = arith.constant 0 : i32
    %dma_wait3A_39 = tpu.memref_slice %arg11[%add3A_31, %dma_wait3A_38] : memref<1048576x256xf32, #tpu.memory_space<hbm>> -> memref<64x256xf32, #tpu.memory_space<hbm>>
    tpu.wait_dma2 semaphore(%arg36 : memref<!tpu.dma_semaphore, #tpu.memory_space<semaphore_mem>>) src(%arg28 : memref<64x256xf32, #tpu.memory_space<vmem>>) dst(%dma_wait3A_39 : memref<64x256xf32, #tpu.memory_space<hbm>>)
    return
  }
}

#map = affine_map<(d0, d1) -> (0)>
#map1 = affine_map<(d0, d1) -> (0, 0)>
module attributes {stable_mosaic.version = 14 : i64} {
  func.func @k(%arg0: i32, %arg1: i32, %arg2: memref<4194304xf32, #tpu.memory_space<hbm>>, %arg3: memref<1048576xi32, #tpu.memory_space<hbm>>, %arg4: memref<40000xf32, #tpu.memory_space<hbm>>, %arg5: memref<32x40000xf32, #tpu.memory_space<hbm>>, %arg6: memref<40000xf32, #tpu.memory_space<vmem>>, %arg7: memref<32768xi32, #tpu.memory_space<vmem>>, %arg8: memref<4096xf32, #tpu.memory_space<vmem>>) attributes {dimension_semantics = [#tpu.dimension_semantics<core_parallel>, #tpu.dimension_semantics<subcore_parallel>], iteration_bounds = array<i64: 2, 16>, scalar_prefetch = 0 : i64, scratch_operands = 3 : i64, tpu.core_type = #tpu.core_type<sc_vector_subcore>, window_params = [{transform_indices = #map}, {transform_indices = #map}, {transform_indices = #map}, {transform_indices = #map1}]} {
    %mul3A = arith.constant 2 : i32
    %mul3A_0 = arith.muli %arg1, %mul3A : i32
    %add3A = arith.addi %mul3A_0, %arg0 : i32
    %mul3A_1 = arith.constant 32768 : i32
    %mul3A_2 = arith.muli %add3A, %mul3A_1 : i32
    "tpu.region"() ({
      %run_scoped3A = tpu.sem_alloc : memref<!tpu.dma_semaphore, #tpu.memory_space<semaphore_mem>>
      tpu.enqueue_dma source(%arg4 : memref<40000xf32, #tpu.memory_space<hbm>>) target(%arg6 : memref<40000xf32, #tpu.memory_space<vmem>>) target_semaphore(%run_scoped3A : memref<!tpu.dma_semaphore, #tpu.memory_space<semaphore_mem>>)
      tpu.wait_dma2 semaphore(%run_scoped3A : memref<!tpu.dma_semaphore, #tpu.memory_space<semaphore_mem>>) src(%arg4 : memref<40000xf32, #tpu.memory_space<hbm>>) dst(%arg6 : memref<40000xf32, #tpu.memory_space<vmem>>)
      tpu.yield
    }) : () -> ()
    "tpu.region"() ({
      %run_scoped3A = tpu.sem_alloc : memref<!tpu.dma_semaphore, #tpu.memory_space<semaphore_mem>>
      %dma_start3A = tpu.memref_slice %arg3[%mul3A_2] : memref<1048576xi32, #tpu.memory_space<hbm>> -> memref<32768xi32, #tpu.memory_space<hbm>>
      %dma_start3A_9 = tpu.memref_slice %arg3[%mul3A_2] : memref<1048576xi32, #tpu.memory_space<hbm>> -> memref<32768xi32, #tpu.memory_space<hbm>>
      tpu.enqueue_dma source(%dma_start3A_9 : memref<32768xi32, #tpu.memory_space<hbm>>) target(%arg7 : memref<32768xi32, #tpu.memory_space<vmem>>) target_semaphore(%run_scoped3A : memref<!tpu.dma_semaphore, #tpu.memory_space<semaphore_mem>>)
      %dma_wait3A = tpu.memref_slice %arg3[%mul3A_2] : memref<1048576xi32, #tpu.memory_space<hbm>> -> memref<32768xi32, #tpu.memory_space<hbm>>
      %dma_wait3A_10 = tpu.memref_slice %arg3[%mul3A_2] : memref<1048576xi32, #tpu.memory_space<hbm>> -> memref<32768xi32, #tpu.memory_space<hbm>>
      tpu.wait_dma2 semaphore(%run_scoped3A : memref<!tpu.dma_semaphore, #tpu.memory_space<semaphore_mem>>) src(%dma_wait3A_10 : memref<32768xi32, #tpu.memory_space<hbm>>) dst(%arg7 : memref<32768xi32, #tpu.memory_space<vmem>>)
      tpu.yield
    }) : () -> ()
    %iota3A = tpu.iota {dimensions = array<i32: 0>} : vector<16xi32>
    %scan3A = arith.constant 0 : i32
    %scan3A_3 = arith.constant 0 : i32
    %scan3A_4 = arith.constant 32 : i32
    %scan3A_5 = arith.addi %scan3A_3, %scan3A_4 : i32
    %scan3A_6 = arith.constant 1 : i32
    %scan3A_7 = scf.for %scan3A_9 = %scan3A_3 to %scan3A_5 step %scan3A_6 iter_args(%scan3A_10 = %scan3A) -> (i32)  : i32 {
      %mul3A_11 = arith.constant 1024 : i32
      %mul3A_12 = arith.muli %scan3A_9, %mul3A_11 : i32
      %add3A_13 = arith.addi %mul3A_2, %mul3A_12 : i32
      %mul3A_14 = arith.constant 4 : i32
      %mul3A_15 = arith.muli %add3A_13, %mul3A_14 : i32
      "tpu.region"() ({
        %run_scoped3A = tpu.sem_alloc : memref<!tpu.dma_semaphore, #tpu.memory_space<semaphore_mem>>
        %dma_start3A = tpu.memref_slice %arg2[%mul3A_15] : memref<4194304xf32, #tpu.memory_space<hbm>> -> memref<4096xf32, #tpu.memory_space<hbm>>
        %dma_start3A_24 = tpu.memref_slice %arg2[%mul3A_15] : memref<4194304xf32, #tpu.memory_space<hbm>> -> memref<4096xf32, #tpu.memory_space<hbm>>
        tpu.enqueue_dma source(%dma_start3A_24 : memref<4096xf32, #tpu.memory_space<hbm>>) target(%arg8 : memref<4096xf32, #tpu.memory_space<vmem>>) target_semaphore(%run_scoped3A : memref<!tpu.dma_semaphore, #tpu.memory_space<semaphore_mem>>)
        %dma_wait3A = tpu.memref_slice %arg2[%mul3A_15] : memref<4194304xf32, #tpu.memory_space<hbm>> -> memref<4096xf32, #tpu.memory_space<hbm>>
        %dma_wait3A_25 = tpu.memref_slice %arg2[%mul3A_15] : memref<4194304xf32, #tpu.memory_space<hbm>> -> memref<4096xf32, #tpu.memory_space<hbm>>
        tpu.wait_dma2 semaphore(%run_scoped3A : memref<!tpu.dma_semaphore, #tpu.memory_space<semaphore_mem>>) src(%dma_wait3A_25 : memref<4096xf32, #tpu.memory_space<hbm>>) dst(%arg8 : memref<4096xf32, #tpu.memory_space<vmem>>)
        tpu.yield
      }) : () -> ()
      %scan3A_16 = arith.constant 0 : i32
      %scan3A_17 = arith.constant 0 : i32
      %scan3A_18 = arith.constant 64 : i32
      %scan3A_19 = arith.addi %scan3A_17, %scan3A_18 : i32
      %scan3A_20 = arith.constant 1 : i32
      %scan3A_21 = scf.for %scan3A_24 = %scan3A_17 to %scan3A_19 step %scan3A_20 iter_args(%scan3A_25 = %scan3A_16) -> (i32)  : i32 {
        %mul3A_26 = arith.constant 1024 : i32
        %mul3A_27 = arith.muli %scan3A_9, %mul3A_26 : i32
        %mul3A_28 = arith.constant 16 : i32
        %mul3A_29 = arith.muli %scan3A_24, %mul3A_28 : i32
        %add3A_30 = arith.addi %mul3A_27, %mul3A_29 : i32
        %get3A = arith.index_cast %add3A_30 : i32 to index
        %get3A_31 = tpu.vector_load %arg7[%get3A] {strides = array<i32>} : memref<32768xi32, #tpu.memory_space<vmem>>, vector<16xi32>,
        %mul3A_32 = arith.constant 16 : i32
        %mul3A_33 = arith.muli %scan3A_24, %mul3A_32 : i32
        %add3A_34 = vector.broadcast %mul3A_33 : i32 to vector<16xi32>
        %add3A_35 = arith.addi %add3A_34, %iota3A : vector<16xi32>
        %mul3A_36 = arith.constant 4 : i32
        %mul3A_37 = vector.broadcast %mul3A_36 : i32 to vector<16xi32>
        %mul3A_38 = arith.muli %add3A_35, %mul3A_37 : vector<16xi32>
        %add3A_39 = arith.constant 0 : i32
        %add3A_40 = vector.broadcast %add3A_39 : i32 to vector<16xi32>
        %add3A_41 = arith.addi %mul3A_38, %add3A_40 : vector<16xi32>
        %gather3A = tpu.vector_load_idx %arg8[%add3A_41] : memref<4096xf32, #tpu.memory_space<vmem>>[vector<16xi32>], vector<16xf32>,
        %mul3A_42 = arith.constant 4 : i32
        %mul3A_43 = vector.broadcast %mul3A_42 : i32 to vector<16xi32>
        %mul3A_44 = arith.muli %get3A_31, %mul3A_43 : vector<16xi32>
        %add3A_45 = arith.constant 0 : i32
        %add3A_46 = vector.broadcast %add3A_45 : i32 to vector<16xi32>
        %add3A_47 = arith.addi %mul3A_44, %add3A_46 : vector<16xi32>
        tpu.vector_store_idx %arg6[%add3A_47], %gather3A {add = true} : memref<40000xf32, #tpu.memory_space<vmem>>[vector<16xi32>], vector<16xf32>,
        %mul3A_48 = arith.constant 4 : i32
        %mul3A_49 = vector.broadcast %mul3A_48 : i32 to vector<16xi32>
        %mul3A_50 = arith.muli %add3A_35, %mul3A_49 : vector<16xi32>
        %add3A_51 = arith.constant 1 : i32
        %add3A_52 = vector.broadcast %add3A_51 : i32 to vector<16xi32>
        %add3A_53 = arith.addi %mul3A_50, %add3A_52 : vector<16xi32>
        %gather3A_54 = tpu.vector_load_idx %arg8[%add3A_53] : memref<4096xf32, #tpu.memory_space<vmem>>[vector<16xi32>], vector<16xf32>,
        %mul3A_55 = arith.constant 4 : i32
        %mul3A_56 = vector.broadcast %mul3A_55 : i32 to vector<16xi32>
        %mul3A_57 = arith.muli %get3A_31, %mul3A_56 : vector<16xi32>
        %add3A_58 = arith.constant 1 : i32
        %add3A_59 = vector.broadcast %add3A_58 : i32 to vector<16xi32>
        %add3A_60 = arith.addi %mul3A_57, %add3A_59 : vector<16xi32>
        tpu.vector_store_idx %arg6[%add3A_60], %gather3A_54 {add = true} : memref<40000xf32, #tpu.memory_space<vmem>>[vector<16xi32>], vector<16xf32>,
        %mul3A_61 = arith.constant 4 : i32
        %mul3A_62 = vector.broadcast %mul3A_61 : i32 to vector<16xi32>
        %mul3A_63 = arith.muli %add3A_35, %mul3A_62 : vector<16xi32>
        %add3A_64 = arith.constant 2 : i32
        %add3A_65 = vector.broadcast %add3A_64 : i32 to vector<16xi32>
        %add3A_66 = arith.addi %mul3A_63, %add3A_65 : vector<16xi32>
        %gather3A_67 = tpu.vector_load_idx %arg8[%add3A_66] : memref<4096xf32, #tpu.memory_space<vmem>>[vector<16xi32>], vector<16xf32>,
        %mul3A_68 = arith.constant 4 : i32
        %mul3A_69 = vector.broadcast %mul3A_68 : i32 to vector<16xi32>
        %mul3A_70 = arith.muli %get3A_31, %mul3A_69 : vector<16xi32>
        %add3A_71 = arith.constant 2 : i32
        %add3A_72 = vector.broadcast %add3A_71 : i32 to vector<16xi32>
        %add3A_73 = arith.addi %mul3A_70, %add3A_72 : vector<16xi32>
        tpu.vector_store_idx %arg6[%add3A_73], %gather3A_67 {add = true} : memref<40000xf32, #tpu.memory_space<vmem>>[vector<16xi32>], vector<16xf32>,
        %mul3A_74 = arith.constant 4 : i32
        %mul3A_75 = vector.broadcast %mul3A_74 : i32 to vector<16xi32>
        %mul3A_76 = arith.muli %add3A_35, %mul3A_75 : vector<16xi32>
        %add3A_77 = arith.constant 3 : i32
        %add3A_78 = vector.broadcast %add3A_77 : i32 to vector<16xi32>
        %add3A_79 = arith.addi %mul3A_76, %add3A_78 : vector<16xi32>
        %gather3A_80 = tpu.vector_load_idx %arg8[%add3A_79] : memref<4096xf32, #tpu.memory_space<vmem>>[vector<16xi32>], vector<16xf32>,
        %mul3A_81 = arith.constant 4 : i32
        %mul3A_82 = vector.broadcast %mul3A_81 : i32 to vector<16xi32>
        %mul3A_83 = arith.muli %get3A_31, %mul3A_82 : vector<16xi32>
        %add3A_84 = arith.constant 3 : i32
        %add3A_85 = vector.broadcast %add3A_84 : i32 to vector<16xi32>
        %add3A_86 = arith.addi %mul3A_83, %add3A_85 : vector<16xi32>
        tpu.vector_store_idx %arg6[%add3A_86], %gather3A_80 {add = true} : memref<40000xf32, #tpu.memory_space<vmem>>[vector<16xi32>], vector<16xf32>,
        %scan3A_87 = arith.constant 0 : i32
        scf.yield %scan3A_87 : i32
      }
      %scan3A_22 = arith.constant 64 : i32
      %scan3A_23 = arith.constant 0 : i32
      scf.yield %scan3A_23 : i32
    }
    %scan3A_8 = arith.constant 32 : i32
    "tpu.region"() ({
      %run_scoped3A = tpu.sem_alloc : memref<!tpu.dma_semaphore, #tpu.memory_space<semaphore_mem>>
      %dma_start3A = arith.constant 0 : i32
      %dma_start3A_9 = tpu.memref_slice %arg5[%add3A, %dma_start3A] : memref<32x40000xf32, #tpu.memory_space<hbm>> -> memref<1x40000xf32, #tpu.memory_space<hbm>>
      %dma_start3A_10 = tpu.memref_squeeze %dma_start3A_9 : memref<1x40000xf32, #tpu.memory_space<hbm>> -> memref<40000xf32, #tpu.memory_space<hbm>>
      %dma_start3A_11 = arith.constant 0 : i32
      %dma_start3A_12 = tpu.memref_slice %arg5[%add3A, %dma_start3A_11] : memref<32x40000xf32, #tpu.memory_space<hbm>> -> memref<1x40000xf32, #tpu.memory_space<hbm>>
      %dma_start3A_13 = tpu.memref_squeeze %dma_start3A_12 : memref<1x40000xf32, #tpu.memory_space<hbm>> -> memref<40000xf32, #tpu.memory_space<hbm>>
      tpu.enqueue_dma source(%arg6 : memref<40000xf32, #tpu.memory_space<vmem>>) target(%dma_start3A_13 : memref<40000xf32, #tpu.memory_space<hbm>>) target_semaphore(%run_scoped3A : memref<!tpu.dma_semaphore, #tpu.memory_space<semaphore_mem>>)
      %dma_wait3A = arith.constant 0 : i32
      %dma_wait3A_14 = tpu.memref_slice %arg5[%add3A, %dma_wait3A] : memref<32x40000xf32, #tpu.memory_space<hbm>> -> memref<1x40000xf32, #tpu.memory_space<hbm>>
      %dma_wait3A_15 = tpu.memref_squeeze %dma_wait3A_14 : memref<1x40000xf32, #tpu.memory_space<hbm>> -> memref<40000xf32, #tpu.memory_space<hbm>>
      %dma_wait3A_16 = arith.constant 0 : i32
      %dma_wait3A_17 = tpu.memref_slice %arg5[%add3A, %dma_wait3A_16] : memref<32x40000xf32, #tpu.memory_space<hbm>> -> memref<1x40000xf32, #tpu.memory_space<hbm>>
      %dma_wait3A_18 = tpu.memref_squeeze %dma_wait3A_17 : memref<1x40000xf32, #tpu.memory_space<hbm>> -> memref<40000xf32, #tpu.memory_space<hbm>>
      tpu.wait_dma2 semaphore(%run_scoped3A : memref<!tpu.dma_semaphore, #tpu.memory_space<semaphore_mem>>) src(%arg6 : memref<40000xf32, #tpu.memory_space<vmem>>) dst(%dma_wait3A_18 : memref<40000xf32, #tpu.memory_space<hbm>>)
      tpu.yield
    }) : () -> ()
    return
  }
}

module attributes {stable_mosaic.version = 14 : i64} {
  func.func @_ab_kernel(%arg0: i32, %arg1: memref<1024x128xf32, #tpu.memory_space<vmem>>, %arg2: memref<1024x2xf32, #tpu.memory_space<vmem>>, %arg3: memref<256x128xf32, #tpu.memory_space<vmem>>, %arg4: memref<1x128xf32, #tpu.memory_space<vmem>>, %arg5: memref<1024x256xf32, #tpu.memory_space<vmem>>, %arg6: memref<1024x256xf32, #tpu.memory_space<vmem>>) attributes {dimension_semantics = [#tpu.dimension_semantics<arbitrary>], iteration_bounds = array<i64: 160>, scalar_prefetch = 0 : i64, scratch_operands = 0 : i64, tpu.core_type = #tpu.core_type<tc>, window_params = [{transform_indices = @transform_0, window_bounds = array<i64: 1024, 128>}, {transform_indices = @transform_1, window_bounds = array<i64: 1024, 2>}, {pipeline_mode = #tpu.pipeline_mode<synchronous>, transform_indices = @transform_2, window_bounds = array<i64: 256, 128>}, {pipeline_mode = #tpu.pipeline_mode<synchronous>, transform_indices = @transform_3, window_bounds = array<i64: 1, 128>}, {transform_indices = @transform_4, window_bounds = array<i64: 1024, 256>}, {transform_indices = @transform_5, window_bounds = array<i64: 1024, 256>}]} {
    %get3A = arith.constant 0 : index
    %get3A_0 = arith.constant 0 : index
    %get3A_1 = vector.load %arg1[%get3A, %get3A_0] : memref<1024x128xf32, #tpu.memory_space<vmem>>, vector<1024x128xf32>
    %get3A_2 = arith.constant 0 : index
    %get3A_3 = arith.constant 0 : index
    %get3A_4 = vector.load %arg2[%get3A_2, %get3A_3] : memref<1024x2xf32, #tpu.memory_space<vmem>>, vector<1024x2xf32>
    %broadcast_in_dim3A = arith.constant 0.000000e+00 : f32
    %broadcast_in_dim3A_5 = vector.broadcast %broadcast_in_dim3A : f32 to vector<1024x126xf32>
    %get3A_6 = arith.constant 0 : index
    %get3A_7 = arith.constant 0 : index
    %get3A_8 = vector.load %arg3[%get3A_6, %get3A_7] : memref<256x128xf32, #tpu.memory_space<vmem>>, vector<128x128xf32>
    %dot_general3A = arith.constant dense<0.000000e+00> : vector<1024x128xf32>
    %dot_general3A_9 = tpu.matmul %get3A_1, %get3A_8, %dot_general3A {dimension_numbers = #tpu.dot_dimension_numbers<[1], [0], [0], [1], [0, 0, 1, 1], [], []>, transpose_lhs_hint = false} : vector<1024x128xf32>, vector<128x128xf32>, vector<1024x128xf32> -> vector<1024x128xf32>
    %get3A_10 = arith.constant 128 : index
    %get3A_11 = arith.constant 0 : index
    %get3A_12 = vector.load %arg3[%get3A_10, %get3A_11] : memref<256x128xf32, #tpu.memory_space<vmem>>, vector<128x128xf32>
    %dot_general3A_13 = arith.constant dense<0.000000e+00> : vector<1024x128xf32>
    %dot_general3A_14 = tpu.matmul %get3A_1, %get3A_12, %dot_general3A_13 {dimension_numbers = #tpu.dot_dimension_numbers<[1], [0], [0], [1], [0, 0, 1, 1], [], []>, transpose_lhs_hint = false} : vector<1024x128xf32>, vector<128x128xf32>, vector<1024x128xf32> -> vector<1024x128xf32>
    %get3A_15 = arith.constant 0 : index
    %get3A_16 = arith.constant 0 : index
    %get3A_17 = vector.load %arg4[%get3A_15, %get3A_16] : memref<1x128xf32, #tpu.memory_space<vmem>>, vector<1x128xf32>
    %add3A = vector.broadcast %get3A_17 : vector<1x128xf32> to vector<1024x128xf32>
    %add3A_18 = arith.addf %dot_general3A_14, %add3A : vector<1024x128xf32>
    %concatenate3A = tpu.concatenate %dot_general3A_9, %get3A_4, %broadcast_in_dim3A_5 in 1 : vector<1024x128xf32>, vector<1024x2xf32>, vector<1024x126xf32> -> vector<1024x256xf32>
    %swap3A = arith.constant 0 : index
    %swap3A_19 = arith.constant 0 : index
    %swap3A_20 = vector.load %arg5[%swap3A, %swap3A_19] : memref<1024x256xf32, #tpu.memory_space<vmem>>, vector<1024x256xf32>
    tpu.vector_store %arg5[%swap3A, %swap3A_19], %concatenate3A {strides = array<i32>} : memref<1024x256xf32, #tpu.memory_space<vmem>>, vector<1024x256xf32>,
    %concatenate3A_21 = tpu.concatenate %add3A_18, %get3A_4, %broadcast_in_dim3A_5 in 1 : vector<1024x128xf32>, vector<1024x2xf32>, vector<1024x126xf32> -> vector<1024x256xf32>
    %swap3A_22 = arith.constant 0 : index
    %swap3A_23 = arith.constant 0 : index
    %swap3A_24 = vector.load %arg6[%swap3A_22, %swap3A_23] : memref<1024x256xf32, #tpu.memory_space<vmem>>, vector<1024x256xf32>
    tpu.vector_store %arg6[%swap3A_22, %swap3A_23], %concatenate3A_21 {strides = array<i32>} : memref<1024x256xf32, #tpu.memory_space<vmem>>, vector<1024x256xf32>,
    return
  }
  func.func @transform_0(%arg0: i32) -> (i32, i32) {
    %c0_i32 = arith.constant 0 : i32
    %c0_i32_0 = arith.constant 0 : i32
    return %arg0, %c0_i32 : i32, i32
  }
  func.func @transform_1(%arg0: i32) -> (i32, i32) {
    %c0_i32 = arith.constant 0 : i32
    %c0_i32_0 = arith.constant 0 : i32
    return %arg0, %c0_i32 : i32, i32
  }
  func.func @transform_2(%arg0: i32) -> (i32, i32) {
    %c0_i32 = arith.constant 0 : i32
    %c0_i32_0 = arith.constant 0 : i32
    %c0_i32_1 = arith.constant 0 : i32
    return %c0_i32, %c0_i32_0 : i32, i32
  }
  func.func @transform_3(%arg0: i32) -> (i32, i32) {
    %c0_i32 = arith.constant 0 : i32
    %c0_i32_0 = arith.constant 0 : i32
    %c0_i32_1 = arith.constant 0 : i32
    return %c0_i32, %c0_i32_0 : i32, i32
  }
  func.func @transform_4(%arg0: i32) -> (i32, i32) {
    %c0_i32 = arith.constant 0 : i32
    %c0_i32_0 = arith.constant 0 : i32
    return %arg0, %c0_i32 : i32, i32
  }
  func.func @transform_5(%arg0: i32) -> (i32, i32) {
    %c0_i32 = arith.constant 0 : i32
    %c0_i32_0 = arith.constant 0 : i32
    return %arg0, %c0_i32 : i32, i32
  }
}

module attributes {stable_mosaic.version = 14 : i64} {
  func.func @_mlp_kernel(%arg0: i32, %arg1: memref<1x1xi32, #tpu.memory_space<smem>>, %arg2: memref<1x1xi32, #tpu.memory_space<smem>>, %arg3: memref<512x256xf32, #tpu.memory_space<vmem>>, %arg4: memref<512x256xf32, #tpu.memory_space<vmem>>, %arg5: memref<128x128xf32, #tpu.memory_space<vmem>>, %arg6: memref<1x128xf32, #tpu.memory_space<vmem>>, %arg7: memref<1x128xf32, #tpu.memory_space<vmem>>, %arg8: memref<1x1xf32, #tpu.memory_space<vmem>>, %arg9: memref<512x4xf32, #tpu.memory_space<vmem>>) attributes {dimension_semantics = [#tpu.dimension_semantics<arbitrary>], iteration_bounds = array<i64: 2048>, scalar_prefetch = 0 : i64, scratch_operands = 0 : i64, tpu.core_type = #tpu.core_type<tc>, window_params = [{transform_indices = @transform_0, window_bounds = array<i64: 1, 1>}, {transform_indices = @transform_1, window_bounds = array<i64: 1, 1>}, {transform_indices = @transform_2, window_bounds = array<i64: 512, 256>}, {transform_indices = @transform_3, window_bounds = array<i64: 512, 256>}, {pipeline_mode = #tpu.pipeline_mode<synchronous>, transform_indices = @transform_4, window_bounds = array<i64: 128, 128>}, {pipeline_mode = #tpu.pipeline_mode<synchronous>, transform_indices = @transform_5, window_bounds = array<i64: 1, 128>}, {pipeline_mode = #tpu.pipeline_mode<synchronous>, transform_indices = @transform_6, window_bounds = array<i64: 1, 128>}, {pipeline_mode = #tpu.pipeline_mode<synchronous>, transform_indices = @transform_7, window_bounds = array<i64: 1, 1>}, {transform_indices = @transform_8, window_bounds = array<i64: 512, 4>}]} {
    %get3A = arith.constant 0 : index
    %get3A_0 = arith.constant 0 : index
    %get3A_1 = vector.load %arg3[%get3A, %get3A_0] : memref<512x256xf32, #tpu.memory_space<vmem>>, vector<512x256xf32>
    %get3A_2 = arith.constant 0 : index
    %get3A_3 = arith.constant 0 : index
    %get3A_4 = vector.load %arg4[%get3A_2, %get3A_3] : memref<512x256xf32, #tpu.memory_space<vmem>>, vector<512x256xf32>
    %slice3A = vector.extract_strided_slice %get3A_1 {offsets = [0, 0], sizes = [512, 128], strides = [1, 1]} : vector<512x256xf32> to vector<512x128xf32>
    %slice3A_5 = vector.extract_strided_slice %get3A_4 {offsets = [0, 0], sizes = [512, 128], strides = [1, 1]} : vector<512x256xf32> to vector<512x128xf32>
    %add3A = arith.addf %slice3A, %slice3A_5 : vector<512x128xf32>
    %max3A = arith.constant 0.000000e+00 : f32
    %max3A_6 = vector.broadcast %max3A : f32 to vector<512x128xf32>
    %max3A_7 = arith.maximumf %add3A, %max3A_6 : vector<512x128xf32>
    %abs3A = math.absf %add3A : vector<512x128xf32>
    %neg3A = arith.constant 0.000000e+00 : f32
    %neg3A_8 = vector.broadcast %neg3A : f32 to vector<512x128xf32>
    %neg3A_9 = arith.subf %neg3A_8, %abs3A : vector<512x128xf32>
    %exp3A = math.exp %neg3A_9 : vector<512x128xf32>
    %log1p3A = math.log1p %exp3A : vector<512x128xf32>
    %add3A_10 = arith.addf %max3A_7, %log1p3A : vector<512x128xf32>
    %get3A_11 = arith.constant 0 : index
    %get3A_12 = arith.constant 0 : index
    %get3A_13 = vector.load %arg5[%get3A_11, %get3A_12] : memref<128x128xf32, #tpu.memory_space<vmem>>, vector<128x128xf32>
    %dot_general3A = arith.constant dense<0.000000e+00> : vector<512x128xf32>
    %dot_general3A_14 = tpu.matmul %add3A_10, %get3A_13, %dot_general3A {dimension_numbers = #tpu.dot_dimension_numbers<[1], [0], [0], [1], [0, 0, 1, 1], [], []>, transpose_lhs_hint = false} : vector<512x128xf32>, vector<128x128xf32>, vector<512x128xf32> -> vector<512x128xf32>
    %get3A_15 = arith.constant 0 : index
    %get3A_16 = arith.constant 0 : index
    %get3A_17 = vector.load %arg6[%get3A_15, %get3A_16] : memref<1x128xf32, #tpu.memory_space<vmem>>, vector<1x128xf32>
    %add3A_18 = vector.broadcast %get3A_17 : vector<1x128xf32> to vector<512x128xf32>
    %add3A_19 = arith.addf %dot_general3A_14, %add3A_18 : vector<512x128xf32>
    %max3A_20 = arith.constant 0.000000e+00 : f32
    %max3A_21 = vector.broadcast %max3A_20 : f32 to vector<512x128xf32>
    %max3A_22 = arith.maximumf %add3A_19, %max3A_21 : vector<512x128xf32>
    %abs3A_23 = math.absf %add3A_19 : vector<512x128xf32>
    %neg3A_24 = arith.constant 0.000000e+00 : f32
    %neg3A_25 = vector.broadcast %neg3A_24 : f32 to vector<512x128xf32>
    %neg3A_26 = arith.subf %neg3A_25, %abs3A_23 : vector<512x128xf32>
    %exp3A_27 = math.exp %neg3A_26 : vector<512x128xf32>
    %log1p3A_28 = math.log1p %exp3A_27 : vector<512x128xf32>
    %add3A_29 = arith.addf %max3A_22, %log1p3A_28 : vector<512x128xf32>
    %get3A_30 = arith.constant 0 : index
    %get3A_31 = arith.constant 0 : index
    %get3A_32 = vector.load %arg7[%get3A_30, %get3A_31] : memref<1x128xf32, #tpu.memory_space<vmem>>, vector<1x128xf32>
    %mul3A = vector.broadcast %get3A_32 : vector<1x128xf32> to vector<512x128xf32>
    %mul3A_33 = arith.mulf %add3A_29, %mul3A : vector<512x128xf32>
    %reduce_sum3A = arith.constant dense<0.000000e+00> : vector<512xf32>
    %reduce_sum3A_34 = vector.multi_reduction <add>, %mul3A_33, %reduce_sum3A [1] : vector<512x128xf32> to vector<512xf32>
    %broadcast_in_dim3A = vector.shape_cast %reduce_sum3A_34 : vector<512xf32> to vector<512x1xf32>
    %get3A_35 = arith.constant 0 : index
    %get3A_36 = arith.constant 0 : index
    %get3A_37 = vector.load %arg8[%get3A_35, %get3A_36] : memref<1x1xf32, #tpu.memory_space<vmem>>, vector<1x1xf32>
    %add3A_38 = vector.broadcast %get3A_37 : vector<1x1xf32> to vector<512x1xf32>
    %add3A_39 = arith.addf %broadcast_in_dim3A, %add3A_38 : vector<512x1xf32>
    %get3A_40 = arith.constant 0 : index
    %get3A_41 = arith.constant 0 : index
    %get3A_42 = memref.load %arg1[%get3A_40, %get3A_41] : memref<1x1xi32, #tpu.memory_space<smem>>
    %mul3A_43 = arith.constant 512 : i32
    %mul3A_44 = arith.muli %arg0, %mul3A_43 : i32
    %add3A_45 = arith.addi %get3A_42, %mul3A_44 : i32
    %iota3A = tpu.iota {dimensions = array<i32: 0>} : vector<512x1xi32>
    %add3A_46 = vector.broadcast %add3A_45 : i32 to vector<512x1xi32>
    %add3A_47 = arith.addi %add3A_46, %iota3A : vector<512x1xi32>
    %get3A_48 = arith.constant 0 : index
    %get3A_49 = arith.constant 0 : index
    %get3A_50 = memref.load %arg2[%get3A_48, %get3A_49] : memref<1x1xi32, #tpu.memory_space<smem>>
    %lt3A = vector.broadcast %get3A_50 : i32 to vector<512x1xi32>
    %lt3A_51 = arith.cmpi slt, %add3A_47, %lt3A : vector<512x1xi32>
    %jit3A = arith.constant 0.000000e+00 : f32
    %broadcast_in_dim3A_52 = vector.broadcast %jit3A : f32 to vector<512x1xf32>
    %select_n3A = arith.select %lt3A_51, %add3A_39, %broadcast_in_dim3A_52 : vector<512x1xi1>, vector<512x1xf32>
    %slice3A_53 = vector.extract_strided_slice %get3A_4 {offsets = [0, 128], sizes = [512, 1], strides = [1, 1]} : vector<512x256xf32> to vector<512x1xf32>
    %slice3A_54 = vector.extract_strided_slice %get3A_4 {offsets = [0, 129], sizes = [512, 1], strides = [1, 1]} : vector<512x256xf32> to vector<512x1xf32>
    %slice3A_55 = vector.extract_strided_slice %get3A_1 {offsets = [0, 128], sizes = [512, 1], strides = [1, 1]} : vector<512x256xf32> to vector<512x1xf32>
    %slice3A_56 = vector.extract_strided_slice %get3A_1 {offsets = [0, 129], sizes = [512, 1], strides = [1, 1]} : vector<512x256xf32> to vector<512x1xf32>
    %mul3A_57 = arith.mulf %slice3A_53, %slice3A_55 : vector<512x1xf32>
    %mul3A_58 = arith.mulf %slice3A_53, %slice3A_56 : vector<512x1xf32>
    %mul3A_59 = arith.mulf %slice3A_54, %slice3A_55 : vector<512x1xf32>
    %mul3A_60 = arith.mulf %slice3A_54, %slice3A_56 : vector<512x1xf32>
    %concatenate3A = tpu.concatenate %mul3A_57, %mul3A_58, %mul3A_59, %mul3A_60 in 1 : vector<512x1xf32>, vector<512x1xf32>, vector<512x1xf32>, vector<512x1xf32> -> vector<512x4xf32>
    %mul3A_61 = vector.broadcast %select_n3A : vector<512x1xf32> to vector<512x4xf32>
    %mul3A_62 = arith.mulf %mul3A_61, %concatenate3A : vector<512x4xf32>
    %swap3A = arith.constant 0 : index
    %swap3A_63 = arith.constant 0 : index
    %swap3A_64 = vector.load %arg9[%swap3A, %swap3A_63] : memref<512x4xf32, #tpu.memory_space<vmem>>, vector<512x4xf32>
    tpu.vector_store %arg9[%swap3A, %swap3A_63], %mul3A_62 {strides = array<i32>} : memref<512x4xf32, #tpu.memory_space<vmem>>, vector<512x4xf32>,
    return
  }
  func.func @transform_0(%arg0: i32) -> (i32, i32) {
    %c0_i32 = arith.constant 0 : i32
    %c0_i32_0 = arith.constant 0 : i32
    %c0_i32_1 = arith.constant 0 : i32
    return %c0_i32, %c0_i32_0 : i32, i32
  }
  func.func @transform_1(%arg0: i32) -> (i32, i32) {
    %c0_i32 = arith.constant 0 : i32
    %c0_i32_0 = arith.constant 0 : i32
    %c0_i32_1 = arith.constant 0 : i32
    return %c0_i32, %c0_i32_0 : i32, i32
  }
  func.func @transform_2(%arg0: i32) -> (i32, i32) {
    %c0_i32 = arith.constant 0 : i32
    %c0_i32_0 = arith.constant 0 : i32
    return %arg0, %c0_i32 : i32, i32
  }
  func.func @transform_3(%arg0: i32) -> (i32, i32) {
    %c0_i32 = arith.constant 0 : i32
    %c0_i32_0 = arith.constant 0 : i32
    return %arg0, %c0_i32 : i32, i32
  }
  func.func @transform_4(%arg0: i32) -> (i32, i32) {
    %c0_i32 = arith.constant 0 : i32
    %c0_i32_0 = arith.constant 0 : i32
    %c0_i32_1 = arith.constant 0 : i32
    return %c0_i32, %c0_i32_0 : i32, i32
  }
  func.func @transform_5(%arg0: i32) -> (i32, i32) {
    %c0_i32 = arith.constant 0 : i32
    %c0_i32_0 = arith.constant 0 : i32
    %c0_i32_1 = arith.constant 0 : i32
    return %c0_i32, %c0_i32_0 : i32, i32
  }
  func.func @transform_6(%arg0: i32) -> (i32, i32) {
    %c0_i32 = arith.constant 0 : i32
    %c0_i32_0 = arith.constant 0 : i32
    %c0_i32_1 = arith.constant 0 : i32
    return %c0_i32, %c0_i32_0 : i32, i32
  }
  func.func @transform_7(%arg0: i32) -> (i32, i32) {
    %c0_i32 = arith.constant 0 : i32
    %c0_i32_0 = arith.constant 0 : i32
    %c0_i32_1 = arith.constant 0 : i32
    return %c0_i32, %c0_i32_0 : i32, i32
  }
  func.func @transform_8(%arg0: i32) -> (i32, i32) {
    %c0_i32 = arith.constant 0 : i32
    %c0_i32_0 = arith.constant 0 : i32
    return %arg0, %c0_i32 : i32, i32
  }
}

</mosaic_0001>

<sc_bundles>
// kernel: body.11.cloned.1.call-start
scs
__scs_entry_jumppad:
0x0: {  	(pc) =	sbr.rel $0x88, $3  }
0x1: {  	(tag) =	ssettag $0x0;
	lr =	simm.s32 $0x1  }
0x2: {  	[smem:$0x3F97] =	sst lr;
	_ =	strace $0xD0000000  }
0x3: {  	_ = 	snop  }
0x4: {  	_ = 	snop  }
0x5: {  	_ = 	snop  }
0x6: {  	_ = 	snop  }
0x7: {  	_ = 	snop  }
__scs_overlays_trampoline_lowered:
0x8: {  	[smem:$0x3FA6] =	sst s0  }
0x9: {  	[smem:$0x3FA7] =	sst s1  }
0xa: {  	[smem:$0x3FA8] =	sst s2  }
0xb: {  	[smem:$0x3FA9] =	sst s3  }
0xc: {  	[smem:$0x3FAA] =	sst s4  }
0xd: {  	[smem:$0x3FAB] =	sst s5  }
0xe: {  	[smem:$0x3FAC] =	sst s6  }
0xf: {  	[smem:$0x3FAD] =	sst s7  }
0x10: {  	[smem:$0x3FAE] =	sst s8  }
0x11: {  	[smem:$0x3FAF] =	sst s9;
	s0 =	simm.s32 @!p0 $0x0  }
0x12: {  	s1 =	sld [smem:$0x3F95];
	s0 =	simm.s32 @p0 $0x1  }
0x13: {  	[smem:$0x3FB0] =	sst s0;
	s0 =	simm.s32 @!p1 $0x0  }
0x14: {  	s2 =	sld [smem:$0x3F94];
	s0 =	simm.s32 @p1 $0x1  }
0x15: {  	[smem:$0x3FB1] =	sst s0;
	s0 =	simm.s32 @!p2 $0x0  }
0x16: {  	s3 =	sld [smem:$0x3FDB];
	s0 =	simm.s32 @p2 $0x1  }
0x17: {  	s4 =	simm.s32 $0x1BF5;
	[smem:$0x3FB3] =	sst s0  }
0x18: {  	s0 =	sld [smem:$0x3F96];
	_ =	swait.ge [sflag:s4], $0x0  }
0x19: {  	s7 =	sld [smem:$0x3F97]  }
0x1a: {  	s8 =	sadd.s32 $0xFFFFE003, lr  }
0x1b: {  	s9 =	sadd.s32 $0xFFFFFEF7, lr;
	s5 =	simm.s32 $0xFFFFFFFF;
	p2 =	slt.u32 s8, $0xFFFFF086  }
0x1c: {  	p1 =	slt.u32 s9, $0xF7A;
	s5 =	simm.s32 @!p2 $0x0  }
0x1d: {  	s5 =	simm.s32 @p1 $0x1;
	p0 =	seq.s32 s7, s2  }
0x1e: {  	s7 =	smul.u32 @!p0 $0xF7A, s2;
	p2 =	seq.s32 @!p0 s5, $0x0  }
0x1f: {  	s9 =	smul.u32 $0xF7A, s1;
	s8 =	simm.s32 @!p0 $0x1BF5;
	p2 =	por !p2, p0  }
0x20: {  	[sflag:s8] =	ssyncset.s32 @!p0 $0xFFFFF086;
	s6 =	sadd.s32 @!p0 s3, s7;
	s7 =	simm.s32 @!p0 $0x108  }
0x21: {  	s3 =	sadd.s32 s3, s9;
	s6 =	sadd.s32 @!p0 $0x88, s6;
	s7 =	simm.s32 @p2 $0x1082  }
0x22: {  	[simem:s7], [sflag:s8] =	dma.local @!p0 [hbm:s6], $0xF7A  }
0x23: {  	s9 =	sor.u32 $0xD0000000, s2;
	s6 =	simm.s32 $0x108;
	_ =	swait.ge @!p0 [sflag:s8], $0x0  }
0x24: {  	s3 =	sadd.s32 $0x88, s3;
	s6 =	simm.s32 @!p1 $0x1082;
	[sflag:s4] =	ssyncset.s32 $0xFFFFF086  }
0x25: {  	[simem:s6], [sflag:s4] =	dma.local [hbm:s3], $0xF7A  }
0x26: {  	[smem:$0x3F97] =	sst s1;
	(tag) =	ssettag s2;
	_ =	strace s9  }
0x27: {  	s1 =	sld [smem:$0x3FA7]  }
0x28: {  	s2 =	sld [smem:$0x3FA8]  }
0x29: {  	s4 =	sld [smem:$0x3FAA]  }
0x2a: {  	p0 =	seq.s32 s5, $0x0;
	s5 =	sld [smem:$0x3FAB]  }
0x2b: {  	s6 =	sld [smem:$0x3FAC]  }
0x2c: {  	s7 =	sld [smem:$0x3FAD]  }
0x2d: {  	s3 =	simm.s32 $0x108;
	s8 =	sld [smem:$0x3FAE]  }
0x2e: {  	s3 =	simm.s32 @!p0 $0x1082;
	s9 =	sld [smem:$0x3FAF]  }
0x2f: {  	lr =	sadd.s32 s0, s3;
	s0 =	sld [smem:$0x3FA6]  }
0x30: {  	s3 =	sld [smem:$0x3FA9]  }
0x31: {  	[smem:$0x3FB2] =	sst s10  }
0x32: {  	s10 =	sld [smem:$0x3FB0];
	_ =	sdelay $0x3  }
0x33: {  	p0 =	seq.s32 s10, $0x1;
	s10 =	sld [smem:$0x3FB2];
	_ =	sdelay $0x3  }
0x34: {  	[smem:$0x3FB2] =	sst s10  }
0x35: {  	s10 =	sld [smem:$0x3FB1];
	_ =	sdelay $0x3  }
0x36: {  	p1 =	seq.s32 s10, $0x1;
	s10 =	sld [smem:$0x3FB2];
	_ =	sdelay $0x3  }
0x37: {  	[smem:$0x3FB2] =	sst s10  }
0x38: {  	s10 =	sld [smem:$0x3FB3]  }
0x39: {  	_ = 	snop;
	(pc) =	sbr.ind lr, $3  }
0x3a: {  	_ = 	snop  }
0x3b: {  	_ = 	snop  }
0x3c: {  	p2 =	seq.s32 s10, $0x1;
	s10 =	sld [smem:$0x3FB2]  }
0x3d: {  	_ =	shalt  }
0x3e: {  	_ =	shalt  }
0x3f: {  	_ =	shalt  }
0x40: {  	_ =	shalt  }
0x41: {  	_ =	shalt  }
0x42: {  	_ =	shalt  }
0x43: {  	_ =	shalt  }
0x44: {  	_ =	shalt  }
0x45: {  	_ =	shalt  }
0x46: {  	_ =	shalt  }
0x47: {  	_ =	shalt  }
0x48: {  	_ =	shalt  }
0x49: {  	_ =	shalt  }
0x4a: {  	_ =	shalt  }
0x4b: {  	_ =	shalt  }
0x4c: {  	_ =	shalt  }
0x4d: {  	_ =	shalt  }
0x4e: {  	_ =	shalt  }
0x4f: {  	_ =	shalt  }
0x50: {  	_ =	shalt  }
0x51: {  	_ =	shalt  }
0x52: {  	_ =	shalt  }
0x53: {  	_ =	shalt  }
0x54: {  	_ =	shalt  }
0x55: {  	_ =	shalt  }
0x56: {  	_ =	shalt  }
0x57: {  	_ =	shalt  }
0x58: {  	_ =	shalt  }
0x59: {  	_ =	shalt  }
0x5a: {  	_ =	shalt  }
0x5b: {  	_ =	shalt  }
0x5c: {  	_ =	shalt  }
0x5d: {  	_ =	shalt  }
0x5e: {  	_ =	shalt  }
0x5f: {  	_ =	shalt  }
0x60: {  	_ =	shalt  }
0x61: {  	_ =	shalt  }
0x62: {  	_ =	shalt  }
0x63: {  	_ =	shalt  }
0x64: {  	_ =	shalt  }
0x65: {  	_ =	shalt  }
0x66: {  	_ =	shalt  }
0x67: {  	_ =	shalt  }
0x68: {  	_ =	shalt  }
0x69: {  	_ =	shalt  }
0x6a: {  	_ =	shalt  }
0x6b: {  	_ =	shalt  }
0x6c: {  	_ =	shalt  }
0x6d: {  	_ =	shalt  }
0x6e: {  	_ =	shalt  }
0x6f: {  	_ =	shalt  }
0x70: {  	_ =	shalt  }
0x71: {  	_ =	shalt  }
0x72: {  	_ =	shalt  }
0x73: {  	_ =	shalt  }
0x74: {  	_ =	shalt  }
0x75: {  	_ =	shalt  }
0x76: {  	_ =	shalt  }
0x77: {  	_ =	shalt  }
0x78: {  	_ =	shalt  }
0x79: {  	_ =	shalt  }
0x7a: {  	_ =	shalt  }
0x7b: {  	_ =	shalt  }
0x7c: {  	_ =	shalt  }
0x7d: {  	_ =	shalt  }
0x7e: {  	_ =	shalt  }
0x7f: {  	_ =	shalt  }
0x80: {  	_ =	shalt  }
0x81: {  	_ =	shalt  }
0x82: {  	_ =	shalt  }
0x83: {  	_ =	shalt  }
0x84: {  	_ =	shalt  }
0x85: {  	_ =	shalt  }
0x86: {  	_ =	shalt  }
0x87: {  	_ =	shalt  }
.Lfunc_end0:
.L_simem_size_0:
called_computation.2_lowered:
.L_overlay_start_0:
0x88: {  	s2 =	sld [smem:$0x3FD9]  }
0x89: {  	s3 =	sld [smem:$0x3FFE];
	_ =	sdelay $0x1  }
0x8a: {  	s1 =	srdreg.scid  }
0x8b: {  	s0 =	sand.u32 $0x1, s1  }
0x8c: {  	s16 =	sshll.u32 s0, $0xA;
	s2 =	sadd.s32 s3, s2  }
0x8d: {  	s2 =	sadd.s32 s2, s16  }
0x8e: {  	[smem:$0x3FBE] =	sst s2  }
0x8f: {  	_ = 	snop  }
0x90: {  	(tm) =	ssettm $0x1  }
0x91: {  	s17 =	sld [smem:$0x3FFB];
	_ =	sdelay $0x3  }
0x92: {  	_ =	strace s17  }
0x93: {  	s2 =	sld [smem:$0x3FFC];
	_ =	sdelay $0x3  }
0x94: {  	_ =	strace s2  }
0x95: {  	s2 =	sld [smem:$0x3FFD];
	_ =	sdelay $0x3  }
0x96: {  	_ =	strace s2  }
0x97: {  	_ =	strace $0x8FFFFFFF  }
0x98: {  	s18 =	sld [smem:$0x3FDB];
	_ =	sdelay $0x1  }
0x99: {  	s19 =	simm.s32 $_scs_section_size  }
0x9a: {  	s4 =	simm.s32 $_size__tile_overlayer_lowered;
	s5 =	simm.s32 $_tile_overlayer_lowered  }
0x9b: {  	s22 =	simm.s32 $0x1BFF;
	s21 =	sshll.u32 s5, $0x1;
	s2 =	sadd.s32 s19, s18  }
0x9c: {  	s6 =	simm.s32 $0x0;
	s20 =	sshll.u32 s4, $0x1;
	s4 =	sadd.s32 s21, s2  }
0x9d: {  	[timem:s6], [sflag:s22] =	dma.local [hbm:s4], s20  }
0x9e: {  	_ =	swait.ge [sflag:s22], s20  }
0x9f: {  	s3 =	ssub.s32 $0x0, s20;
	[sflag:s22] =	ssyncset.done $0x0  }
0xa0: {  	[sflag:s22] =	ssyncadd.s32 s3;
	_ =	sdelay $0x1  }
0xa1: {  	s23 =	simm.s32 $0x1B8B  }
0xa2: {  	_ =	swait.ge [sflag:s23], $0x1  }
0xa3: {  	[sflag:s23] =	ssyncset.done $0x0  }
0xa4: {  	s25 =	simm.s32 $0x1B8E;
	s24 =	sld [smem:$0x3FFE];
	[sflag:s23] =	ssyncadd.s32 $0xFFFFFFFF  }
0xa5: {  	s26 =	simm.s32 $execute0_lowered;
	[smem:$0x3FD2] =	sst s25  }
0xa6: {  	s4 =	sshll.u32 s26, $0x1;
	_ =	strace $0x80000055;
	[dreg:$0x1] =	wrdreg $0xFFFFFFFF  }
0xa7: {  	s28 =	simm.s32 $_size_execute0_lowered;
	s2 =	sadd.s32 s2, s4;
	[dreg:$0x0] =	wrdreg $0x0  }
0xa8: {  	s4 =	sshll.u32 s28, $0x1;
	[dreg:$0x2] =	wrdreg s2  }
0xa9: {  	[dreg:$0x3] =	wrdreg s4  }
0xaa: {  	[dreg:$0x4] =	wrdreg $0xC0  }
0xab: {  	_ =	task [dreg:s6], $0x5FFFF  }
0xac: {  	[dreg:$0x1] =	wrdreg $0xFFFFFFFF  }
0xad: {  	[dreg:$0x0] =	wrdreg $0x60  }
0xae: {  	[dreg:$0x2] =	wrdreg s24  }
0xaf: {  	[dreg:$0x3] =	wrdreg $0x9  }
0xb0: {  	_ =	task.clear_ibuf [dreg:s6], $0x4FFFF;
	_ =	strace $0x90000055  }
0xb1: {  	s29 =	simm.s32 $0x9;
	_ =	strace $0x80000057  }
0xb2: {  	_ =	swait.ge [sflag:s29], $0x1  }
0xb3: {  	[sflag:s29] =	ssyncadd.s32 $0xFFFFFFFF  }
0xb4: {  	_ =	strace $0x90000057  }
0xb5: {  	_ =	sfence  }
0xb6: {  	s30 =	sld [smem:$0x0];
	_ =	sdelay $0x2  }
0xb7: {  	s31 =	sshll.u32 s1, $0xD;
	s1 =	sshrl.u32 s1, $0x2  }
0xb8: {  	s3 =	sand.u32 $0x4000, s31;
	s1 =	sadd.s32 s1, s30  }
0xb9: {  	s0 =	sor.u32 s3, s0;
	s1 =	sshll.u32 s1, $0x11  }
0xba: {  	s0 =	sor.u32 s1, s0  }
0xbb: {  	s0 =	sadd.s32 $0x8F2B, s0  }
0xbc: {  	[sflag:s0] =	ssyncadd.remote.s32 $0x1  }
0xbd: {  	_ =	sfence.sel $0xFFFF  }
0xbe: {  	[dreg:$0x0] =	wrdreg $0xFFFFFFFF;
	(pc) =	sbr.abs _section_cstart, $3  }
0xbf: {  	[dreg:$0x1] =	wrdreg $0xFFFFFFFF  }
0xc0: {  	_ =	task.clear_ibuf [dreg:s6], $0x2FFFF;
	_ =	strace $0x9FFFFFFF  }
0xc1: {  	(tm) =	ssettm $0x7FFFFFFF  }
tec
execute0_lowered:
.L_overlay_start_1:
0x0: {  	(tag) =	ssettag $0x1  }
0x1: {  	s0 =	rddreg [dreg:$0x0];
	s4 =	simm.s32 $0x0  }
0x2: {  	[smem:$0x7FF] =	sst s4;
	s1 =	sadd.s32 $0x200, s0  }
0x3: {  	s17 =	sadd.s32 $0x19200, s0;
	_ =	strace $0x80000056;
	[dreg:$0x2] =	wrdreg s1  }
0x4: {  	s18 =	sadd.s32 $0xE00, s0;
	[dreg:$0x3] =	wrdreg s17  }
0x5: {  	s19 =	sadd.s32 $0x800, s0;
	[dreg:$0x4] =	wrdreg s18  }
0x6: {  	s21 =	srdreg.scid;
	s20 =	sadd.s32 $0x2A00, s0;
	[dreg:$0x5] =	wrdreg s19  }
0x7: {  	s5 =	stileid.u32;
	s2 =	sadd.s32 $0x2C00, s0;
	[dreg:$0x6] =	wrdreg s20  }
0x8: {  	s6 =	simm.s32 $0x7680;
	s22 =	sadd.s32 $0x23800, s0;
	[dreg:$0x7] =	wrdreg s2  }
0x9: {  	s23 =	sadd.s32 $0x1194800, s0;
	s24 =	sadd.s32 $0x1694800, s0;
	[dreg:$0x8] =	wrdreg s22  }
0xa: {  	v0 =	vlaneseq.u32;
	v1 =	vimm.s32 $0x1388;
	v2 =	vimm.s32 $0x2711;
	s3 =	sadd.s32 $0x3694800, s0;
	s28 =	sshll.u32 s5, $0x10;
	[dreg:$0x9] =	wrdreg s23  }
0xb: {  	v3 =	vimm.s32 $0x1D4C;
	vm1 =	vcmask $0x704;
	vm4 =	vcmask $0xF0C;
	s0 =	sadd.s32 $0x523800, s0;
	s1 =	sand.u32 $0x1, s21;
	[dreg:$0xa] =	wrdreg s24  }
0xc: {  	vm5 =	vcmask $0x1310;
	vm6 =	vcmask $0x1714;
	vm7 =	vcmask $0x1B18;
	[dreg:$0xb] =	wrdreg s3;
	s25 =	ssub.s32 $0x2, s1;
	s1 =	sshll.u32 s1, $0xF  }
.Ltmp0:
0xd: {  	vm8 =	vcmask $0x1F1C;
	vm9 =	vcmask $0x2320;
	vm10 =	vcmask $0x2724;
	[dreg:$0xc] =	wrdreg s0;
	s29 =	sor.u32 s1, s28;
	(pc) =	sbr.rel .LBB2_1-.Ltmp0, $4  }
0xe: {  	vm11 =	vcmask $0x2B28;
	vm12 =	vcmask $0x2F2C;
	vm13 =	vcmask $0x3330;
	s26 =	sshrl.u32 s25, $0x1;
	s31 =	sor.u32 $0x40, s29;
	[dreg:$0xd] =	wrdreg s29  }
0xf: {  	vm14 =	vcmask $0x3734;
	vm0 =	vmmov $0xffff;
	v6 =	vimm.s32 $0x0;
	s2 =	ssub.s32 s25, s26;
	s0 =	sor.u32 $0x80, s29;
	[dreg:$0xf] =	wrdreg s31  }
0x10: {  	vm15 =	vcmask $0x3B38;
	s5 =	simm.s32 $0x4F00;
	v5 =	vshrl.u32 v0, $0x3;
	v6 =	vsel vm0, $0xFFFFFFFF, v6;
	s30 =	smax.u32 s2, $0x1;
	[dreg:$0x10] =	wrdreg s0  }
0x11: {  	v4 =	vand.u32 $0x7, v0;
	s3 =	simm.s32 $0x2780;
	v5 =	vmul.u32 $0x8, v5;
	[tilespmem:$0x1FFF0] =	vst v6;
	v6 =	vor.u32 $0x8, v0;
	s2 =	simm.s32 $0x0;
	[dreg:$0xe] =	wrdreg s30  }
.LBB2_11:
0x12: {  	s0 =	simm.s32 $0x5  }
0x13: {  	_ =	swait.ge [sflag:s0], $0x4000  }
0x14: {  	[sflag:s0] =	ssyncset.done $0x0  }
0x15: {  	s29 =	simm.s32 $0x7;
	[sflag:s0] =	ssyncadd.s32 $0xFFFFC000  }
0x16: {  	_ =	swait.ge [sflag:s29], $0x4000  }
0x17: {  	[sflag:s29] =	ssyncset.done $0x0  }
0x18: {  	s30 =	simm.s32 $0x6;
	[sflag:s29] =	ssyncadd.s32 $0xFFFFC000  }
0x19: {  	_ =	swait.ge [sflag:s30], $0x4000  }
0x1a: {  	[sflag:s30] =	ssyncset.done $0x0  }
0x1b: {  	s1 =	simm.s32 $0x8;
	[sflag:s30] =	ssyncadd.s32 $0xFFFFC000  }
0x1c: {  	_ =	swait.ge [sflag:s1], $0x4000  }
0x1d: {  	s2 =	rddreg [dreg:$0x11]  }
0x1e: {  	s31 =	rddreg [dreg:$0xe];
	s2 =	sadd.s32 $0x1, s2  }
0x1f: {  	p0 =	sne.s32 s2, s31  }
.Ltmp1:
0x20: {  	_ = 	snop;
	(pc) =	sbr.rel @!p0 .LBB2_12-.Ltmp1, $4  }
0x21: {  	vm4 =	vcmask $0xF0C;
	vm5 =	vcmask $0x1310;
	vm6 =	vcmask $0x1714  }
0x22: {  	vm7 =	vcmask $0x1B18;
	vm8 =	vcmask $0x1F1C;
	vm9 =	vcmask $0x2320  }
0x23: {  	vm10 =	vcmask $0x2724;
	vm11 =	vcmask $0x2B28;
	vm12 =	vcmask $0x2F2C;
	[sflag:s1] =	ssyncset.done $0x0  }
0x24: {  	vm13 =	vcmask $0x3330;
	vm14 =	vcmask $0x3734;
	vm15 =	vcmask $0x3B38;
	[sflag:s1] =	ssyncadd.s32 $0xFFFFC000  }
.LBB2_1:
0x25: {  	[dreg:$0x11] =	wrdreg s2  }
0x26: {  	s0 =	rddreg [dreg:$0x2];
	s1 =	simm.s32 $0x9  }
0x27: {  	[tilespmem:s4], [sflag:$0x9] =	stream.linear.gather [hbm4b:s0+s4], $0x2780, $0x38;
	[tilespmem:$0x1A200] =	vst v63  }
0x28: {  	_ =	swait.ge [sflag:s1], $0x2780  }
0x29: {  	[sflag:s1] =	ssyncset.done $0x0  }
0x2a: {  	s24 =	rddreg [dreg:$0x3];
	[sflag:s1] =	ssyncadd.s32 $0xFFFFD880  }
0x2b: {  	[tilespmem:s3], [sflag:$0x9] =	stream.linear.gather [hbm4b:s24+s4], $0x2780, $0x38;
	[tilespmem:$0x1A200] =	vst v63  }
0x2c: {  	_ =	swait.ge [sflag:s1], $0x2780  }
0x2d: {  	[sflag:s1] =	ssyncset.done $0x0  }
0x2e: {  	s25 =	rddreg [dreg:$0x4];
	[sflag:s1] =	ssyncadd.s32 $0xFFFFD880  }
0x2f: {  	[tilespmem:s5], [sflag:$0x9] =	stream.linear.gather [hbm4b:s25+s4], $0x2780, $0x38;
	[tilespmem:$0x1A200] =	vst v63  }
0x30: {  	_ =	swait.ge [sflag:s1], $0x2780  }
0x31: {  	[sflag:s1] =	ssyncset.done $0x0  }
0x32: {  	s26 =	rddreg [dreg:$0x5];
	[sflag:s1] =	ssyncadd.s32 $0xFFFFD880  }
0x33: {  	[tilespmem:s6], [sflag:$0x9] =	stream.linear.gather [hbm4b:s26+s4], $0x2780, $0x38;
	[tilespmem:$0x1A200] =	vst v63  }
0x34: {  	_ =	swait.ge [sflag:s1], $0x2780  }
0x35: {  	[sflag:s1] =	ssyncset.done $0x0  }
0x36: {  	s29 =	simm.s32 $0x9E00;
	s28 =	rddreg [dreg:$0x6];
	[sflag:s1] =	ssyncadd.s32 $0xFFFFD880  }
0x37: {  	[tilespmem:s29], [sflag:$0x9] =	stream.linear.gather [hbm4b:s28+s4], $0x80, $0x38;
	[tilespmem:$0x1A200] =	vst v63  }
0x38: {  	_ =	swait.ge [sflag:s1], $0x80  }
0x39: {  	[sflag:s1] =	ssyncset.done $0x0  }
0x3a: {  	s31 =	simm.s32 $0x9E80;
	s30 =	rddreg [dreg:$0x7];
	[sflag:s1] =	ssyncadd.s32 $0xFFFFFF80  }
0x3b: {  	[tilespmem:s31], [sflag:$0x9] =	stream.linear.gather [hbm4b:s30+s4], $0x80, $0x38;
	[tilespmem:$0x1A200] =	vst v63  }
0x3c: {  	_ =	swait.ge [sflag:s1], $0x80  }
0x3d: {  	[sflag:s1] =	ssyncset.done $0x0  }
0x3e: {  	vm2 =	vcmask $0xB08;
	s0 =	rddreg [dreg:$0xd];
	[sflag:s1] =	ssyncadd.s32 $0xFFFFFF80;
	s1 =	simm.s32 $0x0  }
.LBB2_2:
0x3f: {  	v7 =	vld [tilespmem:$0x9E00]  }
0x40: {  	v8 =	vld [tilespmem:$0x9E80];
	_ =	sdelay $0x2  }
0x41: {  	v9 =	vld.idx.msk [tilespmem:v1+s4+$0x0], $0xffff  }
0x42: {  	v7 =	vadd.s32 s0, v7  }
0x43: {  	v8 =	vadd.s32 $0xFFFFFFFF, v8;
	v7 =	vadd.s32 v0, v7  }
0x44: {  	vm0 =	vlt.s32 v7, v8  }
0x45: {  	v8 =	vsel vm0, v7, v8  }
0x46: {  	vm0 =	vgt.s32 v9, v8  }
0x47: {  	v7 =	vsel vm0, $0x9C4, v3;
	_ =	sdelay $0x4  }
0x48: {  	v46 =	vld.idx.msk [tilespmem:v7+s4+$0x0], $0xffff;
	_ =	sdelay $0x4  }
0x49: {  	vm3 =	vmmov vm1;
	v10 =	vsel vm0, $0x1388, v2;
	vm1 =	vgt.s32 v46, v8  }
0x4a: {  	v47 =	vsel vm0, $0x0, v1;
	v10 =	vsel vm1, v7, v10  }
0x4b: {  	v7 =	vsel vm1, v47, v7;
	v48 =	vadd.s32 $0xFFFFFFFF, v10  }
0x4c: {  	v9 =	vadd.s32 v48, v7  }
0x4d: {  	v9 =	vadd.s32 $0x1, v9  }
0x4e: {  	v9 =	vshrl.u32 v9, $0x1;
	_ =	sdelay $0x4  }
0x4f: {  	v11 =	vld.idx.msk [tilespmem:v9+s4+$0x0], $0xffff;
	_ =	sdelay $0x4  }
0x50: {  	vm0 =	vgt.s32 v11, v8  }
0x51: {  	v7 =	vsel vm0, v7, v9;
	v9 =	vsel vm0, v9, v10  }
0x52: {  	v10 =	vadd.s32 v9, v7  }
0x53: {  	v10 =	vshrl.u32 v10, $0x1;
	_ =	sdelay $0x4  }
0x54: {  	v49 =	vld.idx.msk [tilespmem:v10+s4+$0x0], $0xffff;
	_ =	sdelay $0x4  }
0x55: {  	vm0 =	vgt.s32 v49, v8  }
0x56: {  	v7 =	vsel vm0, v7, v10;
	v9 =	vsel vm0, v10, v9  }
0x57: {  	v10 =	vadd.s32 v9, v7  }
0x58: {  	v10 =	vshrl.u32 v10, $0x1;
	_ =	sdelay $0x4  }
0x59: {  	v50 =	vld.idx.msk [tilespmem:v10+s4+$0x0], $0xffff;
	_ =	sdelay $0x4  }
0x5a: {  	vm0 =	vgt.s32 v50, v8  }
0x5b: {  	v7 =	vsel vm0, v7, v10;
	v9 =	vsel vm0, v10, v9  }
0x5c: {  	v10 =	vadd.s32 v9, v7  }
0x5d: {  	v10 =	vshrl.u32 v10, $0x1;
	_ =	sdelay $0x4  }
0x5e: {  	v51 =	vld.idx.msk [tilespmem:v10+s4+$0x0], $0xffff;
	_ =	sdelay $0x4  }
0x5f: {  	vm0 =	vgt.s32 v51, v8  }
0x60: {  	v7 =	vsel vm0, v7, v10;
	v9 =	vsel vm0, v10, v9  }
0x61: {  	v10 =	vadd.s32 v9, v7  }
0x62: {  	v10 =	vshrl.u32 v10, $0x1;
	_ =	sdelay $0x4  }
0x63: {  	v52 =	vld.idx.msk [tilespmem:v10+s4+$0x0], $0xffff;
	_ =	sdelay $0x4  }
0x64: {  	vm0 =	vgt.s32 v52, v8  }
0x65: {  	v7 =	vsel vm0, v7, v10;
	v9 =	vsel vm0, v10, v9  }
0x66: {  	v10 =	vadd.s32 v9, v7  }
0x67: {  	v10 =	vshrl.u32 v10, $0x1;
	_ =	sdelay $0x4  }
0x68: {  	v53 =	vld.idx.msk [tilespmem:v10+s4+$0x0], $0xffff;
	_ =	sdelay $0x4  }
0x69: {  	vm0 =	vgt.s32 v53, v8  }
0x6a: {  	v7 =	vsel vm0, v7, v10;
	v9 =	vsel vm0, v10, v9  }
0x6b: {  	v10 =	vadd.s32 v9, v7  }
0x6c: {  	v10 =	vshrl.u32 v10, $0x1;
	_ =	sdelay $0x4  }
0x6d: {  	v54 =	vld.idx.msk [tilespmem:v10+s4+$0x0], $0xffff;
	_ =	sdelay $0x4  }
0x6e: {  	vm0 =	vgt.s32 v54, v8  }
0x6f: {  	v7 =	vsel vm0, v7, v10;
	v9 =	vsel vm0, v10, v9  }
0x70: {  	v10 =	vadd.s32 v9, v7  }
0x71: {  	v10 =	vshrl.u32 v10, $0x1;
	_ =	sdelay $0x4  }
0x72: {  	v55 =	vld.idx.msk [tilespmem:v10+s4+$0x0], $0xffff;
	_ =	sdelay $0x4  }
0x73: {  	vm0 =	vgt.s32 v55, v8  }
0x74: {  	v7 =	vsel vm0, v7, v10;
	v9 =	vsel vm0, v10, v9  }
0x75: {  	v10 =	vadd.s32 v9, v7  }
0x76: {  	v10 =	vshrl.u32 v10, $0x1;
	_ =	sdelay $0x4  }
0x77: {  	v56 =	vld.idx.msk [tilespmem:v10+s4+$0x0], $0xffff;
	_ =	sdelay $0x4  }
0x78: {  	vm0 =	vgt.s32 v56, v8  }
0x79: {  	v7 =	vsel vm0, v7, v10;
	v9 =	vsel vm0, v10, v9  }
0x7a: {  	v10 =	vadd.s32 v9, v7  }
0x7b: {  	v10 =	vshrl.u32 v10, $0x1;
	_ =	sdelay $0x4  }
0x7c: {  	v57 =	vld.idx.msk [tilespmem:v10+s4+$0x0], $0xffff;
	_ =	sdelay $0x4  }
0x7d: {  	vm0 =	vgt.s32 v57, v8  }
0x7e: {  	v7 =	vsel vm0, v7, v10;
	v9 =	vsel vm0, v10, v9  }
0x7f: {  	v10 =	vadd.s32 v9, v7  }
0x80: {  	v10 =	vshrl.u32 v10, $0x1;
	_ =	sdelay $0x4  }
0x81: {  	v58 =	vld.idx.msk [tilespmem:v10+s4+$0x0], $0xffff;
	_ =	sdelay $0x4  }
0x82: {  	vm0 =	vgt.s32 v58, v8  }
0x83: {  	v7 =	vsel vm0, v7, v10;
	v9 =	vsel vm0, v10, v9  }
0x84: {  	v9 =	vadd.s32 v9, v7  }
0x85: {  	v9 =	vshrl.u32 v9, $0x1;
	_ =	sdelay $0x4  }
0x86: {  	v59 =	vld.idx.msk [tilespmem:v9+s4+$0x0], $0xffff;
	_ =	sdelay $0x4  }
0x87: {  	vm0 =	vgt.s32 v59, v8  }
0x88: {  	v7 =	vsel vm0, v7, v9  }
0x89: {  	v7 =	vmin.u32 v7, $0x270F;
	_ =	sdelay $0x4  }
0x8a: {  	v60 =	vld.idx.msk [tilespmem:v7+s3+$0x0], $0xffff;
	_ =	sdelay $0x1  }
0x8b: {  	v61 =	vld.idx.msk [tilespmem:v7+s4+$0x0], $0xffff;
	_ =	sdelay $0x2  }
0x8c: {  	vm0 =	vgt.s32 v60, $0x1  }
0x8d: {  	v9 =	vnsel vm0, $0x1, v60  }
0x8e: {  	v8 =	vsub.s32 v8, v61;
	(v2sf) =	vpush v9, $0x0  }
0x8f: {  	(v2sf) =	vpush v8, $0x0  }
0x90: {  	(v2sf) =	vpush v9, $0xF  }
0x91: {  	(v2sf) =	vpush v8, $0xF;
	_ =	sdelay $0x1  }
0x92: {  	(v2sf) =	vpush v9, $0x1  }
0x93: {  	(v2sf) =	vpush v8, $0x1;
	_ =	sdelay $0x1  }
0x94: {  	(v2sf) =	vpush v9, $0x2  }
0x95: {  	(v2sf) =	vpush v8, $0x2;
	_ =	sdelay $0x2  }
0x96: {  	(v2sf) =	vpush v9, $0x3  }
0x97: {  	(v2sf) =	vpush v8, $0x3;
	_ =	sdelay $0x1  }
0x98: {  	[dreg:$0x1a] =	wrdreg s1;
	(v2sf) =	vpush v9, $0x4;
	s16 =	spop (v2sf)  }
0x99: {  	[dreg:$0x17] =	wrdreg s0;
	(v2sf) =	vpush v8, $0x4;
	s17 =	spop (v2sf);
	s2 =	sshra.s32 s16, $0x1F  }
0x9a: {  	s5 =	spop (v2sf);
	[dreg:$0x1d] =	wrdreg s2;
	s18 =	sshra.s32 s17, $0x1F  }
0x9b: {  	(v2sf) =	vpush v9, $0x5;
	s0 =	sxor.u32 s2, s16;
	s6 =	spop (v2sf);
	[smem:$0x7FA] =	sst s18  }
0x9c: {  	(v2sf) =	vpush v8, $0x5;
	s1 =	sxor.u32 s18, s17;
	s0 =	ssub.s32 s0, s2;
	s23 =	sshra.s32 s5, $0x1F  }
0x9d: {  	(v2sf) =	vpush v9, $0x6;
	s7 =	spop (v2sf);
	s1 =	ssub.s32 s1, s18;
	s19 =	sxor.u32 s23, s5  }
0x9e: {  	s4 =	sshra.s32 s6, $0x1F;
	s8 =	spop (v2sf);
	(drf) =	sdiv.u32 s1, s0  }
0x9f: {  	s0 =	ssub.s32 s19, s23;
	s20 =	sxor.u32 s4, s6;
	s22 =	sshra.s32 s7, $0x1F  }
0xa0: {  	(v2sf) =	vpush v8, $0x6;
	s21 =	spop (v2sf);
	s1 =	ssub.s32 s20, s4;
	[smem:$0x7FB] =	sst s22  }
0xa1: {  	(v2sf) =	vpush v9, $0x7;
	s26 =	sxor.u32 s22, s7;
	s28 =	sshra.s32 s8, $0x1F;
	s24 =	spop (v2sf)  }
0xa2: {  	(v2sf) =	vpush v8, $0x7;
	(drf) =	sdiv.u32 s1, s0;
	s0 =	ssub.s32 s26, s22;
	s29 =	smov.u32 s28  }
0xa3: {  	(v2sf) =	vpush v9, $0x8;
	[smem:$0x7FC] =	sst s28;
	s1 =	sxor.u32 s28, s8;
	s31 =	sshra.s32 s21, $0x1F  }
0xa4: {  	(v2sf) =	vpush v8, $0x8;
	s30 =	spop (v2sf);
	s1 =	ssub.s32 s1, s29;
	[smem:$0x7FD] =	sst s31  }
0xa5: {  	s25 =	sshra.s32 s24, $0x1F;
	s10 =	spop (v2sf);
	(drf) =	sdiv.u32 s1, s0  }
0xa6: {  	(v2sf) =	vpush v9, $0x9;
	s1 =	sxor.u32 s31, s21;
	s7 =	sxor.u32 s25, s24;
	s24 =	sshra.s32 s30, $0x1F  }
0xa7: {  	s3 =	spop (v2sf);
	s0 =	ssub.s32 s1, s31;
	s26 =	sshra.s32 s10, $0x1F  }
0xa8: {  	s5 =	ssub.s32 s7, s25;
	s8 =	sxor.u32 s24, s30;
	s11 =	spop (v2sf)  }
0xa9: {  	s9 =	sxor.u32 s26, s10;
	(drf) =	sdiv.u32 s5, s0;
	s10 =	ssub.s32 s8, s24  }
0xaa: {  	s22 =	sshra.s32 s3, $0x1F;
	s12 =	ssub.s32 s9, s26;
	s13 =	spop (v2sf);
	(v2sf) =	vpush v8, $0x9  }
0xab: {  	s15 =	sshra.s32 s11, $0x1F;
	s1 =	sxor.u32 s22, s3;
	s14 =	spop (v2sf);
	(v2sf) =	vpush v9, $0xA  }
0xac: {  	(drf) =	sdiv.u32 s12, s10;
	s18 =	sxor.u32 s15, s11;
	s19 =	spop (v2sf);
	(v2sf) =	vpush v8, $0xA  }
0xad: {  	s1 =	ssub.s32 s1, s22;
	s10 =	ssub.s32 s18, s15;
	s16 =	sshra.s32 s13, $0x1F  }
0xae: {  	(drf) =	sdiv.u32 s10, s1;
	s0 =	sxor.u32 s16, s13;
	s17 =	sshra.s32 s14, $0x1F  }
0xaf: {  	s0 =	ssub.s32 s0, s16;
	s20 =	sxor.u32 s17, s14;
	s21 =	spop (v2sf);
	(v2sf) =	vpush v9, $0xB  }
0xb0: {  	s12 =	sshra.s32 s19, $0x1F;
	s1 =	ssub.s32 s20, s17;
	s28 =	spop (v2sf);
	(v2sf) =	vpush v8, $0xB  }
0xb1: {  	s29 =	sxor.u32 s12, s19;
	s13 =	sshra.s32 s21, $0x1F;
	s31 =	spop (v2sf);
	(v2sf) =	vpush v9, $0xC  }
0xb2: {  	(drf) =	sdiv.u32 s1, s0;
	s30 =	sxor.u32 s13, s21;
	s19 =	spop (v2sf);
	(v2sf) =	vpush v8, $0xC  }
0xb3: {  	s0 =	ssub.s32 s29, s12;
	s1 =	ssub.s32 s30, s13;
	s2 =	spop (v2sf);
	(v2sf) =	vpush v9, $0xD  }
0xb4: {  	s11 =	sshra.s32 s28, $0x1F;
	s14 =	sshra.s32 s31, $0x1F;
	(drf) =	sdiv.u32 s1, s0  }
0xb5: {  	s1 =	sxor.u32 s11, s28;
	s8 =	sxor.u32 s14, s31;
	s3 =	spop (v2sf);
	(v2sf) =	vpush v8, $0xD  }
0xb6: {  	s18 =	sshra.s32 s19, $0x1F;
	s0 =	ssub.s32 s1, s11;
	s28 =	sshra.s32 s2, $0x1F  }
0xb7: {  	s8 =	ssub.s32 s8, s14;
	s19 =	sxor.u32 s18, s19;
	s1 =	sxor.u32 s28, s2  }
0xb8: {  	(drf) =	sdiv.u32 s8, s0;
	s5 =	ssub.s32 s19, s18;
	s30 =	sshra.s32 s3, $0x1F  }
0xb9: {  	s1 =	ssub.s32 s1, s28;
	s10 =	sxor.u32 s30, s3;
	s6 =	spop (v2sf)  }
0xba: {  	(drf) =	sdiv.u32 s1, s5;
	(v2sf) =	vpush v9, $0xE;
	s9 =	sshra.s32 s6, $0x1F;
	s7 =	spop (v2sf)  }
0xbb: {  	s10 =	ssub.s32 s10, s30;
	(v2sf) =	vpush v8, $0xE;
	s8 =	spop (v2sf);
	s0 =	sxor.u32 s9, s6  }
0xbc: {  	s29 =	sshra.s32 s7, $0x1F;
	s0 =	ssub.s32 s0, s9;
	s31 =	sshra.s32 s8, $0x1F  }
0xbd: {  	(drf) =	sdiv.u32 s0, s10;
	s10 =	sxor.u32 s29, s7;
	s20 =	sxor.u32 s31, s8  }
0xbe: {  	s21 =	spop (v2sf);
	s0 =	ssub.s32 s10, s29;
	s1 =	ssub.s32 s20, s31  }
0xbf: {  	s20 =	spop (v2sf);
	s10 =	sshra.s32 s21, $0x1F;
	(drf) =	sdiv.u32 s1, s0  }
0xc0: {  	s2 =	sxor.u32 s10, s21;
	s19 =	sshra.s32 s20, $0x1F;
	s6 =	spop (v2sf)  }
0xc1: {  	s3 =	ssub.s32 s2, s10;
	s5 =	sxor.u32 s19, s20;
	s8 =	spop (v2sf)  }
0xc2: {  	s7 =	sshra.s32 s6, $0x1F;
	s21 =	ssub.s32 s5, s19;
	s0 =	spop (v2sf)  }
0xc3: {  	s5 =	sshra.s32 s8, $0x1F;
	(drf) =	sdiv.u32 s21, s3;
	s21 =	sxor.u32 s7, s6  }
0xc4: {  	s6 =	spop (v2sf);
	s2 =	sxor.u32 s5, s8;
	s8 =	sshra.s32 s0, $0x1F  }
0xc5: {  	s3 =	ssub.s32 s21, s7;
	s21 =	sshra.s32 s6, $0x1F;
	s1 =	ssub.s32 s2, s5  }
0xc6: {  	s20 =	sxor.u32 s8, s0;
	s0 =	sxor.u32 s21, s6;
	(drf) =	sdiv.u32 s1, s3  }
0xc7: {  	s3 =	ssub.s32 s20, s8;
	s20 =	sld [smem:$0x7FA];
	s0 =	ssub.s32 s0, s21  }
0xc8: {  	(drf) =	sdiv.u32 s0, s3;
	s3 =	spop (drf)  }
0xc9: {  	s6 =	rddreg [dreg:$0x1d];
	s0 =	spop (v2sf)  }
0xca: {  	s1 =	sxor.u32 s6, s20;
	s20 =	sxor.u32 s23, s4;
	s23 =	spop (v2sf)  }
0xcb: {  	s2 =	spop (drf);
	s6 =	sshra.s32 s0, $0x1F;
	s4 =	sshra.s32 s23, $0x1F  }
0xcc: {  	s3 =	sxor.u32 s1, s3;
	s0 =	sxor.u32 s6, s0;
	s23 =	sxor.u32 s4, s23  }
0xcd: {  	s2 =	sxor.u32 s20, s2;
	s0 =	ssub.s32 s0, s6;
	s23 =	ssub.s32 s23, s4  }
0xce: {  	(drf) =	sdiv.u32 s23, s0;
	s0 =	ssub.s32 s3, s1;
	s3 =	sld [smem:$0x7FB]  }
0xcf: {  	s1 =	ssub.s32 s2, s20;
	s20 =	sld [smem:$0x7FC]  }
0xd0: {  	s23 =	sld [smem:$0x7FD]  }
0xd1: {  	s15 =	sxor.u32 s22, s15;
	s12 =	sxor.u32 s12, s13;
	s9 =	sxor.u32 s30, s9  }
0xd2: {  	s31 =	sxor.u32 s29, s31;
	s2 =	sxor.u32 s3, s20;
	s3 =	spop (drf)  }
0xd3: {  	s5 =	sxor.u32 s7, s5;
	s20 =	sxor.u32 s23, s25;
	s25 =	spop (drf)  }
0xd4: {  	s23 =	sxor.u32 s24, s26;
	s3 =	sxor.u32 s2, s3;
	s26 =	spop (drf)  }
0xd5: {  	s24 =	sxor.u32 s20, s25;
	s2 =	ssub.s32 s3, s2;
	s25 =	sxor.u32 s23, s26  }
0xd6: {  	vm0 =	vcmask $0x300;
	v62 =	vmov s1;
	s3 =	ssub.s32 s24, s20;
	s26 =	spop (drf);
	s20 =	ssub.s32 s25, s23  }
0xd7: {  	v10 =	vsel vm0, s0, v62;
	s23 =	sxor.u32 s16, s17;
	s24 =	spop (drf);
	s26 =	sxor.u32 s15, s26  }
0xd8: {  	v10 =	vsel vm3, s2, v10;
	s17 =	sxor.u32 s11, s14;
	s25 =	spop (drf);
	s13 =	sxor.u32 s23, s24  }
0xd9: {  	v10 =	vsel vm2, s3, v10;
	s16 =	ssub.s32 s26, s15;
	s1 =	ssub.s32 s13, s23;
	s0 =	sxor.u32 s12, s25  }
0xda: {  	v10 =	vsel vm4, s20, v10;
	s22 =	spop (drf);
	s23 =	sxor.u32 s18, s28;
	s18 =	simm.s32 $0x4F00  }
0xdb: {  	v10 =	vsel vm5, s16, v10;
	s0 =	ssub.s32 s0, s12;
	s24 =	spop (drf);
	s11 =	sxor.u32 s17, s22  }
0xdc: {  	v10 =	vsel vm6, s1, v10;
	s12 =	sxor.u32 s10, s19;
	s19 =	sxor.u32 s8, s21;
	s22 =	sxor.u32 s6, s4  }
0xdd: {  	s25 =	spop (drf);
	s13 =	sxor.u32 s23, s24;
	s26 =	ssub.s32 s11, s17;
	v10 =	vsel vm7, s0, v10  }
0xde: {  	s28 =	ssub.s32 s13, s23;
	s2 =	sxor.u32 s9, s25;
	s11 =	spop (drf);
	v10 =	vsel vm8, s26, v10  }
0xdf: {  	s30 =	ssub.s32 s2, s9;
	s13 =	spop (drf);
	v10 =	vsel vm9, s28, v10;
	s9 =	sxor.u32 s31, s11  }
0xe0: {  	s14 =	spop (drf);
	s7 =	sxor.u32 s12, s13;
	v10 =	vsel vm10, s30, v10;
	s15 =	ssub.s32 s9, s31  }
0xe1: {  	s1 =	ssub.s32 s7, s12;
	s16 =	sxor.u32 s5, s14;
	v10 =	vsel vm11, s15, v10;
	s20 =	spop (drf)  }
0xe2: {  	v63 =	vld.idx.msk [tilespmem:v7+s18+$0x0], $0xffff;
	s17 =	ssub.s32 s16, s5;
	v10 =	vsel vm12, s1, v10;
	s21 =	sxor.u32 s19, s20;
	s24 =	spop (drf)  }
0xe3: {  	v10 =	vsel vm13, s17, v10;
	s25 =	ssub.s32 s21, s19;
	s26 =	sxor.u32 s22, s24  }
0xe4: {  	v10 =	vsel vm14, s25, v10;
	s28 =	ssub.s32 s26, s22  }
0xe5: {  	v10 =	vsel vm15, s28, v10  }
0xe6: {  	v9 =	vmul.u32 v10, v9  }
0xe7: {  	s29 =	rddreg [dreg:$0x1a];
	v8 =	vadd.s32 v8, v63  }
0xe8: {  	s30 =	sshra.s32 s29, $0x2;
	v8 =	vsub.s32 v8, v9  }
0xe9: {  	s23 =	simm.s32 $0x7680;
	[tilespmem:s30+$0x9F00] =	vst v8  }
0xea: {  	v8 =	vld.idx.msk [tilespmem:v7+s23+$0x0], $0xffff  }
0xeb: {  	p0 =	sne.s32 s29, $0xC0  }
.Ltmp2:
0xec: {  	_ = 	snop;
	(pc) =	sbr.rel @p0 .LBB2_2-.Ltmp2, $3  }
0xed: {  	_ =	sdelay $0x1  }
0xee: {  	s3 =	simm.s32 $0x2780;
	s31 =	rddreg [dreg:$0x17];
	[tilespmem:s30+$0xA100] =	vst v7;
	v8 =	vadd.s32 v10, v8  }
0xef: {  	vm1 =	vmmov vm3;
	s4 =	simm.s32 $0x0;
	s0 =	sadd.s32 $0x10, s31;
	s1 =	sadd.s32 $0x40, s29;
	[tilespmem:s30+$0xA000] =	vst v8  }
0xf0: {  	v7 =	vld [tilespmem:$0x9F00];
	_ =	sdelay $0x4  }
0xf1: {  	v8 =	vshll.u32 v7, $0x1  }
0xf2: {  	v7 =	vand.u32 $0x7, v7;
	v8 =	vand.u32 $0xFFFFFFF0, v8  }
0xf3: {  	v7 =	vor.u32 v7, v8  }
0xf4: {  	v8 =	vperm.xlane v7, v4  }
0xf5: {  	v9 =	vld [tilespmem:$0x1FFF0]  }
0xf6: {  	v7 =	vperm.xlane v7, v6;
	v8 =	vadd.s32 v5, v8;
	_ =	sdelay $0x1  }
0xf7: {  	v7 =	vadd.s32 v5, v7;
	_ =	sdelay $0x1  }
0xf8: {  	s7 =	simm.s32 $0x0;
	s0 =	rddreg [dreg:$0x8];
	s1 =	simm.s32 $0xA200;
	vm0 =	vnez.u8 v9  }
0xf9: {  	[tilespmem:s1], [sflag:$0x1] =	stream.indirect_vreg.gather [hbm4b:s0+s7], $0x80, v8, vm0, $0xb8;
	[tilespmem:$0x1A200] =	vst v63  }
0xfa: {  	s14 =	simm.s32 $0xAA00  }
0xfb: {  	[tilespmem:s14], [sflag:$0x1] =	stream.indirect_vreg.gather [hbm4b:s0+s7], $0x80, v7, vm0, $0xb8;
	[tilespmem:$0x1A200] =	vst v63  }
0xfc: {  	v7 =	vld [tilespmem:$0x9F10];
	_ =	sdelay $0x4  }
0xfd: {  	v8 =	vshll.u32 v7, $0x1  }
0xfe: {  	v7 =	vand.u32 $0x7, v7;
	v8 =	vand.u32 $0xFFFFFFF0, v8  }
0xff: {  	v7 =	vor.u32 v7, v8  }
0x100: {  	v8 =	vperm.xlane v7, v4;
	_ =	sdelay $0x1  }
0x101: {  	v7 =	vperm.xlane v7, v6;
	v8 =	vadd.s32 v5, v8;
	_ =	sdelay $0x1  }
0x102: {  	v7 =	vadd.s32 v5, v7;
	_ =	sdelay $0x1  }
0x103: {  	s15 =	simm.s32 $0xB200  }
0x104: {  	[tilespmem:s15], [sflag:$0x1] =	stream.indirect_vreg.gather [hbm4b:s0+s7], $0x80, v8, vm0, $0xb8;
	[tilespmem:$0x1A200] =	vst v63  }
0x105: {  	s16 =	simm.s32 $0xBA00  }
0x106: {  	[tilespmem:s16], [sflag:$0x1] =	stream.indirect_vreg.gather [hbm4b:s0+s7], $0x80, v7, vm0, $0xb8;
	[tilespmem:$0x1A200] =	vst v63  }
0x107: {  	v7 =	vld [tilespmem:$0x9F20];
	_ =	sdelay $0x4  }
0x108: {  	v8 =	vshll.u32 v7, $0x1  }
0x109: {  	v7 =	vand.u32 $0x7, v7;
	v8 =	vand.u32 $0xFFFFFFF0, v8  }
0x10a: {  	v7 =	vor.u32 v7, v8  }
0x10b: {  	v8 =	vperm.xlane v7, v4;
	_ =	sdelay $0x1  }
0x10c: {  	v7 =	vperm.xlane v7, v6;
	v8 =	vadd.s32 v5, v8;
	_ =	sdelay $0x1  }
0x10d: {  	v7 =	vadd.s32 v5, v7;
	_ =	sdelay $0x1  }
0x10e: {  	s17 =	simm.s32 $0xC200  }
0x10f: {  	[tilespmem:s17], [sflag:$0x1] =	stream.indirect_vreg.gather [hbm4b:s0+s7], $0x80, v8, vm0, $0xb8;
	[tilespmem:$0x1A200] =	vst v63  }
0x110: {  	s18 =	simm.s32 $0xCA00  }
0x111: {  	[tilespmem:s18], [sflag:$0x1] =	stream.indirect_vreg.gather [hbm4b:s0+s7], $0x80, v7, vm0, $0xb8;
	[tilespmem:$0x1A200] =	vst v63  }
0x112: {  	v7 =	vld [tilespmem:$0x9F30];
	_ =	sdelay $0x4  }
0x113: {  	v8 =	vshll.u32 v7, $0x1  }
0x114: {  	v7 =	vand.u32 $0x7, v7;
	v8 =	vand.u32 $0xFFFFFFF0, v8  }
0x115: {  	v7 =	vor.u32 v7, v8  }
0x116: {  	v8 =	vperm.xlane v7, v4;
	_ =	sdelay $0x1  }
0x117: {  	v7 =	vperm.xlane v7, v6;
	v8 =	vadd.s32 v5, v8;
	_ =	sdelay $0x1  }
0x118: {  	v7 =	vadd.s32 v5, v7;
	_ =	sdelay $0x1  }
0x119: {  	s19 =	simm.s32 $0xD200  }
0x11a: {  	[tilespmem:s19], [sflag:$0x1] =	stream.indirect_vreg.gather [hbm4b:s0+s7], $0x80, v8, vm0, $0xb8;
	[tilespmem:$0x1A200] =	vst v63  }
0x11b: {  	s20 =	simm.s32 $0xDA00  }
0x11c: {  	[tilespmem:s20], [sflag:$0x1] =	stream.indirect_vreg.gather [hbm4b:s0+s7], $0x80, v7, vm0, $0xb8;
	[tilespmem:$0x1A200] =	vst v63  }
0x11d: {  	v7 =	vld [tilespmem:$0xA000];
	_ =	sdelay $0x4  }
0x11e: {  	v8 =	vshll.u32 v7, $0x1  }
0x11f: {  	v7 =	vand.u32 $0x7, v7;
	v8 =	vand.u32 $0xFFFFFFF0, v8  }
0x120: {  	v7 =	vor.u32 v7, v8  }
0x121: {  	v8 =	vperm.xlane v7, v4;
	_ =	sdelay $0x1  }
0x122: {  	v7 =	vperm.xlane v7, v6;
	v8 =	vadd.s32 v5, v8;
	_ =	sdelay $0x1  }
0x123: {  	v7 =	vadd.s32 v5, v7;
	_ =	sdelay $0x1  }
0x124: {  	s21 =	rddreg [dreg:$0x9];
	s22 =	simm.s32 $0x12200  }
0x125: {  	[tilespmem:s22], [sflag:$0x3] =	stream.indirect_vreg.gather [hbm4b:s21+s7], $0x80, v8, vm0, $0xb8;
	[tilespmem:$0x1A200] =	vst v63  }
0x126: {  	s23 =	simm.s32 $0x12A00  }
0x127: {  	[tilespmem:s23], [sflag:$0x3] =	stream.indirect_vreg.gather [hbm4b:s21+s7], $0x80, v7, vm0, $0xb8;
	[tilespmem:$0x1A200] =	vst v63  }
0x128: {  	v7 =	vld [tilespmem:$0xA010];
	_ =	sdelay $0x4  }
0x129: {  	v8 =	vshll.u32 v7, $0x1  }
0x12a: {  	v7 =	vand.u32 $0x7, v7;
	v8 =	vand.u32 $0xFFFFFFF0, v8  }
0x12b: {  	v7 =	vor.u32 v7, v8  }
0x12c: {  	v8 =	vperm.xlane v7, v4;
	_ =	sdelay $0x1  }
0x12d: {  	v7 =	vperm.xlane v7, v6;
	v8 =	vadd.s32 v5, v8;
	_ =	sdelay $0x1  }
0x12e: {  	v7 =	vadd.s32 v5, v7;
	_ =	sdelay $0x1  }
0x12f: {  	s24 =	simm.s32 $0x13200  }
0x130: {  	[tilespmem:s24], [sflag:$0x3] =	stream.indirect_vreg.gather [hbm4b:s21+s7], $0x80, v8, vm0, $0xb8;
	[tilespmem:$0x1A200] =	vst v63  }
0x131: {  	s25 =	simm.s32 $0x13A00  }
0x132: {  	[tilespmem:s25], [sflag:$0x3] =	stream.indirect_vreg.gather [hbm4b:s21+s7], $0x80, v7, vm0, $0xb8;
	[tilespmem:$0x1A200] =	vst v63  }
0x133: {  	v7 =	vld [tilespmem:$0xA020];
	_ =	sdelay $0x4  }
0x134: {  	v8 =	vshll.u32 v7, $0x1  }
0x135: {  	v7 =	vand.u32 $0x7, v7;
	v8 =	vand.u32 $0xFFFFFFF0, v8  }
0x136: {  	v7 =	vor.u32 v7, v8  }
0x137: {  	v8 =	vperm.xlane v7, v4;
	_ =	sdelay $0x1  }
0x138: {  	v7 =	vperm.xlane v7, v6;
	v8 =	vadd.s32 v5, v8;
	_ =	sdelay $0x1  }
0x139: {  	v7 =	vadd.s32 v5, v7;
	_ =	sdelay $0x1  }
0x13a: {  	s26 =	simm.s32 $0x14200  }
0x13b: {  	[tilespmem:s26], [sflag:$0x3] =	stream.indirect_vreg.gather [hbm4b:s21+s7], $0x80, v8, vm0, $0xb8;
	[tilespmem:$0x1A200] =	vst v63  }
0x13c: {  	s28 =	simm.s32 $0x14A00  }
0x13d: {  	[tilespmem:s28], [sflag:$0x3] =	stream.indirect_vreg.gather [hbm4b:s21+s7], $0x80, v7, vm0, $0xb8;
	[tilespmem:$0x1A200] =	vst v63  }
0x13e: {  	v7 =	vld [tilespmem:$0xA030];
	_ =	sdelay $0x4  }
0x13f: {  	v8 =	vshll.u32 v7, $0x1  }
0x140: {  	v7 =	vand.u32 $0x7, v7;
	v8 =	vand.u32 $0xFFFFFFF0, v8  }
0x141: {  	v7 =	vor.u32 v7, v8  }
0x142: {  	v8 =	vperm.xlane v7, v4;
	_ =	sdelay $0x1  }
0x143: {  	v7 =	vperm.xlane v7, v6;
	v8 =	vadd.s32 v5, v8;
	_ =	sdelay $0x1  }
0x144: {  	v7 =	vadd.s32 v5, v7  }
.Ltmp3:
0x145: {  	s31 =	rddreg [dreg:$0x10];
	(pc) =	sbr.rel .LBB2_4-.Ltmp3, $4  }
0x146: {  	s29 =	simm.s32 $0x15200;
	s2 =	rddreg [dreg:$0xf]  }
0x147: {  	[tilespmem:s29], [sflag:$0x3] =	stream.indirect_vreg.gather [hbm4b:s21+s7], $0x80, v8, vm0, $0xb8;
	[tilespmem:$0x1A200] =	vst v63  }
0x148: {  	s30 =	simm.s32 $0x15A00;
	[dreg:$0x13] =	wrdreg s31  }
0x149: {  	[tilespmem:s30], [sflag:$0x3] =	stream.indirect_vreg.gather [hbm4b:s21+s7], $0x80, v7, vm0, $0xb8;
	[tilespmem:$0x1A200] =	vst v63  }
.LBB2_10:
0x14a: {  	s0 =	simm.s32 $0x2  }
0x14b: {  	_ =	swait.ge [sflag:s0], $0x4000  }
0x14c: {  	[sflag:s0] =	ssyncset.done $0x0  }
0x14d: {  	s1 =	simm.s32 $0x4;
	[sflag:s0] =	ssyncadd.s32 $0xFFFFC000  }
0x14e: {  	s2 =	simm.s32 $0xE200;
	_ =	swait.ge [sflag:s1], $0x4000  }
0x14f: {  	s24 =	simm.s32 $0x16200;
	s7 =	sadd.s32 $0x1, s7;
	s8 =	rddreg [dreg:$0x15]  }
0x150: {  	[sflag:s1] =	ssyncset.done $0x0;
	s22 =	rddreg [dreg:$0xa];
	s21 =	sshll.u32 s8, $0x5  }
0x151: {  	s23 =	rddreg [dreg:$0xb];
	[sflag:s1] =	ssyncadd.s32 $0xFFFFC000;
	s1 =	sadd.s32 s22, s21  }
0x152: {  	[hbm4b:s1+s4] =	stream.linear.scatter [tilespmem:s2], [sflag:$0x6], $0x4000, $0x38;
	[tilespmem:$0x1A200] =	vst v63  }
0x153: {  	s26 =	rddreg [dreg:$0xc];
	s25 =	sshrl.u32 s8, $0x3;
	s0 =	sadd.s32 s23, s21  }
0x154: {  	[hbm4b:s0+s4] =	stream.linear.scatter [tilespmem:s24], [sflag:$0x8], $0x4000, $0x38;
	[tilespmem:$0x1A200] =	vst v63  }
0x155: {  	s28 =	simm.s32 $0xA180;
	p0 =	sne.s32 s7, $0x100;
	s0 =	sadd.s32 s26, s25  }
0x156: {  	[hbm4b:s0+s4] =	stream.linear.scatter [tilespmem:s28], [sflag:$0x9], $0x40, $0x38;
	[tilespmem:$0x1A200] =	vst v63  }
.Ltmp4:
0x157: {  	s29 =	simm.s32 $0x9;
	(pc) =	sbr.rel @!p0 .LBB2_11-.Ltmp4, $4  }
0x158: {  	_ =	swait.ge [sflag:s29], $0x40  }
0x159: {  	s31 =	rddreg [dreg:$0x13]  }
0x15a: {  	[sflag:s29] =	ssyncset.done $0x0;
	s30 =	rddreg [dreg:$0x14];
	s0 =	sadd.s32 $0x80, s31  }
0x15b: {  	[sflag:s29] =	ssyncadd.s32 $0xFFFFFFC0;
	s2 =	sadd.s32 $0x80, s30;
	[dreg:$0x13] =	wrdreg s0  }
.LBB2_4:
0x15c: {  	p0 =	seq.s32 s7, $0x0  }
0x15d: {  	s0 =	simm.s32 @!p0 $0x6  }
0x15e: {  	_ =	swait.ge @!p0 [sflag:s0], $0x4000  }
0x15f: {  	[sflag:s0] =	ssyncset.done @!p0 $0x0  }
0x160: {  	[dreg:$0x12] =	wrdreg s7;
	[sflag:s0] =	ssyncadd.s32 @!p0 $0xFFFFC000;
	s0 =	simm.s32 @!p0 $0x8  }
0x161: {  	vm4 =	vcmask $0xB08;
	_ =	swait.ge @!p0 [sflag:s0], $0x4000  }
0x162: {  	s5 =	sshll.u32 s7, $0x7;
	vm5 =	vcmask $0xF0C;
	vm6 =	vcmask $0x1310;
	vm7 =	vcmask $0x1714;
	s1 =	rddreg [dreg:$0xd]  }
0x163: {  	vm8 =	vcmask $0x1B18;
	vm9 =	vcmask $0x1F1C;
	vm10 =	vcmask $0x2320;
	[dreg:$0x16] =	wrdreg s5;
	s1 =	sadd.s32 s5, s1  }
0x164: {  	vm11 =	vcmask $0x2724;
	vm12 =	vcmask $0x2B28;
	vm13 =	vcmask $0x2F2C;
	[dreg:$0x14] =	wrdreg s2;
	[sflag:s0] =	ssyncset.done @!p0 $0x0;
	s31 =	sadd.s32 $0x40, s1  }
0x165: {  	vm14 =	vcmask $0x3330;
	vm15 =	vcmask $0x3734;
	vm2 =	vcmask $0x3B38;
	[sflag:s0] =	ssyncadd.s32 @!p0 $0xFFFFC000;
	s1 =	simm.s32 $0x0;
	[dreg:$0x15] =	wrdreg s31  }
.LBB2_5:
0x166: {  	v7 =	vld [tilespmem:$0x9E00]  }
0x167: {  	v8 =	vld [tilespmem:$0x9E80];
	_ =	sdelay $0x2  }
0x168: {  	v9 =	vld.idx.msk [tilespmem:v1+s4+$0x0], $0xffff  }
0x169: {  	v7 =	vadd.s32 s2, v7  }
0x16a: {  	v8 =	vadd.s32 $0xFFFFFFFF, v8;
	v7 =	vadd.s32 v0, v7  }
0x16b: {  	vm0 =	vlt.s32 v7, v8  }
0x16c: {  	v8 =	vsel vm0, v7, v8  }
0x16d: {  	vm0 =	vgt.s32 v9, v8  }
0x16e: {  	v7 =	vsel vm0, $0x9C4, v3;
	_ =	sdelay $0x4  }
0x16f: {  	v46 =	vld.idx.msk [tilespmem:v7+s4+$0x0], $0xffff;
	_ =	sdelay $0x4  }
0x170: {  	v10 =	vsel vm0, $0x1388, v2;
	vm1 =	vgt.s32 v46, v8  }
0x171: {  	v47 =	vsel vm0, $0x0, v1;
	v10 =	vsel vm1, v7, v10  }
0x172: {  	v7 =	vsel vm1, v47, v7;
	v48 =	vadd.s32 $0xFFFFFFFF, v10  }
0x173: {  	v9 =	vadd.s32 v48, v7  }
0x174: {  	v9 =	vadd.s32 $0x1, v9  }
0x175: {  	v9 =	vshrl.u32 v9, $0x1;
	_ =	sdelay $0x4  }
0x176: {  	v11 =	vld.idx.msk [tilespmem:v9+s4+$0x0], $0xffff;
	_ =	sdelay $0x4  }
0x177: {  	vm0 =	vgt.s32 v11, v8  }
0x178: {  	v7 =	vsel vm0, v7, v9;
	v9 =	vsel vm0, v9, v10  }
0x179: {  	v10 =	vadd.s32 v9, v7  }
0x17a: {  	v10 =	vshrl.u32 v10, $0x1;
	_ =	sdelay $0x4  }
0x17b: {  	v49 =	vld.idx.msk [tilespmem:v10+s4+$0x0], $0xffff;
	_ =	sdelay $0x4  }
0x17c: {  	vm0 =	vgt.s32 v49, v8  }
0x17d: {  	v7 =	vsel vm0, v7, v10;
	v9 =	vsel vm0, v10, v9  }
0x17e: {  	v10 =	vadd.s32 v9, v7  }
0x17f: {  	v10 =	vshrl.u32 v10, $0x1;
	_ =	sdelay $0x4  }
0x180: {  	v50 =	vld.idx.msk [tilespmem:v10+s4+$0x0], $0xffff;
	_ =	sdelay $0x4  }
0x181: {  	vm0 =	vgt.s32 v50, v8  }
0x182: {  	v7 =	vsel vm0, v7, v10;
	v9 =	vsel vm0, v10, v9  }
0x183: {  	v10 =	vadd.s32 v9, v7  }
0x184: {  	v10 =	vshrl.u32 v10, $0x1;
	_ =	sdelay $0x4  }
0x185: {  	v51 =	vld.idx.msk [tilespmem:v10+s4+$0x0], $0xffff;
	_ =	sdelay $0x4  }
0x186: {  	vm0 =	vgt.s32 v51, v8  }
0x187: {  	v7 =	vsel vm0, v7, v10;
	v9 =	vsel vm0, v10, v9  }
0x188: {  	v10 =	vadd.s32 v9, v7  }
0x189: {  	v10 =	vshrl.u32 v10, $0x1;
	_ =	sdelay $0x4  }
0x18a: {  	v52 =	vld.idx.msk [tilespmem:v10+s4+$0x0], $0xffff;
	_ =	sdelay $0x4  }
0x18b: {  	vm0 =	vgt.s32 v52, v8  }
0x18c: {  	v7 =	vsel vm0, v7, v10;
	v9 =	vsel vm0, v10, v9  }
0x18d: {  	v10 =	vadd.s32 v9, v7  }
0x18e: {  	v10 =	vshrl.u32 v10, $0x1;
	_ =	sdelay $0x4  }
0x18f: {  	v53 =	vld.idx.msk [tilespmem:v10+s4+$0x0], $0xffff;
	_ =	sdelay $0x4  }
0x190: {  	vm0 =	vgt.s32 v53, v8  }
0x191: {  	v7 =	vsel vm0, v7, v10;
	v9 =	vsel vm0, v10, v9  }
0x192: {  	v10 =	vadd.s32 v9, v7  }
0x193: {  	v10 =	vshrl.u32 v10, $0x1;
	_ =	sdelay $0x4  }
0x194: {  	v54 =	vld.idx.msk [tilespmem:v10+s4+$0x0], $0xffff;
	_ =	sdelay $0x4  }
0x195: {  	vm0 =	vgt.s32 v54, v8  }
0x196: {  	v7 =	vsel vm0, v7, v10;
	v9 =	vsel vm0, v10, v9  }
0x197: {  	v10 =	vadd.s32 v9, v7  }
0x198: {  	v10 =	vshrl.u32 v10, $0x1;
	_ =	sdelay $0x4  }
0x199: {  	v55 =	vld.idx.msk [tilespmem:v10+s4+$0x0], $0xffff;
	_ =	sdelay $0x4  }
0x19a: {  	vm0 =	vgt.s32 v55, v8  }
0x19b: {  	v7 =	vsel vm0, v7, v10;
	v9 =	vsel vm0, v10, v9  }
0x19c: {  	v10 =	vadd.s32 v9, v7  }
0x19d: {  	v10 =	vshrl.u32 v10, $0x1;
	_ =	sdelay $0x4  }
0x19e: {  	v56 =	vld.idx.msk [tilespmem:v10+s4+$0x0], $0xffff;
	_ =	sdelay $0x4  }
0x19f: {  	vm0 =	vgt.s32 v56, v8  }
0x1a0: {  	v7 =	vsel vm0, v7, v10;
	v9 =	vsel vm0, v10, v9  }
0x1a1: {  	v10 =	vadd.s32 v9, v7  }
0x1a2: {  	v10 =	vshrl.u32 v10, $0x1;
	_ =	sdelay $0x4  }
0x1a3: {  	v57 =	vld.idx.msk [tilespmem:v10+s4+$0x0], $0xffff;
	_ =	sdelay $0x4  }
0x1a4: {  	vm0 =	vgt.s32 v57, v8  }
0x1a5: {  	v7 =	vsel vm0, v7, v10;
	v9 =	vsel vm0, v10, v9  }
0x1a6: {  	v10 =	vadd.s32 v9, v7  }
0x1a7: {  	v10 =	vshrl.u32 v10, $0x1;
	_ =	sdelay $0x4  }
0x1a8: {  	v58 =	vld.idx.msk [tilespmem:v10+s4+$0x0], $0xffff;
	_ =	sdelay $0x4  }
0x1a9: {  	vm0 =	vgt.s32 v58, v8  }
0x1aa: {  	v7 =	vsel vm0, v7, v10;
	v9 =	vsel vm0, v10, v9  }
0x1ab: {  	v9 =	vadd.s32 v9, v7  }
0x1ac: {  	v9 =	vshrl.u32 v9, $0x1;
	_ =	sdelay $0x4  }
0x1ad: {  	v59 =	vld.idx.msk [tilespmem:v9+s4+$0x0], $0xffff;
	_ =	sdelay $0x4  }
0x1ae: {  	vm0 =	vgt.s32 v59, v8  }
0x1af: {  	v7 =	vsel vm0, v7, v9  }
0x1b0: {  	v7 =	vmin.u32 v7, $0x270F;
	_ =	sdelay $0x4  }
0x1b1: {  	v60 =	vld.idx.msk [tilespmem:v7+s3+$0x0], $0xffff;
	_ =	sdelay $0x1  }
0x1b2: {  	v61 =	vld.idx.msk [tilespmem:v7+s4+$0x0], $0xffff;
	_ =	sdelay $0x2  }
0x1b3: {  	vm0 =	vgt.s32 v60, $0x1  }
0x1b4: {  	v9 =	vnsel vm0, $0x1, v60  }
0x1b5: {  	v8 =	vsub.s32 v8, v61;
	(v2sf) =	vpush v9, $0x0  }
0x1b6: {  	(v2sf) =	vpush v8, $0x0  }
0x1b7: {  	(v2sf) =	vpush v9, $0xF  }
0x1b8: {  	(v2sf) =	vpush v8, $0xF;
	_ =	sdelay $0x1  }
0x1b9: {  	(v2sf) =	vpush v9, $0x1  }
0x1ba: {  	(v2sf) =	vpush v8, $0x1;
	_ =	sdelay $0x1  }
0x1bb: {  	(v2sf) =	vpush v9, $0x2  }
0x1bc: {  	(v2sf) =	vpush v8, $0x2;
	_ =	sdelay $0x2  }
0x1bd: {  	(v2sf) =	vpush v9, $0x3  }
0x1be: {  	(v2sf) =	vpush v8, $0x3;
	_ =	sdelay $0x1  }
0x1bf: {  	[dreg:$0x1b] =	wrdreg s1;
	(v2sf) =	vpush v9, $0x4;
	s0 =	spop (v2sf)  }
0x1c0: {  	[dreg:$0x18] =	wrdreg s2;
	(v2sf) =	vpush v8, $0x4;
	s18 =	spop (v2sf);
	s20 =	sshra.s32 s0, $0x1F  }
0x1c1: {  	s19 =	spop (v2sf);
	[dreg:$0x1e] =	wrdreg s20  }
0x1c2: {  	(v2sf) =	vpush v9, $0x5;
	s4 =	sshra.s32 s18, $0x1F;
	s0 =	sxor.u32 s20, s0;
	s5 =	spop (v2sf)  }
0x1c3: {  	(v2sf) =	vpush v8, $0x5;
	s1 =	sxor.u32 s4, s18;
	s0 =	ssub.s32 s0, s20;
	s9 =	sshra.s32 s19, $0x1F  }
0x1c4: {  	s6 =	spop (v2sf);
	s1 =	ssub.s32 s1, s4;
	s21 =	sxor.u32 s9, s19  }
0x1c5: {  	(v2sf) =	vpush v9, $0x6;
	s26 =	sshra.s32 s5, $0x1F;
	s7 =	spop (v2sf);
	(drf) =	sdiv.u32 s1, s0  }
0x1c6: {  	(v2sf) =	vpush v8, $0x6;
	s0 =	ssub.s32 s21, s9;
	s22 =	sxor.u32 s26, s5;
	s24 =	sshra.s32 s6, $0x1F  }
0x1c7: {  	(v2sf) =	vpush v9, $0x7;
	s23 =	spop (v2sf);
	s1 =	ssub.s32 s22, s26;
	[smem:$0x7F7] =	sst s24  }
0x1c8: {  	s28 =	sxor.u32 s24, s6;
	s29 =	sshra.s32 s7, $0x1F;
	s25 =	spop (v2sf)  }
0x1c9: {  	(v2sf) =	vpush v8, $0x7;
	(drf) =	sdiv.u32 s1, s0;
	s0 =	ssub.s32 s28, s24;
	s30 =	smov.u32 s29  }
0x1ca: {  	[smem:$0x7F8] =	sst s29;
	s1 =	sxor.u32 s29, s7;
	s7 =	sshra.s32 s23, $0x1F  }
0x1cb: {  	(v2sf) =	vpush v9, $0x8;
	s31 =	spop (v2sf);
	s1 =	ssub.s32 s1, s30;
	[smem:$0x7F9] =	sst s7  }
0x1cc: {  	(v2sf) =	vpush v8, $0x8;
	s10 =	sxor.u32 s7, s23;
	s28 =	sshra.s32 s25, $0x1F;
	s8 =	spop (v2sf)  }
0x1cd: {  	(v2sf) =	vpush v9, $0x9;
	(drf) =	sdiv.u32 s1, s0;
	s0 =	ssub.s32 s10, s7;
	s10 =	sxor.u32 s28, s25  }
0x1ce: {  	s30 =	sshra.s32 s31, $0x1F;
	s11 =	spop (v2sf);
	s25 =	sshra.s32 s8, $0x1F  }
0x1cf: {  	s10 =	ssub.s32 s10, s28;
	s6 =	sxor.u32 s30, s31;
	s12 =	spop (v2sf)  }
0x1d0: {  	s8 =	sxor.u32 s25, s8;
	(drf) =	sdiv.u32 s10, s0;
	s13 =	ssub.s32 s6, s30  }
0x1d1: {  	s24 =	sshra.s32 s11, $0x1F;
	s14 =	ssub.s32 s8, s25;
	s15 =	spop (v2sf);
	(v2sf) =	vpush v8, $0x9  }
0x1d2: {  	s16 =	sshra.s32 s12, $0x1F;
	s1 =	sxor.u32 s24, s11;
	s18 =	spop (v2sf);
	(v2sf) =	vpush v9, $0xA  }
0x1d3: {  	(drf) =	sdiv.u32 s14, s13;
	s2 =	sxor.u32 s16, s12;
	s1 =	ssub.s32 s1, s24  }
0x1d4: {  	s2 =	ssub.s32 s2, s16;
	s17 =	sshra.s32 s15, $0x1F;
	s19 =	spop (v2sf);
	(v2sf) =	vpush v8, $0xA  }
0x1d5: {  	s0 =	sxor.u32 s17, s15;
	s15 =	sshra.s32 s18, $0x1F;
	s21 =	spop (v2sf);
	(v2sf) =	vpush v9, $0xB  }
0x1d6: {  	(drf) =	sdiv.u32 s2, s1;
	s20 =	sxor.u32 s15, s18;
	s22 =	spop (v2sf);
	(v2sf) =	vpush v8, $0xB  }
0x1d7: {  	s0 =	ssub.s32 s0, s17;
	s13 =	sshra.s32 s19, $0x1F;
	s1 =	ssub.s32 s20, s15  }
0x1d8: {  	s23 =	sxor.u32 s13, s19;
	s14 =	sshra.s32 s21, $0x1F;
	s31 =	spop (v2sf);
	(v2sf) =	vpush v9, $0xC  }
0x1d9: {  	(drf) =	sdiv.u32 s1, s0;
	s0 =	ssub.s32 s23, s13;
	s29 =	sxor.u32 s14, s21  }
0x1da: {  	s12 =	sshra.s32 s22, $0x1F;
	s1 =	ssub.s32 s29, s14;
	s3 =	spop (v2sf);
	(v2sf) =	vpush v8, $0xC  }
0x1db: {  	s5 =	sxor.u32 s12, s22;
	s18 =	sshra.s32 s31, $0x1F;
	s6 =	spop (v2sf);
	(v2sf) =	vpush v9, $0xD  }
0x1dc: {  	(drf) =	sdiv.u32 s1, s0;
	s0 =	ssub.s32 s5, s12;
	s7 =	spop (v2sf);
	(v2sf) =	vpush v8, $0xD  }
0x1dd: {  	s2 =	sxor.u32 s18, s31;
	s22 =	sshra.s32 s3, $0x1F;
	s23 =	sshra.s32 s6, $0x1F  }
0x1de: {  	s2 =	ssub.s32 s2, s18;
	s10 =	sxor.u32 s22, s3;
	s1 =	sxor.u32 s23, s6  }
0x1df: {  	(drf) =	sdiv.u32 s2, s0;
	s20 =	ssub.s32 s10, s22;
	s11 =	sshra.s32 s7, $0x1F  }
0x1e0: {  	s1 =	ssub.s32 s1, s23;
	s8 =	sxor.u32 s11, s7;
	s21 =	spop (v2sf);
	(v2sf) =	vpush v9, $0xE  }
0x1e1: {  	(drf) =	sdiv.u32 s1, s20;
	s10 =	sshra.s32 s21, $0x1F;
	s29 =	spop (v2sf);
	(v2sf) =	vpush v8, $0xE  }
0x1e2: {  	s8 =	ssub.s32 s8, s11;
	s0 =	sxor.u32 s10, s21;
	s31 =	sshra.s32 s29, $0x1F  }
0x1e3: {  	s19 =	spop (v2sf);
	s0 =	ssub.s32 s0, s10;
	s1 =	sxor.u32 s31, s29  }
0x1e4: {  	s3 =	spop (v2sf);
	(drf) =	sdiv.u32 s0, s8;
	s8 =	sshra.s32 s19, $0x1F  }
0x1e5: {  	s0 =	ssub.s32 s1, s31;
	s20 =	spop (v2sf);
	s29 =	sshra.s32 s3, $0x1F  }
0x1e6: {  	s2 =	sxor.u32 s8, s19;
	s5 =	sxor.u32 s29, s3;
	s19 =	sshra.s32 s20, $0x1F  }
0x1e7: {  	s7 =	spop (v2sf);
	s1 =	ssub.s32 s2, s8;
	s6 =	sxor.u32 s19, s20  }
0x1e8: {  	(drf) =	sdiv.u32 s1, s0;
	s0 =	ssub.s32 s5, s29;
	s21 =	ssub.s32 s6, s19  }
0x1e9: {  	s1 =	spop (v2sf);
	s6 =	sshra.s32 s7, $0x1F;
	(drf) =	sdiv.u32 s21, s0  }
0x1ea: {  	s2 =	sxor.u32 s6, s7;
	s20 =	spop (v2sf);
	s5 =	sshra.s32 s1, $0x1F  }
0x1eb: {  	s2 =	ssub.s32 s2, s6;
	s0 =	spop (v2sf);
	s3 =	sxor.u32 s5, s1  }
0x1ec: {  	s7 =	sshra.s32 s20, $0x1F;
	s21 =	sshra.s32 s0, $0x1F;
	s1 =	ssub.s32 s3, s5  }
0x1ed: {  	s20 =	sxor.u32 s7, s20;
	s0 =	sxor.u32 s21, s0;
	(drf) =	sdiv.u32 s1, s2  }
0x1ee: {  	s20 =	ssub.s32 s20, s7;
	s2 =	rddreg [dreg:$0x1e];
	s0 =	ssub.s32 s0, s21  }
0x1ef: {  	(drf) =	sdiv.u32 s0, s20;
	s0 =	spop (v2sf)  }
0x1f0: {  	s1 =	sxor.u32 s2, s4;
	s20 =	spop (v2sf)  }
0x1f1: {  	s2 =	sxor.u32 s9, s26;
	s4 =	sshra.s32 s0, $0x1F;
	s9 =	sshra.s32 s20, $0x1F  }
0x1f2: {  	s0 =	sxor.u32 s4, s0;
	s20 =	sxor.u32 s9, s20  }
0x1f3: {  	s3 =	spop (drf);
	s0 =	ssub.s32 s0, s4;
	s20 =	ssub.s32 s20, s9  }
0x1f4: {  	s26 =	sxor.u32 s1, s3;
	s3 =	spop (drf);
	(drf) =	sdiv.u32 s20, s0  }
0x1f5: {  	s0 =	ssub.s32 s26, s1;
	s26 =	sxor.u32 s2, s3;
	s3 =	sld [smem:$0x7F7]  }
0x1f6: {  	s20 =	sld [smem:$0x7F8]  }
0x1f7: {  	s1 =	ssub.s32 s26, s2;
	s26 =	sld [smem:$0x7F9]  }
0x1f8: {  	s25 =	sxor.u32 s30, s25;
	s16 =	sxor.u32 s24, s16;
	s13 =	sxor.u32 s13, s14  }
0x1f9: {  	s24 =	sxor.u32 s22, s23;
	s2 =	sxor.u32 s3, s20;
	s3 =	spop (drf)  }
0x1fa: {  	s10 =	sxor.u32 s11, s10;
	s20 =	sxor.u32 s26, s28;
	s28 =	spop (drf)  }
0x1fb: {  	s5 =	sxor.u32 s6, s5;
	s3 =	sxor.u32 s2, s3;
	s30 =	spop (drf)  }
0x1fc: {  	vm0 =	vcmask $0x300;
	v62 =	vmov s1;
	s26 =	sxor.u32 s20, s28;
	s2 =	ssub.s32 s3, s2;
	s28 =	sxor.u32 s25, s30  }
0x1fd: {  	v10 =	vsel vm0, s0, v62;
	s3 =	ssub.s32 s26, s20;
	s30 =	spop (drf);
	s20 =	ssub.s32 s28, s25  }
0x1fe: {  	v10 =	vsel vm3, s2, v10;
	s25 =	sxor.u32 s17, s15;
	s26 =	spop (drf);
	s30 =	sxor.u32 s16, s30  }
0x1ff: {  	v10 =	vsel vm4, s3, v10;
	s17 =	sxor.u32 s12, s18;
	s28 =	spop (drf);
	s14 =	sxor.u32 s25, s26  }
0x200: {  	s16 =	ssub.s32 s30, s16;
	v10 =	vsel vm5, s20, v10;
	s20 =	sxor.u32 s7, s21;
	s1 =	ssub.s32 s14, s25  }
0x201: {  	s0 =	sxor.u32 s13, s28;
	s18 =	spop (drf);
	s14 =	sxor.u32 s29, s19  }
0x202: {  	v10 =	vsel vm6, s16, v10;
	s0 =	ssub.s32 s0, s13;
	s25 =	spop (drf);
	s12 =	sxor.u32 s17, s18  }
0x203: {  	v10 =	vsel vm7, s1, v10;
	s26 =	spop (drf);
	s11 =	sxor.u32 s24, s25;
	s28 =	ssub.s32 s12, s17  }
0x204: {  	v10 =	vsel vm8, s0, v10;
	s12 =	sxor.u32 s31, s8;
	s2 =	sxor.u32 s10, s26;
	s13 =	spop (drf)  }
0x205: {  	s30 =	ssub.s32 s11, s24;
	v10 =	vsel vm9, s28, v10;
	s11 =	ssub.s32 s2, s10;
	s15 =	spop (drf)  }
0x206: {  	v10 =	vsel vm10, s30, v10;
	s8 =	sxor.u32 s12, s13;
	s16 =	spop (drf);
	s6 =	sxor.u32 s14, s15  }
0x207: {  	v10 =	vsel vm11, s11, v10;
	s17 =	ssub.s32 s8, s12;
	s1 =	ssub.s32 s6, s14;
	s18 =	sxor.u32 s5, s16  }
0x208: {  	v10 =	vsel vm12, s17, v10;
	s21 =	spop (drf);
	s19 =	ssub.s32 s18, s5;
	s5 =	simm.s32 $0x4F00  }
0x209: {  	s23 =	sxor.u32 s4, s9;
	v10 =	vsel vm13, s1, v10;
	s22 =	sxor.u32 s20, s21;
	s24 =	spop (drf);
	v63 =	vld.idx.msk [tilespmem:v7+s5+$0x0], $0xffff  }
0x20a: {  	v10 =	vsel vm14, s19, v10;
	s25 =	ssub.s32 s22, s20;
	s26 =	sxor.u32 s23, s24  }
0x20b: {  	v10 =	vsel vm15, s25, v10;
	s28 =	ssub.s32 s26, s23  }
0x20c: {  	v10 =	vsel vm2, s28, v10  }
0x20d: {  	v9 =	vmul.u32 v10, v9  }
0x20e: {  	s29 =	rddreg [dreg:$0x1b];
	v8 =	vadd.s32 v8, v63  }
0x20f: {  	s30 =	sshra.s32 s29, $0x2;
	v8 =	vsub.s32 v8, v9  }
0x210: {  	s6 =	simm.s32 $0x7680;
	[tilespmem:s30+$0x9F80] =	vst v8  }
0x211: {  	v8 =	vld.idx.msk [tilespmem:v7+s6+$0x0], $0xffff  }
0x212: {  	p0 =	sne.s32 s29, $0xC0  }
.Ltmp5:
0x213: {  	_ = 	snop;
	(pc) =	sbr.rel @p0 .LBB2_5-.Ltmp5, $3  }
0x214: {  	_ =	sdelay $0x1  }
0x215: {  	s4 =	simm.s32 $0x0;
	s31 =	rddreg [dreg:$0x18];
	[tilespmem:s30+$0xA180] =	vst v7;
	v8 =	vadd.s32 v10, v8  }
0x216: {  	s3 =	simm.s32 $0x2780;
	s2 =	sadd.s32 $0x10, s31;
	s1 =	sadd.s32 $0x40, s29;
	[tilespmem:s30+$0xA080] =	vst v8  }
0x217: {  	v7 =	vld [tilespmem:$0x9F80];
	_ =	sdelay $0x4  }
0x218: {  	v8 =	vshll.u32 v7, $0x1  }
0x219: {  	v7 =	vand.u32 $0x7, v7;
	v8 =	vand.u32 $0xFFFFFFF0, v8  }
0x21a: {  	v7 =	vor.u32 v7, v8  }
0x21b: {  	v8 =	vperm.xlane v7, v4  }
0x21c: {  	v9 =	vld [tilespmem:$0x1FFF0]  }
0x21d: {  	v7 =	vperm.xlane v7, v6;
	v8 =	vadd.s32 v5, v8;
	_ =	sdelay $0x1  }
0x21e: {  	v7 =	vadd.s32 v5, v7;
	_ =	sdelay $0x1  }
0x21f: {  	s0 =	rddreg [dreg:$0x8];
	s1 =	simm.s32 $0xE200;
	vm0 =	vnez.u8 v9  }
0x220: {  	[tilespmem:s1], [sflag:$0x2] =	stream.indirect_vreg.gather [hbm4b:s0+s4], $0x80, v8, vm0, $0xb8;
	[tilespmem:$0x1A200] =	vst v63  }
0x221: {  	s2 =	simm.s32 $0xEA00  }
0x222: {  	[tilespmem:s2], [sflag:$0x2] =	stream.indirect_vreg.gather [hbm4b:s0+s4], $0x80, v7, vm0, $0xb8;
	[tilespmem:$0x1A200] =	vst v63  }
0x223: {  	v7 =	vld [tilespmem:$0x9F90];
	_ =	sdelay $0x4  }
0x224: {  	v8 =	vshll.u32 v7, $0x1  }
0x225: {  	v7 =	vand.u32 $0x7, v7;
	v8 =	vand.u32 $0xFFFFFFF0, v8  }
0x226: {  	v7 =	vor.u32 v7, v8  }
0x227: {  	v8 =	vperm.xlane v7, v4;
	_ =	sdelay $0x1  }
0x228: {  	v7 =	vperm.xlane v7, v6;
	v8 =	vadd.s32 v5, v8;
	_ =	sdelay $0x1  }
0x229: {  	v7 =	vadd.s32 v5, v7;
	_ =	sdelay $0x1  }
0x22a: {  	s7 =	simm.s32 $0xF200  }
0x22b: {  	[tilespmem:s7], [sflag:$0x2] =	stream.indirect_vreg.gather [hbm4b:s0+s4], $0x80, v8, vm0, $0xb8;
	[tilespmem:$0x1A200] =	vst v63  }
0x22c: {  	s8 =	simm.s32 $0xFA00  }
0x22d: {  	[tilespmem:s8], [sflag:$0x2] =	stream.indirect_vreg.gather [hbm4b:s0+s4], $0x80, v7, vm0, $0xb8;
	[tilespmem:$0x1A200] =	vst v63  }
0x22e: {  	v7 =	vld [tilespmem:$0x9FA0];
	_ =	sdelay $0x4  }
0x22f: {  	v8 =	vshll.u32 v7, $0x1  }
0x230: {  	v7 =	vand.u32 $0x7, v7;
	v8 =	vand.u32 $0xFFFFFFF0, v8  }
0x231: {  	v7 =	vor.u32 v7, v8  }
0x232: {  	v8 =	vperm.xlane v7, v4;
	_ =	sdelay $0x1  }
0x233: {  	v7 =	vperm.xlane v7, v6;
	v8 =	vadd.s32 v5, v8;
	_ =	sdelay $0x1  }
0x234: {  	v7 =	vadd.s32 v5, v7;
	_ =	sdelay $0x1  }
0x235: {  	s9 =	simm.s32 $0x10200  }
0x236: {  	[tilespmem:s9], [sflag:$0x2] =	stream.indirect_vreg.gather [hbm4b:s0+s4], $0x80, v8, vm0, $0xb8;
	[tilespmem:$0x1A200] =	vst v63  }
0x237: {  	s10 =	simm.s32 $0x10A00  }
0x238: {  	[tilespmem:s10], [sflag:$0x2] =	stream.indirect_vreg.gather [hbm4b:s0+s4], $0x80, v7, vm0, $0xb8;
	[tilespmem:$0x1A200] =	vst v63  }
0x239: {  	v7 =	vld [tilespmem:$0x9FB0];
	_ =	sdelay $0x4  }
0x23a: {  	v8 =	vshll.u32 v7, $0x1  }
0x23b: {  	v7 =	vand.u32 $0x7, v7;
	v8 =	vand.u32 $0xFFFFFFF0, v8  }
0x23c: {  	v7 =	vor.u32 v7, v8  }
0x23d: {  	v8 =	vperm.xlane v7, v4;
	_ =	sdelay $0x1  }
0x23e: {  	v7 =	vperm.xlane v7, v6;
	v8 =	vadd.s32 v5, v8;
	_ =	sdelay $0x1  }
0x23f: {  	v7 =	vadd.s32 v5, v7;
	_ =	sdelay $0x1  }
0x240: {  	s11 =	simm.s32 $0x11200  }
0x241: {  	[tilespmem:s11], [sflag:$0x2] =	stream.indirect_vreg.gather [hbm4b:s0+s4], $0x80, v8, vm0, $0xb8;
	[tilespmem:$0x1A200] =	vst v63  }
0x242: {  	s12 =	simm.s32 $0x11A00  }
0x243: {  	[tilespmem:s12], [sflag:$0x2] =	stream.indirect_vreg.gather [hbm4b:s0+s4], $0x80, v7, vm0, $0xb8;
	[tilespmem:$0x1A200] =	vst v63  }
0x244: {  	v7 =	vld [tilespmem:$0xA080];
	_ =	sdelay $0x4  }
0x245: {  	v8 =	vshll.u32 v7, $0x1  }
0x246: {  	v7 =	vand.u32 $0x7, v7;
	v8 =	vand.u32 $0xFFFFFFF0, v8  }
0x247: {  	v7 =	vor.u32 v7, v8  }
0x248: {  	v8 =	vperm.xlane v7, v4;
	_ =	sdelay $0x1  }
0x249: {  	v7 =	vperm.xlane v7, v6;
	v8 =	vadd.s32 v5, v8;
	_ =	sdelay $0x1  }
0x24a: {  	v7 =	vadd.s32 v5, v7;
	_ =	sdelay $0x1  }
0x24b: {  	s13 =	rddreg [dreg:$0x9];
	s14 =	simm.s32 $0x16200  }
0x24c: {  	[tilespmem:s14], [sflag:$0x4] =	stream.indirect_vreg.gather [hbm4b:s13+s4], $0x80, v8, vm0, $0xb8;
	[tilespmem:$0x1A200] =	vst v63  }
0x24d: {  	s15 =	simm.s32 $0x16A00  }
0x24e: {  	[tilespmem:s15], [sflag:$0x4] =	stream.indirect_vreg.gather [hbm4b:s13+s4], $0x80, v7, vm0, $0xb8;
	[tilespmem:$0x1A200] =	vst v63  }
0x24f: {  	v7 =	vld [tilespmem:$0xA090];
	_ =	sdelay $0x4  }
0x250: {  	v8 =	vshll.u32 v7, $0x1  }
0x251: {  	v7 =	vand.u32 $0x7, v7;
	v8 =	vand.u32 $0xFFFFFFF0, v8  }
0x252: {  	v7 =	vor.u32 v7, v8  }
0x253: {  	v8 =	vperm.xlane v7, v4;
	_ =	sdelay $0x1  }
0x254: {  	v7 =	vperm.xlane v7, v6;
	v8 =	vadd.s32 v5, v8;
	_ =	sdelay $0x1  }
0x255: {  	v7 =	vadd.s32 v5, v7;
	_ =	sdelay $0x1  }
0x256: {  	s16 =	simm.s32 $0x17200  }
0x257: {  	[tilespmem:s16], [sflag:$0x4] =	stream.indirect_vreg.gather [hbm4b:s13+s4], $0x80, v8, vm0, $0xb8;
	[tilespmem:$0x1A200] =	vst v63  }
0x258: {  	s17 =	simm.s32 $0x17A00  }
0x259: {  	[tilespmem:s17], [sflag:$0x4] =	stream.indirect_vreg.gather [hbm4b:s13+s4], $0x80, v7, vm0, $0xb8;
	[tilespmem:$0x1A200] =	vst v63  }
0x25a: {  	v7 =	vld [tilespmem:$0xA0A0];
	_ =	sdelay $0x4  }
0x25b: {  	v8 =	vshll.u32 v7, $0x1  }
0x25c: {  	v7 =	vand.u32 $0x7, v7;
	v8 =	vand.u32 $0xFFFFFFF0, v8  }
0x25d: {  	v7 =	vor.u32 v7, v8  }
0x25e: {  	v8 =	vperm.xlane v7, v4;
	_ =	sdelay $0x1  }
0x25f: {  	v7 =	vperm.xlane v7, v6;
	v8 =	vadd.s32 v5, v8;
	_ =	sdelay $0x1  }
0x260: {  	v7 =	vadd.s32 v5, v7;
	_ =	sdelay $0x1  }
0x261: {  	s18 =	simm.s32 $0x18200  }
0x262: {  	[tilespmem:s18], [sflag:$0x4] =	stream.indirect_vreg.gather [hbm4b:s13+s4], $0x80, v8, vm0, $0xb8;
	[tilespmem:$0x1A200] =	vst v63  }
0x263: {  	s19 =	simm.s32 $0x18A00  }
0x264: {  	[tilespmem:s19], [sflag:$0x4] =	stream.indirect_vreg.gather [hbm4b:s13+s4], $0x80, v7, vm0, $0xb8;
	[tilespmem:$0x1A200] =	vst v63  }
0x265: {  	v7 =	vld [tilespmem:$0xA0B0];
	_ =	sdelay $0x4  }
0x266: {  	v8 =	vshll.u32 v7, $0x1  }
0x267: {  	v7 =	vand.u32 $0x7, v7;
	v8 =	vand.u32 $0xFFFFFFF0, v8  }
0x268: {  	v7 =	vor.u32 v7, v8  }
0x269: {  	v8 =	vperm.xlane v7, v4;
	_ =	sdelay $0x1  }
0x26a: {  	v7 =	vperm.xlane v7, v6;
	v8 =	vadd.s32 v5, v8;
	_ =	sdelay $0x1  }
0x26b: {  	v7 =	vadd.s32 v5, v7;
	_ =	sdelay $0x1  }
0x26c: {  	s20 =	simm.s32 $0x19200  }
0x26d: {  	[tilespmem:s20], [sflag:$0x4] =	stream.indirect_vreg.gather [hbm4b:s13+s4], $0x80, v8, vm0, $0xb8;
	[tilespmem:$0x1A200] =	vst v63  }
0x26e: {  	s21 =	simm.s32 $0x19A00;
	s22 =	simm.s32 $0x1  }
0x26f: {  	[tilespmem:s21], [sflag:$0x4] =	stream.indirect_vreg.gather [hbm4b:s13+s4], $0x80, v7, vm0, $0xb8;
	[tilespmem:$0x1A200] =	vst v63  }
0x270: {  	_ =	swait.ge [sflag:s22], $0x4000  }
0x271: {  	[sflag:s22] =	ssyncset.done $0x0  }
0x272: {  	s2 =	simm.s32 $0x3;
	[sflag:s22] =	ssyncadd.s32 $0xFFFFC000  }
0x273: {  	_ =	swait.ge [sflag:s2], $0x4000  }
0x274: {  	s23 =	rddreg [dreg:$0xd]  }
0x275: {  	s24 =	rddreg [dreg:$0x16]  }
0x276: {  	s28 =	simm.s32 $0x12200;
	s7 =	simm.s32 $0xA200;
	s0 =	sor.u32 s23, s24  }
0x277: {  	[sflag:s2] =	ssyncset.done $0x0;
	s25 =	rddreg [dreg:$0xa];
	s1 =	sshll.u32 s0, $0x5  }
0x278: {  	s26 =	rddreg [dreg:$0xb];
	[sflag:s2] =	ssyncadd.s32 $0xFFFFC000;
	s2 =	sadd.s32 s25, s1  }
0x279: {  	[hbm4b:s2+s4] =	stream.linear.scatter [tilespmem:s7], [sflag:$0x5], $0x4000, $0x38;
	[tilespmem:$0x1A200] =	vst v63  }
0x27a: {  	s29 =	rddreg [dreg:$0xc];
	s0 =	sshrl.u32 s0, $0x3;
	s1 =	sadd.s32 s26, s1  }
0x27b: {  	[hbm4b:s1+s4] =	stream.linear.scatter [tilespmem:s28], [sflag:$0x7], $0x4000, $0x38;
	[tilespmem:$0x1A200] =	vst v63  }
0x27c: {  	s30 =	simm.s32 $0xA100;
	s31 =	simm.s32 $0x9;
	s0 =	sadd.s32 s29, s0  }
0x27d: {  	[hbm4b:s0+s4] =	stream.linear.scatter [tilespmem:s30], [sflag:$0x9], $0x40, $0x38;
	[tilespmem:$0x1A200] =	vst v63  }
0x27e: {  	_ =	swait.ge [sflag:s31], $0x40  }
0x27f: {  	s7 =	rddreg [dreg:$0x12]  }
0x280: {  	p0 =	seq.s32 s7, $0xFF  }
.Ltmp6:
0x281: {  	_ = 	snop;
	(pc) =	sbr.rel @p0 .LBB2_10-.Ltmp6, $3  }
0x282: {  	_ =	sdelay $0x1  }
0x283: {  	[sflag:s31] =	ssyncset.done $0x0  }
0x284: {  	vm1 =	vmmov vm3;
	[sflag:s31] =	ssyncadd.s32 $0xFFFFFFC0  }
0x285: {  	s0 =	simm.s32 $0x5  }
0x286: {  	_ =	swait.ge [sflag:s0], $0x4000  }
0x287: {  	vm4 =	vcmask $0xB08;
	[sflag:s0] =	ssyncset.done $0x0  }
0x288: {  	s31 =	simm.s32 $0x7;
	vm5 =	vcmask $0xF0C;
	vm6 =	vcmask $0x1310;
	vm7 =	vcmask $0x1714;
	[sflag:s0] =	ssyncadd.s32 $0xFFFFC000  }
0x289: {  	vm8 =	vcmask $0x1B18;
	vm9 =	vcmask $0x1F1C;
	vm10 =	vcmask $0x2320;
	_ =	swait.ge [sflag:s31], $0x4000  }
0x28a: {  	vm11 =	vcmask $0x2724;
	vm12 =	vcmask $0x2B28;
	vm13 =	vcmask $0x2F2C;
	[sflag:s31] =	ssyncset.done $0x0  }
0x28b: {  	s1 =	simm.s32 $0x0;
	vm14 =	vcmask $0x3330;
	vm15 =	vcmask $0x3734;
	vm2 =	vcmask $0x3B38;
	s0 =	rddreg [dreg:$0x13];
	[sflag:s31] =	ssyncadd.s32 $0xFFFFC000  }
.LBB2_8:
0x28c: {  	v7 =	vld [tilespmem:$0x9E00]  }
0x28d: {  	v8 =	vld [tilespmem:$0x9E80];
	_ =	sdelay $0x2  }
0x28e: {  	v9 =	vld.idx.msk [tilespmem:v1+s4+$0x0], $0xffff  }
0x28f: {  	v7 =	vadd.s32 s0, v7  }
0x290: {  	v8 =	vadd.s32 $0xFFFFFFFF, v8;
	v7 =	vadd.s32 v0, v7  }
0x291: {  	vm0 =	vlt.s32 v7, v8  }
0x292: {  	v8 =	vsel vm0, v7, v8  }
0x293: {  	vm0 =	vgt.s32 v9, v8  }
0x294: {  	v7 =	vsel vm0, $0x9C4, v3;
	_ =	sdelay $0x4  }
0x295: {  	v46 =	vld.idx.msk [tilespmem:v7+s4+$0x0], $0xffff;
	_ =	sdelay $0x4  }
0x296: {  	v10 =	vsel vm0, $0x1388, v2;
	vm1 =	vgt.s32 v46, v8  }
0x297: {  	v47 =	vsel vm0, $0x0, v1;
	v10 =	vsel vm1, v7, v10  }
0x298: {  	v7 =	vsel vm1, v47, v7;
	v48 =	vadd.s32 $0xFFFFFFFF, v10  }
0x299: {  	v9 =	vadd.s32 v48, v7  }
0x29a: {  	v9 =	vadd.s32 $0x1, v9  }
0x29b: {  	v9 =	vshrl.u32 v9, $0x1;
	_ =	sdelay $0x4  }
0x29c: {  	v11 =	vld.idx.msk [tilespmem:v9+s4+$0x0], $0xffff;
	_ =	sdelay $0x4  }
0x29d: {  	vm0 =	vgt.s32 v11, v8  }
0x29e: {  	v7 =	vsel vm0, v7, v9;
	v9 =	vsel vm0, v9, v10  }
0x29f: {  	v10 =	vadd.s32 v9, v7  }
0x2a0: {  	v10 =	vshrl.u32 v10, $0x1;
	_ =	sdelay $0x4  }
0x2a1: {  	v49 =	vld.idx.msk [tilespmem:v10+s4+$0x0], $0xffff;
	_ =	sdelay $0x4  }
0x2a2: {  	vm0 =	vgt.s32 v49, v8  }
0x2a3: {  	v7 =	vsel vm0, v7, v10;
	v9 =	vsel vm0, v10, v9  }
0x2a4: {  	v10 =	vadd.s32 v9, v7  }
0x2a5: {  	v10 =	vshrl.u32 v10, $0x1;
	_ =	sdelay $0x4  }
0x2a6: {  	v50 =	vld.idx.msk [tilespmem:v10+s4+$0x0], $0xffff;
	_ =	sdelay $0x4  }
0x2a7: {  	vm0 =	vgt.s32 v50, v8  }
0x2a8: {  	v7 =	vsel vm0, v7, v10;
	v9 =	vsel vm0, v10, v9  }
0x2a9: {  	v10 =	vadd.s32 v9, v7  }
0x2aa: {  	v10 =	vshrl.u32 v10, $0x1;
	_ =	sdelay $0x4  }
0x2ab: {  	v51 =	vld.idx.msk [tilespmem:v10+s4+$0x0], $0xffff;
	_ =	sdelay $0x4  }
0x2ac: {  	vm0 =	vgt.s32 v51, v8  }
0x2ad: {  	v7 =	vsel vm0, v7, v10;
	v9 =	vsel vm0, v10, v9  }
0x2ae: {  	v10 =	vadd.s32 v9, v7  }
0x2af: {  	v10 =	vshrl.u32 v10, $0x1;
	_ =	sdelay $0x4  }
0x2b0: {  	v52 =	vld.idx.msk [tilespmem:v10+s4+$0x0], $0xffff;
	_ =	sdelay $0x4  }
0x2b1: {  	vm0 =	vgt.s32 v52, v8  }
0x2b2: {  	v7 =	vsel vm0, v7, v10;
	v9 =	vsel vm0, v10, v9  }
0x2b3: {  	v10 =	vadd.s32 v9, v7  }
0x2b4: {  	v10 =	vshrl.u32 v10, $0x1;
	_ =	sdelay $0x4  }
0x2b5: {  	v53 =	vld.idx.msk [tilespmem:v10+s4+$0x0], $0xffff;
	_ =	sdelay $0x4  }
0x2b6: {  	vm0 =	vgt.s32 v53, v8  }
0x2b7: {  	v7 =	vsel vm0, v7, v10;
	v9 =	vsel vm0, v10, v9  }
0x2b8: {  	v10 =	vadd.s32 v9, v7  }
0x2b9: {  	v10 =	vshrl.u32 v10, $0x1;
	_ =	sdelay $0x4  }
0x2ba: {  	v54 =	vld.idx.msk [tilespmem:v10+s4+$0x0], $0xffff;
	_ =	sdelay $0x4  }
0x2bb: {  	vm0 =	vgt.s32 v54, v8  }
0x2bc: {  	v7 =	vsel vm0, v7, v10;
	v9 =	vsel vm0, v10, v9  }
0x2bd: {  	v10 =	vadd.s32 v9, v7  }
0x2be: {  	v10 =	vshrl.u32 v10, $0x1;
	_ =	sdelay $0x4  }
0x2bf: {  	v55 =	vld.idx.msk [tilespmem:v10+s4+$0x0], $0xffff;
	_ =	sdelay $0x4  }
0x2c0: {  	vm0 =	vgt.s32 v55, v8  }
0x2c1: {  	v7 =	vsel vm0, v7, v10;
	v9 =	vsel vm0, v10, v9  }
0x2c2: {  	v10 =	vadd.s32 v9, v7  }
0x2c3: {  	v10 =	vshrl.u32 v10, $0x1;
	_ =	sdelay $0x4  }
0x2c4: {  	v56 =	vld.idx.msk [tilespmem:v10+s4+$0x0], $0xffff;
	_ =	sdelay $0x4  }
0x2c5: {  	vm0 =	vgt.s32 v56, v8  }
0x2c6: {  	v7 =	vsel vm0, v7, v10;
	v9 =	vsel vm0, v10, v9  }
0x2c7: {  	v10 =	vadd.s32 v9, v7  }
0x2c8: {  	v10 =	vshrl.u32 v10, $0x1;
	_ =	sdelay $0x4  }
0x2c9: {  	v57 =	vld.idx.msk [tilespmem:v10+s4+$0x0], $0xffff;
	_ =	sdelay $0x4  }
0x2ca: {  	vm0 =	vgt.s32 v57, v8  }
0x2cb: {  	v7 =	vsel vm0, v7, v10;
	v9 =	vsel vm0, v10, v9  }
0x2cc: {  	v10 =	vadd.s32 v9, v7  }
0x2cd: {  	v10 =	vshrl.u32 v10, $0x1;
	_ =	sdelay $0x4  }
0x2ce: {  	v58 =	vld.idx.msk [tilespmem:v10+s4+$0x0], $0xffff;
	_ =	sdelay $0x4  }
0x2cf: {  	vm0 =	vgt.s32 v58, v8  }
0x2d0: {  	v7 =	vsel vm0, v7, v10;
	v9 =	vsel vm0, v10, v9  }
0x2d1: {  	v9 =	vadd.s32 v9, v7  }
0x2d2: {  	v9 =	vshrl.u32 v9, $0x1;
	_ =	sdelay $0x4  }
0x2d3: {  	v59 =	vld.idx.msk [tilespmem:v9+s4+$0x0], $0xffff;
	_ =	sdelay $0x4  }
0x2d4: {  	vm0 =	vgt.s32 v59, v8  }
0x2d5: {  	v7 =	vsel vm0, v7, v9  }
0x2d6: {  	v7 =	vmin.u32 v7, $0x270F;
	_ =	sdelay $0x4  }
0x2d7: {  	v60 =	vld.idx.msk [tilespmem:v7+s3+$0x0], $0xffff;
	_ =	sdelay $0x1  }
0x2d8: {  	v61 =	vld.idx.msk [tilespmem:v7+s4+$0x0], $0xffff;
	_ =	sdelay $0x2  }
0x2d9: {  	vm0 =	vgt.s32 v60, $0x1  }
0x2da: {  	v9 =	vnsel vm0, $0x1, v60  }
0x2db: {  	v8 =	vsub.s32 v8, v61;
	(v2sf) =	vpush v9, $0x0  }
0x2dc: {  	(v2sf) =	vpush v8, $0x0  }
0x2dd: {  	(v2sf) =	vpush v9, $0xF  }
0x2de: {  	(v2sf) =	vpush v8, $0xF;
	_ =	sdelay $0x1  }
0x2df: {  	(v2sf) =	vpush v9, $0x1  }
0x2e0: {  	(v2sf) =	vpush v8, $0x1;
	_ =	sdelay $0x1  }
0x2e1: {  	(v2sf) =	vpush v9, $0x2  }
0x2e2: {  	(v2sf) =	vpush v8, $0x2;
	_ =	sdelay $0x2  }
0x2e3: {  	(v2sf) =	vpush v9, $0x3  }
0x2e4: {  	(v2sf) =	vpush v8, $0x3;
	_ =	sdelay $0x1  }
0x2e5: {  	[dreg:$0x1c] =	wrdreg s0;
	(v2sf) =	vpush v9, $0x4;
	s17 =	spop (v2sf)  }
0x2e6: {  	[dreg:$0x19] =	wrdreg s1;
	(v2sf) =	vpush v8, $0x4;
	s2 =	spop (v2sf);
	s19 =	sshra.s32 s17, $0x1F  }
0x2e7: {  	s18 =	spop (v2sf);
	[dreg:$0x1f] =	wrdreg s19  }
0x2e8: {  	(v2sf) =	vpush v9, $0x5;
	s4 =	sshra.s32 s2, $0x1F;
	s1 =	sxor.u32 s19, s17;
	s5 =	spop (v2sf)  }
0x2e9: {  	(v2sf) =	vpush v8, $0x5;
	s2 =	sxor.u32 s4, s2;
	s1 =	ssub.s32 s1, s19;
	s9 =	sshra.s32 s18, $0x1F  }
0x2ea: {  	s6 =	spop (v2sf);
	s2 =	ssub.s32 s2, s4;
	s20 =	sxor.u32 s9, s18  }
0x2eb: {  	(v2sf) =	vpush v9, $0x6;
	s25 =	sshra.s32 s5, $0x1F;
	s7 =	spop (v2sf);
	(drf) =	sdiv.u32 s2, s1  }
0x2ec: {  	(v2sf) =	vpush v8, $0x6;
	s1 =	ssub.s32 s20, s9;
	s21 =	sxor.u32 s25, s5;
	s23 =	sshra.s32 s6, $0x1F  }
0x2ed: {  	(v2sf) =	vpush v9, $0x7;
	s22 =	spop (v2sf);
	s2 =	ssub.s32 s21, s25;
	[smem:$0x7F4] =	sst s23  }
0x2ee: {  	s28 =	sxor.u32 s23, s6;
	s29 =	sshra.s32 s7, $0x1F;
	s24 =	spop (v2sf)  }
0x2ef: {  	(drf) =	sdiv.u32 s2, s1;
	s1 =	ssub.s32 s28, s23;
	s30 =	smov.u32 s29  }
0x2f0: {  	(v2sf) =	vpush v8, $0x7;
	[smem:$0x7F5] =	sst s29;
	s2 =	sxor.u32 s29, s7;
	s7 =	sshra.s32 s22, $0x1F  }
0x2f1: {  	(v2sf) =	vpush v9, $0x8;
	s31 =	spop (v2sf);
	s2 =	ssub.s32 s2, s30;
	[smem:$0x7F6] =	sst s7  }
0x2f2: {  	(v2sf) =	vpush v8, $0x8;
	s10 =	sxor.u32 s7, s22;
	s26 =	sshra.s32 s24, $0x1F;
	s8 =	spop (v2sf)  }
0x2f3: {  	(v2sf) =	vpush v9, $0x9;
	(drf) =	sdiv.u32 s2, s1;
	s1 =	ssub.s32 s10, s7;
	s10 =	sxor.u32 s26, s24  }
0x2f4: {  	s28 =	sshra.s32 s31, $0x1F;
	s11 =	spop (v2sf);
	s24 =	sshra.s32 s8, $0x1F  }
0x2f5: {  	s10 =	ssub.s32 s10, s26;
	s6 =	sxor.u32 s28, s31;
	s12 =	spop (v2sf)  }
0x2f6: {  	s8 =	sxor.u32 s24, s8;
	(drf) =	sdiv.u32 s10, s1;
	s13 =	ssub.s32 s6, s28  }
0x2f7: {  	s23 =	sshra.s32 s11, $0x1F;
	s14 =	ssub.s32 s8, s24;
	s15 =	spop (v2sf);
	(v2sf) =	vpush v8, $0x9  }
0x2f8: {  	s16 =	sshra.s32 s12, $0x1F;
	s2 =	sxor.u32 s23, s11;
	s18 =	spop (v2sf);
	(v2sf) =	vpush v9, $0xA  }
0x2f9: {  	(drf) =	sdiv.u32 s14, s13;
	s3 =	sxor.u32 s16, s12;
	s2 =	ssub.s32 s2, s23  }
0x2fa: {  	s3 =	ssub.s32 s3, s16;
	s17 =	sshra.s32 s15, $0x1F;
	s19 =	spop (v2sf);
	(v2sf) =	vpush v8, $0xA  }
0x2fb: {  	s1 =	sxor.u32 s17, s15;
	s15 =	sshra.s32 s18, $0x1F;
	s21 =	spop (v2sf);
	(v2sf) =	vpush v9, $0xB  }
0x2fc: {  	(drf) =	sdiv.u32 s3, s2;
	s20 =	sxor.u32 s15, s18;
	s22 =	spop (v2sf);
	(v2sf) =	vpush v8, $0xB  }
0x2fd: {  	s1 =	ssub.s32 s1, s17;
	s13 =	sshra.s32 s19, $0x1F;
	s2 =	ssub.s32 s20, s15  }
0x2fe: {  	s29 =	sxor.u32 s13, s19;
	s14 =	sshra.s32 s21, $0x1F;
	(drf) =	sdiv.u32 s2, s1  }
0x2ff: {  	s1 =	ssub.s32 s29, s13;
	s30 =	sxor.u32 s14, s21;
	s31 =	spop (v2sf);
	(v2sf) =	vpush v9, $0xC  }
0x300: {  	s12 =	sshra.s32 s22, $0x1F;
	s2 =	ssub.s32 s30, s14;
	s0 =	spop (v2sf);
	(v2sf) =	vpush v8, $0xC  }
0x301: {  	s5 =	sxor.u32 s12, s22;
	s18 =	sshra.s32 s31, $0x1F;
	s6 =	spop (v2sf);
	(v2sf) =	vpush v9, $0xD  }
0x302: {  	(drf) =	sdiv.u32 s2, s1;
	s1 =	ssub.s32 s5, s12;
	s7 =	spop (v2sf);
	(v2sf) =	vpush v8, $0xD  }
0x303: {  	s3 =	sxor.u32 s18, s31;
	s22 =	sshra.s32 s0, $0x1F;
	s30 =	sshra.s32 s6, $0x1F  }
0x304: {  	s3 =	ssub.s32 s3, s18;
	s10 =	sxor.u32 s22, s0;
	s2 =	sxor.u32 s30, s6  }
0x305: {  	(drf) =	sdiv.u32 s3, s1;
	s19 =	ssub.s32 s10, s22;
	s11 =	sshra.s32 s7, $0x1F  }
0x306: {  	s2 =	ssub.s32 s2, s30;
	s8 =	sxor.u32 s11, s7;
	s20 =	spop (v2sf);
	(v2sf) =	vpush v9, $0xE  }
0x307: {  	(drf) =	sdiv.u32 s2, s19;
	s10 =	sshra.s32 s20, $0x1F;
	s21 =	spop (v2sf);
	(v2sf) =	vpush v8, $0xE  }
0x308: {  	s8 =	ssub.s32 s8, s11;
	s1 =	sxor.u32 s10, s20;
	s31 =	sshra.s32 s21, $0x1F  }
0x309: {  	s19 =	spop (v2sf);
	s1 =	ssub.s32 s1, s10;
	s29 =	sxor.u32 s31, s21  }
0x30a: {  	s2 =	spop (v2sf);
	(drf) =	sdiv.u32 s1, s8;
	s8 =	sshra.s32 s19, $0x1F  }
0x30b: {  	s1 =	ssub.s32 s29, s31;
	s20 =	spop (v2sf);
	s29 =	sshra.s32 s2, $0x1F  }
0x30c: {  	s0 =	sxor.u32 s8, s19;
	s5 =	sxor.u32 s29, s2;
	s19 =	sshra.s32 s20, $0x1F  }
0x30d: {  	s3 =	ssub.s32 s0, s8;
	s6 =	ssub.s32 s5, s29;
	s21 =	sxor.u32 s19, s20  }
0x30e: {  	s0 =	spop (v2sf);
	(drf) =	sdiv.u32 s3, s1;
	s21 =	ssub.s32 s21, s19  }
0x30f: {  	s1 =	spop (v2sf);
	s7 =	sshra.s32 s0, $0x1F;
	(drf) =	sdiv.u32 s21, s6  }
0x310: {  	s2 =	sxor.u32 s7, s0;
	s20 =	spop (v2sf);
	s6 =	sshra.s32 s1, $0x1F  }
0x311: {  	s2 =	ssub.s32 s2, s7;
	s0 =	spop (v2sf);
	s3 =	sxor.u32 s6, s1  }
0x312: {  	s5 =	sshra.s32 s20, $0x1F;
	s21 =	sshra.s32 s0, $0x1F;
	s1 =	ssub.s32 s3, s6  }
0x313: {  	s20 =	sxor.u32 s5, s20;
	s0 =	sxor.u32 s21, s0;
	(drf) =	sdiv.u32 s1, s2  }
0x314: {  	s20 =	ssub.s32 s20, s5;
	s2 =	rddreg [dreg:$0x1f];
	s0 =	ssub.s32 s0, s21  }
0x315: {  	(drf) =	sdiv.u32 s0, s20;
	s0 =	spop (v2sf)  }
0x316: {  	s1 =	sxor.u32 s2, s4;
	s20 =	spop (v2sf)  }
0x317: {  	s2 =	sxor.u32 s9, s25;
	s4 =	sshra.s32 s0, $0x1F;
	s9 =	sshra.s32 s20, $0x1F  }
0x318: {  	s0 =	sxor.u32 s4, s0;
	s20 =	sxor.u32 s9, s20  }
0x319: {  	s3 =	spop (drf);
	s0 =	ssub.s32 s0, s4;
	s20 =	ssub.s32 s20, s9  }
0x31a: {  	s25 =	sxor.u32 s1, s3;
	s3 =	spop (drf);
	(drf) =	sdiv.u32 s20, s0  }
0x31b: {  	s0 =	ssub.s32 s25, s1;
	s25 =	sxor.u32 s2, s3;
	s3 =	sld [smem:$0x7F4]  }
0x31c: {  	s20 =	sld [smem:$0x7F5]  }
0x31d: {  	s1 =	ssub.s32 s25, s2;
	s25 =	sld [smem:$0x7F6]  }
0x31e: {  	s24 =	sxor.u32 s28, s24;
	s16 =	sxor.u32 s23, s16;
	s13 =	sxor.u32 s13, s14  }
0x31f: {  	s18 =	sxor.u32 s12, s18;
	s2 =	sxor.u32 s3, s20;
	s3 =	spop (drf)  }
0x320: {  	s10 =	sxor.u32 s11, s10;
	s20 =	sxor.u32 s25, s26;
	s26 =	spop (drf)  }
0x321: {  	s6 =	sxor.u32 s7, s6;
	s3 =	sxor.u32 s2, s3;
	s28 =	spop (drf)  }
0x322: {  	vm0 =	vcmask $0x300;
	v62 =	vmov s1;
	s25 =	sxor.u32 s20, s26;
	s2 =	ssub.s32 s3, s2;
	s26 =	sxor.u32 s24, s28  }
0x323: {  	v10 =	vsel vm0, s0, v62;
	s3 =	ssub.s32 s25, s20;
	s28 =	spop (drf);
	s20 =	ssub.s32 s26, s24  }
0x324: {  	v10 =	vsel vm3, s2, v10;
	s24 =	sxor.u32 s17, s15;
	s25 =	spop (drf);
	s28 =	sxor.u32 s16, s28  }
0x325: {  	v10 =	vsel vm4, s3, v10;
	s26 =	spop (drf);
	s14 =	sxor.u32 s24, s25;
	s17 =	ssub.s32 s28, s16  }
0x326: {  	v10 =	vsel vm5, s20, v10;
	s20 =	sxor.u32 s5, s21;
	s5 =	simm.s32 $0x4F00;
	s1 =	ssub.s32 s14, s24  }
0x327: {  	s0 =	sxor.u32 s13, s26;
	s23 =	spop (drf);
	s24 =	sxor.u32 s22, s30  }
0x328: {  	v10 =	vsel vm6, s17, v10;
	s14 =	sxor.u32 s29, s19;
	s0 =	ssub.s32 s0, s13;
	s25 =	spop (drf)  }
0x329: {  	s12 =	sxor.u32 s18, s23;
	v10 =	vsel vm7, s1, v10;
	s23 =	sxor.u32 s4, s9;
	s26 =	spop (drf)  }
0x32a: {  	s11 =	sxor.u32 s24, s25;
	s28 =	ssub.s32 s12, s18;
	v10 =	vsel vm8, s0, v10;
	s12 =	sxor.u32 s31, s8  }
0x32b: {  	s30 =	ssub.s32 s11, s24;
	s2 =	sxor.u32 s10, s26;
	s13 =	spop (drf);
	v10 =	vsel vm9, s28, v10  }
0x32c: {  	s11 =	ssub.s32 s2, s10;
	s15 =	spop (drf);
	v10 =	vsel vm10, s30, v10;
	s8 =	sxor.u32 s12, s13  }
0x32d: {  	s16 =	spop (drf);
	s7 =	sxor.u32 s14, s15;
	v10 =	vsel vm11, s11, v10;
	s17 =	ssub.s32 s8, s12  }
0x32e: {  	s1 =	ssub.s32 s7, s14;
	s18 =	sxor.u32 s6, s16;
	v10 =	vsel vm12, s17, v10;
	s21 =	spop (drf)  }
0x32f: {  	v63 =	vld.idx.msk [tilespmem:v7+s5+$0x0], $0xffff;
	s19 =	ssub.s32 s18, s6;
	v10 =	vsel vm13, s1, v10;
	s22 =	sxor.u32 s20, s21;
	s24 =	spop (drf)  }
0x330: {  	v10 =	vsel vm14, s19, v10;
	s25 =	ssub.s32 s22, s20;
	s26 =	sxor.u32 s23, s24  }
0x331: {  	v10 =	vsel vm15, s25, v10;
	s28 =	ssub.s32 s26, s23  }
0x332: {  	v10 =	vsel vm2, s28, v10  }
0x333: {  	v9 =	vmul.u32 v10, v9  }
0x334: {  	s29 =	rddreg [dreg:$0x19];
	v8 =	vadd.s32 v8, v63  }
0x335: {  	s30 =	sshra.s32 s29, $0x2;
	v8 =	vsub.s32 v8, v9  }
0x336: {  	s6 =	simm.s32 $0x7680;
	[tilespmem:s30+$0x9F00] =	vst v8  }
0x337: {  	v8 =	vld.idx.msk [tilespmem:v7+s6+$0x0], $0xffff  }
0x338: {  	p0 =	sne.s32 s29, $0xC0  }
.Ltmp7:
0x339: {  	_ = 	snop;
	(pc) =	sbr.rel @p0 .LBB2_8-.Ltmp7, $3  }
0x33a: {  	_ =	sdelay $0x1  }
0x33b: {  	s3 =	simm.s32 $0x2780;
	s31 =	rddreg [dreg:$0x1c];
	[tilespmem:s30+$0xA100] =	vst v7;
	v8 =	vadd.s32 v10, v8  }
0x33c: {  	s4 =	simm.s32 $0x0;
	s0 =	sadd.s32 $0x10, s31;
	s1 =	sadd.s32 $0x40, s29;
	[tilespmem:s30+$0xA000] =	vst v8  }
0x33d: {  	v7 =	vld [tilespmem:$0x9F00];
	_ =	sdelay $0x4  }
0x33e: {  	v8 =	vshll.u32 v7, $0x1  }
0x33f: {  	v7 =	vand.u32 $0x7, v7;
	v8 =	vand.u32 $0xFFFFFFF0, v8  }
0x340: {  	v7 =	vor.u32 v7, v8  }
0x341: {  	v8 =	vperm.xlane v7, v4  }
0x342: {  	v9 =	vld [tilespmem:$0x1FFF0]  }
0x343: {  	v7 =	vperm.xlane v7, v6;
	v8 =	vadd.s32 v5, v8;
	_ =	sdelay $0x1  }
0x344: {  	v7 =	vadd.s32 v5, v7;
	_ =	sdelay $0x1  }
0x345: {  	s0 =	rddreg [dreg:$0x8];
	s1 =	simm.s32 $0xA200;
	vm0 =	vnez.u8 v9  }
0x346: {  	[tilespmem:s1], [sflag:$0x1] =	stream.indirect_vreg.gather [hbm4b:s0+s4], $0x80, v8, vm0, $0xb8;
	[tilespmem:$0x1A200] =	vst v63  }
0x347: {  	s15 =	simm.s32 $0xAA00  }
0x348: {  	[tilespmem:s15], [sflag:$0x1] =	stream.indirect_vreg.gather [hbm4b:s0+s4], $0x80, v7, vm0, $0xb8;
	[tilespmem:$0x1A200] =	vst v63  }
0x349: {  	v7 =	vld [tilespmem:$0x9F10];
	_ =	sdelay $0x4  }
0x34a: {  	v8 =	vshll.u32 v7, $0x1  }
0x34b: {  	v7 =	vand.u32 $0x7, v7;
	v8 =	vand.u32 $0xFFFFFFF0, v8  }
0x34c: {  	v7 =	vor.u32 v7, v8  }
0x34d: {  	v8 =	vperm.xlane v7, v4;
	_ =	sdelay $0x1  }
0x34e: {  	v7 =	vperm.xlane v7, v6;
	v8 =	vadd.s32 v5, v8;
	_ =	sdelay $0x1  }
0x34f: {  	v7 =	vadd.s32 v5, v7;
	_ =	sdelay $0x1  }
0x350: {  	s16 =	simm.s32 $0xB200  }
0x351: {  	[tilespmem:s16], [sflag:$0x1] =	stream.indirect_vreg.gather [hbm4b:s0+s4], $0x80, v8, vm0, $0xb8;
	[tilespmem:$0x1A200] =	vst v63  }
0x352: {  	s17 =	simm.s32 $0xBA00  }
0x353: {  	[tilespmem:s17], [sflag:$0x1] =	stream.indirect_vreg.gather [hbm4b:s0+s4], $0x80, v7, vm0, $0xb8;
	[tilespmem:$0x1A200] =	vst v63  }
0x354: {  	v7 =	vld [tilespmem:$0x9F20];
	_ =	sdelay $0x4  }
0x355: {  	v8 =	vshll.u32 v7, $0x1  }
0x356: {  	v7 =	vand.u32 $0x7, v7;
	v8 =	vand.u32 $0xFFFFFFF0, v8  }
0x357: {  	v7 =	vor.u32 v7, v8  }
0x358: {  	v8 =	vperm.xlane v7, v4;
	_ =	sdelay $0x1  }
0x359: {  	v7 =	vperm.xlane v7, v6;
	v8 =	vadd.s32 v5, v8;
	_ =	sdelay $0x1  }
0x35a: {  	v7 =	vadd.s32 v5, v7;
	_ =	sdelay $0x1  }
0x35b: {  	s18 =	simm.s32 $0xC200  }
0x35c: {  	[tilespmem:s18], [sflag:$0x1] =	stream.indirect_vreg.gather [hbm4b:s0+s4], $0x80, v8, vm0, $0xb8;
	[tilespmem:$0x1A200] =	vst v63  }
0x35d: {  	s19 =	simm.s32 $0xCA00  }
0x35e: {  	[tilespmem:s19], [sflag:$0x1] =	stream.indirect_vreg.gather [hbm4b:s0+s4], $0x80, v7, vm0, $0xb8;
	[tilespmem:$0x1A200] =	vst v63  }
0x35f: {  	v7 =	vld [tilespmem:$0x9F30];
	_ =	sdelay $0x4  }
0x360: {  	v8 =	vshll.u32 v7, $0x1  }
0x361: {  	v7 =	vand.u32 $0x7, v7;
	v8 =	vand.u32 $0xFFFFFFF0, v8  }
0x362: {  	v7 =	vor.u32 v7, v8  }
0x363: {  	v8 =	vperm.xlane v7, v4;
	_ =	sdelay $0x1  }
0x364: {  	v7 =	vperm.xlane v7, v6;
	v8 =	vadd.s32 v5, v8;
	_ =	sdelay $0x1  }
0x365: {  	v7 =	vadd.s32 v5, v7;
	_ =	sdelay $0x1  }
0x366: {  	s20 =	simm.s32 $0xD200  }
0x367: {  	[tilespmem:s20], [sflag:$0x1] =	stream.indirect_vreg.gather [hbm4b:s0+s4], $0x80, v8, vm0, $0xb8;
	[tilespmem:$0x1A200] =	vst v63  }
0x368: {  	s21 =	simm.s32 $0xDA00  }
0x369: {  	[tilespmem:s21], [sflag:$0x1] =	stream.indirect_vreg.gather [hbm4b:s0+s4], $0x80, v7, vm0, $0xb8;
	[tilespmem:$0x1A200] =	vst v63  }
0x36a: {  	v7 =	vld [tilespmem:$0xA000];
	_ =	sdelay $0x4  }
0x36b: {  	v8 =	vshll.u32 v7, $0x1  }
0x36c: {  	v7 =	vand.u32 $0x7, v7;
	v8 =	vand.u32 $0xFFFFFFF0, v8  }
0x36d: {  	v7 =	vor.u32 v7, v8  }
0x36e: {  	v8 =	vperm.xlane v7, v4;
	_ =	sdelay $0x1  }
0x36f: {  	v7 =	vperm.xlane v7, v6;
	v8 =	vadd.s32 v5, v8;
	_ =	sdelay $0x1  }
0x370: {  	v7 =	vadd.s32 v5, v7;
	_ =	sdelay $0x1  }
0x371: {  	s22 =	rddreg [dreg:$0x9];
	s23 =	simm.s32 $0x12200  }
0x372: {  	[tilespmem:s23], [sflag:$0x3] =	stream.indirect_vreg.gather [hbm4b:s22+s4], $0x80, v8, vm0, $0xb8;
	[tilespmem:$0x1A200] =	vst v63  }
0x373: {  	s24 =	simm.s32 $0x12A00  }
0x374: {  	[tilespmem:s24], [sflag:$0x3] =	stream.indirect_vreg.gather [hbm4b:s22+s4], $0x80, v7, vm0, $0xb8;
	[tilespmem:$0x1A200] =	vst v63  }
0x375: {  	v7 =	vld [tilespmem:$0xA010];
	_ =	sdelay $0x4  }
0x376: {  	v8 =	vshll.u32 v7, $0x1  }
0x377: {  	v7 =	vand.u32 $0x7, v7;
	v8 =	vand.u32 $0xFFFFFFF0, v8  }
0x378: {  	v7 =	vor.u32 v7, v8  }
0x379: {  	v8 =	vperm.xlane v7, v4;
	_ =	sdelay $0x1  }
0x37a: {  	v7 =	vperm.xlane v7, v6;
	v8 =	vadd.s32 v5, v8;
	_ =	sdelay $0x1  }
0x37b: {  	v7 =	vadd.s32 v5, v7;
	_ =	sdelay $0x1  }
0x37c: {  	s25 =	simm.s32 $0x13200  }
0x37d: {  	[tilespmem:s25], [sflag:$0x3] =	stream.indirect_vreg.gather [hbm4b:s22+s4], $0x80, v8, vm0, $0xb8;
	[tilespmem:$0x1A200] =	vst v63  }
0x37e: {  	s26 =	simm.s32 $0x13A00  }
0x37f: {  	[tilespmem:s26], [sflag:$0x3] =	stream.indirect_vreg.gather [hbm4b:s22+s4], $0x80, v7, vm0, $0xb8;
	[tilespmem:$0x1A200] =	vst v63  }
0x380: {  	v7 =	vld [tilespmem:$0xA020];
	_ =	sdelay $0x4  }
0x381: {  	v8 =	vshll.u32 v7, $0x1  }
0x382: {  	v7 =	vand.u32 $0x7, v7;
	v8 =	vand.u32 $0xFFFFFFF0, v8  }
0x383: {  	v7 =	vor.u32 v7, v8  }
0x384: {  	v8 =	vperm.xlane v7, v4;
	_ =	sdelay $0x1  }
0x385: {  	v7 =	vperm.xlane v7, v6;
	v8 =	vadd.s32 v5, v8;
	_ =	sdelay $0x1  }
0x386: {  	v7 =	vadd.s32 v5, v7;
	_ =	sdelay $0x1  }
0x387: {  	s28 =	simm.s32 $0x14200  }
0x388: {  	[tilespmem:s28], [sflag:$0x3] =	stream.indirect_vreg.gather [hbm4b:s22+s4], $0x80, v8, vm0, $0xb8;
	[tilespmem:$0x1A200] =	vst v63  }
0x389: {  	s29 =	simm.s32 $0x14A00  }
0x38a: {  	[tilespmem:s29], [sflag:$0x3] =	stream.indirect_vreg.gather [hbm4b:s22+s4], $0x80, v7, vm0, $0xb8;
	[tilespmem:$0x1A200] =	vst v63  }
0x38b: {  	v7 =	vld [tilespmem:$0xA030];
	_ =	sdelay $0x4  }
0x38c: {  	v8 =	vshll.u32 v7, $0x1  }
0x38d: {  	v7 =	vand.u32 $0x7, v7;
	v8 =	vand.u32 $0xFFFFFFF0, v8  }
0x38e: {  	v7 =	vor.u32 v7, v8  }
0x38f: {  	v8 =	vperm.xlane v7, v4;
	_ =	sdelay $0x1  }
0x390: {  	v7 =	vperm.xlane v7, v6;
	v8 =	vadd.s32 v5, v8;
	_ =	sdelay $0x1  }
0x391: {  	v7 =	vadd.s32 v5, v7  }
.Ltmp8:
0x392: {  	_ = 	snop;
	(pc) =	sbr.rel .LBB2_10-.Ltmp8, $4  }
0x393: {  	s30 =	simm.s32 $0x15200  }
0x394: {  	[tilespmem:s30], [sflag:$0x3] =	stream.indirect_vreg.gather [hbm4b:s22+s4], $0x80, v8, vm0, $0xb8;
	[tilespmem:$0x1A200] =	vst v63  }
0x395: {  	s31 =	simm.s32 $0x15A00;
	s7 =	rddreg [dreg:$0x12]  }
0x396: {  	vm1 =	vmmov vm3;
	[tilespmem:s31], [sflag:$0x3] =	stream.indirect_vreg.gather [hbm4b:s22+s4], $0x80, v7, vm0, $0xb8;
	[tilespmem:$0x1A200] =	vst v63  }
.LBB2_12:
0x397: {  	_ =	sfence.sel $0x180000  }
0x398: {  	[bflag:$0x0] =	sbarrier.arrive $0xFFFF  }
0x399: {  	_ =	strace $0x90000056  }
0x39a: {  	s0 =	stileid.u32;
	[bflag:$0x2] =	sbarrier.arrive $0xFFFF  }
0x39b: {  	p0 =	sne.s32 s0, $0x0;
	s0 =	rddreg [dreg:$0x1]  }
0x39c: {  	s0 =	sadd.s32 @!p0 $0x100000, s0  }
0x39d: {  	[sflag:s0] =	ssyncadd.tile.s32 @!p0 $0x1;
	_ =	shalt  }
.Lfunc_end2:
_tile_overlayer_lowered:
.L_overlay_start_2:
0x39e: {  	(tag) =	ssettag $0x2  }
0x39f: {  	s0 =	rddreg [dreg:$0x0];
	s2 =	stileid.u32  }
0x3a0: {  	s1 =	rddreg [dreg:$0x1];
	p0 =	sne.s32 s2, $0x0  }
0x3a1: {  	s3 =	rddreg [dreg:$0x2];
	[bflag:$0x3] =	sbarrier.arrive $0xFFFF;
	s2 =	simm.s32 @!p0 $0x1C09  }
0x3a2: {  	[timem:s3], [sflag:s2] =	dma.local @!p0 [hbm:s0], s1  }
0x3a3: {  	s0 =	simm.s32 @!p0 $0x9  }
0x3a4: {  	_ =	swait.ge @!p0 [sflag:s0], s1  }
0x3a5: {  	s1 =	ssub.s32 @!p0 $0x0, s1;
	[sflag:s0] =	ssyncset.done @!p0 $0x0  }
0x3a6: {  	[sflag:s0] =	ssyncadd.s32 @!p0 s1  }
0x3a7: {  	[bflag:$0x3] =	sbarrier.arrive $0xFFFF  }
0x3a8: {  	_ =	shalt  }

// kernel: body.14.cloned.1.call-start
scs
__scs_entry_jumppad:
0x0: {  	(pc) =	sbr.rel $0x88, $3  }
0x1: {  	(tag) =	ssettag $0x0;
	lr =	simm.s32 $0x1  }
0x2: {  	[smem:$0x3F97] =	sst lr;
	_ =	strace $0xD0000000  }
0x3: {  	_ = 	snop  }
0x4: {  	_ = 	snop  }
0x5: {  	_ = 	snop  }
0x6: {  	_ = 	snop  }
0x7: {  	_ = 	snop  }
__scs_overlays_trampoline_lowered:
0x8: {  	[smem:$0x3FA6] =	sst s0  }
0x9: {  	[smem:$0x3FA7] =	sst s1  }
0xa: {  	[smem:$0x3FA8] =	sst s2  }
0xb: {  	[smem:$0x3FA9] =	sst s3  }
0xc: {  	[smem:$0x3FAA] =	sst s4  }
0xd: {  	[smem:$0x3FAB] =	sst s5  }
0xe: {  	[smem:$0x3FAC] =	sst s6  }
0xf: {  	[smem:$0x3FAD] =	sst s7  }
0x10: {  	[smem:$0x3FAE] =	sst s8  }
0x11: {  	[smem:$0x3FAF] =	sst s9;
	s0 =	simm.s32 @!p0 $0x0  }
0x12: {  	s1 =	sld [smem:$0x3F95];
	s0 =	simm.s32 @p0 $0x1  }
0x13: {  	[smem:$0x3FB0] =	sst s0;
	s0 =	simm.s32 @!p1 $0x0  }
0x14: {  	s2 =	sld [smem:$0x3F94];
	s0 =	simm.s32 @p1 $0x1  }
0x15: {  	[smem:$0x3FB1] =	sst s0;
	s0 =	simm.s32 @!p2 $0x0  }
0x16: {  	s3 =	sld [smem:$0x3FDB];
	s0 =	simm.s32 @p2 $0x1  }
0x17: {  	s4 =	simm.s32 $0x1BF5;
	[smem:$0x3FB3] =	sst s0  }
0x18: {  	s0 =	sld [smem:$0x3F96];
	_ =	swait.ge [sflag:s4], $0x0  }
0x19: {  	s7 =	sld [smem:$0x3F97]  }
0x1a: {  	s8 =	sadd.s32 $0xFFFFE003, lr  }
0x1b: {  	s9 =	sadd.s32 $0xFFFFFEF7, lr;
	s5 =	simm.s32 $0xFFFFFFFF;
	p2 =	slt.u32 s8, $0xFFFFF086  }
0x1c: {  	p1 =	slt.u32 s9, $0xF7A;
	s5 =	simm.s32 @!p2 $0x0  }
0x1d: {  	s5 =	simm.s32 @p1 $0x1;
	p0 =	seq.s32 s7, s2  }
0x1e: {  	s7 =	smul.u32 @!p0 $0xF7A, s2;
	p2 =	seq.s32 @!p0 s5, $0x0  }
0x1f: {  	s9 =	smul.u32 $0xF7A, s1;
	s8 =	simm.s32 @!p0 $0x1BF5;
	p2 =	por !p2, p0  }
0x20: {  	[sflag:s8] =	ssyncset.s32 @!p0 $0xFFFFF086;
	s6 =	sadd.s32 @!p0 s3, s7;
	s7 =	simm.s32 @!p0 $0x108  }
0x21: {  	s3 =	sadd.s32 s3, s9;
	s6 =	sadd.s32 @!p0 $0x88, s6;
	s7 =	simm.s32 @p2 $0x1082  }
0x22: {  	[simem:s7], [sflag:s8] =	dma.local @!p0 [hbm:s6], $0xF7A  }
0x23: {  	s9 =	sor.u32 $0xD0000000, s2;
	s6 =	simm.s32 $0x108;
	_ =	swait.ge @!p0 [sflag:s8], $0x0  }
0x24: {  	s3 =	sadd.s32 $0x88, s3;
	s6 =	simm.s32 @!p1 $0x1082;
	[sflag:s4] =	ssyncset.s32 $0xFFFFF086  }
0x25: {  	[simem:s6], [sflag:s4] =	dma.local [hbm:s3], $0xF7A  }
0x26: {  	[smem:$0x3F97] =	sst s1;
	(tag) =	ssettag s2;
	_ =	strace s9  }
0x27: {  	s1 =	sld [smem:$0x3FA7]  }
0x28: {  	s2 =	sld [smem:$0x3FA8]  }
0x29: {  	s4 =	sld [smem:$0x3FAA]  }
0x2a: {  	p0 =	seq.s32 s5, $0x0;
	s5 =	sld [smem:$0x3FAB]  }
0x2b: {  	s6 =	sld [smem:$0x3FAC]  }
0x2c: {  	s7 =	sld [smem:$0x3FAD]  }
0x2d: {  	s3 =	simm.s32 $0x108;
	s8 =	sld [smem:$0x3FAE]  }
0x2e: {  	s3 =	simm.s32 @!p0 $0x1082;
	s9 =	sld [smem:$0x3FAF]  }
0x2f: {  	lr =	sadd.s32 s0, s3;
	s0 =	sld [smem:$0x3FA6]  }
0x30: {  	s3 =	sld [smem:$0x3FA9]  }
0x31: {  	[smem:$0x3FB2] =	sst s10  }
0x32: {  	s10 =	sld [smem:$0x3FB0];
	_ =	sdelay $0x3  }
0x33: {  	p0 =	seq.s32 s10, $0x1;
	s10 =	sld [smem:$0x3FB2];
	_ =	sdelay $0x3  }
0x34: {  	[smem:$0x3FB2] =	sst s10  }
0x35: {  	s10 =	sld [smem:$0x3FB1];
	_ =	sdelay $0x3  }
0x36: {  	p1 =	seq.s32 s10, $0x1;
	s10 =	sld [smem:$0x3FB2];
	_ =	sdelay $0x3  }
0x37: {  	[smem:$0x3FB2] =	sst s10  }
0x38: {  	s10 =	sld [smem:$0x3FB3]  }
0x39: {  	_ = 	snop;
	(pc) =	sbr.ind lr, $3  }
0x3a: {  	_ = 	snop  }
0x3b: {  	_ = 	snop  }
0x3c: {  	p2 =	seq.s32 s10, $0x1;
	s10 =	sld [smem:$0x3FB2]  }
0x3d: {  	_ =	shalt  }
0x3e: {  	_ =	shalt  }
0x3f: {  	_ =	shalt  }
0x40: {  	_ =	shalt  }
0x41: {  	_ =	shalt  }
0x42: {  	_ =	shalt  }
0x43: {  	_ =	shalt  }
0x44: {  	_ =	shalt  }
0x45: {  	_ =	shalt  }
0x46: {  	_ =	shalt  }
0x47: {  	_ =	shalt  }
0x48: {  	_ =	shalt  }
0x49: {  	_ =	shalt  }
0x4a: {  	_ =	shalt  }
0x4b: {  	_ =	shalt  }
0x4c: {  	_ =	shalt  }
0x4d: {  	_ =	shalt  }
0x4e: {  	_ =	shalt  }
0x4f: {  	_ =	shalt  }
0x50: {  	_ =	shalt  }
0x51: {  	_ =	shalt  }
0x52: {  	_ =	shalt  }
0x53: {  	_ =	shalt  }
0x54: {  	_ =	shalt  }
0x55: {  	_ =	shalt  }
0x56: {  	_ =	shalt  }
0x57: {  	_ =	shalt  }
0x58: {  	_ =	shalt  }
0x59: {  	_ =	shalt  }
0x5a: {  	_ =	shalt  }
0x5b: {  	_ =	shalt  }
0x5c: {  	_ =	shalt  }
0x5d: {  	_ =	shalt  }
0x5e: {  	_ =	shalt  }
0x5f: {  	_ =	shalt  }
0x60: {  	_ =	shalt  }
0x61: {  	_ =	shalt  }
0x62: {  	_ =	shalt  }
0x63: {  	_ =	shalt  }
0x64: {  	_ =	shalt  }
0x65: {  	_ =	shalt  }
0x66: {  	_ =	shalt  }
0x67: {  	_ =	shalt  }
0x68: {  	_ =	shalt  }
0x69: {  	_ =	shalt  }
0x6a: {  	_ =	shalt  }
0x6b: {  	_ =	shalt  }
0x6c: {  	_ =	shalt  }
0x6d: {  	_ =	shalt  }
0x6e: {  	_ =	shalt  }
0x6f: {  	_ =	shalt  }
0x70: {  	_ =	shalt  }
0x71: {  	_ =	shalt  }
0x72: {  	_ =	shalt  }
0x73: {  	_ =	shalt  }
0x74: {  	_ =	shalt  }
0x75: {  	_ =	shalt  }
0x76: {  	_ =	shalt  }
0x77: {  	_ =	shalt  }
0x78: {  	_ =	shalt  }
0x79: {  	_ =	shalt  }
0x7a: {  	_ =	shalt  }
0x7b: {  	_ =	shalt  }
0x7c: {  	_ =	shalt  }
0x7d: {  	_ =	shalt  }
0x7e: {  	_ =	shalt  }
0x7f: {  	_ =	shalt  }
0x80: {  	_ =	shalt  }
0x81: {  	_ =	shalt  }
0x82: {  	_ =	shalt  }
0x83: {  	_ =	shalt  }
0x84: {  	_ =	shalt  }
0x85: {  	_ =	shalt  }
0x86: {  	_ =	shalt  }
0x87: {  	_ =	shalt  }
.Lfunc_end0:
.L_simem_size_0:
called_computation.3_lowered:
.L_overlay_start_0:
0x88: {  	s2 =	sld [smem:$0x3FD9]  }
0x89: {  	s3 =	sld [smem:$0x3FFE];
	_ =	sdelay $0x1  }
0x8a: {  	s1 =	srdreg.scid  }
0x8b: {  	s0 =	sand.u32 $0x1, s1  }
0x8c: {  	s16 =	sshll.u32 s0, $0xA;
	s2 =	sadd.s32 s3, s2  }
0x8d: {  	s2 =	sadd.s32 s2, s16  }
0x8e: {  	[smem:$0x3FBE] =	sst s2  }
0x8f: {  	_ = 	snop  }
0x90: {  	(tm) =	ssettm $0x1  }
0x91: {  	s17 =	sld [smem:$0x3FFB];
	_ =	sdelay $0x3  }
0x92: {  	_ =	strace s17  }
0x93: {  	s2 =	sld [smem:$0x3FFC];
	_ =	sdelay $0x3  }
0x94: {  	_ =	strace s2  }
0x95: {  	s2 =	sld [smem:$0x3FFD];
	_ =	sdelay $0x3  }
0x96: {  	_ =	strace s2  }
0x97: {  	_ =	strace $0x8FFFFFFF  }
0x98: {  	s18 =	sld [smem:$0x3FDB];
	_ =	sdelay $0x1  }
0x99: {  	s19 =	simm.s32 $_scs_section_size  }
0x9a: {  	s4 =	simm.s32 $_size__tile_overlayer_lowered;
	s5 =	simm.s32 $_tile_overlayer_lowered  }
0x9b: {  	s22 =	simm.s32 $0x1BFF;
	s21 =	sshll.u32 s5, $0x1;
	s2 =	sadd.s32 s19, s18  }
0x9c: {  	s6 =	simm.s32 $0x0;
	s20 =	sshll.u32 s4, $0x1;
	s4 =	sadd.s32 s21, s2  }
0x9d: {  	[timem:s6], [sflag:s22] =	dma.local [hbm:s4], s20  }
0x9e: {  	_ =	swait.ge [sflag:s22], s20  }
0x9f: {  	s3 =	ssub.s32 $0x0, s20;
	[sflag:s22] =	ssyncset.done $0x0  }
0xa0: {  	[sflag:s22] =	ssyncadd.s32 s3;
	_ =	sdelay $0x1  }
0xa1: {  	s23 =	simm.s32 $0x1B8B  }
0xa2: {  	_ =	swait.ge [sflag:s23], $0x1  }
0xa3: {  	[sflag:s23] =	ssyncset.done $0x0  }
0xa4: {  	s25 =	simm.s32 $0x1B8E;
	s24 =	sld [smem:$0x3FFE];
	[sflag:s23] =	ssyncadd.s32 $0xFFFFFFFF  }
0xa5: {  	s26 =	simm.s32 $execute0_lowered;
	[smem:$0x3FD2] =	sst s25  }
0xa6: {  	s4 =	sshll.u32 s26, $0x1;
	_ =	strace $0x80000058;
	[dreg:$0x1] =	wrdreg $0xFFFFFFFF  }
0xa7: {  	s28 =	simm.s32 $_size_execute0_lowered;
	s2 =	sadd.s32 s2, s4;
	[dreg:$0x0] =	wrdreg $0x0  }
0xa8: {  	s4 =	sshll.u32 s28, $0x1;
	[dreg:$0x2] =	wrdreg s2  }
0xa9: {  	[dreg:$0x3] =	wrdreg s4  }
0xaa: {  	[dreg:$0x4] =	wrdreg $0xC0  }
0xab: {  	_ =	task [dreg:s6], $0x5FFFF  }
0xac: {  	[dreg:$0x1] =	wrdreg $0xFFFFFFFF  }
0xad: {  	[dreg:$0x0] =	wrdreg $0x60  }
0xae: {  	[dreg:$0x2] =	wrdreg s24  }
0xaf: {  	[dreg:$0x3] =	wrdreg $0x9  }
0xb0: {  	_ =	task.clear_ibuf [dreg:s6], $0x4FFFF;
	_ =	strace $0x90000058  }
0xb1: {  	s29 =	simm.s32 $0x9;
	_ =	strace $0x8000005A  }
0xb2: {  	_ =	swait.ge [sflag:s29], $0x1  }
0xb3: {  	[sflag:s29] =	ssyncadd.s32 $0xFFFFFFFF  }
0xb4: {  	_ =	strace $0x9000005A  }
0xb5: {  	_ =	sfence  }
0xb6: {  	s30 =	sld [smem:$0x0];
	_ =	sdelay $0x2  }
0xb7: {  	s31 =	sshll.u32 s1, $0xD;
	s1 =	sshrl.u32 s1, $0x2  }
0xb8: {  	s3 =	sand.u32 $0x4000, s31;
	s1 =	sadd.s32 s1, s30  }
0xb9: {  	s0 =	sor.u32 s3, s0;
	s1 =	sshll.u32 s1, $0x11  }
0xba: {  	s0 =	sor.u32 s1, s0  }
0xbb: {  	s0 =	sadd.s32 $0x8F2B, s0  }
0xbc: {  	[sflag:s0] =	ssyncadd.remote.s32 $0x1  }
0xbd: {  	_ =	sfence.sel $0xFFFF  }
0xbe: {  	[dreg:$0x0] =	wrdreg $0xFFFFFFFF;
	(pc) =	sbr.abs _section_cstart, $3  }
0xbf: {  	[dreg:$0x1] =	wrdreg $0xFFFFFFFF  }
0xc0: {  	_ =	task.clear_ibuf [dreg:s6], $0x2FFFF;
	_ =	strace $0x9FFFFFFF  }
0xc1: {  	(tm) =	ssettm $0x7FFFFFFF  }
tec
execute0_lowered:
.L_overlay_start_1:
0x0: {  	(tag) =	ssettag $0x1  }
0x1: {  	s5 =	rddreg [dreg:$0x0]  }
0x2: {  	s0 =	rddreg [dreg:$0x1]  }
0x3: {  	s3 =	srdreg.scid;
	s1 =	stileid.u32  }
0x4: {  	s2 =	simm.s32 $0x0;
	s11 =	simm.s32 $0x11C80;
	s12 =	simm.s32 $0x80  }
0x5: {  	s13 =	simm.s32 $0x400;
	s14 =	simm.s32 $0x0;
	s4 =	sand.u32 $0x1, s3  }
0x6: {  	s29 =	sshll.u32 s1, $0x1;
	[smem:$0x7FF] =	sst s2;
	s30 =	sshrl.u32 s1, $0x2  }
0x7: {  	s3 =	sadd.s32 $0x543800, s5;
	s6 =	sor.u32 s4, s29;
	_ =	strace $0x80000059  }
0x8: {  	s7 =	smul.u32 $0x4E400, s30;
	s31 =	ssub.s32 $0x2, s4;
	s8 =	sshll.u32 s6, $0x7  }
0x9: {  	s4 =	sadd.s32 $0x2800, s5;
	s9 =	sshll.u32 s6, $0xC;
	s8 =	sand.u32 $0x380, s8  }
0xa: {  	s10 =	sshrl.u32 s31, $0x1;
	s9 =	sadd.s32 s9, s5;
	s7 =	sor.u32 s7, s8  }
0xb: {  	s8 =	ssub.s32 s31, s10;
	s10 =	simm.s32 $0x9C80;
	s7 =	sshrl.u32 s7, $0x3  }
0xc: {  	v0 =	vlaneseq.u32;
	s8 =	smax.u32 s8, $0x1;
	s7 =	sadd.s32 s7, s5;
	s5 =	sshll.u32 s6, $0xF  }
0xd: {  	v0 =	vmul.u32 $0x4, v0;
	s6 =	sadd.s32 $0x523800, s9;
	s9 =	simm.s32 $0x1;
	s7 =	sadd.s32 $0x5C3800, s7  }
.LBB2_1:
0xe: {  	[tilespmem:s2], [sflag:$0x1] =	stream.linear.gather [hbm4b:s4+s2], $0x9C80, $0x38;
	[tilespmem:$0x12C80] =	vst v63  }
0xf: {  	_ =	swait.ge [sflag:s9], $0x9C80  }
0x10: {  	[sflag:s9] =	ssyncset.done $0x0  }
0x11: {  	[sflag:s9] =	ssyncadd.s32 $0xFFFF6380  }
0x12: {  	[tilespmem:s10], [sflag:$0x1] =	stream.linear.gather [hbm4b:s6+s2], $0x8000, $0x38;
	[tilespmem:$0x12C80] =	vst v63  }
0x13: {  	_ =	swait.ge [sflag:s9], $0x8000  }
0x14: {  	[sflag:s9] =	ssyncset.done $0x0  }
0x15: {  	s15 =	simm.s32 $0x0;
	[sflag:s9] =	ssyncadd.s32 $0xFFFF8000  }
.LBB2_2:
0x16: {  	s16 =	sshll.u32 s15, $0xA  }
0x17: {  	s17 =	sadd.s32 s5, s16  }
0x18: {  	s17 =	sshrl.u32 s17, $0x1  }
0x19: {  	s18 =	simm.s32 $0x0;
	s17 =	sadd.s32 s3, s17  }
0x1a: {  	[tilespmem:s11], [sflag:$0x1] =	stream.linear.gather [hbm4b:s17+s18], $0x1000, $0x38;
	[tilespmem:$0x12C80] =	vst v63  }
0x1b: {  	s16 =	sadd.s32 $0x9C80, s16;
	s30 =	sand.u32 $0x380, s18;
	_ =	swait.ge [sflag:s9], $0x1000  }
0x1c: {  	v1 =	vmov s18;
	s18 =	sand.u32 $0x70, s18;
	s17 =	sadd.s32 s30, s16;
	[sflag:s9] =	ssyncset.done $0x0  }
0x1d: {  	v1 =	vshll.u32 v1, $0x2;
	s17 =	sadd.s32 s18, s17;
	[sflag:s9] =	ssyncadd.s32 $0xFFFFF000  }
0x1e: {  	v1 =	vor.u32 v0, v1;
	v2 =	vld [tilespmem:s17+$0x0];
	_ =	sdelay $0x4  }
0x1f: {  	v3 =	vld.idx.msk [tilespmem:v1+s11+$0x0], $0xffff;
	v2 =	vshll.u32 v2, $0x2  }
0x20: {  	v4 =	vor.u32 $0x1, v1;
	_ =	sdelay $0x3  }
0x21: {  	[tilespmem:v2+s2+$0x0] =	vst.idx.add.f32.msk $0xffff, v3  }
0x22: {  	v3 =	vld.idx.msk [tilespmem:v4+s11+$0x0], $0xffff;
	v4 =	vor.u32 $0x1, v2  }
0x23: {  	v5 =	vor.u32 $0x2, v1;
	_ =	sdelay $0x3  }
0x24: {  	[tilespmem:v4+s2+$0x0] =	vst.idx.add.f32.msk $0xffff, v3  }
0x25: {  	v4 =	vor.u32 $0x2, v2;
	v3 =	vld.idx.msk [tilespmem:v5+s11+$0x0], $0xffff  }
0x26: {  	v1 =	vor.u32 $0x3, v1;
	_ =	sdelay $0x3  }
0x27: {  	[tilespmem:v4+s2+$0x0] =	vst.idx.add.f32.msk $0xffff, v3  }
0x28: {  	v2 =	vor.u32 $0x3, v2;
	v1 =	vld.idx.msk [tilespmem:v1+s11+$0x0], $0xffff  }
0x29: {  	s31 =	simm.s32 $0x10  }
0x2a: {  	s19 =	sand.u32 $0x380, s31;
	v3 =	vmov s31  }
0x2b: {  	s19 =	sadd.s32 s19, s16;
	s18 =	sand.u32 $0x70, s31;
	s17 =	simm.s32 $0x20;
	v3 =	vshll.u32 v3, $0x2  }
.LBB2_3:
0x2c: {  	p0 =	sne.s32 s17, $0x3F0  }
0x2d: {  	s18 =	sadd.s32 s18, s19;
	v3 =	vor.u32 v0, v3;
	[tilespmem:v2+s2+$0x0] =	vst.idx.add.f32.msk $0xffff, v1;
	s19 =	smov.u32 s17;
	s17 =	sadd.s32 $0x10, s17  }
0x2e: {  	v1 =	vld [tilespmem:s18+$0x0];
	_ =	sdelay $0x3  }
0x2f: {  	v2 =	vld.idx.msk [tilespmem:v3+s11+$0x0], $0xffff  }
0x30: {  	v4 =	vshll.u32 v1, $0x2  }
0x31: {  	v1 =	vor.u32 $0x1, v3;
	_ =	sdelay $0x3  }
0x32: {  	[tilespmem:v4+s2+$0x0] =	vst.idx.add.f32.msk $0xffff, v2  }
0x33: {  	v1 =	vld.idx.msk [tilespmem:v1+s11+$0x0], $0xffff  }
0x34: {  	v2 =	vor.u32 $0x1, v4  }
0x35: {  	v5 =	vor.u32 $0x2, v3;
	_ =	sdelay $0x3  }
0x36: {  	[tilespmem:v2+s2+$0x0] =	vst.idx.add.f32.msk $0xffff, v1  }
0x37: {  	v1 =	vld.idx.msk [tilespmem:v5+s11+$0x0], $0xffff  }
0x38: {  	v2 =	vor.u32 $0x2, v4  }
0x39: {  	v3 =	vor.u32 $0x3, v3;
	_ =	sdelay $0x3  }
0x3a: {  	[tilespmem:v2+s2+$0x0] =	vst.idx.add.f32.msk $0xffff, v1  }
0x3b: {  	v1 =	vld.idx.msk [tilespmem:v3+s11+$0x0], $0xffff  }
.Ltmp0:
0x3c: {  	v2 =	vor.u32 $0x3, v4;
	(pc) =	sbr.rel @p0 .LBB2_3-.Ltmp0, $3  }
0x3d: {  	_ =	sdelay $0x1  }
0x3e: {  	s20 =	sand.u32 $0x380, s19;
	v3 =	vmov s19  }
0x3f: {  	s18 =	sand.u32 $0x70, s19;
	s19 =	sadd.s32 s20, s16;
	v3 =	vshll.u32 v3, $0x2  }
0x40: {  	_ =	sdelay $0x3  }
0x41: {  	s16 =	sadd.s32 s18, s19;
	[tilespmem:v2+s2+$0x0] =	vst.idx.add.f32.msk $0xffff, v1  }
0x42: {  	v1 =	vor.u32 v0, v3;
	v2 =	vld [tilespmem:s16+$0x0];
	_ =	sdelay $0x4  }
0x43: {  	v3 =	vld.idx.msk [tilespmem:v1+s11+$0x0], $0xffff;
	v2 =	vshll.u32 v2, $0x2  }
0x44: {  	v4 =	vor.u32 $0x1, v1;
	_ =	sdelay $0x3  }
0x45: {  	[tilespmem:v2+s2+$0x0] =	vst.idx.add.f32.msk $0xffff, v3  }
0x46: {  	v62 =	vor.u32 $0x1, v2;
	v3 =	vld.idx.msk [tilespmem:v4+s11+$0x0], $0xffff  }
0x47: {  	v5 =	vor.u32 $0x2, v1;
	_ =	sdelay $0x3  }
0x48: {  	[tilespmem:v62+s2+$0x0] =	vst.idx.add.f32.msk $0xffff, v3  }
0x49: {  	v63 =	vor.u32 $0x2, v2;
	v3 =	vld.idx.msk [tilespmem:v5+s11+$0x0], $0xffff  }
0x4a: {  	v1 =	vor.u32 $0x3, v1;
	_ =	sdelay $0x3  }
0x4b: {  	s15 =	sadd.s32 $0x1, s15;
	[tilespmem:v63+s2+$0x0] =	vst.idx.add.f32.msk $0xffff, v3  }
0x4c: {  	p0 =	sne.s32 s15, $0x20;
	v2 =	vor.u32 $0x3, v2;
	v1 =	vld.idx.msk [tilespmem:v1+s11+$0x0], $0xffff  }
.Ltmp1:
0x4d: {  	_ = 	snop;
	(pc) =	sbr.rel @p0 .LBB2_2-.Ltmp1, $2  }
0x4e: {  	_ =	sdelay $0x2  }
0x4f: {  	[tilespmem:v2+s2+$0x0] =	vst.idx.add.f32.msk $0xffff, v1  }
0x50: {  	s14 =	sadd.s32 $0x1, s14  }
0x51: {  	p0 =	sne.s32 s14, s8  }
.Ltmp2:
0x52: {  	_ = 	snop;
	(pc) =	sbr.rel @p0 .LBB2_1-.Ltmp2, $4  }
0x53: {  	[hbm4b:s7+s12] =	stream.strided.scatter [tilespmem:s2], [sflag:$0x1], $0x9C80, s13, s12, $0x38;
	[tilespmem:$0x12C80] =	vst v63  }
0x54: {  	_ =	swait.ge [sflag:s9], $0x9C80  }
0x55: {  	[sflag:s9] =	ssyncset.done $0x0  }
0x56: {  	[sflag:s9] =	ssyncadd.s32 $0xFFFF6380  }
0x57: {  	_ =	sfence.sel $0x180000  }
0x58: {  	[bflag:$0x0] =	sbarrier.arrive $0xFFFF  }
0x59: {  	p0 =	sne.s32 s1, $0x0;
	_ =	strace $0x90000059  }
0x5a: {  	s0 =	sadd.s32 @!p0 $0x100000, s0;
	[bflag:$0x2] =	sbarrier.arrive $0xFFFF  }
0x5b: {  	[sflag:s0] =	ssyncadd.tile.s32 @!p0 $0x1;
	_ =	shalt  }
.Lfunc_end2:
_tile_overlayer_lowered:
.L_overlay_start_2:
0x5c: {  	(tag) =	ssettag $0x2  }
0x5d: {  	s0 =	rddreg [dreg:$0x0];
	s2 =	stileid.u32  }
0x5e: {  	s1 =	rddreg [dreg:$0x1];
	p0 =	sne.s32 s2, $0x0  }
0x5f: {  	s3 =	rddreg [dreg:$0x2];
	[bflag:$0x3] =	sbarrier.arrive $0xFFFF;
	s2 =	simm.s32 @!p0 $0x1C01  }
0x60: {  	[timem:s3], [sflag:s2] =	dma.local @!p0 [hbm:s0], s1  }
0x61: {  	s0 =	simm.s32 @!p0 $0x1  }
0x62: {  	_ =	swait.ge @!p0 [sflag:s0], s1  }
0x63: {  	s1 =	ssub.s32 @!p0 $0x0, s1;
	[sflag:s0] =	ssyncset.done @!p0 $0x0  }
0x64: {  	[sflag:s0] =	ssyncadd.s32 @!p0 s1  }
0x65: {  	[bflag:$0x3] =	sbarrier.arrive $0xFFFF  }
0x66: {  	_ =	shalt  }

// kernel: kernel.4.cloned.1.call-start
scs
__scs_entry_jumppad:
0x0: {  	(pc) =	sbr.rel $0x88, $3  }
0x1: {  	(tag) =	ssettag $0x0;
	lr =	simm.s32 $0x1  }
0x2: {  	[smem:$0x3F97] =	sst lr;
	_ =	strace $0xD0000000  }
0x3: {  	_ = 	snop  }
0x4: {  	_ = 	snop  }
0x5: {  	_ = 	snop  }
0x6: {  	_ = 	snop  }
0x7: {  	_ = 	snop  }
__scs_overlays_trampoline_lowered:
0x8: {  	[smem:$0x3FA6] =	sst s0  }
0x9: {  	[smem:$0x3FA7] =	sst s1  }
0xa: {  	[smem:$0x3FA8] =	sst s2  }
0xb: {  	[smem:$0x3FA9] =	sst s3  }
0xc: {  	[smem:$0x3FAA] =	sst s4  }
0xd: {  	[smem:$0x3FAB] =	sst s5  }
0xe: {  	[smem:$0x3FAC] =	sst s6  }
0xf: {  	[smem:$0x3FAD] =	sst s7  }
0x10: {  	[smem:$0x3FAE] =	sst s8  }
0x11: {  	[smem:$0x3FAF] =	sst s9;
	s0 =	simm.s32 @!p0 $0x0  }
0x12: {  	s1 =	sld [smem:$0x3F95];
	s0 =	simm.s32 @p0 $0x1  }
0x13: {  	[smem:$0x3FB0] =	sst s0;
	s0 =	simm.s32 @!p1 $0x0  }
0x14: {  	s2 =	sld [smem:$0x3F94];
	s0 =	simm.s32 @p1 $0x1  }
0x15: {  	[smem:$0x3FB1] =	sst s0;
	s0 =	simm.s32 @!p2 $0x0  }
0x16: {  	s3 =	sld [smem:$0x3FDB];
	s0 =	simm.s32 @p2 $0x1  }
0x17: {  	s4 =	simm.s32 $0x1BF5;
	[smem:$0x3FB3] =	sst s0  }
0x18: {  	s0 =	sld [smem:$0x3F96];
	_ =	swait.ge [sflag:s4], $0x0  }
0x19: {  	s7 =	sld [smem:$0x3F97]  }
0x1a: {  	s8 =	sadd.s32 $0xFFFFE003, lr  }
0x1b: {  	s9 =	sadd.s32 $0xFFFFFEF7, lr;
	s5 =	simm.s32 $0xFFFFFFFF;
	p2 =	slt.u32 s8, $0xFFFFF086  }
0x1c: {  	p1 =	slt.u32 s9, $0xF7A;
	s5 =	simm.s32 @!p2 $0x0  }
0x1d: {  	s5 =	simm.s32 @p1 $0x1;
	p0 =	seq.s32 s7, s2  }
0x1e: {  	s7 =	smul.u32 @!p0 $0xF7A, s2;
	p2 =	seq.s32 @!p0 s5, $0x0  }
0x1f: {  	s9 =	smul.u32 $0xF7A, s1;
	s8 =	simm.s32 @!p0 $0x1BF5;
	p2 =	por !p2, p0  }
0x20: {  	[sflag:s8] =	ssyncset.s32 @!p0 $0xFFFFF086;
	s6 =	sadd.s32 @!p0 s3, s7;
	s7 =	simm.s32 @!p0 $0x108  }
0x21: {  	s3 =	sadd.s32 s3, s9;
	s6 =	sadd.s32 @!p0 $0x88, s6;
	s7 =	simm.s32 @p2 $0x1082  }
0x22: {  	[simem:s7], [sflag:s8] =	dma.local @!p0 [hbm:s6], $0xF7A  }
0x23: {  	s9 =	sor.u32 $0xD0000000, s2;
	s6 =	simm.s32 $0x108;
	_ =	swait.ge @!p0 [sflag:s8], $0x0  }
0x24: {  	s3 =	sadd.s32 $0x88, s3;
	s6 =	simm.s32 @!p1 $0x1082;
	[sflag:s4] =	ssyncset.s32 $0xFFFFF086  }
0x25: {  	[simem:s6], [sflag:s4] =	dma.local [hbm:s3], $0xF7A  }
0x26: {  	[smem:$0x3F97] =	sst s1;
	(tag) =	ssettag s2;
	_ =	strace s9  }
0x27: {  	s1 =	sld [smem:$0x3FA7]  }
0x28: {  	s2 =	sld [smem:$0x3FA8]  }
0x29: {  	s4 =	sld [smem:$0x3FAA]  }
0x2a: {  	p0 =	seq.s32 s5, $0x0;
	s5 =	sld [smem:$0x3FAB]  }
0x2b: {  	s6 =	sld [smem:$0x3FAC]  }
0x2c: {  	s7 =	sld [smem:$0x3FAD]  }
0x2d: {  	s3 =	simm.s32 $0x108;
	s8 =	sld [smem:$0x3FAE]  }
0x2e: {  	s3 =	simm.s32 @!p0 $0x1082;
	s9 =	sld [smem:$0x3FAF]  }
0x2f: {  	lr =	sadd.s32 s0, s3;
	s0 =	sld [smem:$0x3FA6]  }
0x30: {  	s3 =	sld [smem:$0x3FA9]  }
0x31: {  	[smem:$0x3FB2] =	sst s10  }
0x32: {  	s10 =	sld [smem:$0x3FB0];
	_ =	sdelay $0x3  }
0x33: {  	p0 =	seq.s32 s10, $0x1;
	s10 =	sld [smem:$0x3FB2];
	_ =	sdelay $0x3  }
0x34: {  	[smem:$0x3FB2] =	sst s10  }
0x35: {  	s10 =	sld [smem:$0x3FB1];
	_ =	sdelay $0x3  }
0x36: {  	p1 =	seq.s32 s10, $0x1;
	s10 =	sld [smem:$0x3FB2];
	_ =	sdelay $0x3  }
0x37: {  	[smem:$0x3FB2] =	sst s10  }
0x38: {  	s10 =	sld [smem:$0x3FB3]  }
0x39: {  	_ = 	snop;
	(pc) =	sbr.ind lr, $3  }
0x3a: {  	_ = 	snop  }
0x3b: {  	_ = 	snop  }
0x3c: {  	p2 =	seq.s32 s10, $0x1;
	s10 =	sld [smem:$0x3FB2]  }
0x3d: {  	_ =	shalt  }
0x3e: {  	_ =	shalt  }
0x3f: {  	_ =	shalt  }
0x40: {  	_ =	shalt  }
0x41: {  	_ =	shalt  }
0x42: {  	_ =	shalt  }
0x43: {  	_ =	shalt  }
0x44: {  	_ =	shalt  }
0x45: {  	_ =	shalt  }
0x46: {  	_ =	shalt  }
0x47: {  	_ =	shalt  }
0x48: {  	_ =	shalt  }
0x49: {  	_ =	shalt  }
0x4a: {  	_ =	shalt  }
0x4b: {  	_ =	shalt  }
0x4c: {  	_ =	shalt  }
0x4d: {  	_ =	shalt  }
0x4e: {  	_ =	shalt  }
0x4f: {  	_ =	shalt  }
0x50: {  	_ =	shalt  }
0x51: {  	_ =	shalt  }
0x52: {  	_ =	shalt  }
0x53: {  	_ =	shalt  }
0x54: {  	_ =	shalt  }
0x55: {  	_ =	shalt  }
0x56: {  	_ =	shalt  }
0x57: {  	_ =	shalt  }
0x58: {  	_ =	shalt  }
0x59: {  	_ =	shalt  }
0x5a: {  	_ =	shalt  }
0x5b: {  	_ =	shalt  }
0x5c: {  	_ =	shalt  }
0x5d: {  	_ =	shalt  }
0x5e: {  	_ =	shalt  }
0x5f: {  	_ =	shalt  }
0x60: {  	_ =	shalt  }
0x61: {  	_ =	shalt  }
0x62: {  	_ =	shalt  }
0x63: {  	_ =	shalt  }
0x64: {  	_ =	shalt  }
0x65: {  	_ =	shalt  }
0x66: {  	_ =	shalt  }
0x67: {  	_ =	shalt  }
0x68: {  	_ =	shalt  }
0x69: {  	_ =	shalt  }
0x6a: {  	_ =	shalt  }
0x6b: {  	_ =	shalt  }
0x6c: {  	_ =	shalt  }
0x6d: {  	_ =	shalt  }
0x6e: {  	_ =	shalt  }
0x6f: {  	_ =	shalt  }
0x70: {  	_ =	shalt  }
0x71: {  	_ =	shalt  }
0x72: {  	_ =	shalt  }
0x73: {  	_ =	shalt  }
0x74: {  	_ =	shalt  }
0x75: {  	_ =	shalt  }
0x76: {  	_ =	shalt  }
0x77: {  	_ =	shalt  }
0x78: {  	_ =	shalt  }
0x79: {  	_ =	shalt  }
0x7a: {  	_ =	shalt  }
0x7b: {  	_ =	shalt  }
0x7c: {  	_ =	shalt  }
0x7d: {  	_ =	shalt  }
0x7e: {  	_ =	shalt  }
0x7f: {  	_ =	shalt  }
0x80: {  	_ =	shalt  }
0x81: {  	_ =	shalt  }
0x82: {  	_ =	shalt  }
0x83: {  	_ =	shalt  }
0x84: {  	_ =	shalt  }
0x85: {  	_ =	shalt  }
0x86: {  	_ =	shalt  }
0x87: {  	_ =	shalt  }
.Lfunc_end0:
.L_simem_size_0:
called_computation.4_lowered:
.L_overlay_start_0:
0x88: {  	s2 =	sld [smem:$0x3FD9]  }
0x89: {  	s3 =	sld [smem:$0x3FFE];
	_ =	sdelay $0x1  }
0x8a: {  	s1 =	srdreg.scid  }
0x8b: {  	s0 =	sand.u32 $0x1, s1  }
0x8c: {  	s17 =	sshll.u32 s0, $0xA;
	s2 =	sadd.s32 s3, s2  }
0x8d: {  	s2 =	sadd.s32 s2, s17  }
0x8e: {  	[smem:$0x3FBE] =	sst s2  }
0x8f: {  	_ = 	snop  }
0x90: {  	(tm) =	ssettm $0x1  }
0x91: {  	s18 =	sld [smem:$0x3FFB];
	_ =	sdelay $0x3  }
0x92: {  	_ =	strace s18  }
0x93: {  	s2 =	sld [smem:$0x3FFC];
	_ =	sdelay $0x3  }
0x94: {  	_ =	strace s2  }
0x95: {  	s2 =	sld [smem:$0x3FFD];
	_ =	sdelay $0x3  }
0x96: {  	_ =	strace s2  }
0x97: {  	_ =	strace $0x8FFFFFFF  }
0x98: {  	s19 =	sld [smem:$0x3FDB];
	_ =	sdelay $0x1  }
0x99: {  	s20 =	simm.s32 $_scs_section_size  }
0x9a: {  	s4 =	simm.s32 $_size__tile_overlayer_lowered;
	s5 =	simm.s32 $_tile_overlayer_lowered  }
0x9b: {  	s6 =	simm.s32 $0x1BFF;
	s21 =	sshll.u32 s5, $0x1;
	s3 =	sadd.s32 s20, s19  }
0x9c: {  	s22 =	simm.s32 $0x0;
	s4 =	sshll.u32 s4, $0x1;
	s5 =	sadd.s32 s21, s3  }
0x9d: {  	[timem:s22], [sflag:s6] =	dma.local [hbm:s5], s4  }
0x9e: {  	_ =	swait.ge [sflag:s6], s4  }
0x9f: {  	s4 =	ssub.s32 $0x0, s4;
	[sflag:s6] =	ssyncset.done $0x0  }
0xa0: {  	[sflag:s6] =	ssyncadd.s32 s4;
	_ =	sdelay $0x1  }
0xa1: {  	s23 =	simm.s32 $0x1B8B  }
0xa2: {  	_ =	swait.ge [sflag:s23], $0x1  }
0xa3: {  	[sflag:s23] =	ssyncset.done $0x0  }
0xa4: {  	[sflag:s23] =	ssyncadd.s32 $0xFFFFFFFF  }
0xa5: {  	s4 =	sld [smem:$0x0]  }
0xa6: {  	s5 =	sand.u32 $0xFFFFFFFE, s1  }
0xa7: {  	p0 =	sne.s32 s1, s5  }
0xa8: {  	s5 =	sshll.u32 @p0 s5, $0xE  }
0xa9: {  	s5 =	sadd.s32 @p0 $0x11B8D, s5;
	s6 =	sshll.u32 @p0 s4, $0x11  }
0xaa: {  	s5 =	sor.u32 @p0 s6, s5  }
0xab: {  	[sflag:s5] =	ssyncadd.remote.s32 @p0 $0x1;
	_ =	sdelay $0x1  }
0xac: {  	s5 =	simm.s32 @p0 $0x1B8D  }
0xad: {  	_ =	swait.eq @p0 [sflag:s5], $0x1  }
0xae: {  	[sflag:s5] =	ssyncadd.s32 @p0 $0xFFFFFFFF  }
0xaf: {  	s6 =	sshll.u32 @!p0 s1, $0xE  }
0xb0: {  	s6 =	sor.u32 @!p0 $0x4000, s6;
	s5 =	simm.s32 @!p0 $0x1B8D  }
0xb1: {  	s4 =	sshll.u32 @!p0 s4, $0x11;
	s6 =	sadd.s32 @!p0 $0x11B8D, s6;
	_ =	swait.eq @!p0 [sflag:s5], $0x1  }
0xb2: {  	s4 =	sor.u32 @!p0 s4, s6;
	[sflag:s5] =	ssyncadd.s32 @!p0 $0xFFFFFFFF  }
0xb3: {  	s25 =	simm.s32 $0x1B8E;
	s24 =	sld [smem:$0x3FFE];
	[sflag:s4] =	ssyncadd.remote.s32 @!p0 $0x1  }
0xb4: {  	s26 =	simm.s32 $execute0_lowered;
	[smem:$0x3FD2] =	sst s25  }
0xb5: {  	s5 =	sshll.u32 s26, $0x1;
	_ =	strace $0x80000052;
	[dreg:$0x1] =	wrdreg $0xFFFFFFFF  }
0xb6: {  	s28 =	simm.s32 $_size_execute0_lowered;
	s3 =	sadd.s32 s3, s5;
	[dreg:$0x0] =	wrdreg $0x0  }
0xb7: {  	s5 =	sshll.u32 s28, $0x1;
	[dreg:$0x2] =	wrdreg s3  }
0xb8: {  	[dreg:$0x3] =	wrdreg s5  }
0xb9: {  	[dreg:$0x4] =	wrdreg $0xC0  }
0xba: {  	_ =	task [dreg:s22], $0x5FFFF  }
0xbb: {  	[dreg:$0x1] =	wrdreg $0xFFFFFFFF  }
0xbc: {  	[dreg:$0x0] =	wrdreg $0x60  }
0xbd: {  	[dreg:$0x2] =	wrdreg s24  }
0xbe: {  	[dreg:$0x3] =	wrdreg $0xD  }
0xbf: {  	_ =	task.clear_ibuf [dreg:s22], $0x4FFFF;
	_ =	strace $0x90000052  }
0xc0: {  	s29 =	simm.s32 $0xD;
	_ =	strace $0x80000054  }
0xc1: {  	_ =	swait.ge [sflag:s29], $0x1  }
0xc2: {  	[sflag:s29] =	ssyncadd.s32 $0xFFFFFFFF  }
0xc3: {  	_ =	strace $0x90000054  }
0xc4: {  	_ =	sfence  }
0xc5: {  	s30 =	sld [smem:$0x0];
	_ =	sdelay $0x2  }
0xc6: {  	s31 =	sshll.u32 s1, $0xD;
	s1 =	sshrl.u32 s1, $0x2  }
0xc7: {  	s4 =	sand.u32 $0x4000, s31;
	s1 =	sadd.s32 s1, s30  }
0xc8: {  	s0 =	sor.u32 s4, s0;
	s1 =	sshll.u32 s1, $0x11  }
0xc9: {  	s0 =	sor.u32 s1, s0  }
0xca: {  	s0 =	sadd.s32 $0x8F2B, s0  }
0xcb: {  	[sflag:s0] =	ssyncadd.remote.s32 $0x1  }
0xcc: {  	_ =	sfence.sel $0xFFFF  }
0xcd: {  	[dreg:$0x0] =	wrdreg $0xFFFFFFFF;
	(pc) =	sbr.abs _section_cstart, $3  }
0xce: {  	[dreg:$0x1] =	wrdreg $0xFFFFFFFF  }
0xcf: {  	_ =	task.clear_ibuf [dreg:s22], $0x2FFFF;
	_ =	strace $0x9FFFFFFF  }
0xd0: {  	(tm) =	ssettm $0x7FFFFFFF  }
0xd1: {  	_ =	shalt  }
tec
execute0_lowered:
.L_overlay_start_1:
0x0: {  	(tag) =	ssettag $0x1  }
0x1: {  	s1 =	srdreg.scid;
	s0 =	stileid.u32  }
0x2: {  	s1 =	sand.u32 $0x1, s1;
	s2 =	smul.u32 $0x2800, s0  }
0x3: {  	s3 =	smul.u32 $0x1400, s1;
	_ =	sdelay $0x1  }
0x4: {  	s5 =	rddreg [dreg:$0x0];
	s3 =	sadd.s32 s3, s2;
	s2 =	simm.s32 $0x0  }
0x5: {  	s12 =	simm.s32 $0x80;
	[smem:$0x7FF] =	sst s2  }
0x6: {  	s13 =	simm.s32 $0x900;
	_ =	strace $0x80000053;
	[dreg:$0x4] =	wrdreg s12  }
0x7: {  	s14 =	simm.s32 $0x1100;
	s15 =	simm.s32 $0x1900;
	[dreg:$0x5] =	wrdreg s13  }
0x8: {  	s7 =	simm.s32 $0x2100;
	s16 =	simm.s32 $0x2900;
	[dreg:$0x6] =	wrdreg s14  }
0x9: {  	s17 =	simm.s32 $0x3100;
	s19 =	simm.s32 $0x3900;
	[dreg:$0x7] =	wrdreg s15  }
0xa: {  	s20 =	simm.s32 $0x4100;
	s21 =	simm.s32 $0x4900;
	[dreg:$0x8] =	wrdreg s7  }
0xb: {  	s22 =	simm.s32 $0x5100;
	s24 =	simm.s32 $0x5900;
	[dreg:$0x9] =	wrdreg s16  }
0xc: {  	s25 =	simm.s32 $0x6100;
	s26 =	simm.s32 $0x6900;
	[dreg:$0xa] =	wrdreg s17  }
0xd: {  	s30 =	simm.s32 $0x7100;
	s31 =	simm.s32 $0x7900;
	[dreg:$0xb] =	wrdreg s19  }
0xe: {  	s9 =	simm.s32 $0x100;
	s10 =	simm.s32 $0x8100;
	[dreg:$0xc] =	wrdreg s20  }
0xf: {  	s11 =	simm.s32 $0x8900;
	s28 =	simm.s32 $0x2;
	[dreg:$0xd] =	wrdreg s21  }
0x10: {  	s29 =	simm.s32 $0x0;
	s6 =	smul.u32 $0x50000, s0;
	[dreg:$0xe] =	wrdreg s22  }
0x11: {  	s18 =	ssub.s32 $0x2, s1;
	s1 =	smul.u32 $0x28000, s1;
	[dreg:$0xf] =	wrdreg s24  }
0x12: {  	s6 =	sadd.s32 s6, s5;
	s8 =	sshrl.u32 s18, $0x1;
	[dreg:$0x10] =	wrdreg s25  }
0x13: {  	s1 =	sadd.s32 s1, s6;
	s3 =	sshrl.u32 s3, $0x3;
	[dreg:$0x11] =	wrdreg s26  }
0x14: {  	s6 =	sadd.s32 $0x23800, s1;
	s3 =	sadd.s32 s3, s5;
	[dreg:$0x12] =	wrdreg s30  }
0x15: {  	s7 =	ssub.s32 s18, s8;
	s8 =	simm.s32 $0x3;
	[dreg:$0x13] =	wrdreg s31  }
0x16: {  	s12 =	simm.s32 $0x9100;
	s13 =	simm.s32 $0x9900;
	s14 =	simm.s32 $0xA100  }
0x17: {  	s15 =	simm.s32 $0xA900;
	s16 =	simm.s32 $0xB100;
	s17 =	simm.s32 $0xB900  }
0x18: {  	s18 =	simm.s32 $0xC100;
	s19 =	simm.s32 $0xC900;
	s20 =	simm.s32 $0xD100  }
0x19: {  	s21 =	simm.s32 $0xD900;
	s22 =	simm.s32 $0xE100;
	s24 =	simm.s32 $0xF100  }
0x1a: {  	s25 =	simm.s32 $0xF900;
	s26 =	simm.s32 $0x1;
	s4 =	sadd.s32 $0x1E800, s3  }
0x1b: {  	v2 =	vlaneseq.u32;
	s3 =	sadd.s32 $0x19800, s3;
	s23 =	smax.u32 s7, $0x1;
	[dreg:$0x2] =	wrdreg s4  }
0x1c: {  	vm0 =	vmmov $0xffff;
	v1 =	vshrl.u32 v2, $0x3;
	s7 =	sadd.s32 $0x1194800, s1;
	[dreg:$0x3] =	wrdreg s3;
	s3 =	sadd.s32 $0x794800, s5  }
0x1d: {  	v0 =	vand.u32 $0x7, v2;
	v2 =	vor.u32 $0x8, v2;
	v1 =	vmul.u32 $0x8, v1;
	s4 =	sadd.s32 $0xC94800, s5;
	[dreg:$0x14] =	wrdreg s23;
	s23 =	simm.s32 $0xE900  }
.LBB2_1:
0x1e: {  	s30 =	smov.u32 s7;
	s31 =	smov.u32 s6;
	s1 =	simm.s32 $0x0  }
.LBB2_2:
0x1f: {  	s0 =	rddreg [dreg:$0x3]  }
0x20: {  	s0 =	sadd.s32 s1, s0  }
0x21: {  	[tilespmem:s2], [sflag:$0x3] =	stream.linear.gather [hbm4b:s0+s2], $0x80, $0x38;
	[tilespmem:$0x10100] =	vst v63  }
0x22: {  	_ =	swait.ge [sflag:s8], $0x80  }
0x23: {  	s0 =	rddreg [dreg:$0x2];
	[sflag:s8] =	ssyncset.done $0x0  }
0x24: {  	s5 =	rddreg [dreg:$0x4];
	[sflag:s8] =	ssyncadd.s32 $0xFFFFFF80;
	s0 =	sadd.s32 s1, s0  }
0x25: {  	[tilespmem:s5], [sflag:$0x3] =	stream.linear.gather [hbm4b:s0+s2], $0x80, $0x38;
	[tilespmem:$0x10100] =	vst v63  }
0x26: {  	_ =	swait.ge [sflag:s8], $0x80  }
0x27: {  	[sflag:s8] =	ssyncset.done $0x0  }
0x28: {  	[sflag:s8] =	ssyncadd.s32 $0xFFFFFF80  }
0x29: {  	v3 =	vld [tilespmem:$0x0];
	_ =	sdelay $0x4  }
0x2a: {  	v4 =	vshll.u32 v3, $0x1  }
0x2b: {  	v3 =	vand.u32 $0x7, v3;
	v4 =	vand.u32 $0xFFFFFFF0, v4  }
0x2c: {  	v3 =	vor.u32 v3, v4  }
0x2d: {  	v4 =	vperm.xlane v3, v0;
	_ =	sdelay $0x1  }
0x2e: {  	v3 =	vperm.xlane v3, v2;
	v4 =	vadd.s32 v1, v4;
	_ =	sdelay $0x1  }
0x2f: {  	v3 =	vadd.s32 v1, v3;
	_ =	sdelay $0x2  }
0x30: {  	[tilespmem:s9], [sflag:$0x1] =	stream.indirect_vreg.gather [hbm4b:s3+s2], $0x80, v4, vm0, $0xb8;
	[tilespmem:$0x10100] =	vst v63  }
0x31: {  	s5 =	rddreg [dreg:$0x5]  }
0x32: {  	[tilespmem:s5], [sflag:$0x1] =	stream.indirect_vreg.gather [hbm4b:s3+s2], $0x80, v3, vm0, $0xb8;
	[tilespmem:$0x10100] =	vst v63  }
0x33: {  	v3 =	vld [tilespmem:$0x10];
	_ =	sdelay $0x4  }
0x34: {  	v49 =	vshll.u32 v3, $0x1  }
0x35: {  	v3 =	vand.u32 $0x7, v3;
	v4 =	vand.u32 $0xFFFFFFF0, v49  }
0x36: {  	v3 =	vor.u32 v3, v4  }
0x37: {  	v4 =	vperm.xlane v3, v0;
	_ =	sdelay $0x1  }
0x38: {  	v3 =	vperm.xlane v3, v2;
	v4 =	vadd.s32 v1, v4;
	_ =	sdelay $0x1  }
0x39: {  	v3 =	vadd.s32 v1, v3;
	_ =	sdelay $0x1  }
0x3a: {  	s0 =	rddreg [dreg:$0x6]  }
0x3b: {  	[tilespmem:s0], [sflag:$0x1] =	stream.indirect_vreg.gather [hbm4b:s3+s2], $0x80, v4, vm0, $0xb8;
	[tilespmem:$0x10100] =	vst v63  }
0x3c: {  	s5 =	rddreg [dreg:$0x7]  }
0x3d: {  	[tilespmem:s5], [sflag:$0x1] =	stream.indirect_vreg.gather [hbm4b:s3+s2], $0x80, v3, vm0, $0xb8;
	[tilespmem:$0x10100] =	vst v63  }
0x3e: {  	v3 =	vld [tilespmem:$0x20];
	_ =	sdelay $0x4  }
0x3f: {  	v50 =	vshll.u32 v3, $0x1  }
0x40: {  	v3 =	vand.u32 $0x7, v3;
	v4 =	vand.u32 $0xFFFFFFF0, v50  }
0x41: {  	v3 =	vor.u32 v3, v4  }
0x42: {  	v4 =	vperm.xlane v3, v0;
	_ =	sdelay $0x1  }
0x43: {  	v3 =	vperm.xlane v3, v2;
	v4 =	vadd.s32 v1, v4;
	_ =	sdelay $0x1  }
0x44: {  	v3 =	vadd.s32 v1, v3;
	_ =	sdelay $0x1  }
0x45: {  	s0 =	rddreg [dreg:$0x8]  }
0x46: {  	[tilespmem:s0], [sflag:$0x1] =	stream.indirect_vreg.gather [hbm4b:s3+s2], $0x80, v4, vm0, $0xb8;
	[tilespmem:$0x10100] =	vst v63  }
0x47: {  	s5 =	rddreg [dreg:$0x9]  }
0x48: {  	[tilespmem:s5], [sflag:$0x1] =	stream.indirect_vreg.gather [hbm4b:s3+s2], $0x80, v3, vm0, $0xb8;
	[tilespmem:$0x10100] =	vst v63  }
0x49: {  	v3 =	vld [tilespmem:$0x30];
	_ =	sdelay $0x4  }
0x4a: {  	v51 =	vshll.u32 v3, $0x1  }
0x4b: {  	v3 =	vand.u32 $0x7, v3;
	v4 =	vand.u32 $0xFFFFFFF0, v51  }
0x4c: {  	v3 =	vor.u32 v3, v4  }
0x4d: {  	v4 =	vperm.xlane v3, v0;
	_ =	sdelay $0x1  }
0x4e: {  	v3 =	vperm.xlane v3, v2;
	v4 =	vadd.s32 v1, v4;
	_ =	sdelay $0x1  }
0x4f: {  	v3 =	vadd.s32 v1, v3;
	_ =	sdelay $0x1  }
0x50: {  	s0 =	rddreg [dreg:$0xa]  }
0x51: {  	[tilespmem:s0], [sflag:$0x1] =	stream.indirect_vreg.gather [hbm4b:s3+s2], $0x80, v4, vm0, $0xb8;
	[tilespmem:$0x10100] =	vst v63  }
0x52: {  	s5 =	rddreg [dreg:$0xb]  }
0x53: {  	[tilespmem:s5], [sflag:$0x1] =	stream.indirect_vreg.gather [hbm4b:s3+s2], $0x80, v3, vm0, $0xb8;
	[tilespmem:$0x10100] =	vst v63  }
0x54: {  	v3 =	vld [tilespmem:$0x40];
	_ =	sdelay $0x4  }
0x55: {  	v52 =	vshll.u32 v3, $0x1  }
0x56: {  	v3 =	vand.u32 $0x7, v3;
	v4 =	vand.u32 $0xFFFFFFF0, v52  }
0x57: {  	v3 =	vor.u32 v3, v4  }
0x58: {  	v4 =	vperm.xlane v3, v0;
	_ =	sdelay $0x1  }
0x59: {  	v3 =	vperm.xlane v3, v2;
	v4 =	vadd.s32 v1, v4;
	_ =	sdelay $0x1  }
0x5a: {  	v3 =	vadd.s32 v1, v3;
	_ =	sdelay $0x1  }
0x5b: {  	s0 =	rddreg [dreg:$0xc]  }
0x5c: {  	[tilespmem:s0], [sflag:$0x1] =	stream.indirect_vreg.gather [hbm4b:s3+s2], $0x80, v4, vm0, $0xb8;
	[tilespmem:$0x10100] =	vst v63  }
0x5d: {  	s5 =	rddreg [dreg:$0xd]  }
0x5e: {  	[tilespmem:s5], [sflag:$0x1] =	stream.indirect_vreg.gather [hbm4b:s3+s2], $0x80, v3, vm0, $0xb8;
	[tilespmem:$0x10100] =	vst v63  }
0x5f: {  	v3 =	vld [tilespmem:$0x50];
	_ =	sdelay $0x4  }
0x60: {  	v53 =	vshll.u32 v3, $0x1  }
0x61: {  	v3 =	vand.u32 $0x7, v3;
	v4 =	vand.u32 $0xFFFFFFF0, v53  }
0x62: {  	v3 =	vor.u32 v3, v4  }
0x63: {  	v4 =	vperm.xlane v3, v0;
	_ =	sdelay $0x1  }
0x64: {  	v3 =	vperm.xlane v3, v2;
	v4 =	vadd.s32 v1, v4;
	_ =	sdelay $0x1  }
0x65: {  	v3 =	vadd.s32 v1, v3;
	_ =	sdelay $0x1  }
0x66: {  	s0 =	rddreg [dreg:$0xe]  }
0x67: {  	[tilespmem:s0], [sflag:$0x1] =	stream.indirect_vreg.gather [hbm4b:s3+s2], $0x80, v4, vm0, $0xb8;
	[tilespmem:$0x10100] =	vst v63  }
0x68: {  	s5 =	rddreg [dreg:$0xf]  }
0x69: {  	[tilespmem:s5], [sflag:$0x1] =	stream.indirect_vreg.gather [hbm4b:s3+s2], $0x80, v3, vm0, $0xb8;
	[tilespmem:$0x10100] =	vst v63  }
0x6a: {  	v3 =	vld [tilespmem:$0x60];
	_ =	sdelay $0x4  }
0x6b: {  	v54 =	vshll.u32 v3, $0x1  }
0x6c: {  	v3 =	vand.u32 $0x7, v3;
	v4 =	vand.u32 $0xFFFFFFF0, v54  }
0x6d: {  	v3 =	vor.u32 v3, v4  }
0x6e: {  	v4 =	vperm.xlane v3, v0;
	_ =	sdelay $0x1  }
0x6f: {  	v3 =	vperm.xlane v3, v2;
	v4 =	vadd.s32 v1, v4;
	_ =	sdelay $0x1  }
0x70: {  	v3 =	vadd.s32 v1, v3;
	_ =	sdelay $0x1  }
0x71: {  	s0 =	rddreg [dreg:$0x10]  }
0x72: {  	[tilespmem:s0], [sflag:$0x1] =	stream.indirect_vreg.gather [hbm4b:s3+s2], $0x80, v4, vm0, $0xb8;
	[tilespmem:$0x10100] =	vst v63  }
0x73: {  	s5 =	rddreg [dreg:$0x11]  }
0x74: {  	[tilespmem:s5], [sflag:$0x1] =	stream.indirect_vreg.gather [hbm4b:s3+s2], $0x80, v3, vm0, $0xb8;
	[tilespmem:$0x10100] =	vst v63  }
0x75: {  	v3 =	vld [tilespmem:$0x70];
	_ =	sdelay $0x4  }
0x76: {  	v55 =	vshll.u32 v3, $0x1  }
0x77: {  	v3 =	vand.u32 $0x7, v3;
	v4 =	vand.u32 $0xFFFFFFF0, v55  }
0x78: {  	v3 =	vor.u32 v3, v4  }
0x79: {  	v4 =	vperm.xlane v3, v0;
	_ =	sdelay $0x1  }
0x7a: {  	v3 =	vperm.xlane v3, v2;
	v4 =	vadd.s32 v1, v4;
	_ =	sdelay $0x1  }
0x7b: {  	v3 =	vadd.s32 v1, v3;
	_ =	sdelay $0x1  }
0x7c: {  	s0 =	rddreg [dreg:$0x12]  }
0x7d: {  	[tilespmem:s0], [sflag:$0x1] =	stream.indirect_vreg.gather [hbm4b:s3+s2], $0x80, v4, vm0, $0xb8;
	[tilespmem:$0x10100] =	vst v63  }
0x7e: {  	s5 =	rddreg [dreg:$0x13]  }
0x7f: {  	[tilespmem:s5], [sflag:$0x1] =	stream.indirect_vreg.gather [hbm4b:s3+s2], $0x80, v3, vm0, $0xb8;
	[tilespmem:$0x10100] =	vst v63  }
0x80: {  	v3 =	vld [tilespmem:$0x80];
	_ =	sdelay $0x4  }
0x81: {  	v56 =	vshll.u32 v3, $0x1  }
0x82: {  	v3 =	vand.u32 $0x7, v3;
	v4 =	vand.u32 $0xFFFFFFF0, v56  }
0x83: {  	v3 =	vor.u32 v3, v4  }
0x84: {  	v4 =	vperm.xlane v3, v0;
	_ =	sdelay $0x1  }
0x85: {  	v3 =	vperm.xlane v3, v2;
	v4 =	vadd.s32 v1, v4;
	_ =	sdelay $0x1  }
0x86: {  	v3 =	vadd.s32 v1, v3;
	_ =	sdelay $0x2  }
0x87: {  	[tilespmem:s10], [sflag:$0x2] =	stream.indirect_vreg.gather [hbm4b:s4+s2], $0x80, v4, vm0, $0xb8;
	[tilespmem:$0x10100] =	vst v63  }
0x88: {  	_ = 	snop  }
0x89: {  	[tilespmem:s11], [sflag:$0x2] =	stream.indirect_vreg.gather [hbm4b:s4+s2], $0x80, v3, vm0, $0xb8;
	[tilespmem:$0x10100] =	vst v63  }
0x8a: {  	v3 =	vld [tilespmem:$0x90];
	_ =	sdelay $0x4  }
0x8b: {  	v57 =	vshll.u32 v3, $0x1  }
0x8c: {  	v3 =	vand.u32 $0x7, v3;
	v4 =	vand.u32 $0xFFFFFFF0, v57  }
0x8d: {  	v3 =	vor.u32 v3, v4  }
0x8e: {  	v4 =	vperm.xlane v3, v0;
	_ =	sdelay $0x1  }
0x8f: {  	v3 =	vperm.xlane v3, v2;
	v4 =	vadd.s32 v1, v4;
	_ =	sdelay $0x1  }
0x90: {  	v3 =	vadd.s32 v1, v3;
	_ =	sdelay $0x2  }
0x91: {  	[tilespmem:s12], [sflag:$0x2] =	stream.indirect_vreg.gather [hbm4b:s4+s2], $0x80, v4, vm0, $0xb8;
	[tilespmem:$0x10100] =	vst v63  }
0x92: {  	_ = 	snop  }
0x93: {  	[tilespmem:s13], [sflag:$0x2] =	stream.indirect_vreg.gather [hbm4b:s4+s2], $0x80, v3, vm0, $0xb8;
	[tilespmem:$0x10100] =	vst v63  }
0x94: {  	v3 =	vld [tilespmem:$0xA0];
	_ =	sdelay $0x4  }
0x95: {  	v58 =	vshll.u32 v3, $0x1  }
0x96: {  	v3 =	vand.u32 $0x7, v3;
	v4 =	vand.u32 $0xFFFFFFF0, v58  }
0x97: {  	v3 =	vor.u32 v3, v4  }
0x98: {  	v4 =	vperm.xlane v3, v0;
	_ =	sdelay $0x1  }
0x99: {  	v3 =	vperm.xlane v3, v2;
	v4 =	vadd.s32 v1, v4;
	_ =	sdelay $0x1  }
0x9a: {  	v3 =	vadd.s32 v1, v3;
	_ =	sdelay $0x2  }
0x9b: {  	[tilespmem:s14], [sflag:$0x2] =	stream.indirect_vreg.gather [hbm4b:s4+s2], $0x80, v4, vm0, $0xb8;
	[tilespmem:$0x10100] =	vst v63  }
0x9c: {  	_ = 	snop  }
0x9d: {  	[tilespmem:s15], [sflag:$0x2] =	stream.indirect_vreg.gather [hbm4b:s4+s2], $0x80, v3, vm0, $0xb8;
	[tilespmem:$0x10100] =	vst v63  }
0x9e: {  	v3 =	vld [tilespmem:$0xB0];
	_ =	sdelay $0x4  }
0x9f: {  	v59 =	vshll.u32 v3, $0x1  }
0xa0: {  	v3 =	vand.u32 $0x7, v3;
	v4 =	vand.u32 $0xFFFFFFF0, v59  }
0xa1: {  	v3 =	vor.u32 v3, v4  }
0xa2: {  	v4 =	vperm.xlane v3, v0;
	_ =	sdelay $0x1  }
0xa3: {  	v3 =	vperm.xlane v3, v2;
	v4 =	vadd.s32 v1, v4;
	_ =	sdelay $0x1  }
0xa4: {  	v3 =	vadd.s32 v1, v3;
	_ =	sdelay $0x2  }
0xa5: {  	[tilespmem:s16], [sflag:$0x2] =	stream.indirect_vreg.gather [hbm4b:s4+s2], $0x80, v4, vm0, $0xb8;
	[tilespmem:$0x10100] =	vst v63  }
0xa6: {  	_ = 	snop  }
0xa7: {  	[tilespmem:s17], [sflag:$0x2] =	stream.indirect_vreg.gather [hbm4b:s4+s2], $0x80, v3, vm0, $0xb8;
	[tilespmem:$0x10100] =	vst v63  }
0xa8: {  	v3 =	vld [tilespmem:$0xC0];
	_ =	sdelay $0x4  }
0xa9: {  	v60 =	vshll.u32 v3, $0x1  }
0xaa: {  	v3 =	vand.u32 $0x7, v3;
	v4 =	vand.u32 $0xFFFFFFF0, v60  }
0xab: {  	v3 =	vor.u32 v3, v4  }
0xac: {  	v4 =	vperm.xlane v3, v0;
	_ =	sdelay $0x1  }
0xad: {  	v3 =	vperm.xlane v3, v2;
	v4 =	vadd.s32 v1, v4;
	_ =	sdelay $0x1  }
0xae: {  	v3 =	vadd.s32 v1, v3;
	_ =	sdelay $0x2  }
0xaf: {  	[tilespmem:s18], [sflag:$0x2] =	stream.indirect_vreg.gather [hbm4b:s4+s2], $0x80, v4, vm0, $0xb8;
	[tilespmem:$0x10100] =	vst v63  }
0xb0: {  	_ = 	snop  }
0xb1: {  	[tilespmem:s19], [sflag:$0x2] =	stream.indirect_vreg.gather [hbm4b:s4+s2], $0x80, v3, vm0, $0xb8;
	[tilespmem:$0x10100] =	vst v63  }
0xb2: {  	v3 =	vld [tilespmem:$0xD0];
	_ =	sdelay $0x4  }
0xb3: {  	v61 =	vshll.u32 v3, $0x1  }
0xb4: {  	v3 =	vand.u32 $0x7, v3;
	v4 =	vand.u32 $0xFFFFFFF0, v61  }
0xb5: {  	v3 =	vor.u32 v3, v4  }
0xb6: {  	v4 =	vperm.xlane v3, v0;
	_ =	sdelay $0x1  }
0xb7: {  	v3 =	vperm.xlane v3, v2;
	v4 =	vadd.s32 v1, v4;
	_ =	sdelay $0x1  }
0xb8: {  	v3 =	vadd.s32 v1, v3;
	_ =	sdelay $0x2  }
0xb9: {  	[tilespmem:s20], [sflag:$0x2] =	stream.indirect_vreg.gather [hbm4b:s4+s2], $0x80, v4, vm0, $0xb8;
	[tilespmem:$0x10100] =	vst v63  }
0xba: {  	_ = 	snop  }
0xbb: {  	[tilespmem:s21], [sflag:$0x2] =	stream.indirect_vreg.gather [hbm4b:s4+s2], $0x80, v3, vm0, $0xb8;
	[tilespmem:$0x10100] =	vst v63  }
0xbc: {  	v3 =	vld [tilespmem:$0xE0];
	_ =	sdelay $0x4  }
0xbd: {  	v62 =	vshll.u32 v3, $0x1  }
0xbe: {  	v3 =	vand.u32 $0x7, v3;
	v4 =	vand.u32 $0xFFFFFFF0, v62  }
0xbf: {  	v3 =	vor.u32 v3, v4  }
0xc0: {  	v4 =	vperm.xlane v3, v0;
	_ =	sdelay $0x1  }
0xc1: {  	v3 =	vperm.xlane v3, v2;
	v4 =	vadd.s32 v1, v4;
	_ =	sdelay $0x1  }
0xc2: {  	v3 =	vadd.s32 v1, v3;
	_ =	sdelay $0x2  }
0xc3: {  	[tilespmem:s22], [sflag:$0x2] =	stream.indirect_vreg.gather [hbm4b:s4+s2], $0x80, v4, vm0, $0xb8;
	[tilespmem:$0x10100] =	vst v63  }
0xc4: {  	_ = 	snop  }
0xc5: {  	[tilespmem:s23], [sflag:$0x2] =	stream.indirect_vreg.gather [hbm4b:s4+s2], $0x80, v3, vm0, $0xb8;
	[tilespmem:$0x10100] =	vst v63  }
0xc6: {  	v3 =	vld [tilespmem:$0xF0];
	_ =	sdelay $0x4  }
0xc7: {  	v63 =	vshll.u32 v3, $0x1  }
0xc8: {  	v3 =	vand.u32 $0x7, v3;
	v4 =	vand.u32 $0xFFFFFFF0, v63  }
0xc9: {  	v3 =	vor.u32 v3, v4  }
0xca: {  	v4 =	vperm.xlane v3, v0;
	_ =	sdelay $0x1  }
0xcb: {  	v3 =	vperm.xlane v3, v2;
	v4 =	vadd.s32 v1, v4;
	_ =	sdelay $0x1  }
0xcc: {  	v3 =	vadd.s32 v1, v3;
	_ =	sdelay $0x2  }
0xcd: {  	[tilespmem:s24], [sflag:$0x2] =	stream.indirect_vreg.gather [hbm4b:s4+s2], $0x80, v4, vm0, $0xb8;
	[tilespmem:$0x10100] =	vst v63  }
0xce: {  	_ = 	snop  }
0xcf: {  	[tilespmem:s25], [sflag:$0x2] =	stream.indirect_vreg.gather [hbm4b:s4+s2], $0x80, v3, vm0, $0xb8;
	[tilespmem:$0x10100] =	vst v63  }
0xd0: {  	_ =	swait.ge [sflag:s26], $0x8000  }
0xd1: {  	[sflag:s26] =	ssyncset.done $0x0  }
0xd2: {  	[sflag:s26] =	ssyncadd.s32 $0xFFFF8000  }
0xd3: {  	_ =	swait.ge [sflag:s28], $0x8000  }
0xd4: {  	[sflag:s28] =	ssyncset.done $0x0  }
0xd5: {  	[sflag:s28] =	ssyncadd.s32 $0xFFFF8000  }
0xd6: {  	[hbm4b:s31+s2] =	stream.linear.scatter [tilespmem:s9], [sflag:$0x3], $0x8000, $0x38;
	[tilespmem:$0x10100] =	vst v63  }
0xd7: {  	_ =	swait.ge [sflag:s8], $0x8000  }
0xd8: {  	p0 =	sne.s32 s1, $0x270;
	[sflag:s8] =	ssyncset.done $0x0  }
.Ltmp0:
0xd9: {  	[sflag:s8] =	ssyncadd.s32 $0xFFFF8000;
	(pc) =	sbr.rel @p0 .LBB2_2-.Ltmp0, $4  }
0xda: {  	[hbm4b:s30+s2] =	stream.linear.scatter [tilespmem:s10], [sflag:$0x3], $0x8000, $0x38;
	[tilespmem:$0x10100] =	vst v63  }
0xdb: {  	_ =	swait.ge [sflag:s8], $0x8000  }
0xdc: {  	s1 =	sadd.s32 $0x10, s1;
	[sflag:s8] =	ssyncset.done $0x0  }
0xdd: {  	s31 =	sadd.s32 $0x1000, s31;
	s30 =	sadd.s32 $0x1000, s30;
	[sflag:s8] =	ssyncadd.s32 $0xFFFF8000  }
0xde: {  	s29 =	sadd.s32 $0x1, s29;
	s0 =	rddreg [dreg:$0x14]  }
0xdf: {  	p0 =	sne.s32 s29, s0  }
.Ltmp1:
0xe0: {  	_ = 	snop;
	(pc) =	sbr.rel @p0 .LBB2_1-.Ltmp1, $1  }
0xe1: {  	_ =	sdelay $0x3  }
0xe2: {  	_ =	sfence.sel $0x180000  }
0xe3: {  	[bflag:$0x0] =	sbarrier.arrive $0xFFFF  }
0xe4: {  	_ =	strace $0x90000053  }
0xe5: {  	s0 =	stileid.u32;
	[bflag:$0x2] =	sbarrier.arrive $0xFFFF  }
0xe6: {  	p0 =	sne.s32 s0, $0x0;
	s0 =	rddreg [dreg:$0x1]  }
0xe7: {  	s0 =	sadd.s32 @!p0 $0x100000, s0  }
0xe8: {  	[sflag:s0] =	ssyncadd.tile.s32 @!p0 $0x1;
	_ =	shalt  }
.Lfunc_end2:
_tile_overlayer_lowered:
.L_overlay_start_2:
0xe9: {  	(tag) =	ssettag $0x2  }
0xea: {  	s0 =	rddreg [dreg:$0x0];
	s2 =	stileid.u32  }
0xeb: {  	s1 =	rddreg [dreg:$0x1];
	p0 =	sne.s32 s2, $0x0  }
0xec: {  	s3 =	rddreg [dreg:$0x2];
	[bflag:$0x3] =	sbarrier.arrive $0xFFFF;
	s2 =	simm.s32 @!p0 $0x1C03  }
0xed: {  	[timem:s3], [sflag:s2] =	dma.local @!p0 [hbm:s0], s1  }
0xee: {  	s0 =	simm.s32 @!p0 $0x3  }
0xef: {  	_ =	swait.ge @!p0 [sflag:s0], s1  }
0xf0: {  	s1 =	ssub.s32 @!p0 $0x0, s1;
	[sflag:s0] =	ssyncset.done @!p0 $0x0  }
0xf1: {  	[sflag:s0] =	ssyncadd.s32 @!p0 s1  }
0xf2: {  	[bflag:$0x3] =	sbarrier.arrive $0xFFFF  }
0xf3: {  	_ =	shalt  }

// kernel: scatter_offload_async_start.1
scs
__scs_entry_jumppad:
0x0: {  	(pc) =	sbr.rel $0x88, $3  }
0x1: {  	(tag) =	ssettag $0x0;
	lr =	simm.s32 $0x1  }
0x2: {  	[smem:$0x3F97] =	sst lr;
	_ =	strace $0xD0000000  }
0x3: {  	_ = 	snop  }
0x4: {  	_ = 	snop  }
0x5: {  	_ = 	snop  }
0x6: {  	_ = 	snop  }
0x7: {  	_ = 	snop  }
__scs_overlays_trampoline_lowered:
0x8: {  	[smem:$0x3FA6] =	sst s0  }
0x9: {  	[smem:$0x3FA7] =	sst s1  }
0xa: {  	[smem:$0x3FA8] =	sst s2  }
0xb: {  	[smem:$0x3FA9] =	sst s3  }
0xc: {  	[smem:$0x3FAA] =	sst s4  }
0xd: {  	[smem:$0x3FAB] =	sst s5  }
0xe: {  	[smem:$0x3FAC] =	sst s6  }
0xf: {  	[smem:$0x3FAD] =	sst s7  }
0x10: {  	[smem:$0x3FAE] =	sst s8  }
0x11: {  	[smem:$0x3FAF] =	sst s9;
	s0 =	simm.s32 @!p0 $0x0  }
0x12: {  	s1 =	sld [smem:$0x3F95];
	s0 =	simm.s32 @p0 $0x1  }
0x13: {  	[smem:$0x3FB0] =	sst s0;
	s0 =	simm.s32 @!p1 $0x0  }
0x14: {  	s2 =	sld [smem:$0x3F94];
	s0 =	simm.s32 @p1 $0x1  }
0x15: {  	[smem:$0x3FB1] =	sst s0;
	s0 =	simm.s32 @!p2 $0x0  }
0x16: {  	s3 =	sld [smem:$0x3FDB];
	s0 =	simm.s32 @p2 $0x1  }
0x17: {  	s4 =	simm.s32 $0x1BF5;
	[smem:$0x3FB3] =	sst s0  }
0x18: {  	s0 =	sld [smem:$0x3F96];
	_ =	swait.ge [sflag:s4], $0x0  }
0x19: {  	s7 =	sld [smem:$0x3F97]  }
0x1a: {  	s8 =	sadd.s32 $0xFFFFE003, lr  }
0x1b: {  	s9 =	sadd.s32 $0xFFFFFEF7, lr;
	s5 =	simm.s32 $0xFFFFFFFF;
	p2 =	slt.u32 s8, $0xFFFFF086  }
0x1c: {  	p1 =	slt.u32 s9, $0xF7A;
	s5 =	simm.s32 @!p2 $0x0  }
0x1d: {  	s5 =	simm.s32 @p1 $0x1;
	p0 =	seq.s32 s7, s2  }
0x1e: {  	s7 =	smul.u32 @!p0 $0xF7A, s2;
	p2 =	seq.s32 @!p0 s5, $0x0  }
0x1f: {  	s9 =	smul.u32 $0xF7A, s1;
	s8 =	simm.s32 @!p0 $0x1BF5;
	p2 =	por !p2, p0  }
0x20: {  	[sflag:s8] =	ssyncset.s32 @!p0 $0xFFFFF086;
	s6 =	sadd.s32 @!p0 s3, s7;
	s7 =	simm.s32 @!p0 $0x108  }
0x21: {  	s3 =	sadd.s32 s3, s9;
	s6 =	sadd.s32 @!p0 $0x88, s6;
	s7 =	simm.s32 @p2 $0x1082  }
0x22: {  	[simem:s7], [sflag:s8] =	dma.local @!p0 [hbm:s6], $0xF7A  }
0x23: {  	s9 =	sor.u32 $0xD0000000, s2;
	s6 =	simm.s32 $0x108;
	_ =	swait.ge @!p0 [sflag:s8], $0x0  }
0x24: {  	s3 =	sadd.s32 $0x88, s3;
	s6 =	simm.s32 @!p1 $0x1082;
	[sflag:s4] =	ssyncset.s32 $0xFFFFF086  }
0x25: {  	[simem:s6], [sflag:s4] =	dma.local [hbm:s3], $0xF7A  }
0x26: {  	[smem:$0x3F97] =	sst s1;
	(tag) =	ssettag s2;
	_ =	strace s9  }
0x27: {  	s1 =	sld [smem:$0x3FA7]  }
0x28: {  	s2 =	sld [smem:$0x3FA8]  }
0x29: {  	s4 =	sld [smem:$0x3FAA]  }
0x2a: {  	p0 =	seq.s32 s5, $0x0;
	s5 =	sld [smem:$0x3FAB]  }
0x2b: {  	s6 =	sld [smem:$0x3FAC]  }
0x2c: {  	s7 =	sld [smem:$0x3FAD]  }
0x2d: {  	s3 =	simm.s32 $0x108;
	s8 =	sld [smem:$0x3FAE]  }
0x2e: {  	s3 =	simm.s32 @!p0 $0x1082;
	s9 =	sld [smem:$0x3FAF]  }
0x2f: {  	lr =	sadd.s32 s0, s3;
	s0 =	sld [smem:$0x3FA6]  }
0x30: {  	s3 =	sld [smem:$0x3FA9]  }
0x31: {  	[smem:$0x3FB2] =	sst s10  }
0x32: {  	s10 =	sld [smem:$0x3FB0];
	_ =	sdelay $0x3  }
0x33: {  	p0 =	seq.s32 s10, $0x1;
	s10 =	sld [smem:$0x3FB2];
	_ =	sdelay $0x3  }
0x34: {  	[smem:$0x3FB2] =	sst s10  }
0x35: {  	s10 =	sld [smem:$0x3FB1];
	_ =	sdelay $0x3  }
0x36: {  	p1 =	seq.s32 s10, $0x1;
	s10 =	sld [smem:$0x3FB2];
	_ =	sdelay $0x3  }
0x37: {  	[smem:$0x3FB2] =	sst s10  }
0x38: {  	s10 =	sld [smem:$0x3FB3]  }
0x39: {  	_ = 	snop;
	(pc) =	sbr.ind lr, $3  }
0x3a: {  	_ = 	snop  }
0x3b: {  	_ = 	snop  }
0x3c: {  	p2 =	seq.s32 s10, $0x1;
	s10 =	sld [smem:$0x3FB2]  }
0x3d: {  	_ =	shalt  }
0x3e: {  	_ =	shalt  }
0x3f: {  	_ =	shalt  }
0x40: {  	_ =	shalt  }
0x41: {  	_ =	shalt  }
0x42: {  	_ =	shalt  }
0x43: {  	_ =	shalt  }
0x44: {  	_ =	shalt  }
0x45: {  	_ =	shalt  }
0x46: {  	_ =	shalt  }
0x47: {  	_ =	shalt  }
0x48: {  	_ =	shalt  }
0x49: {  	_ =	shalt  }
0x4a: {  	_ =	shalt  }
0x4b: {  	_ =	shalt  }
0x4c: {  	_ =	shalt  }
0x4d: {  	_ =	shalt  }
0x4e: {  	_ =	shalt  }
0x4f: {  	_ =	shalt  }
0x50: {  	_ =	shalt  }
0x51: {  	_ =	shalt  }
0x52: {  	_ =	shalt  }
0x53: {  	_ =	shalt  }
0x54: {  	_ =	shalt  }
0x55: {  	_ =	shalt  }
0x56: {  	_ =	shalt  }
0x57: {  	_ =	shalt  }
0x58: {  	_ =	shalt  }
0x59: {  	_ =	shalt  }
0x5a: {  	_ =	shalt  }
0x5b: {  	_ =	shalt  }
0x5c: {  	_ =	shalt  }
0x5d: {  	_ =	shalt  }
0x5e: {  	_ =	shalt  }
0x5f: {  	_ =	shalt  }
0x60: {  	_ =	shalt  }
0x61: {  	_ =	shalt  }
0x62: {  	_ =	shalt  }
0x63: {  	_ =	shalt  }
0x64: {  	_ =	shalt  }
0x65: {  	_ =	shalt  }
0x66: {  	_ =	shalt  }
0x67: {  	_ =	shalt  }
0x68: {  	_ =	shalt  }
0x69: {  	_ =	shalt  }
0x6a: {  	_ =	shalt  }
0x6b: {  	_ =	shalt  }
0x6c: {  	_ =	shalt  }
0x6d: {  	_ =	shalt  }
0x6e: {  	_ =	shalt  }
0x6f: {  	_ =	shalt  }
0x70: {  	_ =	shalt  }
0x71: {  	_ =	shalt  }
0x72: {  	_ =	shalt  }
0x73: {  	_ =	shalt  }
0x74: {  	_ =	shalt  }
0x75: {  	_ =	shalt  }
0x76: {  	_ =	shalt  }
0x77: {  	_ =	shalt  }
0x78: {  	_ =	shalt  }
0x79: {  	_ =	shalt  }
0x7a: {  	_ =	shalt  }
0x7b: {  	_ =	shalt  }
0x7c: {  	_ =	shalt  }
0x7d: {  	_ =	shalt  }
0x7e: {  	_ =	shalt  }
0x7f: {  	_ =	shalt  }
0x80: {  	_ =	shalt  }
0x81: {  	_ =	shalt  }
0x82: {  	_ =	shalt  }
0x83: {  	_ =	shalt  }
0x84: {  	_ =	shalt  }
0x85: {  	_ =	shalt  }
0x86: {  	_ =	shalt  }
0x87: {  	_ =	shalt  }
.Lfunc_end0:
.L_simem_size_0:
called_computation.1_lowered:
.L_overlay_start_0:
0x88: {  	s0 =	sld [smem:$0x3FD9]  }
0x89: {  	s1 =	sld [smem:$0x3FFE];
	_ =	sdelay $0x3  }
0x8a: {  	s0 =	sadd.s32 s1, s0  }
0x8b: {  	[smem:$0x3FBE] =	sst s0  }
0x8c: {  	_ = 	snop  }
0x8d: {  	s14 =	sld [smem:$0x3FD0];
	(tm) =	ssettm $0x1  }
0x8e: {  	s15 =	sld [smem:$0x3FFB];
	_ =	sdelay $0x3  }
0x8f: {  	_ =	strace s15  }
0x90: {  	s0 =	sld [smem:$0x3FFC];
	_ =	sdelay $0x3  }
0x91: {  	_ =	strace s0  }
0x92: {  	s0 =	sld [smem:$0x3FFD];
	_ =	sdelay $0x3  }
0x93: {  	_ =	strace s0  }
0x94: {  	_ =	strace $0x8FFFFFFF  }
0x95: {  	s16 =	sld [smem:$0x3FDB];
	_ =	sdelay $0x1  }
0x96: {  	s2 =	simm.s32 $_scs_section_size  }
0x97: {  	s3 =	simm.s32 $_size__tile_overlayer_lowered;
	s4 =	simm.s32 $_tile_overlayer_lowered  }
0x98: {  	s5 =	simm.s32 $0x1BFF;
	s17 =	sshll.u32 s4, $0x1;
	s2 =	sadd.s32 s2, s16  }
0x99: {  	s18 =	simm.s32 $0x0;
	s3 =	sshll.u32 s3, $0x1;
	s4 =	sadd.s32 s17, s2  }
0x9a: {  	[timem:s18], [sflag:s5] =	dma.local [hbm:s4], s3  }
0x9b: {  	_ =	swait.ge [sflag:s5], s3  }
0x9c: {  	s3 =	ssub.s32 $0x0, s3;
	[sflag:s5] =	ssyncset.done $0x0  }
0x9d: {  	[sflag:s5] =	ssyncadd.s32 s3;
	_ =	sdelay $0x1  }
0x9e: {  	s19 =	simm.s32 $0x1B8B  }
0x9f: {  	_ =	swait.ge [sflag:s19], $0x1  }
0xa0: {  	[sflag:s19] =	ssyncset.done $0x0  }
0xa1: {  	s21 =	simm.s32 $0x1B8E;
	s20 =	sld [smem:$0x3FFE];
	[sflag:s19] =	ssyncadd.s32 $0xFFFFFFFF  }
0xa2: {  	s22 =	simm.s32 $execute0_lowered;
	[smem:$0x3FD2] =	sst s21  }
0xa3: {  	s4 =	sshll.u32 s22, $0x1;
	_ =	strace $0x8000004C;
	[dreg:$0x1] =	wrdreg $0xFFFFFFFF  }
0xa4: {  	s23 =	simm.s32 $_size_execute0_lowered;
	s4 =	sadd.s32 s2, s4;
	[dreg:$0x0] =	wrdreg $0x0  }
0xa5: {  	s5 =	sshll.u32 s23, $0x1;
	[dreg:$0x2] =	wrdreg s4  }
0xa6: {  	[dreg:$0x3] =	wrdreg s5  }
0xa7: {  	[dreg:$0x4] =	wrdreg $0xC0  }
0xa8: {  	s24 =	simm.s32 $execute1_lowered;
	_ =	task [dreg:s18], $0x5FFFF  }
0xa9: {  	s4 =	sshll.u32 s24, $0x1;
	[dreg:$0x1] =	wrdreg $0xFFFFFFFF  }
0xaa: {  	s2 =	sadd.s32 s2, s4;
	[dreg:$0x0] =	wrdreg $0x60  }
0xab: {  	[dreg:$0x2] =	wrdreg s2  }
0xac: {  	[dreg:$0x3] =	wrdreg s14  }
0xad: {  	[dreg:$0x4] =	wrdreg s20  }
0xae: {  	[dreg:$0x5] =	wrdreg $0xB  }
0xaf: {  	_ =	task.clear_ibuf [dreg:s18], $0x6FFFF;
	_ =	strace $0x9000004C  }
0xb0: {  	s25 =	simm.s32 $0xB;
	_ =	strace $0x8000004E  }
0xb1: {  	_ =	swait.ge [sflag:s25], $0x1  }
0xb2: {  	[sflag:s25] =	ssyncadd.s32 $0xFFFFFFFF  }
0xb3: {  	_ =	strace $0x9000004E  }
0xb4: {  	_ =	strace $0x8000004F;
	[dreg:$0x1] =	wrdreg $0xFFFFFFFF  }
0xb5: {  	[dreg:$0x0] =	wrdreg $0x2030  }
0xb6: {  	[dreg:$0x2] =	wrdreg s20  }
0xb7: {  	[dreg:$0x3] =	wrdreg $0xC  }
0xb8: {  	_ =	task.clear_ibuf [dreg:s18], $0x4FFFF;
	_ =	strace $0x9000004F  }
0xb9: {  	s26 =	simm.s32 $0xC;
	_ =	strace $0x80000051  }
0xba: {  	_ =	swait.ge [sflag:s26], $0x1  }
0xbb: {  	[sflag:s26] =	ssyncadd.s32 $0xFFFFFFFF  }
0xbc: {  	_ =	strace $0x90000051  }
0xbd: {  	_ =	sfence  }
0xbe: {  	s28 =	sld [smem:$0x0];
	_ =	sdelay $0x1  }
0xbf: {  	s29 =	srdreg.scid  }
0xc0: {  	s30 =	sshll.u32 s29, $0xD;
	s31 =	sshrl.u32 s29, $0x2  }
0xc1: {  	s3 =	sand.u32 $0x4000, s30;
	s2 =	sand.u32 $0x1, s29;
	s1 =	sadd.s32 s31, s28  }
0xc2: {  	s2 =	sor.u32 s3, s2;
	s1 =	sshll.u32 s1, $0x11  }
0xc3: {  	s1 =	sor.u32 s1, s2  }
0xc4: {  	s1 =	sadd.s32 $0x8F2B, s1  }
0xc5: {  	[sflag:s1] =	ssyncadd.remote.s32 $0x1  }
0xc6: {  	_ =	sfence.sel $0xFFFF  }
0xc7: {  	[dreg:$0x0] =	wrdreg $0xFFFFFFFF;
	(pc) =	sbr.abs _section_cstart, $3  }
0xc8: {  	[dreg:$0x1] =	wrdreg $0xFFFFFFFF  }
0xc9: {  	_ =	task.clear_ibuf [dreg:s18], $0x2FFFF;
	_ =	strace $0x9FFFFFFF  }
0xca: {  	(tm) =	ssettm $0x7FFFFFFF  }
0xcb: {  	_ =	shalt  }
tec
execute0_lowered:
.L_overlay_start_1:
0x0: {  	(tag) =	ssettag $0x1  }
0x1: {  	s2 =	rddreg [dreg:$0x0]  }
0x2: {  	s5 =	rddreg [dreg:$0x1]  }
0x3: {  	s4 =	rddreg [dreg:$0x2]  }
0x4: {  	s0 =	rddreg [dreg:$0x3];
	s3 =	stileid.u32  }
0x5: {  	[bflag:$0x3] =	sbarrier.arrive $0xFFFF;
	s1 =	simm.s32 $_size_execute1_lowered;
	p0 =	sne.s32 s3, $0x0  }
0x6: {  	s1 =	sshll.u32 s1, $0x1;
	s6 =	simm.s32 @!p0 $0x1C3F;
	s7 =	simm.s32 @!p0 $0x4060  }
0x7: {  	[timem:s7], [sflag:s6] =	dma.local @!p0 [hbm:s2], s1  }
.Ltmp0:
0x8: {  	s30 =	simm.s32 $0x2;
	s8 =	simm.s32 $0x780;
	(pc) =	sbr.rel .LBB2_1-.Ltmp0, $4  }
0x9: {  	s10 =	simm.s32 $0x0;
	s9 =	simm.s32 $0x0;
	s2 =	smul.u32 $0x280, s3  }
0xa: {  	s4 =	sadd.s32 $0xA200, s4;
	s3 =	simm.s32 $0x1;
	_ =	strace $0x8000004D  }
0xb: {  	s6 =	simm.s32 $0x0;
	[sflag:s3] =	ssyncpa.u1 $0x0;
	s31 =	sshrl.u32 s2, $0x3  }
0xc: {  	s7 =	simm.s32 $0x280;
	[sflag:s30] =	ssyncpa.u1 $0x0;
	s5 =	sadd.s32 s31, s5  }
.LBB2_8:
0xd: {  	p1 =	seq.s32 s9, $0x2  }
.Ltmp1:
0xe: {  	_ = 	snop;
	(pc) =	sbr.rel @p1 .LBB2_10-.Ltmp1, $1  }
0xf: {  	_ =	sdelay $0x3  }
.LBB2_9:
0x10: {  	s9 =	sadd.s32 $0x1, s9;
	s10 =	smov.u32 s2  }
.LBB2_1:
0x11: {  	p1 =	sne.s32 s9, $0x0  }
.Ltmp2:
0x12: {  	_ = 	snop;
	(pc) =	sbr.rel @!p1 .LBB2_2-.Ltmp2, $1  }
0x13: {  	_ =	sdelay $0x3  }
0x14: {  	s11 =	sand.u32 $0x1, s9  }
0x15: {  	p1 =	seq.s32 s11, $0x0  }
.Ltmp3:
0x16: {  	_ = 	snop;
	(pc) =	sbr.rel @p1 .LBB2_8-.Ltmp3, $1  }
0x17: {  	_ =	sdelay $0x3  }
0x18: {  	_ =	swait.ge [sflag:s3], $0x280  }
0x19: {  	[sflag:s3] =	ssyncset.done $0x0  }
0x1a: {  	s11 =	simm.s32 $0x0;
	p1 =	por $0x1, $0x1;
	[sflag:s3] =	ssyncadd.s32 $0xFFFFFD80  }
.LBB2_5:
0x1b: {  	v0 =	vld [tilespmem:s11+$0x280]  }
0x1c: {  	v1 =	vld [tilespmem:s11+$0x290]  }
0x1d: {  	v2 =	vld [tilespmem:s11+$0x2A0]  }
0x1e: {  	v3 =	vld [tilespmem:s11+$0x2B0]  }
0x1f: {  	v4 =	vld [tilespmem:s11+$0x2C0]  }
0x20: {  	v53 =	vld [tilespmem:s11+$0x2D0];
	[tilespmem:s11+$0x780] =	vst v0  }
0x21: {  	v54 =	vld [tilespmem:s11+$0x2E0];
	[tilespmem:s11+$0x790] =	vst v1  }
0x22: {  	v55 =	vld [tilespmem:s11+$0x2F0];
	[tilespmem:s11+$0x7A0] =	vst v2  }
0x23: {  	v56 =	vld [tilespmem:s11+$0x300];
	[tilespmem:s11+$0x7B0] =	vst v3  }
0x24: {  	v57 =	vld [tilespmem:s11+$0x310];
	[tilespmem:s11+$0x7C0] =	vst v4  }
0x25: {  	v58 =	vld [tilespmem:s11+$0x320];
	[tilespmem:s11+$0x7D0] =	vst v53  }
0x26: {  	v59 =	vld [tilespmem:s11+$0x330];
	[tilespmem:s11+$0x7E0] =	vst v54  }
0x27: {  	v60 =	vld [tilespmem:s11+$0x340];
	[tilespmem:s11+$0x7F0] =	vst v55  }
0x28: {  	v61 =	vld [tilespmem:s11+$0x350];
	[tilespmem:s11+$0x800] =	vst v56  }
0x29: {  	v62 =	vld [tilespmem:s11+$0x360];
	[tilespmem:s11+$0x810] =	vst v57  }
0x2a: {  	v63 =	vld [tilespmem:s11+$0x370];
	p2 =	por p1, p1;
	[tilespmem:s11+$0x820] =	vst v58  }
.Ltmp4:
0x2b: {  	[tilespmem:s11+$0x830] =	vst v59;
	(pc) =	sbr.rel @p2 .LBB2_5-.Ltmp4, $4  }
0x2c: {  	[tilespmem:s11+$0x840] =	vst v60  }
0x2d: {  	[tilespmem:s11+$0x850] =	vst v61  }
0x2e: {  	s12 =	simm.s32 $0x1F0;
	s13 =	simm.s32 $0x980;
	[tilespmem:s11+$0x860] =	vst v62  }
0x2f: {  	s14 =	simm.s32 $0x480;
	p1 =	por $0x0, $0x0;
	[tilespmem:s11+$0x870] =	vst v63;
	s11 =	simm.s32 $0x100  }
.LBB2_6:
0x30: {  	s12 =	sadd.s32 $0x10, s12  }
0x31: {  	v0 =	vld [tilespmem:s14+$0x0];
	p1 =	slt.u32 s12, $0x270  }
.Ltmp5:
0x32: {  	_ = 	snop;
	(pc) =	sbr.rel @p1 .LBB2_6-.Ltmp5, $2  }
0x33: {  	_ =	sdelay $0x2  }
0x34: {  	s14 =	sadd.s32 $0x10, s14;
	[tilespmem:s13+$0x0] =	vst v0;
	s13 =	sadd.s32 $0x10, s13  }
.Ltmp6:
0x35: {  	(pc) =	sbr.rel .LBB2_8-.Ltmp6, $4  }
0x36: {  	_ = 	snop  }
0x37: {  	s10 =	sshrl.u32 s10, $0x3  }
0x38: {  	s10 =	sadd.s32 s4, s10  }
0x39: {  	[hbm4b:s10+s6] =	stream.linear.scatter [tilespmem:s8], [sflag:$0x2], $0x280, $0x38;
	[tilespmem:$0xA00] =	vst v63  }
.LBB2_2:
.Ltmp7:
0x3a: {  	(pc) =	sbr.rel .LBB2_9-.Ltmp7, $2  }
0x3b: {  	_ =	sdelay $0x2  }
0x3c: {  	[tilespmem:s7], [sflag:$0x1] =	stream.linear.gather [hbm4b:s5+s6], $0x280, $0x38;
	[tilespmem:$0xA00] =	vst v63  }
.LBB2_10:
0x3d: {  	s2 =	simm.s32 $0x2  }
0x3e: {  	_ =	swait.ge [sflag:s2], $0x280  }
0x3f: {  	[sflag:s2] =	ssyncset.done $0x0  }
0x40: {  	[sflag:s2] =	ssyncadd.s32 $0xFFFFFD80  }
0x41: {  	_ =	sfence.sel $0x180000  }
0x42: {  	s3 =	simm.s32 $0x1;
	[bflag:$0x0] =	sbarrier.arrive $0xFFFF  }
0x43: {  	[sflag:s3] =	ssyncpa.u1 $0x1  }
0x44: {  	[sflag:s2] =	ssyncpa.u1 $0x1  }
0x45: {  	_ =	strace $0x9000004D  }
0x46: {  	s0 =	sadd.s32 @!p0 $0x100000, s0;
	[bflag:$0x2] =	sbarrier.arrive $0xFFFF  }
0x47: {  	[sflag:s0] =	ssyncadd.tile.s32 @!p0 $0x1;
	s0 =	simm.s32 @!p0 $0x3F  }
0x48: {  	_ =	swait.ge @!p0 [sflag:s0], s1  }
0x49: {  	s1 =	ssub.s32 @!p0 $0x0, s1;
	[sflag:s0] =	ssyncset.done @!p0 $0x0  }
0x4a: {  	[sflag:s0] =	ssyncadd.s32 @!p0 s1  }
0x4b: {  	[bflag:$0x3] =	sbarrier.arrive $0xFFFF  }
0x4c: {  	_ =	shalt  }
.Lfunc_end2:
execute1_lowered:
.L_overlay_start_2:
0x4d: {  	(tag) =	ssettag $0x2  }
0x4e: {  	s7 =	rddreg [dreg:$0x0]  }
0x4f: {  	s0 =	rddreg [dreg:$0x1]  }
0x50: {  	_ =	strace $0x80000050;
	s3 =	stileid.u32;
	s4 =	simm.s32 $0x3E  }
0x51: {  	s1 =	sadd.s32 $0xA200, s7;
	p0 =	sne.s32 s3, $0x0;
	[sflag:s4] =	ssyncpa.u1 $0x0  }
0x52: {  	s30 =	smin.u32 s3, $0x4;
	s2 =	simm.s32 @!p0 $0x1C3E;
	s5 =	simm.s32 @!p0 $0x0  }
0x53: {  	[spmem:s5], [sflag:s2] =	dma.local @!p0 [hbm:s1], $0x500  }
0x54: {  	s2 =	sadd.s32 s3, s30  }
0x55: {  	p1 =	slt.u32 s3, $0x4;
	s3 =	simm.s32 $0x3E80;
	s2 =	smul.u32 $0x1F40, s2  }
0x56: {  	s3 =	simm.s32 @!p1 $0x1F40  }
0x57: {  	s3 =	sadd.s32 s3, s2  }
0x58: {  	s3 =	smin.u32 s3, $0x27100  }
0x59: {  	s8 =	ssub.s32 s3, s2  }
0x5a: {  	p1 =	sgt.s32 s8, $0x0  }
0x5b: {  	s8 =	simm.s32 @!p1 $0x0  }
0x5c: {  	s5 =	simm.s32 @!p0 $0x3E;
	s31 =	smulhi.u32 $0x10624DD3, s8  }
0x5d: {  	_ =	swait.ge @!p0 [sflag:s5], $0x500  }
0x5e: {  	s6 =	simm.s32 $0x2;
	[sflag:s5] =	ssyncset.done @!p0 $0x0;
	s9 =	sshrl.u32 s31, $0x9  }
0x5f: {  	s11 =	simm.s32 $0x0;
	[sflag:s5] =	ssyncadd.s32 @!p0 $0xFFFFFB00;
	s10 =	smul.u32 $0x1F40, s9  }
.Ltmp8:
0x60: {  	s5 =	sadd.s32 $0x5000, s7;
	[bflag:$0x0] =	sbarrier.arrive $0xFFFF;
	(pc) =	sbr.rel .LBB3_1-.Ltmp8, $4  }
0x61: {  	s7 =	sadd.s32 $0xF200, s7;
	[sflag:s4] =	ssyncpa.u1 $0x1;
	s4 =	simm.s32 $0x1  }
0x62: {  	[sflag:s4] =	ssyncpa.u1 $0x0;
	p1 =	sne.s32 s8, s10;
	s8 =	simm.s32 $0x1  }
0x63: {  	(ifvalue) =	ssetifvalue $0x2800;
	[sflag:s6] =	ssyncpa.u1 $0x0;
	s8 =	simm.s32 @!p1 $0x0  }
0x64: {  	vm0 =	vmmov $0xffff;
	s10 =	smov.u32 s2;
	s8 =	sadd.s32 s8, s9;
	s9 =	simm.s32 $0x0  }
.LBB3_5:
0x65: {  	p2 =	sne.s32 s11, s8  }
.Ltmp9:
0x66: {  	_ = 	snop;
	(pc) =	sbr.rel @!p2 .LBB3_6-.Ltmp9, $4  }
0x67: {  	_ = 	snop  }
0x68: {  	s12 =	sadd.s32 $0x1F40, s10  }
0x69: {  	s10 =	smov.u32 s2;
	s13 =	sadd.s32 $0x1, s11;
	p1 =	slt.s32 s12, s3  }
0x6a: {  	s11 =	smov.u32 s13;
	s10 =	smov.u32 @p1 s12  }
.LBB3_1:
0x6b: {  	p1 =	sge.u32 s11, s8  }
0x6c: {  	s12 =	sxor.u32 @!p1 $0xFFFFFFFF, s11  }
0x6d: {  	s12 =	sand.u32 @!p1 $0x1, s12  }
0x6e: {  	s12 =	smul.u32 @!p1 $0x1F40, s12  }
0x6f: {  	s13 =	sshrl.u32 @!p1 s10, $0x3  }
0x70: {  	s16 =	sand.u32 @!p1 $0x7, s10;
	s14 =	sadd.s32 @!p1 s5, s13;
	s15 =	sadd.s32 @!p1 $0x280, s12  }
0x71: {  	[tilespmem:s15], [sflag:$0x2] =	stream.linear.gather @!p1 [hbm4b:s14+s16], $0x1F40, $0x38;
	[tilespmem:$0x7F80] =	vst v63  }
0x72: {  	s13 =	sadd.s32 @!p1 s7, s13;
	s12 =	sadd.s32 @!p1 $0x4100, s12  }
0x73: {  	[tilespmem:s12], [sflag:$0x2] =	stream.linear.gather @!p1 [hbm4b:s13+s16], $0x1F40, $0x38;
	[tilespmem:$0x7F80] =	vst v63  }
0x74: {  	p1 =	seq.s32 s11, $0x0  }
.Ltmp10:
0x75: {  	_ = 	snop;
	(pc) =	sbr.rel @p1 .LBB3_5-.Ltmp10, $1  }
0x76: {  	_ =	sdelay $0x3  }
0x77: {  	s12 =	sand.u32 $0x1, s11  }
0x78: {  	_ =	swait.ge [sflag:s6], $0x3E80;
	p1 =	seq.s32 s12, $0x1;
	s12 =	simm.s32 $0x1F40  }
0x79: {  	[sflag:s6] =	ssyncset.done $0x0;
	s12 =	simm.s32 @!p1 $0x0  }
0x7a: {  	[sflag:s6] =	ssyncadd.s32 $0xFFFFC180;
	s14 =	sadd.s32 $0x280, s12  }
0x7b: {  	v0 =	vld.msk [tilespmem:s14+$0x0 ss:$0x1], $0xffff;
	_ =	sdelay $0x4  }
0x7c: {  	v0 =	vmin.u32 v0, $0x2800;
	_ =	sdelay $0x3  }
0x7d: {  	s13 =	simm.s32 $0x0;
	s12 =	sadd.s32 $0x4100, s12;
	s14 =	sadd.s32 $0x10, s14  }
0x7e: {  	[spmem:s9] =	stream.indirect_vreg.scatter.add.s32 [tilespmem:s12], [sflag:$0x1], $0x1, v0, vm0, $0x4038;
	[tilespmem:$0x7F80] =	vst v63  }
.LBB3_3:
0x7f: {  	v0 =	vld.msk [tilespmem:s14+$0x0 ss:$0x1], $0xffff;
	s13 =	sadd.s32 $0x10, s13  }
0x80: {  	p1 =	slt.u32 s13, $0x1F30;
	_ =	sdelay $0x4  }
0x81: {  	v0 =	vmin.u32 v0, $0x2800  }
.Ltmp11:
0x82: {  	(pc) =	sbr.rel @p1 .LBB3_3-.Ltmp11, $3  }
0x83: {  	_ =	sdelay $0x1  }
0x84: {  	s14 =	sadd.s32 $0x10, s14;
	s12 =	sadd.s32 $0x10, s12  }
0x85: {  	[spmem:s9] =	stream.indirect_vreg.scatter.add.s32 [tilespmem:s12], [sflag:$0x1], $0x1, v0, vm0, $0x4038;
	[tilespmem:$0x7F80] =	vst v63  }
.Ltmp12:
0x86: {  	(pc) =	sbr.rel .LBB3_5-.Ltmp12, $4  }
0x87: {  	_ = 	snop  }
0x88: {  	_ =	swait.ge [sflag:s4], $0x1F40  }
0x89: {  	[sflag:s4] =	ssyncset.done $0x0  }
0x8a: {  	[sflag:s4] =	ssyncadd.s32 $0xFFFFE0C0  }
.LBB3_6:
0x8b: {  	_ =	sfence.sel $0x180000  }
0x8c: {  	s2 =	simm.s32 $0x2;
	[bflag:$0x0] =	sbarrier.arrive $0xFFFF  }
0x8d: {  	s30 =	simm.s32 $0x1;
	[sflag:s2] =	ssyncpa.u1 $0x1  }
0x8e: {  	[sflag:s30] =	ssyncpa.u1 $0x1  }
0x8f: {  	_ =	sfence.stream.spmem  }
0x90: {  	s31 =	simm.s32 $0x3D;
	[bflag:$0x0] =	sbarrier.arrive $0xFFFF  }
0x91: {  	s2 =	simm.s32 @p0 $0x3D;
	[sflag:s31] =	ssyncpa.u1 $0x0  }
0x92: {  	[sflag:s2] =	ssyncpa.u1 @p0 $0x1  }
0x93: {  	[bflag:$0x0] =	sbarrier.arrive @p0 $0xFFFF  }
0x94: {  	_ =	strace @p0 $0x90000050  }
0x95: {  	s3 =	simm.s32 @!p0 $0x1C3D;
	s2 =	simm.s32 @!p0 $0x0;
	[bflag:$0x2] =	sbarrier.arrive @p0 $0xFFFF  }
0x96: {  	[hbm:s1], [sflag:s3] =	dma.local @!p0 [spmem:s2], $0x500  }
0x97: {  	s1 =	simm.s32 @!p0 $0x3D  }
0x98: {  	_ =	swait.ge @!p0 [sflag:s1], $0x500  }
0x99: {  	[sflag:s1] =	ssyncset.done @!p0 $0x0  }
0x9a: {  	[sflag:s1] =	ssyncadd.s32 @!p0 $0xFFFFFB00  }
0x9b: {  	[sflag:s1] =	ssyncpa.u1 @!p0 $0x1  }
0x9c: {  	[bflag:$0x0] =	sbarrier.arrive @!p0 $0xFFFF  }
0x9d: {  	_ =	strace @!p0 $0x90000050  }
0x9e: {  	s0 =	sadd.s32 @!p0 $0x100000, s0;
	[bflag:$0x2] =	sbarrier.arrive @!p0 $0xFFFF  }
0x9f: {  	[sflag:s0] =	ssyncadd.tile.s32 @!p0 $0x1;
	_ =	shalt  }
.Lfunc_end3:
_tile_overlayer_lowered:
.L_overlay_start_3:
0xa0: {  	(tag) =	ssettag $0x3  }
0xa1: {  	s0 =	rddreg [dreg:$0x0];
	s2 =	stileid.u32  }
0xa2: {  	s1 =	rddreg [dreg:$0x1];
	p0 =	sne.s32 s2, $0x0  }
0xa3: {  	s3 =	rddreg [dreg:$0x2];
	[bflag:$0x3] =	sbarrier.arrive $0xFFFF;
	s2 =	simm.s32 @!p0 $0x1C01  }
0xa4: {  	[timem:s3], [sflag:s2] =	dma.local @!p0 [hbm:s0], s1  }
0xa5: {  	s0 =	simm.s32 @!p0 $0x1  }
0xa6: {  	_ =	swait.ge @!p0 [sflag:s0], s1  }
0xa7: {  	s1 =	ssub.s32 @!p0 $0x0, s1;
	[sflag:s0] =	ssyncset.done @!p0 $0x0  }
0xa8: {  	[sflag:s0] =	ssyncadd.s32 @!p0 s1  }
0xa9: {  	[bflag:$0x3] =	sbarrier.arrive $0xFFFF  }
0xaa: {  	_ =	shalt  }

// kernel: scatter_offload_async_start
scs
__scs_entry_jumppad:
0x0: {  	(pc) =	sbr.rel $0x88, $3  }
0x1: {  	(tag) =	ssettag $0x0;
	lr =	simm.s32 $0x1  }
0x2: {  	[smem:$0x3F97] =	sst lr;
	_ =	strace $0xD0000000  }
0x3: {  	_ = 	snop  }
0x4: {  	_ = 	snop  }
0x5: {  	_ = 	snop  }
0x6: {  	_ = 	snop  }
0x7: {  	_ = 	snop  }
__scs_overlays_trampoline_lowered:
0x8: {  	[smem:$0x3FA6] =	sst s0  }
0x9: {  	[smem:$0x3FA7] =	sst s1  }
0xa: {  	[smem:$0x3FA8] =	sst s2  }
0xb: {  	[smem:$0x3FA9] =	sst s3  }
0xc: {  	[smem:$0x3FAA] =	sst s4  }
0xd: {  	[smem:$0x3FAB] =	sst s5  }
0xe: {  	[smem:$0x3FAC] =	sst s6  }
0xf: {  	[smem:$0x3FAD] =	sst s7  }
0x10: {  	[smem:$0x3FAE] =	sst s8  }
0x11: {  	[smem:$0x3FAF] =	sst s9;
	s0 =	simm.s32 @!p0 $0x0  }
0x12: {  	s1 =	sld [smem:$0x3F95];
	s0 =	simm.s32 @p0 $0x1  }
0x13: {  	[smem:$0x3FB0] =	sst s0;
	s0 =	simm.s32 @!p1 $0x0  }
0x14: {  	s2 =	sld [smem:$0x3F94];
	s0 =	simm.s32 @p1 $0x1  }
0x15: {  	[smem:$0x3FB1] =	sst s0;
	s0 =	simm.s32 @!p2 $0x0  }
0x16: {  	s3 =	sld [smem:$0x3FDB];
	s0 =	simm.s32 @p2 $0x1  }
0x17: {  	s4 =	simm.s32 $0x1BF5;
	[smem:$0x3FB3] =	sst s0  }
0x18: {  	s0 =	sld [smem:$0x3F96];
	_ =	swait.ge [sflag:s4], $0x0  }
0x19: {  	s7 =	sld [smem:$0x3F97]  }
0x1a: {  	s8 =	sadd.s32 $0xFFFFE003, lr  }
0x1b: {  	s9 =	sadd.s32 $0xFFFFFEF7, lr;
	s5 =	simm.s32 $0xFFFFFFFF;
	p2 =	slt.u32 s8, $0xFFFFF086  }
0x1c: {  	p1 =	slt.u32 s9, $0xF7A;
	s5 =	simm.s32 @!p2 $0x0  }
0x1d: {  	s5 =	simm.s32 @p1 $0x1;
	p0 =	seq.s32 s7, s2  }
0x1e: {  	s7 =	smul.u32 @!p0 $0xF7A, s2;
	p2 =	seq.s32 @!p0 s5, $0x0  }
0x1f: {  	s9 =	smul.u32 $0xF7A, s1;
	s8 =	simm.s32 @!p0 $0x1BF5;
	p2 =	por !p2, p0  }
0x20: {  	[sflag:s8] =	ssyncset.s32 @!p0 $0xFFFFF086;
	s6 =	sadd.s32 @!p0 s3, s7;
	s7 =	simm.s32 @!p0 $0x108  }
0x21: {  	s3 =	sadd.s32 s3, s9;
	s6 =	sadd.s32 @!p0 $0x88, s6;
	s7 =	simm.s32 @p2 $0x1082  }
0x22: {  	[simem:s7], [sflag:s8] =	dma.local @!p0 [hbm:s6], $0xF7A  }
0x23: {  	s9 =	sor.u32 $0xD0000000, s2;
	s6 =	simm.s32 $0x108;
	_ =	swait.ge @!p0 [sflag:s8], $0x0  }
0x24: {  	s3 =	sadd.s32 $0x88, s3;
	s6 =	simm.s32 @!p1 $0x1082;
	[sflag:s4] =	ssyncset.s32 $0xFFFFF086  }
0x25: {  	[simem:s6], [sflag:s4] =	dma.local [hbm:s3], $0xF7A  }
0x26: {  	[smem:$0x3F97] =	sst s1;
	(tag) =	ssettag s2;
	_ =	strace s9  }
0x27: {  	s1 =	sld [smem:$0x3FA7]  }
0x28: {  	s2 =	sld [smem:$0x3FA8]  }
0x29: {  	s4 =	sld [smem:$0x3FAA]  }
0x2a: {  	p0 =	seq.s32 s5, $0x0;
	s5 =	sld [smem:$0x3FAB]  }
0x2b: {  	s6 =	sld [smem:$0x3FAC]  }
0x2c: {  	s7 =	sld [smem:$0x3FAD]  }
0x2d: {  	s3 =	simm.s32 $0x108;
	s8 =	sld [smem:$0x3FAE]  }
0x2e: {  	s3 =	simm.s32 @!p0 $0x1082;
	s9 =	sld [smem:$0x3FAF]  }
0x2f: {  	lr =	sadd.s32 s0, s3;
	s0 =	sld [smem:$0x3FA6]  }
0x30: {  	s3 =	sld [smem:$0x3FA9]  }
0x31: {  	[smem:$0x3FB2] =	sst s10  }
0x32: {  	s10 =	sld [smem:$0x3FB0];
	_ =	sdelay $0x3  }
0x33: {  	p0 =	seq.s32 s10, $0x1;
	s10 =	sld [smem:$0x3FB2];
	_ =	sdelay $0x3  }
0x34: {  	[smem:$0x3FB2] =	sst s10  }
0x35: {  	s10 =	sld [smem:$0x3FB1];
	_ =	sdelay $0x3  }
0x36: {  	p1 =	seq.s32 s10, $0x1;
	s10 =	sld [smem:$0x3FB2];
	_ =	sdelay $0x3  }
0x37: {  	[smem:$0x3FB2] =	sst s10  }
0x38: {  	s10 =	sld [smem:$0x3FB3]  }
0x39: {  	_ = 	snop;
	(pc) =	sbr.ind lr, $3  }
0x3a: {  	_ = 	snop  }
0x3b: {  	_ = 	snop  }
0x3c: {  	p2 =	seq.s32 s10, $0x1;
	s10 =	sld [smem:$0x3FB2]  }
0x3d: {  	_ =	shalt  }
0x3e: {  	_ =	shalt  }
0x3f: {  	_ =	shalt  }
0x40: {  	_ =	shalt  }
0x41: {  	_ =	shalt  }
0x42: {  	_ =	shalt  }
0x43: {  	_ =	shalt  }
0x44: {  	_ =	shalt  }
0x45: {  	_ =	shalt  }
0x46: {  	_ =	shalt  }
0x47: {  	_ =	shalt  }
0x48: {  	_ =	shalt  }
0x49: {  	_ =	shalt  }
0x4a: {  	_ =	shalt  }
0x4b: {  	_ =	shalt  }
0x4c: {  	_ =	shalt  }
0x4d: {  	_ =	shalt  }
0x4e: {  	_ =	shalt  }
0x4f: {  	_ =	shalt  }
0x50: {  	_ =	shalt  }
0x51: {  	_ =	shalt  }
0x52: {  	_ =	shalt  }
0x53: {  	_ =	shalt  }
0x54: {  	_ =	shalt  }
0x55: {  	_ =	shalt  }
0x56: {  	_ =	shalt  }
0x57: {  	_ =	shalt  }
0x58: {  	_ =	shalt  }
0x59: {  	_ =	shalt  }
0x5a: {  	_ =	shalt  }
0x5b: {  	_ =	shalt  }
0x5c: {  	_ =	shalt  }
0x5d: {  	_ =	shalt  }
0x5e: {  	_ =	shalt  }
0x5f: {  	_ =	shalt  }
0x60: {  	_ =	shalt  }
0x61: {  	_ =	shalt  }
0x62: {  	_ =	shalt  }
0x63: {  	_ =	shalt  }
0x64: {  	_ =	shalt  }
0x65: {  	_ =	shalt  }
0x66: {  	_ =	shalt  }
0x67: {  	_ =	shalt  }
0x68: {  	_ =	shalt  }
0x69: {  	_ =	shalt  }
0x6a: {  	_ =	shalt  }
0x6b: {  	_ =	shalt  }
0x6c: {  	_ =	shalt  }
0x6d: {  	_ =	shalt  }
0x6e: {  	_ =	shalt  }
0x6f: {  	_ =	shalt  }
0x70: {  	_ =	shalt  }
0x71: {  	_ =	shalt  }
0x72: {  	_ =	shalt  }
0x73: {  	_ =	shalt  }
0x74: {  	_ =	shalt  }
0x75: {  	_ =	shalt  }
0x76: {  	_ =	shalt  }
0x77: {  	_ =	shalt  }
0x78: {  	_ =	shalt  }
0x79: {  	_ =	shalt  }
0x7a: {  	_ =	shalt  }
0x7b: {  	_ =	shalt  }
0x7c: {  	_ =	shalt  }
0x7d: {  	_ =	shalt  }
0x7e: {  	_ =	shalt  }
0x7f: {  	_ =	shalt  }
0x80: {  	_ =	shalt  }
0x81: {  	_ =	shalt  }
0x82: {  	_ =	shalt  }
0x83: {  	_ =	shalt  }
0x84: {  	_ =	shalt  }
0x85: {  	_ =	shalt  }
0x86: {  	_ =	shalt  }
0x87: {  	_ =	shalt  }
.Lfunc_end0:
.L_simem_size_0:
called_computation_lowered:
.L_overlay_start_0:
0x88: {  	s0 =	sld [smem:$0x3FD9]  }
0x89: {  	s1 =	sld [smem:$0x3FFE];
	_ =	sdelay $0x3  }
0x8a: {  	s0 =	sadd.s32 s1, s0  }
0x8b: {  	[smem:$0x3FBE] =	sst s0  }
0x8c: {  	_ = 	snop  }
0x8d: {  	s14 =	sld [smem:$0x3FD0];
	(tm) =	ssettm $0x1  }
0x8e: {  	s15 =	sld [smem:$0x3FFB];
	_ =	sdelay $0x3  }
0x8f: {  	_ =	strace s15  }
0x90: {  	s0 =	sld [smem:$0x3FFC];
	_ =	sdelay $0x3  }
0x91: {  	_ =	strace s0  }
0x92: {  	s0 =	sld [smem:$0x3FFD];
	_ =	sdelay $0x3  }
0x93: {  	_ =	strace s0  }
0x94: {  	_ =	strace $0x8FFFFFFF  }
0x95: {  	s16 =	sld [smem:$0x3FDB];
	_ =	sdelay $0x1  }
0x96: {  	s2 =	simm.s32 $_scs_section_size  }
0x97: {  	s3 =	simm.s32 $_size__tile_overlayer_lowered;
	s4 =	simm.s32 $_tile_overlayer_lowered  }
0x98: {  	s5 =	simm.s32 $0x1BFF;
	s17 =	sshll.u32 s4, $0x1;
	s2 =	sadd.s32 s2, s16  }
0x99: {  	s18 =	simm.s32 $0x0;
	s3 =	sshll.u32 s3, $0x1;
	s4 =	sadd.s32 s17, s2  }
0x9a: {  	[timem:s18], [sflag:s5] =	dma.local [hbm:s4], s3  }
0x9b: {  	_ =	swait.ge [sflag:s5], s3  }
0x9c: {  	s3 =	ssub.s32 $0x0, s3;
	[sflag:s5] =	ssyncset.done $0x0  }
0x9d: {  	[sflag:s5] =	ssyncadd.s32 s3;
	_ =	sdelay $0x1  }
0x9e: {  	s19 =	simm.s32 $0x1B8B  }
0x9f: {  	_ =	swait.ge [sflag:s19], $0x1  }
0xa0: {  	[sflag:s19] =	ssyncset.done $0x0  }
0xa1: {  	s21 =	simm.s32 $0x1B8E;
	s20 =	sld [smem:$0x3FFE];
	[sflag:s19] =	ssyncadd.s32 $0xFFFFFFFF  }
0xa2: {  	s22 =	simm.s32 $execute0_lowered;
	[smem:$0x3FD2] =	sst s21  }
0xa3: {  	s4 =	sshll.u32 s22, $0x1;
	_ =	strace $0x80000046;
	[dreg:$0x1] =	wrdreg $0xFFFFFFFF  }
0xa4: {  	s23 =	simm.s32 $_size_execute0_lowered;
	s4 =	sadd.s32 s2, s4;
	[dreg:$0x0] =	wrdreg $0x0  }
0xa5: {  	s5 =	sshll.u32 s23, $0x1;
	[dreg:$0x2] =	wrdreg s4  }
0xa6: {  	[dreg:$0x3] =	wrdreg s5  }
0xa7: {  	[dreg:$0x4] =	wrdreg $0xC0  }
0xa8: {  	s24 =	simm.s32 $execute1_lowered;
	_ =	task [dreg:s18], $0x5FFFF  }
0xa9: {  	s4 =	sshll.u32 s24, $0x1;
	[dreg:$0x1] =	wrdreg $0xFFFFFFFF  }
0xaa: {  	s2 =	sadd.s32 s2, s4;
	[dreg:$0x0] =	wrdreg $0x60  }
0xab: {  	[dreg:$0x2] =	wrdreg s2  }
0xac: {  	[dreg:$0x3] =	wrdreg s14  }
0xad: {  	[dreg:$0x4] =	wrdreg s20  }
0xae: {  	[dreg:$0x5] =	wrdreg $0x9  }
0xaf: {  	_ =	task.clear_ibuf [dreg:s18], $0x6FFFF;
	_ =	strace $0x90000046  }
0xb0: {  	s25 =	simm.s32 $0x9;
	_ =	strace $0x80000048  }
0xb1: {  	_ =	swait.ge [sflag:s25], $0x1  }
0xb2: {  	[sflag:s25] =	ssyncadd.s32 $0xFFFFFFFF  }
0xb3: {  	_ =	strace $0x90000048  }
0xb4: {  	_ =	strace $0x80000049;
	[dreg:$0x1] =	wrdreg $0xFFFFFFFF  }
0xb5: {  	[dreg:$0x0] =	wrdreg $0x2030  }
0xb6: {  	[dreg:$0x2] =	wrdreg s20  }
0xb7: {  	[dreg:$0x3] =	wrdreg $0xA  }
0xb8: {  	_ =	task.clear_ibuf [dreg:s18], $0x4FFFF;
	_ =	strace $0x90000049  }
0xb9: {  	s26 =	simm.s32 $0xA;
	_ =	strace $0x8000004B  }
0xba: {  	_ =	swait.ge [sflag:s26], $0x1  }
0xbb: {  	[sflag:s26] =	ssyncadd.s32 $0xFFFFFFFF  }
0xbc: {  	_ =	strace $0x9000004B  }
0xbd: {  	_ =	sfence  }
0xbe: {  	s28 =	sld [smem:$0x0];
	_ =	sdelay $0x1  }
0xbf: {  	s29 =	srdreg.scid  }
0xc0: {  	s30 =	sshll.u32 s29, $0xD;
	s31 =	sshrl.u32 s29, $0x2  }
0xc1: {  	s3 =	sand.u32 $0x4000, s30;
	s2 =	sand.u32 $0x1, s29;
	s1 =	sadd.s32 s31, s28  }
0xc2: {  	s2 =	sor.u32 s3, s2;
	s1 =	sshll.u32 s1, $0x11  }
0xc3: {  	s1 =	sor.u32 s1, s2  }
0xc4: {  	s1 =	sadd.s32 $0x8F2B, s1  }
0xc5: {  	[sflag:s1] =	ssyncadd.remote.s32 $0x1  }
0xc6: {  	_ =	sfence.sel $0xFFFF  }
0xc7: {  	[dreg:$0x0] =	wrdreg $0xFFFFFFFF;
	(pc) =	sbr.abs _section_cstart, $3  }
0xc8: {  	[dreg:$0x1] =	wrdreg $0xFFFFFFFF  }
0xc9: {  	_ =	task.clear_ibuf [dreg:s18], $0x2FFFF;
	_ =	strace $0x9FFFFFFF  }
0xca: {  	(tm) =	ssettm $0x7FFFFFFF  }
0xcb: {  	_ =	shalt  }
tec
execute0_lowered:
.L_overlay_start_1:
0x0: {  	(tag) =	ssettag $0x1  }
0x1: {  	s2 =	rddreg [dreg:$0x0]  }
0x2: {  	s5 =	rddreg [dreg:$0x1]  }
0x3: {  	s4 =	rddreg [dreg:$0x2]  }
0x4: {  	s0 =	rddreg [dreg:$0x3];
	s3 =	stileid.u32  }
0x5: {  	[bflag:$0x3] =	sbarrier.arrive $0xFFFF;
	s1 =	simm.s32 $_size_execute1_lowered;
	p0 =	sne.s32 s3, $0x0  }
0x6: {  	s1 =	sshll.u32 s1, $0x1;
	s6 =	simm.s32 @!p0 $0x1C3F;
	s7 =	simm.s32 @!p0 $0x4060  }
0x7: {  	[timem:s7], [sflag:s6] =	dma.local @!p0 [hbm:s2], s1  }
.Ltmp0:
0x8: {  	s30 =	simm.s32 $0x2;
	s8 =	simm.s32 $0x780;
	(pc) =	sbr.rel .LBB2_1-.Ltmp0, $4  }
0x9: {  	s10 =	simm.s32 $0x0;
	s9 =	simm.s32 $0x0;
	s2 =	smul.u32 $0x280, s3  }
0xa: {  	s4 =	sadd.s32 $0x19200, s4;
	s3 =	simm.s32 $0x1;
	_ =	strace $0x80000047  }
0xb: {  	s6 =	simm.s32 $0x0;
	[sflag:s3] =	ssyncpa.u1 $0x0;
	s31 =	sshrl.u32 s2, $0x3  }
0xc: {  	s7 =	simm.s32 $0x280;
	[sflag:s30] =	ssyncpa.u1 $0x0;
	s5 =	sadd.s32 s31, s5  }
.LBB2_8:
0xd: {  	p1 =	seq.s32 s9, $0x2  }
.Ltmp1:
0xe: {  	_ = 	snop;
	(pc) =	sbr.rel @p1 .LBB2_10-.Ltmp1, $1  }
0xf: {  	_ =	sdelay $0x3  }
.LBB2_9:
0x10: {  	s9 =	sadd.s32 $0x1, s9;
	s10 =	smov.u32 s2  }
.LBB2_1:
0x11: {  	p1 =	sne.s32 s9, $0x0  }
.Ltmp2:
0x12: {  	_ = 	snop;
	(pc) =	sbr.rel @!p1 .LBB2_2-.Ltmp2, $1  }
0x13: {  	_ =	sdelay $0x3  }
0x14: {  	s11 =	sand.u32 $0x1, s9  }
0x15: {  	p1 =	seq.s32 s11, $0x0  }
.Ltmp3:
0x16: {  	_ = 	snop;
	(pc) =	sbr.rel @p1 .LBB2_8-.Ltmp3, $1  }
0x17: {  	_ =	sdelay $0x3  }
0x18: {  	_ =	swait.ge [sflag:s3], $0x280  }
0x19: {  	[sflag:s3] =	ssyncset.done $0x0  }
0x1a: {  	s11 =	simm.s32 $0x0;
	p1 =	por $0x1, $0x1;
	[sflag:s3] =	ssyncadd.s32 $0xFFFFFD80  }
.LBB2_5:
0x1b: {  	v0 =	vld [tilespmem:s11+$0x280]  }
0x1c: {  	v1 =	vld [tilespmem:s11+$0x290]  }
0x1d: {  	v2 =	vld [tilespmem:s11+$0x2A0]  }
0x1e: {  	v3 =	vld [tilespmem:s11+$0x2B0]  }
0x1f: {  	v4 =	vld [tilespmem:s11+$0x2C0]  }
0x20: {  	v53 =	vld [tilespmem:s11+$0x2D0];
	[tilespmem:s11+$0x780] =	vst v0  }
0x21: {  	v54 =	vld [tilespmem:s11+$0x2E0];
	[tilespmem:s11+$0x790] =	vst v1  }
0x22: {  	v55 =	vld [tilespmem:s11+$0x2F0];
	[tilespmem:s11+$0x7A0] =	vst v2  }
0x23: {  	v56 =	vld [tilespmem:s11+$0x300];
	[tilespmem:s11+$0x7B0] =	vst v3  }
0x24: {  	v57 =	vld [tilespmem:s11+$0x310];
	[tilespmem:s11+$0x7C0] =	vst v4  }
0x25: {  	v58 =	vld [tilespmem:s11+$0x320];
	[tilespmem:s11+$0x7D0] =	vst v53  }
0x26: {  	v59 =	vld [tilespmem:s11+$0x330];
	[tilespmem:s11+$0x7E0] =	vst v54  }
0x27: {  	v60 =	vld [tilespmem:s11+$0x340];
	[tilespmem:s11+$0x7F0] =	vst v55  }
0x28: {  	v61 =	vld [tilespmem:s11+$0x350];
	[tilespmem:s11+$0x800] =	vst v56  }
0x29: {  	v62 =	vld [tilespmem:s11+$0x360];
	[tilespmem:s11+$0x810] =	vst v57  }
0x2a: {  	v63 =	vld [tilespmem:s11+$0x370];
	p2 =	por p1, p1;
	[tilespmem:s11+$0x820] =	vst v58  }
.Ltmp4:
0x2b: {  	[tilespmem:s11+$0x830] =	vst v59;
	(pc) =	sbr.rel @p2 .LBB2_5-.Ltmp4, $4  }
0x2c: {  	[tilespmem:s11+$0x840] =	vst v60  }
0x2d: {  	[tilespmem:s11+$0x850] =	vst v61  }
0x2e: {  	s12 =	simm.s32 $0x1F0;
	s13 =	simm.s32 $0x980;
	[tilespmem:s11+$0x860] =	vst v62  }
0x2f: {  	s14 =	simm.s32 $0x480;
	p1 =	por $0x0, $0x0;
	[tilespmem:s11+$0x870] =	vst v63;
	s11 =	simm.s32 $0x100  }
.LBB2_6:
0x30: {  	s12 =	sadd.s32 $0x10, s12  }
0x31: {  	v0 =	vld [tilespmem:s14+$0x0];
	p1 =	slt.u32 s12, $0x270  }
.Ltmp5:
0x32: {  	_ = 	snop;
	(pc) =	sbr.rel @p1 .LBB2_6-.Ltmp5, $2  }
0x33: {  	_ =	sdelay $0x2  }
0x34: {  	s14 =	sadd.s32 $0x10, s14;
	[tilespmem:s13+$0x0] =	vst v0;
	s13 =	sadd.s32 $0x10, s13  }
.Ltmp6:
0x35: {  	(pc) =	sbr.rel .LBB2_8-.Ltmp6, $4  }
0x36: {  	_ = 	snop  }
0x37: {  	s10 =	sshrl.u32 s10, $0x3  }
0x38: {  	s10 =	sadd.s32 s4, s10  }
0x39: {  	[hbm4b:s10+s6] =	stream.linear.scatter [tilespmem:s8], [sflag:$0x2], $0x280, $0x38;
	[tilespmem:$0xA00] =	vst v63  }
.LBB2_2:
.Ltmp7:
0x3a: {  	(pc) =	sbr.rel .LBB2_9-.Ltmp7, $2  }
0x3b: {  	_ =	sdelay $0x2  }
0x3c: {  	[tilespmem:s7], [sflag:$0x1] =	stream.linear.gather [hbm4b:s5+s6], $0x280, $0x38;
	[tilespmem:$0xA00] =	vst v63  }
.LBB2_10:
0x3d: {  	s2 =	simm.s32 $0x2  }
0x3e: {  	_ =	swait.ge [sflag:s2], $0x280  }
0x3f: {  	[sflag:s2] =	ssyncset.done $0x0  }
0x40: {  	[sflag:s2] =	ssyncadd.s32 $0xFFFFFD80  }
0x41: {  	_ =	sfence.sel $0x180000  }
0x42: {  	s3 =	simm.s32 $0x1;
	[bflag:$0x0] =	sbarrier.arrive $0xFFFF  }
0x43: {  	[sflag:s3] =	ssyncpa.u1 $0x1  }
0x44: {  	[sflag:s2] =	ssyncpa.u1 $0x1  }
0x45: {  	_ =	strace $0x90000047  }
0x46: {  	s0 =	sadd.s32 @!p0 $0x100000, s0;
	[bflag:$0x2] =	sbarrier.arrive $0xFFFF  }
0x47: {  	[sflag:s0] =	ssyncadd.tile.s32 @!p0 $0x1;
	s0 =	simm.s32 @!p0 $0x3F  }
0x48: {  	_ =	swait.ge @!p0 [sflag:s0], s1  }
0x49: {  	s1 =	ssub.s32 @!p0 $0x0, s1;
	[sflag:s0] =	ssyncset.done @!p0 $0x0  }
0x4a: {  	[sflag:s0] =	ssyncadd.s32 @!p0 s1  }
0x4b: {  	[bflag:$0x3] =	sbarrier.arrive $0xFFFF  }
0x4c: {  	_ =	shalt  }
.Lfunc_end2:
execute1_lowered:
.L_overlay_start_2:
0x4d: {  	(tag) =	ssettag $0x2  }
0x4e: {  	s2 =	rddreg [dreg:$0x0]  }
0x4f: {  	s0 =	rddreg [dreg:$0x1]  }
0x50: {  	_ =	strace $0x8000004A;
	s4 =	stileid.u32;
	s5 =	simm.s32 $0x3E  }
0x51: {  	s1 =	sadd.s32 $0x19200, s2;
	p0 =	sne.s32 s4, $0x0;
	[sflag:s5] =	ssyncpa.u1 $0x0  }
0x52: {  	s30 =	smin.u32 s4, $0x4;
	s3 =	simm.s32 @!p0 $0x1C3E;
	s6 =	simm.s32 @!p0 $0x0  }
0x53: {  	[spmem:s6], [sflag:s3] =	dma.local @!p0 [hbm:s1], $0x500  }
0x54: {  	s3 =	sadd.s32 s4, s30  }
0x55: {  	p1 =	slt.u32 s4, $0x4;
	s4 =	simm.s32 $0x3E80;
	s3 =	smul.u32 $0x1F40, s3  }
0x56: {  	s4 =	simm.s32 @!p1 $0x1F40  }
0x57: {  	s4 =	sadd.s32 s4, s3  }
0x58: {  	s4 =	smin.u32 s4, $0x27100  }
0x59: {  	s7 =	ssub.s32 s4, s3  }
0x5a: {  	p1 =	sgt.s32 s7, $0x0  }
0x5b: {  	s7 =	simm.s32 @!p1 $0x0  }
0x5c: {  	s6 =	simm.s32 @!p0 $0x3E;
	s31 =	smulhi.u32 $0x10624DD3, s7  }
0x5d: {  	_ =	swait.ge @!p0 [sflag:s6], $0x500  }
0x5e: {  	[sflag:s6] =	ssyncset.done @!p0 $0x0;
	s8 =	sshrl.u32 s31, $0x9  }
0x5f: {  	s11 =	simm.s32 $0x0;
	[sflag:s6] =	ssyncadd.s32 @!p0 $0xFFFFFB00;
	s9 =	smul.u32 $0x1F40, s8  }
.Ltmp8:
0x60: {  	s6 =	simm.s32 $0x2;
	[bflag:$0x0] =	sbarrier.arrive $0xFFFF;
	(pc) =	sbr.rel .LBB3_1-.Ltmp8, $4  }
0x61: {  	s10 =	smov.u32 s3;
	[sflag:s5] =	ssyncpa.u1 $0x1;
	s5 =	simm.s32 $0x1  }
0x62: {  	[sflag:s5] =	ssyncpa.u1 $0x0;
	p1 =	sne.s32 s7, s9;
	s9 =	simm.s32 $0x1  }
0x63: {  	(ifvalue) =	ssetifvalue $0x2800;
	[sflag:s6] =	ssyncpa.u1 $0x0;
	s9 =	simm.s32 @!p1 $0x0  }
0x64: {  	vm0 =	vmmov $0xffff;
	s7 =	sadd.s32 $0xF200, s2;
	s8 =	sadd.s32 s9, s8;
	s9 =	simm.s32 $0x0  }
.LBB3_5:
0x65: {  	p2 =	sne.s32 s11, s8  }
.Ltmp9:
0x66: {  	_ = 	snop;
	(pc) =	sbr.rel @!p2 .LBB3_6-.Ltmp9, $4  }
0x67: {  	_ = 	snop  }
0x68: {  	s12 =	sadd.s32 $0x1F40, s10  }
0x69: {  	s10 =	smov.u32 s3;
	s13 =	sadd.s32 $0x1, s11;
	p1 =	slt.s32 s12, s4  }
0x6a: {  	s11 =	smov.u32 s13;
	s10 =	smov.u32 @p1 s12  }
.LBB3_1:
0x6b: {  	p1 =	sge.u32 s11, s8  }
0x6c: {  	s12 =	sxor.u32 @!p1 $0xFFFFFFFF, s11  }
0x6d: {  	s12 =	sand.u32 @!p1 $0x1, s12  }
0x6e: {  	s12 =	smul.u32 @!p1 $0x1F40, s12  }
0x6f: {  	s13 =	sshrl.u32 @!p1 s10, $0x3  }
0x70: {  	s16 =	sand.u32 @!p1 $0x7, s10;
	s14 =	sadd.s32 @!p1 s2, s13;
	s15 =	sadd.s32 @!p1 $0x280, s12  }
0x71: {  	[tilespmem:s15], [sflag:$0x2] =	stream.linear.gather @!p1 [hbm4b:s14+s16], $0x1F40, $0x38;
	[tilespmem:$0x7F80] =	vst v63  }
0x72: {  	s13 =	sadd.s32 @!p1 s7, s13;
	s12 =	sadd.s32 @!p1 $0x4100, s12  }
0x73: {  	[tilespmem:s12], [sflag:$0x2] =	stream.linear.gather @!p1 [hbm4b:s13+s16], $0x1F40, $0x38;
	[tilespmem:$0x7F80] =	vst v63  }
0x74: {  	p1 =	seq.s32 s11, $0x0  }
.Ltmp10:
0x75: {  	_ = 	snop;
	(pc) =	sbr.rel @p1 .LBB3_5-.Ltmp10, $1  }
0x76: {  	_ =	sdelay $0x3  }
0x77: {  	s12 =	sand.u32 $0x1, s11  }
0x78: {  	_ =	swait.ge [sflag:s6], $0x3E80;
	p1 =	seq.s32 s12, $0x1;
	s12 =	simm.s32 $0x1F40  }
0x79: {  	[sflag:s6] =	ssyncset.done $0x0;
	s12 =	simm.s32 @!p1 $0x0  }
0x7a: {  	[sflag:s6] =	ssyncadd.s32 $0xFFFFC180;
	s14 =	sadd.s32 $0x280, s12  }
0x7b: {  	v0 =	vld.msk [tilespmem:s14+$0x0 ss:$0x1], $0xffff;
	_ =	sdelay $0x4  }
0x7c: {  	v0 =	vmin.u32 v0, $0x2800;
	_ =	sdelay $0x3  }
0x7d: {  	s13 =	simm.s32 $0x0;
	s12 =	sadd.s32 $0x4100, s12;
	s14 =	sadd.s32 $0x10, s14  }
0x7e: {  	[spmem:s9] =	stream.indirect_vreg.scatter.add.s32 [tilespmem:s12], [sflag:$0x1], $0x1, v0, vm0, $0x4038;
	[tilespmem:$0x7F80] =	vst v63  }
.LBB3_3:
0x7f: {  	v0 =	vld.msk [tilespmem:s14+$0x0 ss:$0x1], $0xffff;
	s13 =	sadd.s32 $0x10, s13  }
0x80: {  	p1 =	slt.u32 s13, $0x1F30;
	_ =	sdelay $0x4  }
0x81: {  	v0 =	vmin.u32 v0, $0x2800  }
.Ltmp11:
0x82: {  	(pc) =	sbr.rel @p1 .LBB3_3-.Ltmp11, $3  }
0x83: {  	_ =	sdelay $0x1  }
0x84: {  	s14 =	sadd.s32 $0x10, s14;
	s12 =	sadd.s32 $0x10, s12  }
0x85: {  	[spmem:s9] =	stream.indirect_vreg.scatter.add.s32 [tilespmem:s12], [sflag:$0x1], $0x1, v0, vm0, $0x4038;
	[tilespmem:$0x7F80] =	vst v63  }
.Ltmp12:
0x86: {  	(pc) =	sbr.rel .LBB3_5-.Ltmp12, $4  }
0x87: {  	_ = 	snop  }
0x88: {  	_ =	swait.ge [sflag:s5], $0x1F40  }
0x89: {  	[sflag:s5] =	ssyncset.done $0x0  }
0x8a: {  	[sflag:s5] =	ssyncadd.s32 $0xFFFFE0C0  }
.LBB3_6:
0x8b: {  	_ =	sfence.sel $0x180000  }
0x8c: {  	s2 =	simm.s32 $0x2;
	[bflag:$0x0] =	sbarrier.arrive $0xFFFF  }
0x8d: {  	s30 =	simm.s32 $0x1;
	[sflag:s2] =	ssyncpa.u1 $0x1  }
0x8e: {  	[sflag:s30] =	ssyncpa.u1 $0x1  }
0x8f: {  	_ =	sfence.stream.spmem  }
0x90: {  	s31 =	simm.s32 $0x3D;
	[bflag:$0x0] =	sbarrier.arrive $0xFFFF  }
0x91: {  	s2 =	simm.s32 @p0 $0x3D;
	[sflag:s31] =	ssyncpa.u1 $0x0  }
0x92: {  	[sflag:s2] =	ssyncpa.u1 @p0 $0x1  }
0x93: {  	[bflag:$0x0] =	sbarrier.arrive @p0 $0xFFFF  }
0x94: {  	_ =	strace @p0 $0x9000004A  }
0x95: {  	s3 =	simm.s32 @!p0 $0x1C3D;
	s2 =	simm.s32 @!p0 $0x0;
	[bflag:$0x2] =	sbarrier.arrive @p0 $0xFFFF  }
0x96: {  	[hbm:s1], [sflag:s3] =	dma.local @!p0 [spmem:s2], $0x500  }
0x97: {  	s1 =	simm.s32 @!p0 $0x3D  }
0x98: {  	_ =	swait.ge @!p0 [sflag:s1], $0x500  }
0x99: {  	[sflag:s1] =	ssyncset.done @!p0 $0x0  }
0x9a: {  	[sflag:s1] =	ssyncadd.s32 @!p0 $0xFFFFFB00  }
0x9b: {  	[sflag:s1] =	ssyncpa.u1 @!p0 $0x1  }
0x9c: {  	[bflag:$0x0] =	sbarrier.arrive @!p0 $0xFFFF  }
0x9d: {  	_ =	strace @!p0 $0x9000004A  }
0x9e: {  	s0 =	sadd.s32 @!p0 $0x100000, s0;
	[bflag:$0x2] =	sbarrier.arrive @!p0 $0xFFFF  }
0x9f: {  	[sflag:s0] =	ssyncadd.tile.s32 @!p0 $0x1;
	_ =	shalt  }
.Lfunc_end3:
_tile_overlayer_lowered:
.L_overlay_start_3:
0xa0: {  	(tag) =	ssettag $0x3  }
0xa1: {  	s0 =	rddreg [dreg:$0x0];
	s2 =	stileid.u32  }
0xa2: {  	s1 =	rddreg [dreg:$0x1];
	p0 =	sne.s32 s2, $0x0  }
0xa3: {  	s3 =	rddreg [dreg:$0x2];
	[bflag:$0x3] =	sbarrier.arrive $0xFFFF;
	s2 =	simm.s32 @!p0 $0x1C01  }
0xa4: {  	[timem:s3], [sflag:s2] =	dma.local @!p0 [hbm:s0], s1  }
0xa5: {  	s0 =	simm.s32 @!p0 $0x1  }
0xa6: {  	_ =	swait.ge @!p0 [sflag:s0], s1  }
0xa7: {  	s1 =	ssub.s32 @!p0 $0x0, s1;
	[sflag:s0] =	ssyncset.done @!p0 $0x0  }
0xa8: {  	[sflag:s0] =	ssyncadd.s32 @!p0 s1  }
0xa9: {  	[bflag:$0x3] =	sbarrier.arrive $0xFFFF  }
0xaa: {  	_ =	shalt  }

</sc_bundles>
